<compile_context>
chip_gen: v7x
topology: tpu7x:2x2x1
jax: 0.10.2.dev20260603
libtpu: 0.0.44.dev20260713+nightly
codegen_flags: <defaults>
</compile_context>

<pallas_src>
import jax
import jax.numpy as jnp
from jax import lax
from jax.experimental import pallas as pl
from jax.experimental.pallas import tpu as pltpu
from jax.experimental.pallas import tpu_sc as plsc

N = 10000
E = 160000
D = 256
H = 128
NC = 2
NS = 16
CH = 128
NP = 10240
RPT = NP // NS
EPAD = 163840
EPT = EPAD // NS
NFULL = EPT // CH
EPT2 = EPAD // (NC * NS)
NFULL2 = EPT2 // CH


def _make_sc_agg(compute_deg):
  mesh = plsc.VectorSubcoreMesh(
      core_axis_name="c", subcore_axis_name="s", num_cores=NC, num_subcores=NS)

  if compute_deg:
    out_type = (jax.ShapeDtypeStruct((NC, NP, H), jnp.float32),
                jax.ShapeDtypeStruct((NC, NP, H), jnp.float32))
  else:
    out_type = jax.ShapeDtypeStruct((NC, NP, H), jnp.float32)

  scratch = [
      pltpu.VMEM((NFULL2, CH), jnp.int32),
      pltpu.VMEM((NFULL2, CH), jnp.int32),
      pltpu.VMEM((CH, H), jnp.float32),
      pltpu.VMEM((CH, H), jnp.float32),
      pltpu.VMEM((CH,), jnp.int32),
      pltpu.VMEM((CH,), jnp.int32),
      pltpu.VMEM((CH,), jnp.int32),
      pltpu.VMEM((CH,), jnp.int32),
      pltpu.VMEM_SHARED((NP, H), jnp.float32),
      pltpu.SemaphoreType.DMA,
      pltpu.SemaphoreType.DMA,
      pltpu.SemaphoreType.DMA,
      pltpu.SemaphoreType.DMA,
  ]

  def body(h2, src2, dst2, z128, *rest):
    if compute_deg:
      (ones_hbm, agg, deg,
       srcs_v, dsts_v, rows0_v, rows1_v, srcb0, srcb1, dstb0, dstb1,
       acc_sh, sem0, sem1, sem2, sem3) = rest
    else:
      (agg, srcs_v, dsts_v, rows0_v, rows1_v, srcb0, srcb1, dstb0, dstb1,
       acc_sh, sem0, sem1, sem2, sem3) = rest

    def vfill(buf, tbl, row):
      for j in range(CH // 16):
        buf[pl.ds(16 * j, 16)] = tbl[row, pl.ds(16 * j, 16)]

    cid = lax.axis_index("c")
    sid = lax.axis_index("s")
    r0 = sid * RPT
    rsl = pl.ds(r0, RPT)

    pltpu.sync_copy(z128.at[rsl], acc_sh.at[rsl])
    plsc.subcore_barrier()

    tab = h2.at[cid]

    def pair(g, carry):
      k0 = 2 * g

      @pl.when(g > 0)
      def _():
        pltpu.make_async_copy(rows0_v, acc_sh.at[dstb0], sem2).wait()

      vfill(srcb0, srcs_v, k0)
      a0 = pltpu.async_copy(tab.at[srcb0], rows0_v, sem0)

      @pl.when(g > 0)
      def _():
        pltpu.make_async_copy(rows1_v, acc_sh.at[dstb1], sem3).wait()

      vfill(srcb1, srcs_v, k0 + 1)
      a1 = pltpu.async_copy(tab.at[srcb1], rows1_v, sem1)
      a0.wait()
      vfill(dstb0, dsts_v, k0)
      s0 = pltpu.make_async_copy(rows0_v, acc_sh.at[dstb0], sem2)
      s0.start(add=True)
      a1.wait()
      vfill(dstb1, dsts_v, k0 + 1)
      s1 = pltpu.make_async_copy(rows1_v, acc_sh.at[dstb1], sem3)
      s1.start(add=True)
      return carry

    for half in range(2):
      pltpu.sync_copy(src2.at[pl.ds(sid * NFULL + half * NFULL2, NFULL2)],
                      srcs_v)
      pltpu.sync_copy(dst2.at[pl.ds(sid * NFULL + half * NFULL2, NFULL2)],
                      dsts_v)
      lax.fori_loop(0, NFULL2 // 2, pair, 0)
      pltpu.make_async_copy(rows0_v, acc_sh.at[dstb0], sem2).wait()
      pltpu.make_async_copy(rows1_v, acc_sh.at[dstb1], sem3).wait()

    plsc.subcore_barrier()
    pltpu.sync_copy(acc_sh.at[rsl], agg.at[cid].at[rsl])

    if compute_deg:
      plsc.subcore_barrier()
      pltpu.sync_copy(z128.at[rsl], acc_sh.at[rsl])
      plsc.subcore_barrier()

      pltpu.sync_copy(ones_hbm, rows0_v)
      pltpu.sync_copy(dst2.at[pl.ds(cid * (NS * NFULL2) + sid * NFULL2,
                                    NFULL2)], dsts_v)

      def dpair(g, carry):
        k0 = 2 * g

        @pl.when(g > 0)
        def _():
          pltpu.make_async_copy(rows0_v, acc_sh.at[dstb0], sem0).wait()
          pltpu.make_async_copy(rows0_v, acc_sh.at[dstb1], sem1).wait()

        vfill(dstb0, dsts_v, k0)
        a0 = pltpu.make_async_copy(rows0_v, acc_sh.at[dstb0], sem0)
        a0.start(add=True)
        vfill(dstb1, dsts_v, k0 + 1)
        a1 = pltpu.make_async_copy(rows0_v, acc_sh.at[dstb1], sem1)
        a1.start(add=True)
        return carry

      lax.fori_loop(0, NFULL2 // 2, dpair, 0)
      pltpu.make_async_copy(rows0_v, acc_sh.at[dstb0], sem0).wait()
      pltpu.make_async_copy(rows0_v, acc_sh.at[dstb1], sem1).wait()

      plsc.subcore_barrier()
      pltpu.sync_copy(acc_sh.at[rsl], deg.at[cid].at[rsl])

  return pl.kernel(body, out_type=out_type, mesh=mesh,
                   scratch_types=tuple(scratch))


_sc_agg_deg = _make_sc_agg(True)
_sc_agg = _make_sc_agg(False)


BN = 1000


def _tc1_body(agg0, agg1, deg0, deg1, x, wl, b, wr, h3):
  d = jnp.maximum(deg0[:, 0:1] + deg1[:, 0:1], 1.0)
  mean = jnp.concatenate([agg0[...], agg1[...]], axis=-1) / d
  out = (jnp.dot(mean, wl[...], preferred_element_type=jnp.float32)
         + jnp.dot(x[...], wr[...], preferred_element_type=jnp.float32)
         + b[...])
  nrm = jnp.sqrt(jnp.sum(out * out, axis=-1, keepdims=True))
  out = out / jnp.maximum(nrm, 1e-12)
  h = jnp.maximum(out, 0.0)
  h3[0] = h[:, :H]
  h3[1] = h[:, H:]


def _tc2_body(agg0, agg1, deg0, deg1, h0, h1, wl, b, wr, out):
  d = jnp.maximum(deg0[:, 0:1] + deg1[:, 0:1], 1.0)
  mean = jnp.concatenate([agg0[...], agg1[...]], axis=-1) / d
  hh = jnp.concatenate([h0[...], h1[...]], axis=-1)
  out[...] = (jnp.dot(mean, wl[...], preferred_element_type=jnp.float32)
              + jnp.dot(hh, wr[...], preferred_element_type=jnp.float32)
              + b[...])


def _row_spec(w):
  return pl.BlockSpec((BN, w), lambda i: (i, 0))


def _full_spec(r, c):
  return pl.BlockSpec((r, c), lambda i: (0, 0))


_tc1 = pl.pallas_call(
    _tc1_body,
    grid=(N // BN,),
    in_specs=[_row_spec(H), _row_spec(H), _row_spec(H), _row_spec(H),
              _row_spec(D), _full_spec(D, D), _full_spec(1, D),
              _full_spec(D, D)],
    out_specs=pl.BlockSpec((2, BN, H), lambda i: (0, i, 0)),
    out_shape=jax.ShapeDtypeStruct((2, N, H), jnp.float32),
)

_tc2 = pl.pallas_call(
    _tc2_body,
    grid=(N // BN,),
    in_specs=[_row_spec(H), _row_spec(H), _row_spec(H), _row_spec(H),
              _row_spec(H), _row_spec(H), _full_spec(D, D), _full_spec(1, D),
              _full_spec(D, D)],
    out_specs=_row_spec(D),
    out_shape=jax.ShapeDtypeStruct((N, D), jnp.float32),
)


def _pad_edges(src, dst):
  npad = EPAD - E
  psrc = jnp.zeros((npad,), jnp.int32)
  pdst = (N + jnp.arange(npad, dtype=jnp.int32) % (NP - N)).astype(jnp.int32)
  return (jnp.concatenate([src, psrc]).reshape(EPAD // CH, CH),
          jnp.concatenate([dst, pdst]).reshape(EPAD // CH, CH))


def kernel(x, edge_index, W1l, b1, W1r, W3l, b3, W3r):
  src, dst = _pad_edges(edge_index[0], edge_index[1])
  x2 = jnp.stack([x[:, :H], x[:, H:]])
  z128 = jnp.zeros((NP, H), jnp.float32)
  ones = jnp.ones((CH, H), jnp.float32)

  agg, deg = _sc_agg_deg(x2, src, dst, z128, ones)
  h2 = _tc1(agg[0], agg[1], deg[0], deg[1], x, W1l.T, b1[None, :], W1r.T)
  aggb = _sc_agg(h2, src, dst, z128)
  out = _tc2(aggb[0], aggb[1], deg[0], deg[1], h2[0], h2[1],
             W3l.T, b3[None, :], W3r.T)
  return out

# --- scband reference (transcript-rebuilt; emitter-appended) ---
"""Pipeline reference for scband-gsage-2layer-42056319762723 (READ-ONLY COPY).

The authoritative reference and input builder live on the scoring server;
editing this copy changes nothing except your own understanding.
"""

import jax, jax.numpy as jnp
import numpy as np

N = 10000
E = 160000
D_IN = 256
D_HID = 256
D_OUT = 256


def setup_inputs(seed: int = 0) -> dict:
    key = jax.random.key(seed)
    ks = jax.random.split(key, 10)
    x = jax.random.normal(ks[0], (N, D_IN), dtype=jnp.float32)
    edge_index = jax.random.randint(ks[1], (2, E), 0, N, dtype=jnp.int32)
    s_in = 1.0 / np.sqrt(D_IN)
    s_hid = 1.0 / np.sqrt(D_HID)
    # SAGEConv gsage1: lin_l (aggregated neighbors, with bias), lin_r (root, no bias)
    W1l = jax.random.uniform(ks[2], (D_HID, D_IN), dtype=jnp.float32, minval=-s_in, maxval=s_in)
    b1 = jax.random.uniform(ks[3], (D_HID,), dtype=jnp.float32, minval=-s_in, maxval=s_in)
    W1r = jax.random.uniform(ks[4], (D_HID, D_IN), dtype=jnp.float32, minval=-s_in, maxval=s_in)
    # SAGEConv gsage3
    W3l = jax.random.uniform(ks[5], (D_OUT, D_HID), dtype=jnp.float32, minval=-s_hid, maxval=s_hid)
    b3 = jax.random.uniform(ks[6], (D_OUT,), dtype=jnp.float32, minval=-s_hid, maxval=s_hid)
    W3r = jax.random.uniform(ks[7], (D_OUT, D_HID), dtype=jnp.float32, minval=-s_hid, maxval=s_hid)
    return {"x": x, "edge_index": edge_index, "W1l": W1l, "b1": b1, "W1r": W1r,
            "W3l": W3l, "b3": b3, "W3r": W3r}


def reference(x, edge_index, W1l, b1, W1r, W3l, b3, W3r):
    src = edge_index[0]
    dst = edge_index[1]
    # mean-aggregation degree (per destination node), zero-degree nodes stay zero
    deg = jax.ops.segment_sum(jnp.ones((E,), dtype=jnp.float32), dst, num_segments=N)
    deg = jnp.maximum(deg, 1.0)[:, None]

    def sage_conv(h, Wl, b, Wr, normalize):
        msg = jnp.take(h, src, axis=0)                      # gather source features
        agg = jax.ops.segment_sum(msg, dst, num_segments=N) / deg  # mean aggregation
        out = agg @ Wl.T + b + h @ Wr.T
        if normalize:
            nrm = jnp.linalg.norm(out, ord=2, axis=-1, keepdims=True)
            out = out / jnp.maximum(nrm, 1e-12)
        return out

    h = sage_conv(x, W1l, b1, W1r, normalize=True)
    h = jax.nn.relu(h)
    out = sage_conv(h, W3l, b3, W3r, normalize=False)
    return out

if __name__ == "__main__":
    import jax
    _d = setup_inputs()
    print(jax.jit(kernel)(*tuple(_d.values())))

</pallas_src>

<mosaic_0001>
#map = affine_map<(d0, d1) -> (0, 0, 0)>
#map1 = affine_map<(d0, d1) -> (0, 0)>
module attributes {stable_mosaic.version = 14 : i64} {
  func.func @body(%arg0: i32, %arg1: i32, %arg2: memref<2x10000x128xf32, #tpu.memory_space<hbm>>, %arg3: memref<1280x128xi32, #tpu.memory_space<hbm>>, %arg4: memref<1280x128xi32, #tpu.memory_space<hbm>>, %arg5: memref<10240x128xf32, #tpu.memory_space<hbm>>, %arg6: memref<128x128xf32, #tpu.memory_space<hbm>>, %arg7: memref<2x10240x128xf32, #tpu.memory_space<hbm>>, %arg8: memref<2x10240x128xf32, #tpu.memory_space<hbm>>, %arg9: memref<40x128xi32, #tpu.memory_space<vmem>>, %arg10: memref<40x128xi32, #tpu.memory_space<vmem>>, %arg11: memref<128x128xf32, #tpu.memory_space<vmem>>, %arg12: memref<128x128xf32, #tpu.memory_space<vmem>>, %arg13: memref<128xi32, #tpu.memory_space<vmem>>, %arg14: memref<128xi32, #tpu.memory_space<vmem>>, %arg15: memref<128xi32, #tpu.memory_space<vmem>>, %arg16: memref<128xi32, #tpu.memory_space<vmem>>, %arg17: memref<10240x128xf32, #tpu.memory_space<vmem_shared>>, %arg18: memref<!tpu.dma_semaphore, #tpu.memory_space<semaphore_mem>>, %arg19: memref<!tpu.dma_semaphore, #tpu.memory_space<semaphore_mem>>, %arg20: memref<!tpu.dma_semaphore, #tpu.memory_space<semaphore_mem>>, %arg21: memref<!tpu.dma_semaphore, #tpu.memory_space<semaphore_mem>>) attributes {dimension_semantics = [#tpu.dimension_semantics<core_parallel>, #tpu.dimension_semantics<subcore_parallel>], iteration_bounds = array<i64: 2, 16>, scalar_prefetch = 0 : i64, scratch_operands = 13 : i64, tpu.core_type = #tpu.core_type<sc_vector_subcore>, window_params = [{transform_indices = #map}, {transform_indices = #map1}, {transform_indices = #map1}, {transform_indices = #map1}, {transform_indices = #map1}, {transform_indices = #map}, {transform_indices = #map}]} {
    %mul3A = arith.constant 640 : i32
    %mul3A_0 = arith.muli %arg1, %mul3A : i32
    "tpu.region"() ({
      %run_scoped3A = tpu.sem_alloc : memref<!tpu.dma_semaphore, #tpu.memory_space<semaphore_mem>>
      %dma_start3A = arith.constant 0 : i32
      %dma_start3A_59 = tpu.memref_slice %arg17[%mul3A_0, %dma_start3A] : memref<10240x128xf32, #tpu.memory_space<vmem_shared>> -> memref<640x128xf32, #tpu.memory_space<vmem_shared>>
      %dma_start3A_60 = arith.constant 0 : i32
      %dma_start3A_61 = tpu.memref_slice %arg5[%mul3A_0, %dma_start3A_60] : memref<10240x128xf32, #tpu.memory_space<hbm>> -> memref<640x128xf32, #tpu.memory_space<hbm>>
      tpu.enqueue_dma source(%dma_start3A_61 : memref<640x128xf32, #tpu.memory_space<hbm>>) target(%dma_start3A_59 : memref<640x128xf32, #tpu.memory_space<vmem_shared>>) target_semaphore(%run_scoped3A : memref<!tpu.dma_semaphore, #tpu.memory_space<semaphore_mem>>)
      %dma_wait3A_62 = arith.constant 0 : i32
      %dma_wait3A_63 = tpu.memref_slice %arg17[%mul3A_0, %dma_wait3A_62] : memref<10240x128xf32, #tpu.memory_space<vmem_shared>> -> memref<640x128xf32, #tpu.memory_space<vmem_shared>>
      %dma_wait3A_64 = arith.constant 0 : i32
      %dma_wait3A_65 = tpu.memref_slice %arg5[%mul3A_0, %dma_wait3A_64] : memref<10240x128xf32, #tpu.memory_space<hbm>> -> memref<640x128xf32, #tpu.memory_space<hbm>>
      tpu.wait_dma2 semaphore(%run_scoped3A : memref<!tpu.dma_semaphore, #tpu.memory_space<semaphore_mem>>) src(%dma_wait3A_65 : memref<640x128xf32, #tpu.memory_space<hbm>>) dst(%dma_wait3A_63 : memref<640x128xf32, #tpu.memory_space<vmem_shared>>)
      tpu.yield
    }) : () -> ()
    %barrier3A = arith.constant 0 : index
    tpu.barrier barrier_id(%barrier3A)
    %mul3A_1 = arith.constant 80 : i32
    %mul3A_2 = arith.muli %arg1, %mul3A_1 : i32
    %add3A = arith.constant 0 : i32
    %add3A_3 = arith.addi %mul3A_2, %add3A : i32
    "tpu.region"() ({
      %run_scoped3A = tpu.sem_alloc : memref<!tpu.dma_semaphore, #tpu.memory_space<semaphore_mem>>
      %dma_start3A = arith.constant 0 : i32
      %dma_start3A_59 = tpu.memref_slice %arg3[%add3A_3, %dma_start3A] : memref<1280x128xi32, #tpu.memory_space<hbm>> -> memref<40x128xi32, #tpu.memory_space<hbm>>
      %dma_start3A_60 = arith.constant 0 : i32
      %dma_start3A_61 = tpu.memref_slice %arg3[%add3A_3, %dma_start3A_60] : memref<1280x128xi32, #tpu.memory_space<hbm>> -> memref<40x128xi32, #tpu.memory_space<hbm>>
      tpu.enqueue_dma source(%dma_start3A_61 : memref<40x128xi32, #tpu.memory_space<hbm>>) target(%arg9 : memref<40x128xi32, #tpu.memory_space<vmem>>) target_semaphore(%run_scoped3A : memref<!tpu.dma_semaphore, #tpu.memory_space<semaphore_mem>>)
      %dma_wait3A_62 = arith.constant 0 : i32
      %dma_wait3A_63 = tpu.memref_slice %arg3[%add3A_3, %dma_wait3A_62] : memref<1280x128xi32, #tpu.memory_space<hbm>> -> memref<40x128xi32, #tpu.memory_space<hbm>>
      %dma_wait3A_64 = arith.constant 0 : i32
      %dma_wait3A_65 = tpu.memref_slice %arg3[%add3A_3, %dma_wait3A_64] : memref<1280x128xi32, #tpu.memory_space<hbm>> -> memref<40x128xi32, #tpu.memory_space<hbm>>
      tpu.wait_dma2 semaphore(%run_scoped3A : memref<!tpu.dma_semaphore, #tpu.memory_space<semaphore_mem>>) src(%dma_wait3A_65 : memref<40x128xi32, #tpu.memory_space<hbm>>) dst(%arg9 : memref<40x128xi32, #tpu.memory_space<vmem>>)
      tpu.yield
    }) : () -> ()
    %mul3A_4 = arith.constant 80 : i32
    %mul3A_5 = arith.muli %arg1, %mul3A_4 : i32
    %add3A_6 = arith.constant 0 : i32
    %add3A_7 = arith.addi %mul3A_5, %add3A_6 : i32
    "tpu.region"() ({
      %run_scoped3A = tpu.sem_alloc : memref<!tpu.dma_semaphore, #tpu.memory_space<semaphore_mem>>
      %dma_start3A = arith.constant 0 : i32
      %dma_start3A_59 = tpu.memref_slice %arg4[%add3A_7, %dma_start3A] : memref<1280x128xi32, #tpu.memory_space<hbm>> -> memref<40x128xi32, #tpu.memory_space<hbm>>
      %dma_start3A_60 = arith.constant 0 : i32
      %dma_start3A_61 = tpu.memref_slice %arg4[%add3A_7, %dma_start3A_60] : memref<1280x128xi32, #tpu.memory_space<hbm>> -> memref<40x128xi32, #tpu.memory_space<hbm>>
      tpu.enqueue_dma source(%dma_start3A_61 : memref<40x128xi32, #tpu.memory_space<hbm>>) target(%arg10 : memref<40x128xi32, #tpu.memory_space<vmem>>) target_semaphore(%run_scoped3A : memref<!tpu.dma_semaphore, #tpu.memory_space<semaphore_mem>>)
      %dma_wait3A_62 = arith.constant 0 : i32
      %dma_wait3A_63 = tpu.memref_slice %arg4[%add3A_7, %dma_wait3A_62] : memref<1280x128xi32, #tpu.memory_space<hbm>> -> memref<40x128xi32, #tpu.memory_space<hbm>>
      %dma_wait3A_64 = arith.constant 0 : i32
      %dma_wait3A_65 = tpu.memref_slice %arg4[%add3A_7, %dma_wait3A_64] : memref<1280x128xi32, #tpu.memory_space<hbm>> -> memref<40x128xi32, #tpu.memory_space<hbm>>
      tpu.wait_dma2 semaphore(%run_scoped3A : memref<!tpu.dma_semaphore, #tpu.memory_space<semaphore_mem>>) src(%dma_wait3A_65 : memref<40x128xi32, #tpu.memory_space<hbm>>) dst(%arg10 : memref<40x128xi32, #tpu.memory_space<vmem>>)
      tpu.yield
    }) : () -> ()
    %scan3A = arith.constant 0 : i32
    %scan3A_8 = arith.constant 0 : i32
    %scan3A_9 = arith.constant 20 : i32
    %scan3A_10 = arith.addi %scan3A_8, %scan3A_9 : i32
    %scan3A_11 = arith.constant 1 : i32
    scf.for %scan3A_59 = %scan3A_8 to %scan3A_10 step %scan3A_11  : i32 {
      %mul3A_60 = arith.constant 2 : i32
      %mul3A_61 = arith.muli %mul3A_60, %scan3A_59 : i32
      %gt3A = arith.constant 0 : i32
      %gt3A_62 = arith.cmpi sgt, %scan3A_59, %gt3A : i32
      %convert_element_type3A = arith.extui %gt3A_62 : i1 to i32
      %cond3A = arith.constant 0 : i32
      %cond3A_63 = arith.cmpi ne, %convert_element_type3A, %cond3A : i32
      scf.if %cond3A_63 {
        %dma_wait3A_360 = arith.constant 0 : i32
        %dma_wait3A_361 = arith.constant 0 : i32
        %dma_wait3A_362 = tpu.memref_slice %arg17[%dma_wait3A_360, %dma_wait3A_361] : memref<10240x128xf32, #tpu.memory_space<vmem_shared>> -> memref<10240x128xf32, #tpu.memory_space<vmem_shared>>
        tpu.wait_indirect_dma semaphore(%arg20 : memref<!tpu.dma_semaphore, #tpu.memory_space<semaphore_mem>>) src(%arg11 : memref<128x128xf32, #tpu.memory_space<vmem>>) dst(%dma_wait3A_362 : memref<10240x128xf32, #tpu.memory_space<vmem_shared>>)
      } else {
      }
      %get3A = arith.index_cast %mul3A_61 : i32 to index
      %get3A_64 = arith.constant 0 : index
      %get3A_65 = tpu.vector_load %arg9[%get3A, %get3A_64] {strides = array<i32>} : memref<40x128xi32, #tpu.memory_space<vmem>>, vector<1x16xi32>,
      %get3A_66 = vector.shape_cast %get3A_65 : vector<1x16xi32> to vector<16xi32>
      %swap3A = arith.constant 0 : index
      %swap3A_67 = tpu.vector_load %arg13[%swap3A] {strides = array<i32>} : memref<128xi32, #tpu.memory_space<vmem>>, vector<16xi32>,
      %swap3A_68 = vector.shape_cast %swap3A_67 : vector<16xi32> to vector<16xi32>
      %swap3A_69 = vector.shape_cast %get3A_66 : vector<16xi32> to vector<16xi32>
      tpu.vector_store %arg13[%swap3A], %swap3A_69 {strides = array<i32>} : memref<128xi32, #tpu.memory_space<vmem>>, vector<16xi32>,
      %get3A_70 = arith.index_cast %mul3A_61 : i32 to index
      %get3A_71 = arith.constant 16 : index
      %get3A_72 = tpu.vector_load %arg9[%get3A_70, %get3A_71] {strides = array<i32>} : memref<40x128xi32, #tpu.memory_space<vmem>>, vector<1x16xi32>,
      %get3A_73 = vector.shape_cast %get3A_72 : vector<1x16xi32> to vector<16xi32>
      %swap3A_74 = arith.constant 16 : index
      %swap3A_75 = tpu.vector_load %arg13[%swap3A_74] {strides = array<i32>} : memref<128xi32, #tpu.memory_space<vmem>>, vector<16xi32>,
      %swap3A_76 = vector.shape_cast %swap3A_75 : vector<16xi32> to vector<16xi32>
      %swap3A_77 = vector.shape_cast %get3A_73 : vector<16xi32> to vector<16xi32>
      tpu.vector_store %arg13[%swap3A_74], %swap3A_77 {strides = array<i32>} : memref<128xi32, #tpu.memory_space<vmem>>, vector<16xi32>,
      %get3A_78 = arith.index_cast %mul3A_61 : i32 to index
      %get3A_79 = arith.constant 32 : index
      %get3A_80 = tpu.vector_load %arg9[%get3A_78, %get3A_79] {strides = array<i32>} : memref<40x128xi32, #tpu.memory_space<vmem>>, vector<1x16xi32>,
      %get3A_81 = vector.shape_cast %get3A_80 : vector<1x16xi32> to vector<16xi32>
      %swap3A_82 = arith.constant 32 : index
      %swap3A_83 = tpu.vector_load %arg13[%swap3A_82] {strides = array<i32>} : memref<128xi32, #tpu.memory_space<vmem>>, vector<16xi32>,
      %swap3A_84 = vector.shape_cast %swap3A_83 : vector<16xi32> to vector<16xi32>
      %swap3A_85 = vector.shape_cast %get3A_81 : vector<16xi32> to vector<16xi32>
      tpu.vector_store %arg13[%swap3A_82], %swap3A_85 {strides = array<i32>} : memref<128xi32, #tpu.memory_space<vmem>>, vector<16xi32>,
      %get3A_86 = arith.index_cast %mul3A_61 : i32 to index
      %get3A_87 = arith.constant 48 : index
      %get3A_88 = tpu.vector_load %arg9[%get3A_86, %get3A_87] {strides = array<i32>} : memref<40x128xi32, #tpu.memory_space<vmem>>, vector<1x16xi32>,
      %get3A_89 = vector.shape_cast %get3A_88 : vector<1x16xi32> to vector<16xi32>
      %swap3A_90 = arith.constant 48 : index
      %swap3A_91 = tpu.vector_load %arg13[%swap3A_90] {strides = array<i32>} : memref<128xi32, #tpu.memory_space<vmem>>, vector<16xi32>,
      %swap3A_92 = vector.shape_cast %swap3A_91 : vector<16xi32> to vector<16xi32>
      %swap3A_93 = vector.shape_cast %get3A_89 : vector<16xi32> to vector<16xi32>
      tpu.vector_store %arg13[%swap3A_90], %swap3A_93 {strides = array<i32>} : memref<128xi32, #tpu.memory_space<vmem>>, vector<16xi32>,
      %get3A_94 = arith.index_cast %mul3A_61 : i32 to index
      %get3A_95 = arith.constant 64 : index
      %get3A_96 = tpu.vector_load %arg9[%get3A_94, %get3A_95] {strides = array<i32>} : memref<40x128xi32, #tpu.memory_space<vmem>>, vector<1x16xi32>,
      %get3A_97 = vector.shape_cast %get3A_96 : vector<1x16xi32> to vector<16xi32>
      %swap3A_98 = arith.constant 64 : index
      %swap3A_99 = tpu.vector_load %arg13[%swap3A_98] {strides = array<i32>} : memref<128xi32, #tpu.memory_space<vmem>>, vector<16xi32>,
      %swap3A_100 = vector.shape_cast %swap3A_99 : vector<16xi32> to vector<16xi32>
      %swap3A_101 = vector.shape_cast %get3A_97 : vector<16xi32> to vector<16xi32>
      tpu.vector_store %arg13[%swap3A_98], %swap3A_101 {strides = array<i32>} : memref<128xi32, #tpu.memory_space<vmem>>, vector<16xi32>,
      %get3A_102 = arith.index_cast %mul3A_61 : i32 to index
      %get3A_103 = arith.constant 80 : index
      %get3A_104 = tpu.vector_load %arg9[%get3A_102, %get3A_103] {strides = array<i32>} : memref<40x128xi32, #tpu.memory_space<vmem>>, vector<1x16xi32>,
      %get3A_105 = vector.shape_cast %get3A_104 : vector<1x16xi32> to vector<16xi32>
      %swap3A_106 = arith.constant 80 : index
      %swap3A_107 = tpu.vector_load %arg13[%swap3A_106] {strides = array<i32>} : memref<128xi32, #tpu.memory_space<vmem>>, vector<16xi32>,
      %swap3A_108 = vector.shape_cast %swap3A_107 : vector<16xi32> to vector<16xi32>
      %swap3A_109 = vector.shape_cast %get3A_105 : vector<16xi32> to vector<16xi32>
      tpu.vector_store %arg13[%swap3A_106], %swap3A_109 {strides = array<i32>} : memref<128xi32, #tpu.memory_space<vmem>>, vector<16xi32>,
      %get3A_110 = arith.index_cast %mul3A_61 : i32 to index
      %get3A_111 = arith.constant 96 : index
      %get3A_112 = tpu.vector_load %arg9[%get3A_110, %get3A_111] {strides = array<i32>} : memref<40x128xi32, #tpu.memory_space<vmem>>, vector<1x16xi32>,
      %get3A_113 = vector.shape_cast %get3A_112 : vector<1x16xi32> to vector<16xi32>
      %swap3A_114 = arith.constant 96 : index
      %swap3A_115 = tpu.vector_load %arg13[%swap3A_114] {strides = array<i32>} : memref<128xi32, #tpu.memory_space<vmem>>, vector<16xi32>,
      %swap3A_116 = vector.shape_cast %swap3A_115 : vector<16xi32> to vector<16xi32>
      %swap3A_117 = vector.shape_cast %get3A_113 : vector<16xi32> to vector<16xi32>
      tpu.vector_store %arg13[%swap3A_114], %swap3A_117 {strides = array<i32>} : memref<128xi32, #tpu.memory_space<vmem>>, vector<16xi32>,
      %get3A_118 = arith.index_cast %mul3A_61 : i32 to index
      %get3A_119 = arith.constant 112 : index
      %get3A_120 = tpu.vector_load %arg9[%get3A_118, %get3A_119] {strides = array<i32>} : memref<40x128xi32, #tpu.memory_space<vmem>>, vector<1x16xi32>,
      %get3A_121 = vector.shape_cast %get3A_120 : vector<1x16xi32> to vector<16xi32>
      %swap3A_122 = arith.constant 112 : index
      %swap3A_123 = tpu.vector_load %arg13[%swap3A_122] {strides = array<i32>} : memref<128xi32, #tpu.memory_space<vmem>>, vector<16xi32>,
      %swap3A_124 = vector.shape_cast %swap3A_123 : vector<16xi32> to vector<16xi32>
      %swap3A_125 = vector.shape_cast %get3A_121 : vector<16xi32> to vector<16xi32>
      tpu.vector_store %arg13[%swap3A_122], %swap3A_125 {strides = array<i32>} : memref<128xi32, #tpu.memory_space<vmem>>, vector<16xi32>,
      %dma_start3A = arith.constant 0 : i32
      %dma_start3A_126 = arith.constant 0 : i32
      %dma_start3A_127 = tpu.memref_slice %arg2[%arg0, %dma_start3A, %dma_start3A_126] : memref<2x10000x128xf32, #tpu.memory_space<hbm>> -> memref<1x10000x128xf32, #tpu.memory_space<hbm>>
      %dma_start3A_128 = tpu.memref_squeeze %dma_start3A_127 : memref<1x10000x128xf32, #tpu.memory_space<hbm>> -> memref<10000x128xf32, #tpu.memory_space<hbm>>
      %dma_start3A_129 = arith.constant 0 : i32
      %dma_start3A_130 = arith.constant 0 : i32
      %dma_start3A_131 = tpu.memref_slice %dma_start3A_128[%dma_start3A_129, %dma_start3A_130] : memref<10000x128xf32, #tpu.memory_space<hbm>> -> memref<10000x128xf32, #tpu.memory_space<hbm>>
      tpu.enqueue_indirect_dma source(%dma_start3A_131 : memref<10000x128xf32, #tpu.memory_space<hbm>>) target(%arg11 : memref<128x128xf32, #tpu.memory_space<vmem>>) offsets(%arg13 : memref<128xi32, #tpu.memory_space<vmem>>) semaphore(%arg18 : memref<!tpu.dma_semaphore, #tpu.memory_space<semaphore_mem>>)
      %gt3A_132 = arith.constant 0 : i32
      %gt3A_133 = arith.cmpi sgt, %scan3A_59, %gt3A_132 : i32
      %convert_element_type3A_134 = arith.extui %gt3A_133 : i1 to i32
      %cond3A_135 = arith.constant 0 : i32
      %cond3A_136 = arith.cmpi ne, %convert_element_type3A_134, %cond3A_135 : i32
      scf.if %cond3A_136 {
        %dma_wait3A_360 = arith.constant 0 : i32
        %dma_wait3A_361 = arith.constant 0 : i32
        %dma_wait3A_362 = tpu.memref_slice %arg17[%dma_wait3A_360, %dma_wait3A_361] : memref<10240x128xf32, #tpu.memory_space<vmem_shared>> -> memref<10240x128xf32, #tpu.memory_space<vmem_shared>>
        tpu.wait_indirect_dma semaphore(%arg21 : memref<!tpu.dma_semaphore, #tpu.memory_space<semaphore_mem>>) src(%arg12 : memref<128x128xf32, #tpu.memory_space<vmem>>) dst(%dma_wait3A_362 : memref<10240x128xf32, #tpu.memory_space<vmem_shared>>)
      } else {
      }
      %add3A_137 = arith.constant 1 : i32
      %add3A_138 = arith.addi %mul3A_61, %add3A_137 : i32
      %get3A_139 = arith.index_cast %add3A_138 : i32 to index
      %get3A_140 = arith.constant 0 : index
      %get3A_141 = tpu.vector_load %arg9[%get3A_139, %get3A_140] {strides = array<i32>} : memref<40x128xi32, #tpu.memory_space<vmem>>, vector<1x16xi32>,
      %get3A_142 = vector.shape_cast %get3A_141 : vector<1x16xi32> to vector<16xi32>
      %swap3A_143 = arith.constant 0 : index
      %swap3A_144 = tpu.vector_load %arg14[%swap3A_143] {strides = array<i32>} : memref<128xi32, #tpu.memory_space<vmem>>, vector<16xi32>,
      %swap3A_145 = vector.shape_cast %swap3A_144 : vector<16xi32> to vector<16xi32>
      %swap3A_146 = vector.shape_cast %get3A_142 : vector<16xi32> to vector<16xi32>
      tpu.vector_store %arg14[%swap3A_143], %swap3A_146 {strides = array<i32>} : memref<128xi32, #tpu.memory_space<vmem>>, vector<16xi32>,
      %get3A_147 = arith.index_cast %add3A_138 : i32 to index
      %get3A_148 = arith.constant 16 : index
      %get3A_149 = tpu.vector_load %arg9[%get3A_147, %get3A_148] {strides = array<i32>} : memref<40x128xi32, #tpu.memory_space<vmem>>, vector<1x16xi32>,
      %get3A_150 = vector.shape_cast %get3A_149 : vector<1x16xi32> to vector<16xi32>
      %swap3A_151 = arith.constant 16 : index
      %swap3A_152 = tpu.vector_load %arg14[%swap3A_151] {strides = array<i32>} : memref<128xi32, #tpu.memory_space<vmem>>, vector<16xi32>,
      %swap3A_153 = vector.shape_cast %swap3A_152 : vector<16xi32> to vector<16xi32>
      %swap3A_154 = vector.shape_cast %get3A_150 : vector<16xi32> to vector<16xi32>
      tpu.vector_store %arg14[%swap3A_151], %swap3A_154 {strides = array<i32>} : memref<128xi32, #tpu.memory_space<vmem>>, vector<16xi32>,
      %get3A_155 = arith.index_cast %add3A_138 : i32 to index
      %get3A_156 = arith.constant 32 : index
      %get3A_157 = tpu.vector_load %arg9[%get3A_155, %get3A_156] {strides = array<i32>} : memref<40x128xi32, #tpu.memory_space<vmem>>, vector<1x16xi32>,
      %get3A_158 = vector.shape_cast %get3A_157 : vector<1x16xi32> to vector<16xi32>
      %swap3A_159 = arith.constant 32 : index
      %swap3A_160 = tpu.vector_load %arg14[%swap3A_159] {strides = array<i32>} : memref<128xi32, #tpu.memory_space<vmem>>, vector<16xi32>,
      %swap3A_161 = vector.shape_cast %swap3A_160 : vector<16xi32> to vector<16xi32>
      %swap3A_162 = vector.shape_cast %get3A_158 : vector<16xi32> to vector<16xi32>
      tpu.vector_store %arg14[%swap3A_159], %swap3A_162 {strides = array<i32>} : memref<128xi32, #tpu.memory_space<vmem>>, vector<16xi32>,
      %get3A_163 = arith.index_cast %add3A_138 : i32 to index
      %get3A_164 = arith.constant 48 : index
      %get3A_165 = tpu.vector_load %arg9[%get3A_163, %get3A_164] {strides = array<i32>} : memref<40x128xi32, #tpu.memory_space<vmem>>, vector<1x16xi32>,
      %get3A_166 = vector.shape_cast %get3A_165 : vector<1x16xi32> to vector<16xi32>
      %swap3A_167 = arith.constant 48 : index
      %swap3A_168 = tpu.vector_load %arg14[%swap3A_167] {strides = array<i32>} : memref<128xi32, #tpu.memory_space<vmem>>, vector<16xi32>,
      %swap3A_169 = vector.shape_cast %swap3A_168 : vector<16xi32> to vector<16xi32>
      %swap3A_170 = vector.shape_cast %get3A_166 : vector<16xi32> to vector<16xi32>
      tpu.vector_store %arg14[%swap3A_167], %swap3A_170 {strides = array<i32>} : memref<128xi32, #tpu.memory_space<vmem>>, vector<16xi32>,
      %get3A_171 = arith.index_cast %add3A_138 : i32 to index
      %get3A_172 = arith.constant 64 : index
      %get3A_173 = tpu.vector_load %arg9[%get3A_171, %get3A_172] {strides = array<i32>} : memref<40x128xi32, #tpu.memory_space<vmem>>, vector<1x16xi32>,
      %get3A_174 = vector.shape_cast %get3A_173 : vector<1x16xi32> to vector<16xi32>
      %swap3A_175 = arith.constant 64 : index
      %swap3A_176 = tpu.vector_load %arg14[%swap3A_175] {strides = array<i32>} : memref<128xi32, #tpu.memory_space<vmem>>, vector<16xi32>,
      %swap3A_177 = vector.shape_cast %swap3A_176 : vector<16xi32> to vector<16xi32>
      %swap3A_178 = vector.shape_cast %get3A_174 : vector<16xi32> to vector<16xi32>
      tpu.vector_store %arg14[%swap3A_175], %swap3A_178 {strides = array<i32>} : memref<128xi32, #tpu.memory_space<vmem>>, vector<16xi32>,
      %get3A_179 = arith.index_cast %add3A_138 : i32 to index
      %get3A_180 = arith.constant 80 : index
      %get3A_181 = tpu.vector_load %arg9[%get3A_179, %get3A_180] {strides = array<i32>} : memref<40x128xi32, #tpu.memory_space<vmem>>, vector<1x16xi32>,
      %get3A_182 = vector.shape_cast %get3A_181 : vector<1x16xi32> to vector<16xi32>
      %swap3A_183 = arith.constant 80 : index
      %swap3A_184 = tpu.vector_load %arg14[%swap3A_183] {strides = array<i32>} : memref<128xi32, #tpu.memory_space<vmem>>, vector<16xi32>,
      %swap3A_185 = vector.shape_cast %swap3A_184 : vector<16xi32> to vector<16xi32>
      %swap3A_186 = vector.shape_cast %get3A_182 : vector<16xi32> to vector<16xi32>
      tpu.vector_store %arg14[%swap3A_183], %swap3A_186 {strides = array<i32>} : memref<128xi32, #tpu.memory_space<vmem>>, vector<16xi32>,
      %get3A_187 = arith.index_cast %add3A_138 : i32 to index
      %get3A_188 = arith.constant 96 : index
      %get3A_189 = tpu.vector_load %arg9[%get3A_187, %get3A_188] {strides = array<i32>} : memref<40x128xi32, #tpu.memory_space<vmem>>, vector<1x16xi32>,
      %get3A_190 = vector.shape_cast %get3A_189 : vector<1x16xi32> to vector<16xi32>
      %swap3A_191 = arith.constant 96 : index
      %swap3A_192 = tpu.vector_load %arg14[%swap3A_191] {strides = array<i32>} : memref<128xi32, #tpu.memory_space<vmem>>, vector<16xi32>,
      %swap3A_193 = vector.shape_cast %swap3A_192 : vector<16xi32> to vector<16xi32>
      %swap3A_194 = vector.shape_cast %get3A_190 : vector<16xi32> to vector<16xi32>
      tpu.vector_store %arg14[%swap3A_191], %swap3A_194 {strides = array<i32>} : memref<128xi32, #tpu.memory_space<vmem>>, vector<16xi32>,
      %get3A_195 = arith.index_cast %add3A_138 : i32 to index
      %get3A_196 = arith.constant 112 : index
      %get3A_197 = tpu.vector_load %arg9[%get3A_195, %get3A_196] {strides = array<i32>} : memref<40x128xi32, #tpu.memory_space<vmem>>, vector<1x16xi32>,
      %get3A_198 = vector.shape_cast %get3A_197 : vector<1x16xi32> to vector<16xi32>
      %swap3A_199 = arith.constant 112 : index
      %swap3A_200 = tpu.vector_load %arg14[%swap3A_199] {strides = array<i32>} : memref<128xi32, #tpu.memory_space<vmem>>, vector<16xi32>,
      %swap3A_201 = vector.shape_cast %swap3A_200 : vector<16xi32> to vector<16xi32>
      %swap3A_202 = vector.shape_cast %get3A_198 : vector<16xi32> to vector<16xi32>
      tpu.vector_store %arg14[%swap3A_199], %swap3A_202 {strides = array<i32>} : memref<128xi32, #tpu.memory_space<vmem>>, vector<16xi32>,
      %dma_start3A_203 = arith.constant 0 : i32
      %dma_start3A_204 = arith.constant 0 : i32
      %dma_start3A_205 = tpu.memref_slice %arg2[%arg0, %dma_start3A_203, %dma_start3A_204] : memref<2x10000x128xf32, #tpu.memory_space<hbm>> -> memref<1x10000x128xf32, #tpu.memory_space<hbm>>
      %dma_start3A_206 = tpu.memref_squeeze %dma_start3A_205 : memref<1x10000x128xf32, #tpu.memory_space<hbm>> -> memref<10000x128xf32, #tpu.memory_space<hbm>>
      %dma_start3A_207 = arith.constant 0 : i32
      %dma_start3A_208 = arith.constant 0 : i32
      %dma_start3A_209 = tpu.memref_slice %dma_start3A_206[%dma_start3A_207, %dma_start3A_208] : memref<10000x128xf32, #tpu.memory_space<hbm>> -> memref<10000x128xf32, #tpu.memory_space<hbm>>
      tpu.enqueue_indirect_dma source(%dma_start3A_209 : memref<10000x128xf32, #tpu.memory_space<hbm>>) target(%arg12 : memref<128x128xf32, #tpu.memory_space<vmem>>) offsets(%arg14 : memref<128xi32, #tpu.memory_space<vmem>>) semaphore(%arg19 : memref<!tpu.dma_semaphore, #tpu.memory_space<semaphore_mem>>)
      %dma_wait3A_210 = arith.constant 0 : i32
      %dma_wait3A_211 = arith.constant 0 : i32
      %dma_wait3A_212 = tpu.memref_slice %arg2[%arg0, %dma_wait3A_210, %dma_wait3A_211] : memref<2x10000x128xf32, #tpu.memory_space<hbm>> -> memref<1x10000x128xf32, #tpu.memory_space<hbm>>
      %dma_wait3A_213 = tpu.memref_squeeze %dma_wait3A_212 : memref<1x10000x128xf32, #tpu.memory_space<hbm>> -> memref<10000x128xf32, #tpu.memory_space<hbm>>
      %dma_wait3A_214 = arith.constant 0 : i32
      %dma_wait3A_215 = arith.constant 0 : i32
      %dma_wait3A_216 = tpu.memref_slice %dma_wait3A_213[%dma_wait3A_214, %dma_wait3A_215] : memref<10000x128xf32, #tpu.memory_space<hbm>> -> memref<10000x128xf32, #tpu.memory_space<hbm>>
      tpu.wait_indirect_dma semaphore(%arg18 : memref<!tpu.dma_semaphore, #tpu.memory_space<semaphore_mem>>) src(%dma_wait3A_216 : memref<10000x128xf32, #tpu.memory_space<hbm>>) dst(%arg11 : memref<128x128xf32, #tpu.memory_space<vmem>>)
      %get3A_217 = arith.index_cast %mul3A_61 : i32 to index
      %get3A_218 = arith.constant 0 : index
      %get3A_219 = tpu.vector_load %arg10[%get3A_217, %get3A_218] {strides = array<i32>} : memref<40x128xi32, #tpu.memory_space<vmem>>, vector<1x16xi32>,
      %get3A_220 = vector.shape_cast %get3A_219 : vector<1x16xi32> to vector<16xi32>
      %swap3A_221 = arith.constant 0 : index
      %swap3A_222 = tpu.vector_load %arg15[%swap3A_221] {strides = array<i32>} : memref<128xi32, #tpu.memory_space<vmem>>, vector<16xi32>,
      %swap3A_223 = vector.shape_cast %swap3A_222 : vector<16xi32> to vector<16xi32>
      %swap3A_224 = vector.shape_cast %get3A_220 : vector<16xi32> to vector<16xi32>
      tpu.vector_store %arg15[%swap3A_221], %swap3A_224 {strides = array<i32>} : memref<128xi32, #tpu.memory_space<vmem>>, vector<16xi32>,
      %get3A_225 = arith.index_cast %mul3A_61 : i32 to index
      %get3A_226 = arith.constant 16 : index
      %get3A_227 = tpu.vector_load %arg10[%get3A_225, %get3A_226] {strides = array<i32>} : memref<40x128xi32, #tpu.memory_space<vmem>>, vector<1x16xi32>,
      %get3A_228 = vector.shape_cast %get3A_227 : vector<1x16xi32> to vector<16xi32>
      %swap3A_229 = arith.constant 16 : index
      %swap3A_230 = tpu.vector_load %arg15[%swap3A_229] {strides = array<i32>} : memref<128xi32, #tpu.memory_space<vmem>>, vector<16xi32>,
      %swap3A_231 = vector.shape_cast %swap3A_230 : vector<16xi32> to vector<16xi32>
      %swap3A_232 = vector.shape_cast %get3A_228 : vector<16xi32> to vector<16xi32>
      tpu.vector_store %arg15[%swap3A_229], %swap3A_232 {strides = array<i32>} : memref<128xi32, #tpu.memory_space<vmem>>, vector<16xi32>,
      %get3A_233 = arith.index_cast %mul3A_61 : i32 to index
      %get3A_234 = arith.constant 32 : index
      %get3A_235 = tpu.vector_load %arg10[%get3A_233, %get3A_234] {strides = array<i32>} : memref<40x128xi32, #tpu.memory_space<vmem>>, vector<1x16xi32>,
      %get3A_236 = vector.shape_cast %get3A_235 : vector<1x16xi32> to vector<16xi32>
      %swap3A_237 = arith.constant 32 : index
      %swap3A_238 = tpu.vector_load %arg15[%swap3A_237] {strides = array<i32>} : memref<128xi32, #tpu.memory_space<vmem>>, vector<16xi32>,
      %swap3A_239 = vector.shape_cast %swap3A_238 : vector<16xi32> to vector<16xi32>
      %swap3A_240 = vector.shape_cast %get3A_236 : vector<16xi32> to vector<16xi32>
      tpu.vector_store %arg15[%swap3A_237], %swap3A_240 {strides = array<i32>} : memref<128xi32, #tpu.memory_space<vmem>>, vector<16xi32>,
      %get3A_241 = arith.index_cast %mul3A_61 : i32 to index
      %get3A_242 = arith.constant 48 : index
      %get3A_243 = tpu.vector_load %arg10[%get3A_241, %get3A_242] {strides = array<i32>} : memref<40x128xi32, #tpu.memory_space<vmem>>, vector<1x16xi32>,
      %get3A_244 = vector.shape_cast %get3A_243 : vector<1x16xi32> to vector<16xi32>
      %swap3A_245 = arith.constant 48 : index
      %swap3A_246 = tpu.vector_load %arg15[%swap3A_245] {strides = array<i32>} : memref<128xi32, #tpu.memory_space<vmem>>, vector<16xi32>,
      %swap3A_247 = vector.shape_cast %swap3A_246 : vector<16xi32> to vector<16xi32>
      %swap3A_248 = vector.shape_cast %get3A_244 : vector<16xi32> to vector<16xi32>
      tpu.vector_store %arg15[%swap3A_245], %swap3A_248 {strides = array<i32>} : memref<128xi32, #tpu.memory_space<vmem>>, vector<16xi32>,
      %get3A_249 = arith.index_cast %mul3A_61 : i32 to index
      %get3A_250 = arith.constant 64 : index
      %get3A_251 = tpu.vector_load %arg10[%get3A_249, %get3A_250] {strides = array<i32>} : memref<40x128xi32, #tpu.memory_space<vmem>>, vector<1x16xi32>,
      %get3A_252 = vector.shape_cast %get3A_251 : vector<1x16xi32> to vector<16xi32>
      %swap3A_253 = arith.constant 64 : index
      %swap3A_254 = tpu.vector_load %arg15[%swap3A_253] {strides = array<i32>} : memref<128xi32, #tpu.memory_space<vmem>>, vector<16xi32>,
      %swap3A_255 = vector.shape_cast %swap3A_254 : vector<16xi32> to vector<16xi32>
      %swap3A_256 = vector.shape_cast %get3A_252 : vector<16xi32> to vector<16xi32>
      tpu.vector_store %arg15[%swap3A_253], %swap3A_256 {strides = array<i32>} : memref<128xi32, #tpu.memory_space<vmem>>, vector<16xi32>,
      %get3A_257 = arith.index_cast %mul3A_61 : i32 to index
      %get3A_258 = arith.constant 80 : index
      %get3A_259 = tpu.vector_load %arg10[%get3A_257, %get3A_258] {strides = array<i32>} : memref<40x128xi32, #tpu.memory_space<vmem>>, vector<1x16xi32>,
      %get3A_260 = vector.shape_cast %get3A_259 : vector<1x16xi32> to vector<16xi32>
      %swap3A_261 = arith.constant 80 : index
      %swap3A_262 = tpu.vector_load %arg15[%swap3A_261] {strides = array<i32>} : memref<128xi32, #tpu.memory_space<vmem>>, vector<16xi32>,
      %swap3A_263 = vector.shape_cast %swap3A_262 : vector<16xi32> to vector<16xi32>
      %swap3A_264 = vector.shape_cast %get3A_260 : vector<16xi32> to vector<16xi32>
      tpu.vector_store %arg15[%swap3A_261], %swap3A_264 {strides = array<i32>} : memref<128xi32, #tpu.memory_space<vmem>>, vector<16xi32>,
      %get3A_265 = arith.index_cast %mul3A_61 : i32 to index
      %get3A_266 = arith.constant 96 : index
      %get3A_267 = tpu.vector_load %arg10[%get3A_265, %get3A_266] {strides = array<i32>} : memref<40x128xi32, #tpu.memory_space<vmem>>, vector<1x16xi32>,
      %get3A_268 = vector.shape_cast %get3A_267 : vector<1x16xi32> to vector<16xi32>
      %swap3A_269 = arith.constant 96 : index
      %swap3A_270 = tpu.vector_load %arg15[%swap3A_269] {strides = array<i32>} : memref<128xi32, #tpu.memory_space<vmem>>, vector<16xi32>,
      %swap3A_271 = vector.shape_cast %swap3A_270 : vector<16xi32> to vector<16xi32>
      %swap3A_272 = vector.shape_cast %get3A_268 : vector<16xi32> to vector<16xi32>
      tpu.vector_store %arg15[%swap3A_269], %swap3A_272 {strides = array<i32>} : memref<128xi32, #tpu.memory_space<vmem>>, vector<16xi32>,
      %get3A_273 = arith.index_cast %mul3A_61 : i32 to index
      %get3A_274 = arith.constant 112 : index
      %get3A_275 = tpu.vector_load %arg10[%get3A_273, %get3A_274] {strides = array<i32>} : memref<40x128xi32, #tpu.memory_space<vmem>>, vector<1x16xi32>,
      %get3A_276 = vector.shape_cast %get3A_275 : vector<1x16xi32> to vector<16xi32>
      %swap3A_277 = arith.constant 112 : index
      %swap3A_278 = tpu.vector_load %arg15[%swap3A_277] {strides = array<i32>} : memref<128xi32, #tpu.memory_space<vmem>>, vector<16xi32>,
      %swap3A_279 = vector.shape_cast %swap3A_278 : vector<16xi32> to vector<16xi32>
      %swap3A_280 = vector.shape_cast %get3A_276 : vector<16xi32> to vector<16xi32>
      tpu.vector_store %arg15[%swap3A_277], %swap3A_280 {strides = array<i32>} : memref<128xi32, #tpu.memory_space<vmem>>, vector<16xi32>,
      %dma_start3A_281 = arith.constant 0 : i32
      %dma_start3A_282 = arith.constant 0 : i32
      %dma_start3A_283 = tpu.memref_slice %arg17[%dma_start3A_281, %dma_start3A_282] : memref<10240x128xf32, #tpu.memory_space<vmem_shared>> -> memref<10240x128xf32, #tpu.memory_space<vmem_shared>>
      tpu.enqueue_indirect_dma source(%arg11 : memref<128x128xf32, #tpu.memory_space<vmem>>) target(%dma_start3A_283 : memref<10240x128xf32, #tpu.memory_space<vmem_shared>>) offsets(%arg15 : memref<128xi32, #tpu.memory_space<vmem>>) semaphore(%arg20 : memref<!tpu.dma_semaphore, #tpu.memory_space<semaphore_mem>>) {add = true}
      %dma_wait3A_284 = arith.constant 0 : i32
      %dma_wait3A_285 = arith.constant 0 : i32
      %dma_wait3A_286 = tpu.memref_slice %arg2[%arg0, %dma_wait3A_284, %dma_wait3A_285] : memref<2x10000x128xf32, #tpu.memory_space<hbm>> -> memref<1x10000x128xf32, #tpu.memory_space<hbm>>
      %dma_wait3A_287 = tpu.memref_squeeze %dma_wait3A_286 : memref<1x10000x128xf32, #tpu.memory_space<hbm>> -> memref<10000x128xf32, #tpu.memory_space<hbm>>
      %dma_wait3A_288 = arith.constant 0 : i32
      %dma_wait3A_289 = arith.constant 0 : i32
      %dma_wait3A_290 = tpu.memref_slice %dma_wait3A_287[%dma_wait3A_288, %dma_wait3A_289] : memref<10000x128xf32, #tpu.memory_space<hbm>> -> memref<10000x128xf32, #tpu.memory_space<hbm>>
      tpu.wait_indirect_dma semaphore(%arg19 : memref<!tpu.dma_semaphore, #tpu.memory_space<semaphore_mem>>) src(%dma_wait3A_290 : memref<10000x128xf32, #tpu.memory_space<hbm>>) dst(%arg12 : memref<128x128xf32, #tpu.memory_space<vmem>>)
      %add3A_291 = arith.constant 1 : i32
      %add3A_292 = arith.addi %mul3A_61, %add3A_291 : i32
      %get3A_293 = arith.index_cast %add3A_292 : i32 to index
      %get3A_294 = arith.constant 0 : index
      %get3A_295 = tpu.vector_load %arg10[%get3A_293, %get3A_294] {strides = array<i32>} : memref<40x128xi32, #tpu.memory_space<vmem>>, vector<1x16xi32>,
      %get3A_296 = vector.shape_cast %get3A_295 : vector<1x16xi32> to vector<16xi32>
      %swap3A_297 = arith.constant 0 : index
      %swap3A_298 = tpu.vector_load %arg16[%swap3A_297] {strides = array<i32>} : memref<128xi32, #tpu.memory_space<vmem>>, vector<16xi32>,
      %swap3A_299 = vector.shape_cast %swap3A_298 : vector<16xi32> to vector<16xi32>
      %swap3A_300 = vector.shape_cast %get3A_296 : vector<16xi32> to vector<16xi32>
      tpu.vector_store %arg16[%swap3A_297], %swap3A_300 {strides = array<i32>} : memref<128xi32, #tpu.memory_space<vmem>>, vector<16xi32>,
      %get3A_301 = arith.index_cast %add3A_292 : i32 to index
      %get3A_302 = arith.constant 16 : index
      %get3A_303 = tpu.vector_load %arg10[%get3A_301, %get3A_302] {strides = array<i32>} : memref<40x128xi32, #tpu.memory_space<vmem>>, vector<1x16xi32>,
      %get3A_304 = vector.shape_cast %get3A_303 : vector<1x16xi32> to vector<16xi32>
      %swap3A_305 = arith.constant 16 : index
      %swap3A_306 = tpu.vector_load %arg16[%swap3A_305] {strides = array<i32>} : memref<128xi32, #tpu.memory_space<vmem>>, vector<16xi32>,
      %swap3A_307 = vector.shape_cast %swap3A_306 : vector<16xi32> to vector<16xi32>
      %swap3A_308 = vector.shape_cast %get3A_304 : vector<16xi32> to vector<16xi32>
      tpu.vector_store %arg16[%swap3A_305], %swap3A_308 {strides = array<i32>} : memref<128xi32, #tpu.memory_space<vmem>>, vector<16xi32>,
      %get3A_309 = arith.index_cast %add3A_292 : i32 to index
      %get3A_310 = arith.constant 32 : index
      %get3A_311 = tpu.vector_load %arg10[%get3A_309, %get3A_310] {strides = array<i32>} : memref<40x128xi32, #tpu.memory_space<vmem>>, vector<1x16xi32>,
      %get3A_312 = vector.shape_cast %get3A_311 : vector<1x16xi32> to vector<16xi32>
      %swap3A_313 = arith.constant 32 : index
      %swap3A_314 = tpu.vector_load %arg16[%swap3A_313] {strides = array<i32>} : memref<128xi32, #tpu.memory_space<vmem>>, vector<16xi32>,
      %swap3A_315 = vector.shape_cast %swap3A_314 : vector<16xi32> to vector<16xi32>
      %swap3A_316 = vector.shape_cast %get3A_312 : vector<16xi32> to vector<16xi32>
      tpu.vector_store %arg16[%swap3A_313], %swap3A_316 {strides = array<i32>} : memref<128xi32, #tpu.memory_space<vmem>>, vector<16xi32>,
      %get3A_317 = arith.index_cast %add3A_292 : i32 to index
      %get3A_318 = arith.constant 48 : index
      %get3A_319 = tpu.vector_load %arg10[%get3A_317, %get3A_318] {strides = array<i32>} : memref<40x128xi32, #tpu.memory_space<vmem>>, vector<1x16xi32>,
      %get3A_320 = vector.shape_cast %get3A_319 : vector<1x16xi32> to vector<16xi32>
      %swap3A_321 = arith.constant 48 : index
      %swap3A_322 = tpu.vector_load %arg16[%swap3A_321] {strides = array<i32>} : memref<128xi32, #tpu.memory_space<vmem>>, vector<16xi32>,
      %swap3A_323 = vector.shape_cast %swap3A_322 : vector<16xi32> to vector<16xi32>
      %swap3A_324 = vector.shape_cast %get3A_320 : vector<16xi32> to vector<16xi32>
      tpu.vector_store %arg16[%swap3A_321], %swap3A_324 {strides = array<i32>} : memref<128xi32, #tpu.memory_space<vmem>>, vector<16xi32>,
      %get3A_325 = arith.index_cast %add3A_292 : i32 to index
      %get3A_326 = arith.constant 64 : index
      %get3A_327 = tpu.vector_load %arg10[%get3A_325, %get3A_326] {strides = array<i32>} : memref<40x128xi32, #tpu.memory_space<vmem>>, vector<1x16xi32>,
      %get3A_328 = vector.shape_cast %get3A_327 : vector<1x16xi32> to vector<16xi32>
      %swap3A_329 = arith.constant 64 : index
      %swap3A_330 = tpu.vector_load %arg16[%swap3A_329] {strides = array<i32>} : memref<128xi32, #tpu.memory_space<vmem>>, vector<16xi32>,
      %swap3A_331 = vector.shape_cast %swap3A_330 : vector<16xi32> to vector<16xi32>
      %swap3A_332 = vector.shape_cast %get3A_328 : vector<16xi32> to vector<16xi32>
      tpu.vector_store %arg16[%swap3A_329], %swap3A_332 {strides = array<i32>} : memref<128xi32, #tpu.memory_space<vmem>>, vector<16xi32>,
      %get3A_333 = arith.index_cast %add3A_292 : i32 to index
      %get3A_334 = arith.constant 80 : index
      %get3A_335 = tpu.vector_load %arg10[%get3A_333, %get3A_334] {strides = array<i32>} : memref<40x128xi32, #tpu.memory_space<vmem>>, vector<1x16xi32>,
      %get3A_336 = vector.shape_cast %get3A_335 : vector<1x16xi32> to vector<16xi32>
      %swap3A_337 = arith.constant 80 : index
      %swap3A_338 = tpu.vector_load %arg16[%swap3A_337] {strides = array<i32>} : memref<128xi32, #tpu.memory_space<vmem>>, vector<16xi32>,
      %swap3A_339 = vector.shape_cast %swap3A_338 : vector<16xi32> to vector<16xi32>
      %swap3A_340 = vector.shape_cast %get3A_336 : vector<16xi32> to vector<16xi32>
      tpu.vector_store %arg16[%swap3A_337], %swap3A_340 {strides = array<i32>} : memref<128xi32, #tpu.memory_space<vmem>>, vector<16xi32>,
      %get3A_341 = arith.index_cast %add3A_292 : i32 to index
      %get3A_342 = arith.constant 96 : index
      %get3A_343 = tpu.vector_load %arg10[%get3A_341, %get3A_342] {strides = array<i32>} : memref<40x128xi32, #tpu.memory_space<vmem>>, vector<1x16xi32>,
      %get3A_344 = vector.shape_cast %get3A_343 : vector<1x16xi32> to vector<16xi32>
      %swap3A_345 = arith.constant 96 : index
      %swap3A_346 = tpu.vector_load %arg16[%swap3A_345] {strides = array<i32>} : memref<128xi32, #tpu.memory_space<vmem>>, vector<16xi32>,
      %swap3A_347 = vector.shape_cast %swap3A_346 : vector<16xi32> to vector<16xi32>
      %swap3A_348 = vector.shape_cast %get3A_344 : vector<16xi32> to vector<16xi32>
      tpu.vector_store %arg16[%swap3A_345], %swap3A_348 {strides = array<i32>} : memref<128xi32, #tpu.memory_space<vmem>>, vector<16xi32>,
      %get3A_349 = arith.index_cast %add3A_292 : i32 to index
      %get3A_350 = arith.constant 112 : index
      %get3A_351 = tpu.vector_load %arg10[%get3A_349, %get3A_350] {strides = array<i32>} : memref<40x128xi32, #tpu.memory_space<vmem>>, vector<1x16xi32>,
      %get3A_352 = vector.shape_cast %get3A_351 : vector<1x16xi32> to vector<16xi32>
      %swap3A_353 = arith.constant 112 : index
      %swap3A_354 = tpu.vector_load %arg16[%swap3A_353] {strides = array<i32>} : memref<128xi32, #tpu.memory_space<vmem>>, vector<16xi32>,
      %swap3A_355 = vector.shape_cast %swap3A_354 : vector<16xi32> to vector<16xi32>
      %swap3A_356 = vector.shape_cast %get3A_352 : vector<16xi32> to vector<16xi32>
      tpu.vector_store %arg16[%swap3A_353], %swap3A_356 {strides = array<i32>} : memref<128xi32, #tpu.memory_space<vmem>>, vector<16xi32>,
      %dma_start3A_357 = arith.constant 0 : i32
      %dma_start3A_358 = arith.constant 0 : i32
      %dma_start3A_359 = tpu.memref_slice %arg17[%dma_start3A_357, %dma_start3A_358] : memref<10240x128xf32, #tpu.memory_space<vmem_shared>> -> memref<10240x128xf32, #tpu.memory_space<vmem_shared>>
      tpu.enqueue_indirect_dma source(%arg12 : memref<128x128xf32, #tpu.memory_space<vmem>>) target(%dma_start3A_359 : memref<10240x128xf32, #tpu.memory_space<vmem_shared>>) offsets(%arg16 : memref<128xi32, #tpu.memory_space<vmem>>) semaphore(%arg21 : memref<!tpu.dma_semaphore, #tpu.memory_space<semaphore_mem>>) {add = true}
    }
    %scan3A_12 = arith.constant 20 : i32
    %dma_wait3A = arith.constant 0 : i32
    %dma_wait3A_13 = arith.constant 0 : i32
    %dma_wait3A_14 = tpu.memref_slice %arg17[%dma_wait3A, %dma_wait3A_13] : memref<10240x128xf32, #tpu.memory_space<vmem_shared>> -> memref<10240x128xf32, #tpu.memory_space<vmem_shared>>
    tpu.wait_indirect_dma semaphore(%arg20 : memref<!tpu.dma_semaphore, #tpu.memory_space<semaphore_mem>>) src(%arg11 : memref<128x128xf32, #tpu.memory_space<vmem>>) dst(%dma_wait3A_14 : memref<10240x128xf32, #tpu.memory_space<vmem_shared>>)
    %dma_wait3A_15 = arith.constant 0 : i32
    %dma_wait3A_16 = arith.constant 0 : i32
    %dma_wait3A_17 = tpu.memref_slice %arg17[%dma_wait3A_15, %dma_wait3A_16] : memref<10240x128xf32, #tpu.memory_space<vmem_shared>> -> memref<10240x128xf32, #tpu.memory_space<vmem_shared>>
    tpu.wait_indirect_dma semaphore(%arg21 : memref<!tpu.dma_semaphore, #tpu.memory_space<semaphore_mem>>) src(%arg12 : memref<128x128xf32, #tpu.memory_space<vmem>>) dst(%dma_wait3A_17 : memref<10240x128xf32, #tpu.memory_space<vmem_shared>>)
    %mul3A_18 = arith.constant 80 : i32
    %mul3A_19 = arith.muli %arg1, %mul3A_18 : i32
    %add3A_20 = arith.constant 40 : i32
    %add3A_21 = arith.addi %mul3A_19, %add3A_20 : i32
    "tpu.region"() ({
      %run_scoped3A = tpu.sem_alloc : memref<!tpu.dma_semaphore, #tpu.memory_space<semaphore_mem>>
      %dma_start3A = arith.constant 0 : i32
      %dma_start3A_59 = tpu.memref_slice %arg3[%add3A_21, %dma_start3A] : memref<1280x128xi32, #tpu.memory_space<hbm>> -> memref<40x128xi32, #tpu.memory_space<hbm>>
      %dma_start3A_60 = arith.constant 0 : i32
      %dma_start3A_61 = tpu.memref_slice %arg3[%add3A_21, %dma_start3A_60] : memref<1280x128xi32, #tpu.memory_space<hbm>> -> memref<40x128xi32, #tpu.memory_space<hbm>>
      tpu.enqueue_dma source(%dma_start3A_61 : memref<40x128xi32, #tpu.memory_space<hbm>>) target(%arg9 : memref<40x128xi32, #tpu.memory_space<vmem>>) target_semaphore(%run_scoped3A : memref<!tpu.dma_semaphore, #tpu.memory_space<semaphore_mem>>)
      %dma_wait3A_62 = arith.constant 0 : i32
      %dma_wait3A_63 = tpu.memref_slice %arg3[%add3A_21, %dma_wait3A_62] : memref<1280x128xi32, #tpu.memory_space<hbm>> -> memref<40x128xi32, #tpu.memory_space<hbm>>
      %dma_wait3A_64 = arith.constant 0 : i32
      %dma_wait3A_65 = tpu.memref_slice %arg3[%add3A_21, %dma_wait3A_64] : memref<1280x128xi32, #tpu.memory_space<hbm>> -> memref<40x128xi32, #tpu.memory_space<hbm>>
      tpu.wait_dma2 semaphore(%run_scoped3A : memref<!tpu.dma_semaphore, #tpu.memory_space<semaphore_mem>>) src(%dma_wait3A_65 : memref<40x128xi32, #tpu.memory_space<hbm>>) dst(%arg9 : memref<40x128xi32, #tpu.memory_space<vmem>>)
      tpu.yield
    }) : () -> ()
    %mul3A_22 = arith.constant 80 : i32
    %mul3A_23 = arith.muli %arg1, %mul3A_22 : i32
    %add3A_24 = arith.constant 40 : i32
    %add3A_25 = arith.addi %mul3A_23, %add3A_24 : i32
    "tpu.region"() ({
      %run_scoped3A = tpu.sem_alloc : memref<!tpu.dma_semaphore, #tpu.memory_space<semaphore_mem>>
      %dma_start3A = arith.constant 0 : i32
      %dma_start3A_59 = tpu.memref_slice %arg4[%add3A_25, %dma_start3A] : memref<1280x128xi32, #tpu.memory_space<hbm>> -> memref<40x128xi32, #tpu.memory_space<hbm>>
      %dma_start3A_60 = arith.constant 0 : i32
      %dma_start3A_61 = tpu.memref_slice %arg4[%add3A_25, %dma_start3A_60] : memref<1280x128xi32, #tpu.memory_space<hbm>> -> memref<40x128xi32, #tpu.memory_space<hbm>>
      tpu.enqueue_dma source(%dma_start3A_61 : memref<40x128xi32, #tpu.memory_space<hbm>>) target(%arg10 : memref<40x128xi32, #tpu.memory_space<vmem>>) target_semaphore(%run_scoped3A : memref<!tpu.dma_semaphore, #tpu.memory_space<semaphore_mem>>)
      %dma_wait3A_62 = arith.constant 0 : i32
      %dma_wait3A_63 = tpu.memref_slice %arg4[%add3A_25, %dma_wait3A_62] : memref<1280x128xi32, #tpu.memory_space<hbm>> -> memref<40x128xi32, #tpu.memory_space<hbm>>
      %dma_wait3A_64 = arith.constant 0 : i32
      %dma_wait3A_65 = tpu.memref_slice %arg4[%add3A_25, %dma_wait3A_64] : memref<1280x128xi32, #tpu.memory_space<hbm>> -> memref<40x128xi32, #tpu.memory_space<hbm>>
      tpu.wait_dma2 semaphore(%run_scoped3A : memref<!tpu.dma_semaphore, #tpu.memory_space<semaphore_mem>>) src(%dma_wait3A_65 : memref<40x128xi32, #tpu.memory_space<hbm>>) dst(%arg10 : memref<40x128xi32, #tpu.memory_space<vmem>>)
      tpu.yield
    }) : () -> ()
    %scan3A_26 = arith.constant 0 : i32
    %scan3A_27 = arith.constant 0 : i32
    %scan3A_28 = arith.constant 20 : i32
    %scan3A_29 = arith.addi %scan3A_27, %scan3A_28 : i32
    %scan3A_30 = arith.constant 1 : i32
    scf.for %scan3A_59 = %scan3A_27 to %scan3A_29 step %scan3A_30  : i32 {
      %mul3A_60 = arith.constant 2 : i32
      %mul3A_61 = arith.muli %mul3A_60, %scan3A_59 : i32
      %gt3A = arith.constant 0 : i32
      %gt3A_62 = arith.cmpi sgt, %scan3A_59, %gt3A : i32
      %convert_element_type3A = arith.extui %gt3A_62 : i1 to i32
      %cond3A = arith.constant 0 : i32
      %cond3A_63 = arith.cmpi ne, %convert_element_type3A, %cond3A : i32
      scf.if %cond3A_63 {
        %dma_wait3A_360 = arith.constant 0 : i32
        %dma_wait3A_361 = arith.constant 0 : i32
        %dma_wait3A_362 = tpu.memref_slice %arg17[%dma_wait3A_360, %dma_wait3A_361] : memref<10240x128xf32, #tpu.memory_space<vmem_shared>> -> memref<10240x128xf32, #tpu.memory_space<vmem_shared>>
        tpu.wait_indirect_dma semaphore(%arg20 : memref<!tpu.dma_semaphore, #tpu.memory_space<semaphore_mem>>) src(%arg11 : memref<128x128xf32, #tpu.memory_space<vmem>>) dst(%dma_wait3A_362 : memref<10240x128xf32, #tpu.memory_space<vmem_shared>>)
      } else {
      }
      %get3A = arith.index_cast %mul3A_61 : i32 to index
      %get3A_64 = arith.constant 0 : index
      %get3A_65 = tpu.vector_load %arg9[%get3A, %get3A_64] {strides = array<i32>} : memref<40x128xi32, #tpu.memory_space<vmem>>, vector<1x16xi32>,
      %get3A_66 = vector.shape_cast %get3A_65 : vector<1x16xi32> to vector<16xi32>
      %swap3A = arith.constant 0 : index
      %swap3A_67 = tpu.vector_load %arg13[%swap3A] {strides = array<i32>} : memref<128xi32, #tpu.memory_space<vmem>>, vector<16xi32>,
      %swap3A_68 = vector.shape_cast %swap3A_67 : vector<16xi32> to vector<16xi32>
      %swap3A_69 = vector.shape_cast %get3A_66 : vector<16xi32> to vector<16xi32>
      tpu.vector_store %arg13[%swap3A], %swap3A_69 {strides = array<i32>} : memref<128xi32, #tpu.memory_space<vmem>>, vector<16xi32>,
      %get3A_70 = arith.index_cast %mul3A_61 : i32 to index
      %get3A_71 = arith.constant 16 : index
      %get3A_72 = tpu.vector_load %arg9[%get3A_70, %get3A_71] {strides = array<i32>} : memref<40x128xi32, #tpu.memory_space<vmem>>, vector<1x16xi32>,
      %get3A_73 = vector.shape_cast %get3A_72 : vector<1x16xi32> to vector<16xi32>
      %swap3A_74 = arith.constant 16 : index
      %swap3A_75 = tpu.vector_load %arg13[%swap3A_74] {strides = array<i32>} : memref<128xi32, #tpu.memory_space<vmem>>, vector<16xi32>,
      %swap3A_76 = vector.shape_cast %swap3A_75 : vector<16xi32> to vector<16xi32>
      %swap3A_77 = vector.shape_cast %get3A_73 : vector<16xi32> to vector<16xi32>
      tpu.vector_store %arg13[%swap3A_74], %swap3A_77 {strides = array<i32>} : memref<128xi32, #tpu.memory_space<vmem>>, vector<16xi32>,
      %get3A_78 = arith.index_cast %mul3A_61 : i32 to index
      %get3A_79 = arith.constant 32 : index
      %get3A_80 = tpu.vector_load %arg9[%get3A_78, %get3A_79] {strides = array<i32>} : memref<40x128xi32, #tpu.memory_space<vmem>>, vector<1x16xi32>,
      %get3A_81 = vector.shape_cast %get3A_80 : vector<1x16xi32> to vector<16xi32>
      %swap3A_82 = arith.constant 32 : index
      %swap3A_83 = tpu.vector_load %arg13[%swap3A_82] {strides = array<i32>} : memref<128xi32, #tpu.memory_space<vmem>>, vector<16xi32>,
      %swap3A_84 = vector.shape_cast %swap3A_83 : vector<16xi32> to vector<16xi32>
      %swap3A_85 = vector.shape_cast %get3A_81 : vector<16xi32> to vector<16xi32>
      tpu.vector_store %arg13[%swap3A_82], %swap3A_85 {strides = array<i32>} : memref<128xi32, #tpu.memory_space<vmem>>, vector<16xi32>,
      %get3A_86 = arith.index_cast %mul3A_61 : i32 to index
      %get3A_87 = arith.constant 48 : index
      %get3A_88 = tpu.vector_load %arg9[%get3A_86, %get3A_87] {strides = array<i32>} : memref<40x128xi32, #tpu.memory_space<vmem>>, vector<1x16xi32>,
      %get3A_89 = vector.shape_cast %get3A_88 : vector<1x16xi32> to vector<16xi32>
      %swap3A_90 = arith.constant 48 : index
      %swap3A_91 = tpu.vector_load %arg13[%swap3A_90] {strides = array<i32>} : memref<128xi32, #tpu.memory_space<vmem>>, vector<16xi32>,
      %swap3A_92 = vector.shape_cast %swap3A_91 : vector<16xi32> to vector<16xi32>
      %swap3A_93 = vector.shape_cast %get3A_89 : vector<16xi32> to vector<16xi32>
      tpu.vector_store %arg13[%swap3A_90], %swap3A_93 {strides = array<i32>} : memref<128xi32, #tpu.memory_space<vmem>>, vector<16xi32>,
      %get3A_94 = arith.index_cast %mul3A_61 : i32 to index
      %get3A_95 = arith.constant 64 : index
      %get3A_96 = tpu.vector_load %arg9[%get3A_94, %get3A_95] {strides = array<i32>} : memref<40x128xi32, #tpu.memory_space<vmem>>, vector<1x16xi32>,
      %get3A_97 = vector.shape_cast %get3A_96 : vector<1x16xi32> to vector<16xi32>
      %swap3A_98 = arith.constant 64 : index
      %swap3A_99 = tpu.vector_load %arg13[%swap3A_98] {strides = array<i32>} : memref<128xi32, #tpu.memory_space<vmem>>, vector<16xi32>,
      %swap3A_100 = vector.shape_cast %swap3A_99 : vector<16xi32> to vector<16xi32>
      %swap3A_101 = vector.shape_cast %get3A_97 : vector<16xi32> to vector<16xi32>
      tpu.vector_store %arg13[%swap3A_98], %swap3A_101 {strides = array<i32>} : memref<128xi32, #tpu.memory_space<vmem>>, vector<16xi32>,
      %get3A_102 = arith.index_cast %mul3A_61 : i32 to index
      %get3A_103 = arith.constant 80 : index
      %get3A_104 = tpu.vector_load %arg9[%get3A_102, %get3A_103] {strides = array<i32>} : memref<40x128xi32, #tpu.memory_space<vmem>>, vector<1x16xi32>,
      %get3A_105 = vector.shape_cast %get3A_104 : vector<1x16xi32> to vector<16xi32>
      %swap3A_106 = arith.constant 80 : index
      %swap3A_107 = tpu.vector_load %arg13[%swap3A_106] {strides = array<i32>} : memref<128xi32, #tpu.memory_space<vmem>>, vector<16xi32>,
      %swap3A_108 = vector.shape_cast %swap3A_107 : vector<16xi32> to vector<16xi32>
      %swap3A_109 = vector.shape_cast %get3A_105 : vector<16xi32> to vector<16xi32>
      tpu.vector_store %arg13[%swap3A_106], %swap3A_109 {strides = array<i32>} : memref<128xi32, #tpu.memory_space<vmem>>, vector<16xi32>,
      %get3A_110 = arith.index_cast %mul3A_61 : i32 to index
      %get3A_111 = arith.constant 96 : index
      %get3A_112 = tpu.vector_load %arg9[%get3A_110, %get3A_111] {strides = array<i32>} : memref<40x128xi32, #tpu.memory_space<vmem>>, vector<1x16xi32>,
      %get3A_113 = vector.shape_cast %get3A_112 : vector<1x16xi32> to vector<16xi32>
      %swap3A_114 = arith.constant 96 : index
      %swap3A_115 = tpu.vector_load %arg13[%swap3A_114] {strides = array<i32>} : memref<128xi32, #tpu.memory_space<vmem>>, vector<16xi32>,
      %swap3A_116 = vector.shape_cast %swap3A_115 : vector<16xi32> to vector<16xi32>
      %swap3A_117 = vector.shape_cast %get3A_113 : vector<16xi32> to vector<16xi32>
      tpu.vector_store %arg13[%swap3A_114], %swap3A_117 {strides = array<i32>} : memref<128xi32, #tpu.memory_space<vmem>>, vector<16xi32>,
      %get3A_118 = arith.index_cast %mul3A_61 : i32 to index
      %get3A_119 = arith.constant 112 : index
      %get3A_120 = tpu.vector_load %arg9[%get3A_118, %get3A_119] {strides = array<i32>} : memref<40x128xi32, #tpu.memory_space<vmem>>, vector<1x16xi32>,
      %get3A_121 = vector.shape_cast %get3A_120 : vector<1x16xi32> to vector<16xi32>
      %swap3A_122 = arith.constant 112 : index
      %swap3A_123 = tpu.vector_load %arg13[%swap3A_122] {strides = array<i32>} : memref<128xi32, #tpu.memory_space<vmem>>, vector<16xi32>,
      %swap3A_124 = vector.shape_cast %swap3A_123 : vector<16xi32> to vector<16xi32>
      %swap3A_125 = vector.shape_cast %get3A_121 : vector<16xi32> to vector<16xi32>
      tpu.vector_store %arg13[%swap3A_122], %swap3A_125 {strides = array<i32>} : memref<128xi32, #tpu.memory_space<vmem>>, vector<16xi32>,
      %dma_start3A = arith.constant 0 : i32
      %dma_start3A_126 = arith.constant 0 : i32
      %dma_start3A_127 = tpu.memref_slice %arg2[%arg0, %dma_start3A, %dma_start3A_126] : memref<2x10000x128xf32, #tpu.memory_space<hbm>> -> memref<1x10000x128xf32, #tpu.memory_space<hbm>>
      %dma_start3A_128 = tpu.memref_squeeze %dma_start3A_127 : memref<1x10000x128xf32, #tpu.memory_space<hbm>> -> memref<10000x128xf32, #tpu.memory_space<hbm>>
      %dma_start3A_129 = arith.constant 0 : i32
      %dma_start3A_130 = arith.constant 0 : i32
      %dma_start3A_131 = tpu.memref_slice %dma_start3A_128[%dma_start3A_129, %dma_start3A_130] : memref<10000x128xf32, #tpu.memory_space<hbm>> -> memref<10000x128xf32, #tpu.memory_space<hbm>>
      tpu.enqueue_indirect_dma source(%dma_start3A_131 : memref<10000x128xf32, #tpu.memory_space<hbm>>) target(%arg11 : memref<128x128xf32, #tpu.memory_space<vmem>>) offsets(%arg13 : memref<128xi32, #tpu.memory_space<vmem>>) semaphore(%arg18 : memref<!tpu.dma_semaphore, #tpu.memory_space<semaphore_mem>>)
      %gt3A_132 = arith.constant 0 : i32
      %gt3A_133 = arith.cmpi sgt, %scan3A_59, %gt3A_132 : i32
      %convert_element_type3A_134 = arith.extui %gt3A_133 : i1 to i32
      %cond3A_135 = arith.constant 0 : i32
      %cond3A_136 = arith.cmpi ne, %convert_element_type3A_134, %cond3A_135 : i32
      scf.if %cond3A_136 {
        %dma_wait3A_360 = arith.constant 0 : i32
        %dma_wait3A_361 = arith.constant 0 : i32
        %dma_wait3A_362 = tpu.memref_slice %arg17[%dma_wait3A_360, %dma_wait3A_361] : memref<10240x128xf32, #tpu.memory_space<vmem_shared>> -> memref<10240x128xf32, #tpu.memory_space<vmem_shared>>
        tpu.wait_indirect_dma semaphore(%arg21 : memref<!tpu.dma_semaphore, #tpu.memory_space<semaphore_mem>>) src(%arg12 : memref<128x128xf32, #tpu.memory_space<vmem>>) dst(%dma_wait3A_362 : memref<10240x128xf32, #tpu.memory_space<vmem_shared>>)
      } else {
      }
      %add3A_137 = arith.constant 1 : i32
      %add3A_138 = arith.addi %mul3A_61, %add3A_137 : i32
      %get3A_139 = arith.index_cast %add3A_138 : i32 to index
      %get3A_140 = arith.constant 0 : index
      %get3A_141 = tpu.vector_load %arg9[%get3A_139, %get3A_140] {strides = array<i32>} : memref<40x128xi32, #tpu.memory_space<vmem>>, vector<1x16xi32>,
      %get3A_142 = vector.shape_cast %get3A_141 : vector<1x16xi32> to vector<16xi32>
      %swap3A_143 = arith.constant 0 : index
      %swap3A_144 = tpu.vector_load %arg14[%swap3A_143] {strides = array<i32>} : memref<128xi32, #tpu.memory_space<vmem>>, vector<16xi32>,
      %swap3A_145 = vector.shape_cast %swap3A_144 : vector<16xi32> to vector<16xi32>
      %swap3A_146 = vector.shape_cast %get3A_142 : vector<16xi32> to vector<16xi32>
      tpu.vector_store %arg14[%swap3A_143], %swap3A_146 {strides = array<i32>} : memref<128xi32, #tpu.memory_space<vmem>>, vector<16xi32>,
      %get3A_147 = arith.index_cast %add3A_138 : i32 to index
      %get3A_148 = arith.constant 16 : index
      %get3A_149 = tpu.vector_load %arg9[%get3A_147, %get3A_148] {strides = array<i32>} : memref<40x128xi32, #tpu.memory_space<vmem>>, vector<1x16xi32>,
      %get3A_150 = vector.shape_cast %get3A_149 : vector<1x16xi32> to vector<16xi32>
      %swap3A_151 = arith.constant 16 : index
      %swap3A_152 = tpu.vector_load %arg14[%swap3A_151] {strides = array<i32>} : memref<128xi32, #tpu.memory_space<vmem>>, vector<16xi32>,
      %swap3A_153 = vector.shape_cast %swap3A_152 : vector<16xi32> to vector<16xi32>
      %swap3A_154 = vector.shape_cast %get3A_150 : vector<16xi32> to vector<16xi32>
      tpu.vector_store %arg14[%swap3A_151], %swap3A_154 {strides = array<i32>} : memref<128xi32, #tpu.memory_space<vmem>>, vector<16xi32>,
      %get3A_155 = arith.index_cast %add3A_138 : i32 to index
      %get3A_156 = arith.constant 32 : index
      %get3A_157 = tpu.vector_load %arg9[%get3A_155, %get3A_156] {strides = array<i32>} : memref<40x128xi32, #tpu.memory_space<vmem>>, vector<1x16xi32>,
      %get3A_158 = vector.shape_cast %get3A_157 : vector<1x16xi32> to vector<16xi32>
      %swap3A_159 = arith.constant 32 : index
      %swap3A_160 = tpu.vector_load %arg14[%swap3A_159] {strides = array<i32>} : memref<128xi32, #tpu.memory_space<vmem>>, vector<16xi32>,
      %swap3A_161 = vector.shape_cast %swap3A_160 : vector<16xi32> to vector<16xi32>
      %swap3A_162 = vector.shape_cast %get3A_158 : vector<16xi32> to vector<16xi32>
      tpu.vector_store %arg14[%swap3A_159], %swap3A_162 {strides = array<i32>} : memref<128xi32, #tpu.memory_space<vmem>>, vector<16xi32>,
      %get3A_163 = arith.index_cast %add3A_138 : i32 to index
      %get3A_164 = arith.constant 48 : index
      %get3A_165 = tpu.vector_load %arg9[%get3A_163, %get3A_164] {strides = array<i32>} : memref<40x128xi32, #tpu.memory_space<vmem>>, vector<1x16xi32>,
      %get3A_166 = vector.shape_cast %get3A_165 : vector<1x16xi32> to vector<16xi32>
      %swap3A_167 = arith.constant 48 : index
      %swap3A_168 = tpu.vector_load %arg14[%swap3A_167] {strides = array<i32>} : memref<128xi32, #tpu.memory_space<vmem>>, vector<16xi32>,
      %swap3A_169 = vector.shape_cast %swap3A_168 : vector<16xi32> to vector<16xi32>
      %swap3A_170 = vector.shape_cast %get3A_166 : vector<16xi32> to vector<16xi32>
      tpu.vector_store %arg14[%swap3A_167], %swap3A_170 {strides = array<i32>} : memref<128xi32, #tpu.memory_space<vmem>>, vector<16xi32>,
      %get3A_171 = arith.index_cast %add3A_138 : i32 to index
      %get3A_172 = arith.constant 64 : index
      %get3A_173 = tpu.vector_load %arg9[%get3A_171, %get3A_172] {strides = array<i32>} : memref<40x128xi32, #tpu.memory_space<vmem>>, vector<1x16xi32>,
      %get3A_174 = vector.shape_cast %get3A_173 : vector<1x16xi32> to vector<16xi32>
      %swap3A_175 = arith.constant 64 : index
      %swap3A_176 = tpu.vector_load %arg14[%swap3A_175] {strides = array<i32>} : memref<128xi32, #tpu.memory_space<vmem>>, vector<16xi32>,
      %swap3A_177 = vector.shape_cast %swap3A_176 : vector<16xi32> to vector<16xi32>
      %swap3A_178 = vector.shape_cast %get3A_174 : vector<16xi32> to vector<16xi32>
      tpu.vector_store %arg14[%swap3A_175], %swap3A_178 {strides = array<i32>} : memref<128xi32, #tpu.memory_space<vmem>>, vector<16xi32>,
      %get3A_179 = arith.index_cast %add3A_138 : i32 to index
      %get3A_180 = arith.constant 80 : index
      %get3A_181 = tpu.vector_load %arg9[%get3A_179, %get3A_180] {strides = array<i32>} : memref<40x128xi32, #tpu.memory_space<vmem>>, vector<1x16xi32>,
      %get3A_182 = vector.shape_cast %get3A_181 : vector<1x16xi32> to vector<16xi32>
      %swap3A_183 = arith.constant 80 : index
      %swap3A_184 = tpu.vector_load %arg14[%swap3A_183] {strides = array<i32>} : memref<128xi32, #tpu.memory_space<vmem>>, vector<16xi32>,
      %swap3A_185 = vector.shape_cast %swap3A_184 : vector<16xi32> to vector<16xi32>
      %swap3A_186 = vector.shape_cast %get3A_182 : vector<16xi32> to vector<16xi32>
      tpu.vector_store %arg14[%swap3A_183], %swap3A_186 {strides = array<i32>} : memref<128xi32, #tpu.memory_space<vmem>>, vector<16xi32>,
      %get3A_187 = arith.index_cast %add3A_138 : i32 to index
      %get3A_188 = arith.constant 96 : index
      %get3A_189 = tpu.vector_load %arg9[%get3A_187, %get3A_188] {strides = array<i32>} : memref<40x128xi32, #tpu.memory_space<vmem>>, vector<1x16xi32>,
      %get3A_190 = vector.shape_cast %get3A_189 : vector<1x16xi32> to vector<16xi32>
      %swap3A_191 = arith.constant 96 : index
      %swap3A_192 = tpu.vector_load %arg14[%swap3A_191] {strides = array<i32>} : memref<128xi32, #tpu.memory_space<vmem>>, vector<16xi32>,
      %swap3A_193 = vector.shape_cast %swap3A_192 : vector<16xi32> to vector<16xi32>
      %swap3A_194 = vector.shape_cast %get3A_190 : vector<16xi32> to vector<16xi32>
      tpu.vector_store %arg14[%swap3A_191], %swap3A_194 {strides = array<i32>} : memref<128xi32, #tpu.memory_space<vmem>>, vector<16xi32>,
      %get3A_195 = arith.index_cast %add3A_138 : i32 to index
      %get3A_196 = arith.constant 112 : index
      %get3A_197 = tpu.vector_load %arg9[%get3A_195, %get3A_196] {strides = array<i32>} : memref<40x128xi32, #tpu.memory_space<vmem>>, vector<1x16xi32>,
      %get3A_198 = vector.shape_cast %get3A_197 : vector<1x16xi32> to vector<16xi32>
      %swap3A_199 = arith.constant 112 : index
      %swap3A_200 = tpu.vector_load %arg14[%swap3A_199] {strides = array<i32>} : memref<128xi32, #tpu.memory_space<vmem>>, vector<16xi32>,
      %swap3A_201 = vector.shape_cast %swap3A_200 : vector<16xi32> to vector<16xi32>
      %swap3A_202 = vector.shape_cast %get3A_198 : vector<16xi32> to vector<16xi32>
      tpu.vector_store %arg14[%swap3A_199], %swap3A_202 {strides = array<i32>} : memref<128xi32, #tpu.memory_space<vmem>>, vector<16xi32>,
      %dma_start3A_203 = arith.constant 0 : i32
      %dma_start3A_204 = arith.constant 0 : i32
      %dma_start3A_205 = tpu.memref_slice %arg2[%arg0, %dma_start3A_203, %dma_start3A_204] : memref<2x10000x128xf32, #tpu.memory_space<hbm>> -> memref<1x10000x128xf32, #tpu.memory_space<hbm>>
      %dma_start3A_206 = tpu.memref_squeeze %dma_start3A_205 : memref<1x10000x128xf32, #tpu.memory_space<hbm>> -> memref<10000x128xf32, #tpu.memory_space<hbm>>
      %dma_start3A_207 = arith.constant 0 : i32
      %dma_start3A_208 = arith.constant 0 : i32
      %dma_start3A_209 = tpu.memref_slice %dma_start3A_206[%dma_start3A_207, %dma_start3A_208] : memref<10000x128xf32, #tpu.memory_space<hbm>> -> memref<10000x128xf32, #tpu.memory_space<hbm>>
      tpu.enqueue_indirect_dma source(%dma_start3A_209 : memref<10000x128xf32, #tpu.memory_space<hbm>>) target(%arg12 : memref<128x128xf32, #tpu.memory_space<vmem>>) offsets(%arg14 : memref<128xi32, #tpu.memory_space<vmem>>) semaphore(%arg19 : memref<!tpu.dma_semaphore, #tpu.memory_space<semaphore_mem>>)
      %dma_wait3A_210 = arith.constant 0 : i32
      %dma_wait3A_211 = arith.constant 0 : i32
      %dma_wait3A_212 = tpu.memref_slice %arg2[%arg0, %dma_wait3A_210, %dma_wait3A_211] : memref<2x10000x128xf32, #tpu.memory_space<hbm>> -> memref<1x10000x128xf32, #tpu.memory_space<hbm>>
      %dma_wait3A_213 = tpu.memref_squeeze %dma_wait3A_212 : memref<1x10000x128xf32, #tpu.memory_space<hbm>> -> memref<10000x128xf32, #tpu.memory_space<hbm>>
      %dma_wait3A_214 = arith.constant 0 : i32
      %dma_wait3A_215 = arith.constant 0 : i32
      %dma_wait3A_216 = tpu.memref_slice %dma_wait3A_213[%dma_wait3A_214, %dma_wait3A_215] : memref<10000x128xf32, #tpu.memory_space<hbm>> -> memref<10000x128xf32, #tpu.memory_space<hbm>>
      tpu.wait_indirect_dma semaphore(%arg18 : memref<!tpu.dma_semaphore, #tpu.memory_space<semaphore_mem>>) src(%dma_wait3A_216 : memref<10000x128xf32, #tpu.memory_space<hbm>>) dst(%arg11 : memref<128x128xf32, #tpu.memory_space<vmem>>)
      %get3A_217 = arith.index_cast %mul3A_61 : i32 to index
      %get3A_218 = arith.constant 0 : index
      %get3A_219 = tpu.vector_load %arg10[%get3A_217, %get3A_218] {strides = array<i32>} : memref<40x128xi32, #tpu.memory_space<vmem>>, vector<1x16xi32>,
      %get3A_220 = vector.shape_cast %get3A_219 : vector<1x16xi32> to vector<16xi32>
      %swap3A_221 = arith.constant 0 : index
      %swap3A_222 = tpu.vector_load %arg15[%swap3A_221] {strides = array<i32>} : memref<128xi32, #tpu.memory_space<vmem>>, vector<16xi32>,
      %swap3A_223 = vector.shape_cast %swap3A_222 : vector<16xi32> to vector<16xi32>
      %swap3A_224 = vector.shape_cast %get3A_220 : vector<16xi32> to vector<16xi32>
      tpu.vector_store %arg15[%swap3A_221], %swap3A_224 {strides = array<i32>} : memref<128xi32, #tpu.memory_space<vmem>>, vector<16xi32>,
      %get3A_225 = arith.index_cast %mul3A_61 : i32 to index
      %get3A_226 = arith.constant 16 : index
      %get3A_227 = tpu.vector_load %arg10[%get3A_225, %get3A_226] {strides = array<i32>} : memref<40x128xi32, #tpu.memory_space<vmem>>, vector<1x16xi32>,
      %get3A_228 = vector.shape_cast %get3A_227 : vector<1x16xi32> to vector<16xi32>
      %swap3A_229 = arith.constant 16 : index
      %swap3A_230 = tpu.vector_load %arg15[%swap3A_229] {strides = array<i32>} : memref<128xi32, #tpu.memory_space<vmem>>, vector<16xi32>,
      %swap3A_231 = vector.shape_cast %swap3A_230 : vector<16xi32> to vector<16xi32>
      %swap3A_232 = vector.shape_cast %get3A_228 : vector<16xi32> to vector<16xi32>
      tpu.vector_store %arg15[%swap3A_229], %swap3A_232 {strides = array<i32>} : memref<128xi32, #tpu.memory_space<vmem>>, vector<16xi32>,
      %get3A_233 = arith.index_cast %mul3A_61 : i32 to index
      %get3A_234 = arith.constant 32 : index
      %get3A_235 = tpu.vector_load %arg10[%get3A_233, %get3A_234] {strides = array<i32>} : memref<40x128xi32, #tpu.memory_space<vmem>>, vector<1x16xi32>,
      %get3A_236 = vector.shape_cast %get3A_235 : vector<1x16xi32> to vector<16xi32>
      %swap3A_237 = arith.constant 32 : index
      %swap3A_238 = tpu.vector_load %arg15[%swap3A_237] {strides = array<i32>} : memref<128xi32, #tpu.memory_space<vmem>>, vector<16xi32>,
      %swap3A_239 = vector.shape_cast %swap3A_238 : vector<16xi32> to vector<16xi32>
      %swap3A_240 = vector.shape_cast %get3A_236 : vector<16xi32> to vector<16xi32>
      tpu.vector_store %arg15[%swap3A_237], %swap3A_240 {strides = array<i32>} : memref<128xi32, #tpu.memory_space<vmem>>, vector<16xi32>,
      %get3A_241 = arith.index_cast %mul3A_61 : i32 to index
      %get3A_242 = arith.constant 48 : index
      %get3A_243 = tpu.vector_load %arg10[%get3A_241, %get3A_242] {strides = array<i32>} : memref<40x128xi32, #tpu.memory_space<vmem>>, vector<1x16xi32>,
      %get3A_244 = vector.shape_cast %get3A_243 : vector<1x16xi32> to vector<16xi32>
      %swap3A_245 = arith.constant 48 : index
      %swap3A_246 = tpu.vector_load %arg15[%swap3A_245] {strides = array<i32>} : memref<128xi32, #tpu.memory_space<vmem>>, vector<16xi32>,
      %swap3A_247 = vector.shape_cast %swap3A_246 : vector<16xi32> to vector<16xi32>
      %swap3A_248 = vector.shape_cast %get3A_244 : vector<16xi32> to vector<16xi32>
      tpu.vector_store %arg15[%swap3A_245], %swap3A_248 {strides = array<i32>} : memref<128xi32, #tpu.memory_space<vmem>>, vector<16xi32>,
      %get3A_249 = arith.index_cast %mul3A_61 : i32 to index
      %get3A_250 = arith.constant 64 : index
      %get3A_251 = tpu.vector_load %arg10[%get3A_249, %get3A_250] {strides = array<i32>} : memref<40x128xi32, #tpu.memory_space<vmem>>, vector<1x16xi32>,
      %get3A_252 = vector.shape_cast %get3A_251 : vector<1x16xi32> to vector<16xi32>
      %swap3A_253 = arith.constant 64 : index
      %swap3A_254 = tpu.vector_load %arg15[%swap3A_253] {strides = array<i32>} : memref<128xi32, #tpu.memory_space<vmem>>, vector<16xi32>,
      %swap3A_255 = vector.shape_cast %swap3A_254 : vector<16xi32> to vector<16xi32>
      %swap3A_256 = vector.shape_cast %get3A_252 : vector<16xi32> to vector<16xi32>
      tpu.vector_store %arg15[%swap3A_253], %swap3A_256 {strides = array<i32>} : memref<128xi32, #tpu.memory_space<vmem>>, vector<16xi32>,
      %get3A_257 = arith.index_cast %mul3A_61 : i32 to index
      %get3A_258 = arith.constant 80 : index
      %get3A_259 = tpu.vector_load %arg10[%get3A_257, %get3A_258] {strides = array<i32>} : memref<40x128xi32, #tpu.memory_space<vmem>>, vector<1x16xi32>,
      %get3A_260 = vector.shape_cast %get3A_259 : vector<1x16xi32> to vector<16xi32>
      %swap3A_261 = arith.constant 80 : index
      %swap3A_262 = tpu.vector_load %arg15[%swap3A_261] {strides = array<i32>} : memref<128xi32, #tpu.memory_space<vmem>>, vector<16xi32>,
      %swap3A_263 = vector.shape_cast %swap3A_262 : vector<16xi32> to vector<16xi32>
      %swap3A_264 = vector.shape_cast %get3A_260 : vector<16xi32> to vector<16xi32>
      tpu.vector_store %arg15[%swap3A_261], %swap3A_264 {strides = array<i32>} : memref<128xi32, #tpu.memory_space<vmem>>, vector<16xi32>,
      %get3A_265 = arith.index_cast %mul3A_61 : i32 to index
      %get3A_266 = arith.constant 96 : index
      %get3A_267 = tpu.vector_load %arg10[%get3A_265, %get3A_266] {strides = array<i32>} : memref<40x128xi32, #tpu.memory_space<vmem>>, vector<1x16xi32>,
      %get3A_268 = vector.shape_cast %get3A_267 : vector<1x16xi32> to vector<16xi32>
      %swap3A_269 = arith.constant 96 : index
      %swap3A_270 = tpu.vector_load %arg15[%swap3A_269] {strides = array<i32>} : memref<128xi32, #tpu.memory_space<vmem>>, vector<16xi32>,
      %swap3A_271 = vector.shape_cast %swap3A_270 : vector<16xi32> to vector<16xi32>
      %swap3A_272 = vector.shape_cast %get3A_268 : vector<16xi32> to vector<16xi32>
      tpu.vector_store %arg15[%swap3A_269], %swap3A_272 {strides = array<i32>} : memref<128xi32, #tpu.memory_space<vmem>>, vector<16xi32>,
      %get3A_273 = arith.index_cast %mul3A_61 : i32 to index
      %get3A_274 = arith.constant 112 : index
      %get3A_275 = tpu.vector_load %arg10[%get3A_273, %get3A_274] {strides = array<i32>} : memref<40x128xi32, #tpu.memory_space<vmem>>, vector<1x16xi32>,
      %get3A_276 = vector.shape_cast %get3A_275 : vector<1x16xi32> to vector<16xi32>
      %swap3A_277 = arith.constant 112 : index
      %swap3A_278 = tpu.vector_load %arg15[%swap3A_277] {strides = array<i32>} : memref<128xi32, #tpu.memory_space<vmem>>, vector<16xi32>,
      %swap3A_279 = vector.shape_cast %swap3A_278 : vector<16xi32> to vector<16xi32>
      %swap3A_280 = vector.shape_cast %get3A_276 : vector<16xi32> to vector<16xi32>
      tpu.vector_store %arg15[%swap3A_277], %swap3A_280 {strides = array<i32>} : memref<128xi32, #tpu.memory_space<vmem>>, vector<16xi32>,
      %dma_start3A_281 = arith.constant 0 : i32
      %dma_start3A_282 = arith.constant 0 : i32
      %dma_start3A_283 = tpu.memref_slice %arg17[%dma_start3A_281, %dma_start3A_282] : memref<10240x128xf32, #tpu.memory_space<vmem_shared>> -> memref<10240x128xf32, #tpu.memory_space<vmem_shared>>
      tpu.enqueue_indirect_dma source(%arg11 : memref<128x128xf32, #tpu.memory_space<vmem>>) target(%dma_start3A_283 : memref<10240x128xf32, #tpu.memory_space<vmem_shared>>) offsets(%arg15 : memref<128xi32, #tpu.memory_space<vmem>>) semaphore(%arg20 : memref<!tpu.dma_semaphore, #tpu.memory_space<semaphore_mem>>) {add = true}
      %dma_wait3A_284 = arith.constant 0 : i32
      %dma_wait3A_285 = arith.constant 0 : i32
      %dma_wait3A_286 = tpu.memref_slice %arg2[%arg0, %dma_wait3A_284, %dma_wait3A_285] : memref<2x10000x128xf32, #tpu.memory_space<hbm>> -> memref<1x10000x128xf32, #tpu.memory_space<hbm>>
      %dma_wait3A_287 = tpu.memref_squeeze %dma_wait3A_286 : memref<1x10000x128xf32, #tpu.memory_space<hbm>> -> memref<10000x128xf32, #tpu.memory_space<hbm>>
      %dma_wait3A_288 = arith.constant 0 : i32
      %dma_wait3A_289 = arith.constant 0 : i32
      %dma_wait3A_290 = tpu.memref_slice %dma_wait3A_287[%dma_wait3A_288, %dma_wait3A_289] : memref<10000x128xf32, #tpu.memory_space<hbm>> -> memref<10000x128xf32, #tpu.memory_space<hbm>>
      tpu.wait_indirect_dma semaphore(%arg19 : memref<!tpu.dma_semaphore, #tpu.memory_space<semaphore_mem>>) src(%dma_wait3A_290 : memref<10000x128xf32, #tpu.memory_space<hbm>>) dst(%arg12 : memref<128x128xf32, #tpu.memory_space<vmem>>)
      %add3A_291 = arith.constant 1 : i32
      %add3A_292 = arith.addi %mul3A_61, %add3A_291 : i32
      %get3A_293 = arith.index_cast %add3A_292 : i32 to index
      %get3A_294 = arith.constant 0 : index
      %get3A_295 = tpu.vector_load %arg10[%get3A_293, %get3A_294] {strides = array<i32>} : memref<40x128xi32, #tpu.memory_space<vmem>>, vector<1x16xi32>,
      %get3A_296 = vector.shape_cast %get3A_295 : vector<1x16xi32> to vector<16xi32>
      %swap3A_297 = arith.constant 0 : index
      %swap3A_298 = tpu.vector_load %arg16[%swap3A_297] {strides = array<i32>} : memref<128xi32, #tpu.memory_space<vmem>>, vector<16xi32>,
      %swap3A_299 = vector.shape_cast %swap3A_298 : vector<16xi32> to vector<16xi32>
      %swap3A_300 = vector.shape_cast %get3A_296 : vector<16xi32> to vector<16xi32>
      tpu.vector_store %arg16[%swap3A_297], %swap3A_300 {strides = array<i32>} : memref<128xi32, #tpu.memory_space<vmem>>, vector<16xi32>,
      %get3A_301 = arith.index_cast %add3A_292 : i32 to index
      %get3A_302 = arith.constant 16 : index
      %get3A_303 = tpu.vector_load %arg10[%get3A_301, %get3A_302] {strides = array<i32>} : memref<40x128xi32, #tpu.memory_space<vmem>>, vector<1x16xi32>,
      %get3A_304 = vector.shape_cast %get3A_303 : vector<1x16xi32> to vector<16xi32>
      %swap3A_305 = arith.constant 16 : index
      %swap3A_306 = tpu.vector_load %arg16[%swap3A_305] {strides = array<i32>} : memref<128xi32, #tpu.memory_space<vmem>>, vector<16xi32>,
      %swap3A_307 = vector.shape_cast %swap3A_306 : vector<16xi32> to vector<16xi32>
      %swap3A_308 = vector.shape_cast %get3A_304 : vector<16xi32> to vector<16xi32>
      tpu.vector_store %arg16[%swap3A_305], %swap3A_308 {strides = array<i32>} : memref<128xi32, #tpu.memory_space<vmem>>, vector<16xi32>,
      %get3A_309 = arith.index_cast %add3A_292 : i32 to index
      %get3A_310 = arith.constant 32 : index
      %get3A_311 = tpu.vector_load %arg10[%get3A_309, %get3A_310] {strides = array<i32>} : memref<40x128xi32, #tpu.memory_space<vmem>>, vector<1x16xi32>,
      %get3A_312 = vector.shape_cast %get3A_311 : vector<1x16xi32> to vector<16xi32>
      %swap3A_313 = arith.constant 32 : index
      %swap3A_314 = tpu.vector_load %arg16[%swap3A_313] {strides = array<i32>} : memref<128xi32, #tpu.memory_space<vmem>>, vector<16xi32>,
      %swap3A_315 = vector.shape_cast %swap3A_314 : vector<16xi32> to vector<16xi32>
      %swap3A_316 = vector.shape_cast %get3A_312 : vector<16xi32> to vector<16xi32>
      tpu.vector_store %arg16[%swap3A_313], %swap3A_316 {strides = array<i32>} : memref<128xi32, #tpu.memory_space<vmem>>, vector<16xi32>,
      %get3A_317 = arith.index_cast %add3A_292 : i32 to index
      %get3A_318 = arith.constant 48 : index
      %get3A_319 = tpu.vector_load %arg10[%get3A_317, %get3A_318] {strides = array<i32>} : memref<40x128xi32, #tpu.memory_space<vmem>>, vector<1x16xi32>,
      %get3A_320 = vector.shape_cast %get3A_319 : vector<1x16xi32> to vector<16xi32>
      %swap3A_321 = arith.constant 48 : index
      %swap3A_322 = tpu.vector_load %arg16[%swap3A_321] {strides = array<i32>} : memref<128xi32, #tpu.memory_space<vmem>>, vector<16xi32>,
      %swap3A_323 = vector.shape_cast %swap3A_322 : vector<16xi32> to vector<16xi32>
      %swap3A_324 = vector.shape_cast %get3A_320 : vector<16xi32> to vector<16xi32>
      tpu.vector_store %arg16[%swap3A_321], %swap3A_324 {strides = array<i32>} : memref<128xi32, #tpu.memory_space<vmem>>, vector<16xi32>,
      %get3A_325 = arith.index_cast %add3A_292 : i32 to index
      %get3A_326 = arith.constant 64 : index
      %get3A_327 = tpu.vector_load %arg10[%get3A_325, %get3A_326] {strides = array<i32>} : memref<40x128xi32, #tpu.memory_space<vmem>>, vector<1x16xi32>,
      %get3A_328 = vector.shape_cast %get3A_327 : vector<1x16xi32> to vector<16xi32>
      %swap3A_329 = arith.constant 64 : index
      %swap3A_330 = tpu.vector_load %arg16[%swap3A_329] {strides = array<i32>} : memref<128xi32, #tpu.memory_space<vmem>>, vector<16xi32>,
      %swap3A_331 = vector.shape_cast %swap3A_330 : vector<16xi32> to vector<16xi32>
      %swap3A_332 = vector.shape_cast %get3A_328 : vector<16xi32> to vector<16xi32>
      tpu.vector_store %arg16[%swap3A_329], %swap3A_332 {strides = array<i32>} : memref<128xi32, #tpu.memory_space<vmem>>, vector<16xi32>,
      %get3A_333 = arith.index_cast %add3A_292 : i32 to index
      %get3A_334 = arith.constant 80 : index
      %get3A_335 = tpu.vector_load %arg10[%get3A_333, %get3A_334] {strides = array<i32>} : memref<40x128xi32, #tpu.memory_space<vmem>>, vector<1x16xi32>,
      %get3A_336 = vector.shape_cast %get3A_335 : vector<1x16xi32> to vector<16xi32>
      %swap3A_337 = arith.constant 80 : index
      %swap3A_338 = tpu.vector_load %arg16[%swap3A_337] {strides = array<i32>} : memref<128xi32, #tpu.memory_space<vmem>>, vector<16xi32>,
      %swap3A_339 = vector.shape_cast %swap3A_338 : vector<16xi32> to vector<16xi32>
      %swap3A_340 = vector.shape_cast %get3A_336 : vector<16xi32> to vector<16xi32>
      tpu.vector_store %arg16[%swap3A_337], %swap3A_340 {strides = array<i32>} : memref<128xi32, #tpu.memory_space<vmem>>, vector<16xi32>,
      %get3A_341 = arith.index_cast %add3A_292 : i32 to index
      %get3A_342 = arith.constant 96 : index
      %get3A_343 = tpu.vector_load %arg10[%get3A_341, %get3A_342] {strides = array<i32>} : memref<40x128xi32, #tpu.memory_space<vmem>>, vector<1x16xi32>,
      %get3A_344 = vector.shape_cast %get3A_343 : vector<1x16xi32> to vector<16xi32>
      %swap3A_345 = arith.constant 96 : index
      %swap3A_346 = tpu.vector_load %arg16[%swap3A_345] {strides = array<i32>} : memref<128xi32, #tpu.memory_space<vmem>>, vector<16xi32>,
      %swap3A_347 = vector.shape_cast %swap3A_346 : vector<16xi32> to vector<16xi32>
      %swap3A_348 = vector.shape_cast %get3A_344 : vector<16xi32> to vector<16xi32>
      tpu.vector_store %arg16[%swap3A_345], %swap3A_348 {strides = array<i32>} : memref<128xi32, #tpu.memory_space<vmem>>, vector<16xi32>,
      %get3A_349 = arith.index_cast %add3A_292 : i32 to index
      %get3A_350 = arith.constant 112 : index
      %get3A_351 = tpu.vector_load %arg10[%get3A_349, %get3A_350] {strides = array<i32>} : memref<40x128xi32, #tpu.memory_space<vmem>>, vector<1x16xi32>,
      %get3A_352 = vector.shape_cast %get3A_351 : vector<1x16xi32> to vector<16xi32>
      %swap3A_353 = arith.constant 112 : index
      %swap3A_354 = tpu.vector_load %arg16[%swap3A_353] {strides = array<i32>} : memref<128xi32, #tpu.memory_space<vmem>>, vector<16xi32>,
      %swap3A_355 = vector.shape_cast %swap3A_354 : vector<16xi32> to vector<16xi32>
      %swap3A_356 = vector.shape_cast %get3A_352 : vector<16xi32> to vector<16xi32>
      tpu.vector_store %arg16[%swap3A_353], %swap3A_356 {strides = array<i32>} : memref<128xi32, #tpu.memory_space<vmem>>, vector<16xi32>,
      %dma_start3A_357 = arith.constant 0 : i32
      %dma_start3A_358 = arith.constant 0 : i32
      %dma_start3A_359 = tpu.memref_slice %arg17[%dma_start3A_357, %dma_start3A_358] : memref<10240x128xf32, #tpu.memory_space<vmem_shared>> -> memref<10240x128xf32, #tpu.memory_space<vmem_shared>>
      tpu.enqueue_indirect_dma source(%arg12 : memref<128x128xf32, #tpu.memory_space<vmem>>) target(%dma_start3A_359 : memref<10240x128xf32, #tpu.memory_space<vmem_shared>>) offsets(%arg16 : memref<128xi32, #tpu.memory_space<vmem>>) semaphore(%arg21 : memref<!tpu.dma_semaphore, #tpu.memory_space<semaphore_mem>>) {add = true}
    }
    %scan3A_31 = arith.constant 20 : i32
    %dma_wait3A_32 = arith.constant 0 : i32
    %dma_wait3A_33 = arith.constant 0 : i32
    %dma_wait3A_34 = tpu.memref_slice %arg17[%dma_wait3A_32, %dma_wait3A_33] : memref<10240x128xf32, #tpu.memory_space<vmem_shared>> -> memref<10240x128xf32, #tpu.memory_space<vmem_shared>>
    tpu.wait_indirect_dma semaphore(%arg20 : memref<!tpu.dma_semaphore, #tpu.memory_space<semaphore_mem>>) src(%arg11 : memref<128x128xf32, #tpu.memory_space<vmem>>) dst(%dma_wait3A_34 : memref<10240x128xf32, #tpu.memory_space<vmem_shared>>)
    %dma_wait3A_35 = arith.constant 0 : i32
    %dma_wait3A_36 = arith.constant 0 : i32
    %dma_wait3A_37 = tpu.memref_slice %arg17[%dma_wait3A_35, %dma_wait3A_36] : memref<10240x128xf32, #tpu.memory_space<vmem_shared>> -> memref<10240x128xf32, #tpu.memory_space<vmem_shared>>
    tpu.wait_indirect_dma semaphore(%arg21 : memref<!tpu.dma_semaphore, #tpu.memory_space<semaphore_mem>>) src(%arg12 : memref<128x128xf32, #tpu.memory_space<vmem>>) dst(%dma_wait3A_37 : memref<10240x128xf32, #tpu.memory_space<vmem_shared>>)
    %barrier3A_38 = arith.constant 0 : index
    tpu.barrier barrier_id(%barrier3A_38)
    "tpu.region"() ({
      %run_scoped3A = tpu.sem_alloc : memref<!tpu.dma_semaphore, #tpu.memory_space<semaphore_mem>>
      %dma_start3A = arith.constant 0 : i32
      %dma_start3A_59 = arith.constant 0 : i32
      %dma_start3A_60 = tpu.memref_slice %arg7[%arg0, %dma_start3A, %dma_start3A_59] : memref<2x10240x128xf32, #tpu.memory_space<hbm>> -> memref<1x10240x128xf32, #tpu.memory_space<hbm>>
      %dma_start3A_61 = tpu.memref_squeeze %dma_start3A_60 : memref<1x10240x128xf32, #tpu.memory_space<hbm>> -> memref<10240x128xf32, #tpu.memory_space<hbm>>
      %dma_start3A_62 = arith.constant 0 : i32
      %dma_start3A_63 = tpu.memref_slice %dma_start3A_61[%mul3A_0, %dma_start3A_62] : memref<10240x128xf32, #tpu.memory_space<hbm>> -> memref<640x128xf32, #tpu.memory_space<hbm>>
      %dma_start3A_64 = arith.constant 0 : i32
      %dma_start3A_65 = tpu.memref_slice %arg17[%mul3A_0, %dma_start3A_64] : memref<10240x128xf32, #tpu.memory_space<vmem_shared>> -> memref<640x128xf32, #tpu.memory_space<vmem_shared>>
      tpu.enqueue_dma source(%dma_start3A_65 : memref<640x128xf32, #tpu.memory_space<vmem_shared>>) target(%dma_start3A_63 : memref<640x128xf32, #tpu.memory_space<hbm>>) target_semaphore(%run_scoped3A : memref<!tpu.dma_semaphore, #tpu.memory_space<semaphore_mem>>)
      %dma_wait3A_66 = arith.constant 0 : i32
      %dma_wait3A_67 = arith.constant 0 : i32
      %dma_wait3A_68 = tpu.memref_slice %arg7[%arg0, %dma_wait3A_66, %dma_wait3A_67] : memref<2x10240x128xf32, #tpu.memory_space<hbm>> -> memref<1x10240x128xf32, #tpu.memory_space<hbm>>
      %dma_wait3A_69 = tpu.memref_squeeze %dma_wait3A_68 : memref<1x10240x128xf32, #tpu.memory_space<hbm>> -> memref<10240x128xf32, #tpu.memory_space<hbm>>
      %dma_wait3A_70 = arith.constant 0 : i32
      %dma_wait3A_71 = tpu.memref_slice %dma_wait3A_69[%mul3A_0, %dma_wait3A_70] : memref<10240x128xf32, #tpu.memory_space<hbm>> -> memref<640x128xf32, #tpu.memory_space<hbm>>
      %dma_wait3A_72 = arith.constant 0 : i32
      %dma_wait3A_73 = tpu.memref_slice %arg17[%mul3A_0, %dma_wait3A_72] : memref<10240x128xf32, #tpu.memory_space<vmem_shared>> -> memref<640x128xf32, #tpu.memory_space<vmem_shared>>
      tpu.wait_dma2 semaphore(%run_scoped3A : memref<!tpu.dma_semaphore, #tpu.memory_space<semaphore_mem>>) src(%dma_wait3A_73 : memref<640x128xf32, #tpu.memory_space<vmem_shared>>) dst(%dma_wait3A_71 : memref<640x128xf32, #tpu.memory_space<hbm>>)
      tpu.yield
    }) : () -> ()
    %barrier3A_39 = arith.constant 0 : index
    tpu.barrier barrier_id(%barrier3A_39)
    "tpu.region"() ({
      %run_scoped3A = tpu.sem_alloc : memref<!tpu.dma_semaphore, #tpu.memory_space<semaphore_mem>>
      %dma_start3A = arith.constant 0 : i32
      %dma_start3A_59 = tpu.memref_slice %arg17[%mul3A_0, %dma_start3A] : memref<10240x128xf32, #tpu.memory_space<vmem_shared>> -> memref<640x128xf32, #tpu.memory_space<vmem_shared>>
      %dma_start3A_60 = arith.constant 0 : i32
      %dma_start3A_61 = tpu.memref_slice %arg5[%mul3A_0, %dma_start3A_60] : memref<10240x128xf32, #tpu.memory_space<hbm>> -> memref<640x128xf32, #tpu.memory_space<hbm>>
      tpu.enqueue_dma source(%dma_start3A_61 : memref<640x128xf32, #tpu.memory_space<hbm>>) target(%dma_start3A_59 : memref<640x128xf32, #tpu.memory_space<vmem_shared>>) target_semaphore(%run_scoped3A : memref<!tpu.dma_semaphore, #tpu.memory_space<semaphore_mem>>)
      %dma_wait3A_62 = arith.constant 0 : i32
      %dma_wait3A_63 = tpu.memref_slice %arg17[%mul3A_0, %dma_wait3A_62] : memref<10240x128xf32, #tpu.memory_space<vmem_shared>> -> memref<640x128xf32, #tpu.memory_space<vmem_shared>>
      %dma_wait3A_64 = arith.constant 0 : i32
      %dma_wait3A_65 = tpu.memref_slice %arg5[%mul3A_0, %dma_wait3A_64] : memref<10240x128xf32, #tpu.memory_space<hbm>> -> memref<640x128xf32, #tpu.memory_space<hbm>>
      tpu.wait_dma2 semaphore(%run_scoped3A : memref<!tpu.dma_semaphore, #tpu.memory_space<semaphore_mem>>) src(%dma_wait3A_65 : memref<640x128xf32, #tpu.memory_space<hbm>>) dst(%dma_wait3A_63 : memref<640x128xf32, #tpu.memory_space<vmem_shared>>)
      tpu.yield
    }) : () -> ()
    %barrier3A_40 = arith.constant 0 : index
    tpu.barrier barrier_id(%barrier3A_40)
    "tpu.region"() ({
      %run_scoped3A = tpu.sem_alloc : memref<!tpu.dma_semaphore, #tpu.memory_space<semaphore_mem>>
      tpu.enqueue_dma source(%arg6 : memref<128x128xf32, #tpu.memory_space<hbm>>) target(%arg11 : memref<128x128xf32, #tpu.memory_space<vmem>>) target_semaphore(%run_scoped3A : memref<!tpu.dma_semaphore, #tpu.memory_space<semaphore_mem>>)
      tpu.wait_dma2 semaphore(%run_scoped3A : memref<!tpu.dma_semaphore, #tpu.memory_space<semaphore_mem>>) src(%arg6 : memref<128x128xf32, #tpu.memory_space<hbm>>) dst(%arg11 : memref<128x128xf32, #tpu.memory_space<vmem>>)
      tpu.yield
    }) : () -> ()
    %mul3A_41 = arith.constant 640 : i32
    %mul3A_42 = arith.muli %arg0, %mul3A_41 : i32
    %mul3A_43 = arith.constant 40 : i32
    %mul3A_44 = arith.muli %arg1, %mul3A_43 : i32
    %add3A_45 = arith.addi %mul3A_42, %mul3A_44 : i32
    "tpu.region"() ({
      %run_scoped3A = tpu.sem_alloc : memref<!tpu.dma_semaphore, #tpu.memory_space<semaphore_mem>>
      %dma_start3A = arith.constant 0 : i32
      %dma_start3A_59 = tpu.memref_slice %arg4[%add3A_45, %dma_start3A] : memref<1280x128xi32, #tpu.memory_space<hbm>> -> memref<40x128xi32, #tpu.memory_space<hbm>>
      %dma_start3A_60 = arith.constant 0 : i32
      %dma_start3A_61 = tpu.memref_slice %arg4[%add3A_45, %dma_start3A_60] : memref<1280x128xi32, #tpu.memory_space<hbm>> -> memref<40x128xi32, #tpu.memory_space<hbm>>
      tpu.enqueue_dma source(%dma_start3A_61 : memref<40x128xi32, #tpu.memory_space<hbm>>) target(%arg10 : memref<40x128xi32, #tpu.memory_space<vmem>>) target_semaphore(%run_scoped3A : memref<!tpu.dma_semaphore, #tpu.memory_space<semaphore_mem>>)
      %dma_wait3A_62 = arith.constant 0 : i32
      %dma_wait3A_63 = tpu.memref_slice %arg4[%add3A_45, %dma_wait3A_62] : memref<1280x128xi32, #tpu.memory_space<hbm>> -> memref<40x128xi32, #tpu.memory_space<hbm>>
      %dma_wait3A_64 = arith.constant 0 : i32
      %dma_wait3A_65 = tpu.memref_slice %arg4[%add3A_45, %dma_wait3A_64] : memref<1280x128xi32, #tpu.memory_space<hbm>> -> memref<40x128xi32, #tpu.memory_space<hbm>>
      tpu.wait_dma2 semaphore(%run_scoped3A : memref<!tpu.dma_semaphore, #tpu.memory_space<semaphore_mem>>) src(%dma_wait3A_65 : memref<40x128xi32, #tpu.memory_space<hbm>>) dst(%arg10 : memref<40x128xi32, #tpu.memory_space<vmem>>)
      tpu.yield
    }) : () -> ()
    %scan3A_46 = arith.constant 0 : i32
    %scan3A_47 = arith.constant 0 : i32
    %scan3A_48 = arith.constant 20 : i32
    %scan3A_49 = arith.addi %scan3A_47, %scan3A_48 : i32
    %scan3A_50 = arith.constant 1 : i32
    scf.for %scan3A_59 = %scan3A_47 to %scan3A_49 step %scan3A_50  : i32 {
      %mul3A_60 = arith.constant 2 : i32
      %mul3A_61 = arith.muli %mul3A_60, %scan3A_59 : i32
      %gt3A = arith.constant 0 : i32
      %gt3A_62 = arith.cmpi sgt, %scan3A_59, %gt3A : i32
      %convert_element_type3A = arith.extui %gt3A_62 : i1 to i32
      %cond3A = arith.constant 0 : i32
      %cond3A_63 = arith.cmpi ne, %convert_element_type3A, %cond3A : i32
      scf.if %cond3A_63 {
        %dma_wait3A_197 = arith.constant 0 : i32
        %dma_wait3A_198 = arith.constant 0 : i32
        %dma_wait3A_199 = tpu.memref_slice %arg17[%dma_wait3A_197, %dma_wait3A_198] : memref<10240x128xf32, #tpu.memory_space<vmem_shared>> -> memref<10240x128xf32, #tpu.memory_space<vmem_shared>>
        tpu.wait_indirect_dma semaphore(%arg18 : memref<!tpu.dma_semaphore, #tpu.memory_space<semaphore_mem>>) src(%arg11 : memref<128x128xf32, #tpu.memory_space<vmem>>) dst(%dma_wait3A_199 : memref<10240x128xf32, #tpu.memory_space<vmem_shared>>)
        %dma_wait3A_200 = arith.constant 0 : i32
        %dma_wait3A_201 = arith.constant 0 : i32
        %dma_wait3A_202 = tpu.memref_slice %arg17[%dma_wait3A_200, %dma_wait3A_201] : memref<10240x128xf32, #tpu.memory_space<vmem_shared>> -> memref<10240x128xf32, #tpu.memory_space<vmem_shared>>
        tpu.wait_indirect_dma semaphore(%arg19 : memref<!tpu.dma_semaphore, #tpu.memory_space<semaphore_mem>>) src(%arg11 : memref<128x128xf32, #tpu.memory_space<vmem>>) dst(%dma_wait3A_202 : memref<10240x128xf32, #tpu.memory_space<vmem_shared>>)
      } else {
      }
      %get3A = arith.index_cast %mul3A_61 : i32 to index
      %get3A_64 = arith.constant 0 : index
      %get3A_65 = tpu.vector_load %arg10[%get3A, %get3A_64] {strides = array<i32>} : memref<40x128xi32, #tpu.memory_space<vmem>>, vector<1x16xi32>,
      %get3A_66 = vector.shape_cast %get3A_65 : vector<1x16xi32> to vector<16xi32>
      %swap3A = arith.constant 0 : index
      %swap3A_67 = tpu.vector_load %arg15[%swap3A] {strides = array<i32>} : memref<128xi32, #tpu.memory_space<vmem>>, vector<16xi32>,
      %swap3A_68 = vector.shape_cast %swap3A_67 : vector<16xi32> to vector<16xi32>
      %swap3A_69 = vector.shape_cast %get3A_66 : vector<16xi32> to vector<16xi32>
      tpu.vector_store %arg15[%swap3A], %swap3A_69 {strides = array<i32>} : memref<128xi32, #tpu.memory_space<vmem>>, vector<16xi32>,
      %get3A_70 = arith.index_cast %mul3A_61 : i32 to index
      %get3A_71 = arith.constant 16 : index
      %get3A_72 = tpu.vector_load %arg10[%get3A_70, %get3A_71] {strides = array<i32>} : memref<40x128xi32, #tpu.memory_space<vmem>>, vector<1x16xi32>,
      %get3A_73 = vector.shape_cast %get3A_72 : vector<1x16xi32> to vector<16xi32>
      %swap3A_74 = arith.constant 16 : index
      %swap3A_75 = tpu.vector_load %arg15[%swap3A_74] {strides = array<i32>} : memref<128xi32, #tpu.memory_space<vmem>>, vector<16xi32>,
      %swap3A_76 = vector.shape_cast %swap3A_75 : vector<16xi32> to vector<16xi32>
      %swap3A_77 = vector.shape_cast %get3A_73 : vector<16xi32> to vector<16xi32>
      tpu.vector_store %arg15[%swap3A_74], %swap3A_77 {strides = array<i32>} : memref<128xi32, #tpu.memory_space<vmem>>, vector<16xi32>,
      %get3A_78 = arith.index_cast %mul3A_61 : i32 to index
      %get3A_79 = arith.constant 32 : index
      %get3A_80 = tpu.vector_load %arg10[%get3A_78, %get3A_79] {strides = array<i32>} : memref<40x128xi32, #tpu.memory_space<vmem>>, vector<1x16xi32>,
      %get3A_81 = vector.shape_cast %get3A_80 : vector<1x16xi32> to vector<16xi32>
      %swap3A_82 = arith.constant 32 : index
      %swap3A_83 = tpu.vector_load %arg15[%swap3A_82] {strides = array<i32>} : memref<128xi32, #tpu.memory_space<vmem>>, vector<16xi32>,
      %swap3A_84 = vector.shape_cast %swap3A_83 : vector<16xi32> to vector<16xi32>
      %swap3A_85 = vector.shape_cast %get3A_81 : vector<16xi32> to vector<16xi32>
      tpu.vector_store %arg15[%swap3A_82], %swap3A_85 {strides = array<i32>} : memref<128xi32, #tpu.memory_space<vmem>>, vector<16xi32>,
      %get3A_86 = arith.index_cast %mul3A_61 : i32 to index
      %get3A_87 = arith.constant 48 : index
      %get3A_88 = tpu.vector_load %arg10[%get3A_86, %get3A_87] {strides = array<i32>} : memref<40x128xi32, #tpu.memory_space<vmem>>, vector<1x16xi32>,
      %get3A_89 = vector.shape_cast %get3A_88 : vector<1x16xi32> to vector<16xi32>
      %swap3A_90 = arith.constant 48 : index
      %swap3A_91 = tpu.vector_load %arg15[%swap3A_90] {strides = array<i32>} : memref<128xi32, #tpu.memory_space<vmem>>, vector<16xi32>,
      %swap3A_92 = vector.shape_cast %swap3A_91 : vector<16xi32> to vector<16xi32>
      %swap3A_93 = vector.shape_cast %get3A_89 : vector<16xi32> to vector<16xi32>
      tpu.vector_store %arg15[%swap3A_90], %swap3A_93 {strides = array<i32>} : memref<128xi32, #tpu.memory_space<vmem>>, vector<16xi32>,
      %get3A_94 = arith.index_cast %mul3A_61 : i32 to index
      %get3A_95 = arith.constant 64 : index
      %get3A_96 = tpu.vector_load %arg10[%get3A_94, %get3A_95] {strides = array<i32>} : memref<40x128xi32, #tpu.memory_space<vmem>>, vector<1x16xi32>,
      %get3A_97 = vector.shape_cast %get3A_96 : vector<1x16xi32> to vector<16xi32>
      %swap3A_98 = arith.constant 64 : index
      %swap3A_99 = tpu.vector_load %arg15[%swap3A_98] {strides = array<i32>} : memref<128xi32, #tpu.memory_space<vmem>>, vector<16xi32>,
      %swap3A_100 = vector.shape_cast %swap3A_99 : vector<16xi32> to vector<16xi32>
      %swap3A_101 = vector.shape_cast %get3A_97 : vector<16xi32> to vector<16xi32>
      tpu.vector_store %arg15[%swap3A_98], %swap3A_101 {strides = array<i32>} : memref<128xi32, #tpu.memory_space<vmem>>, vector<16xi32>,
      %get3A_102 = arith.index_cast %mul3A_61 : i32 to index
      %get3A_103 = arith.constant 80 : index
      %get3A_104 = tpu.vector_load %arg10[%get3A_102, %get3A_103] {strides = array<i32>} : memref<40x128xi32, #tpu.memory_space<vmem>>, vector<1x16xi32>,
      %get3A_105 = vector.shape_cast %get3A_104 : vector<1x16xi32> to vector<16xi32>
      %swap3A_106 = arith.constant 80 : index
      %swap3A_107 = tpu.vector_load %arg15[%swap3A_106] {strides = array<i32>} : memref<128xi32, #tpu.memory_space<vmem>>, vector<16xi32>,
      %swap3A_108 = vector.shape_cast %swap3A_107 : vector<16xi32> to vector<16xi32>
      %swap3A_109 = vector.shape_cast %get3A_105 : vector<16xi32> to vector<16xi32>
      tpu.vector_store %arg15[%swap3A_106], %swap3A_109 {strides = array<i32>} : memref<128xi32, #tpu.memory_space<vmem>>, vector<16xi32>,
      %get3A_110 = arith.index_cast %mul3A_61 : i32 to index
      %get3A_111 = arith.constant 96 : index
      %get3A_112 = tpu.vector_load %arg10[%get3A_110, %get3A_111] {strides = array<i32>} : memref<40x128xi32, #tpu.memory_space<vmem>>, vector<1x16xi32>,
      %get3A_113 = vector.shape_cast %get3A_112 : vector<1x16xi32> to vector<16xi32>
      %swap3A_114 = arith.constant 96 : index
      %swap3A_115 = tpu.vector_load %arg15[%swap3A_114] {strides = array<i32>} : memref<128xi32, #tpu.memory_space<vmem>>, vector<16xi32>,
      %swap3A_116 = vector.shape_cast %swap3A_115 : vector<16xi32> to vector<16xi32>
      %swap3A_117 = vector.shape_cast %get3A_113 : vector<16xi32> to vector<16xi32>
      tpu.vector_store %arg15[%swap3A_114], %swap3A_117 {strides = array<i32>} : memref<128xi32, #tpu.memory_space<vmem>>, vector<16xi32>,
      %get3A_118 = arith.index_cast %mul3A_61 : i32 to index
      %get3A_119 = arith.constant 112 : index
      %get3A_120 = tpu.vector_load %arg10[%get3A_118, %get3A_119] {strides = array<i32>} : memref<40x128xi32, #tpu.memory_space<vmem>>, vector<1x16xi32>,
      %get3A_121 = vector.shape_cast %get3A_120 : vector<1x16xi32> to vector<16xi32>
      %swap3A_122 = arith.constant 112 : index
      %swap3A_123 = tpu.vector_load %arg15[%swap3A_122] {strides = array<i32>} : memref<128xi32, #tpu.memory_space<vmem>>, vector<16xi32>,
      %swap3A_124 = vector.shape_cast %swap3A_123 : vector<16xi32> to vector<16xi32>
      %swap3A_125 = vector.shape_cast %get3A_121 : vector<16xi32> to vector<16xi32>
      tpu.vector_store %arg15[%swap3A_122], %swap3A_125 {strides = array<i32>} : memref<128xi32, #tpu.memory_space<vmem>>, vector<16xi32>,
      %dma_start3A = arith.constant 0 : i32
      %dma_start3A_126 = arith.constant 0 : i32
      %dma_start3A_127 = tpu.memref_slice %arg17[%dma_start3A, %dma_start3A_126] : memref<10240x128xf32, #tpu.memory_space<vmem_shared>> -> memref<10240x128xf32, #tpu.memory_space<vmem_shared>>
      tpu.enqueue_indirect_dma source(%arg11 : memref<128x128xf32, #tpu.memory_space<vmem>>) target(%dma_start3A_127 : memref<10240x128xf32, #tpu.memory_space<vmem_shared>>) offsets(%arg15 : memref<128xi32, #tpu.memory_space<vmem>>) semaphore(%arg18 : memref<!tpu.dma_semaphore, #tpu.memory_space<semaphore_mem>>) {add = true}
      %add3A_128 = arith.constant 1 : i32
      %add3A_129 = arith.addi %mul3A_61, %add3A_128 : i32
      %get3A_130 = arith.index_cast %add3A_129 : i32 to index
      %get3A_131 = arith.constant 0 : index
      %get3A_132 = tpu.vector_load %arg10[%get3A_130, %get3A_131] {strides = array<i32>} : memref<40x128xi32, #tpu.memory_space<vmem>>, vector<1x16xi32>,
      %get3A_133 = vector.shape_cast %get3A_132 : vector<1x16xi32> to vector<16xi32>
      %swap3A_134 = arith.constant 0 : index
      %swap3A_135 = tpu.vector_load %arg16[%swap3A_134] {strides = array<i32>} : memref<128xi32, #tpu.memory_space<vmem>>, vector<16xi32>,
      %swap3A_136 = vector.shape_cast %swap3A_135 : vector<16xi32> to vector<16xi32>
      %swap3A_137 = vector.shape_cast %get3A_133 : vector<16xi32> to vector<16xi32>
      tpu.vector_store %arg16[%swap3A_134], %swap3A_137 {strides = array<i32>} : memref<128xi32, #tpu.memory_space<vmem>>, vector<16xi32>,
      %get3A_138 = arith.index_cast %add3A_129 : i32 to index
      %get3A_139 = arith.constant 16 : index
      %get3A_140 = tpu.vector_load %arg10[%get3A_138, %get3A_139] {strides = array<i32>} : memref<40x128xi32, #tpu.memory_space<vmem>>, vector<1x16xi32>,
      %get3A_141 = vector.shape_cast %get3A_140 : vector<1x16xi32> to vector<16xi32>
      %swap3A_142 = arith.constant 16 : index
      %swap3A_143 = tpu.vector_load %arg16[%swap3A_142] {strides = array<i32>} : memref<128xi32, #tpu.memory_space<vmem>>, vector<16xi32>,
      %swap3A_144 = vector.shape_cast %swap3A_143 : vector<16xi32> to vector<16xi32>
      %swap3A_145 = vector.shape_cast %get3A_141 : vector<16xi32> to vector<16xi32>
      tpu.vector_store %arg16[%swap3A_142], %swap3A_145 {strides = array<i32>} : memref<128xi32, #tpu.memory_space<vmem>>, vector<16xi32>,
      %get3A_146 = arith.index_cast %add3A_129 : i32 to index
      %get3A_147 = arith.constant 32 : index
      %get3A_148 = tpu.vector_load %arg10[%get3A_146, %get3A_147] {strides = array<i32>} : memref<40x128xi32, #tpu.memory_space<vmem>>, vector<1x16xi32>,
      %get3A_149 = vector.shape_cast %get3A_148 : vector<1x16xi32> to vector<16xi32>
      %swap3A_150 = arith.constant 32 : index
      %swap3A_151 = tpu.vector_load %arg16[%swap3A_150] {strides = array<i32>} : memref<128xi32, #tpu.memory_space<vmem>>, vector<16xi32>,
      %swap3A_152 = vector.shape_cast %swap3A_151 : vector<16xi32> to vector<16xi32>
      %swap3A_153 = vector.shape_cast %get3A_149 : vector<16xi32> to vector<16xi32>
      tpu.vector_store %arg16[%swap3A_150], %swap3A_153 {strides = array<i32>} : memref<128xi32, #tpu.memory_space<vmem>>, vector<16xi32>,
      %get3A_154 = arith.index_cast %add3A_129 : i32 to index
      %get3A_155 = arith.constant 48 : index
      %get3A_156 = tpu.vector_load %arg10[%get3A_154, %get3A_155] {strides = array<i32>} : memref<40x128xi32, #tpu.memory_space<vmem>>, vector<1x16xi32>,
      %get3A_157 = vector.shape_cast %get3A_156 : vector<1x16xi32> to vector<16xi32>
      %swap3A_158 = arith.constant 48 : index
      %swap3A_159 = tpu.vector_load %arg16[%swap3A_158] {strides = array<i32>} : memref<128xi32, #tpu.memory_space<vmem>>, vector<16xi32>,
      %swap3A_160 = vector.shape_cast %swap3A_159 : vector<16xi32> to vector<16xi32>
      %swap3A_161 = vector.shape_cast %get3A_157 : vector<16xi32> to vector<16xi32>
      tpu.vector_store %arg16[%swap3A_158], %swap3A_161 {strides = array<i32>} : memref<128xi32, #tpu.memory_space<vmem>>, vector<16xi32>,
      %get3A_162 = arith.index_cast %add3A_129 : i32 to index
      %get3A_163 = arith.constant 64 : index
      %get3A_164 = tpu.vector_load %arg10[%get3A_162, %get3A_163] {strides = array<i32>} : memref<40x128xi32, #tpu.memory_space<vmem>>, vector<1x16xi32>,
      %get3A_165 = vector.shape_cast %get3A_164 : vector<1x16xi32> to vector<16xi32>
      %swap3A_166 = arith.constant 64 : index
      %swap3A_167 = tpu.vector_load %arg16[%swap3A_166] {strides = array<i32>} : memref<128xi32, #tpu.memory_space<vmem>>, vector<16xi32>,
      %swap3A_168 = vector.shape_cast %swap3A_167 : vector<16xi32> to vector<16xi32>
      %swap3A_169 = vector.shape_cast %get3A_165 : vector<16xi32> to vector<16xi32>
      tpu.vector_store %arg16[%swap3A_166], %swap3A_169 {strides = array<i32>} : memref<128xi32, #tpu.memory_space<vmem>>, vector<16xi32>,
      %get3A_170 = arith.index_cast %add3A_129 : i32 to index
      %get3A_171 = arith.constant 80 : index
      %get3A_172 = tpu.vector_load %arg10[%get3A_170, %get3A_171] {strides = array<i32>} : memref<40x128xi32, #tpu.memory_space<vmem>>, vector<1x16xi32>,
      %get3A_173 = vector.shape_cast %get3A_172 : vector<1x16xi32> to vector<16xi32>
      %swap3A_174 = arith.constant 80 : index
      %swap3A_175 = tpu.vector_load %arg16[%swap3A_174] {strides = array<i32>} : memref<128xi32, #tpu.memory_space<vmem>>, vector<16xi32>,
      %swap3A_176 = vector.shape_cast %swap3A_175 : vector<16xi32> to vector<16xi32>
      %swap3A_177 = vector.shape_cast %get3A_173 : vector<16xi32> to vector<16xi32>
      tpu.vector_store %arg16[%swap3A_174], %swap3A_177 {strides = array<i32>} : memref<128xi32, #tpu.memory_space<vmem>>, vector<16xi32>,
      %get3A_178 = arith.index_cast %add3A_129 : i32 to index
      %get3A_179 = arith.constant 96 : index
      %get3A_180 = tpu.vector_load %arg10[%get3A_178, %get3A_179] {strides = array<i32>} : memref<40x128xi32, #tpu.memory_space<vmem>>, vector<1x16xi32>,
      %get3A_181 = vector.shape_cast %get3A_180 : vector<1x16xi32> to vector<16xi32>
      %swap3A_182 = arith.constant 96 : index
      %swap3A_183 = tpu.vector_load %arg16[%swap3A_182] {strides = array<i32>} : memref<128xi32, #tpu.memory_space<vmem>>, vector<16xi32>,
      %swap3A_184 = vector.shape_cast %swap3A_183 : vector<16xi32> to vector<16xi32>
      %swap3A_185 = vector.shape_cast %get3A_181 : vector<16xi32> to vector<16xi32>
      tpu.vector_store %arg16[%swap3A_182], %swap3A_185 {strides = array<i32>} : memref<128xi32, #tpu.memory_space<vmem>>, vector<16xi32>,
      %get3A_186 = arith.index_cast %add3A_129 : i32 to index
      %get3A_187 = arith.constant 112 : index
      %get3A_188 = tpu.vector_load %arg10[%get3A_186, %get3A_187] {strides = array<i32>} : memref<40x128xi32, #tpu.memory_space<vmem>>, vector<1x16xi32>,
      %get3A_189 = vector.shape_cast %get3A_188 : vector<1x16xi32> to vector<16xi32>
      %swap3A_190 = arith.constant 112 : index
      %swap3A_191 = tpu.vector_load %arg16[%swap3A_190] {strides = array<i32>} : memref<128xi32, #tpu.memory_space<vmem>>, vector<16xi32>,
      %swap3A_192 = vector.shape_cast %swap3A_191 : vector<16xi32> to vector<16xi32>
      %swap3A_193 = vector.shape_cast %get3A_189 : vector<16xi32> to vector<16xi32>
      tpu.vector_store %arg16[%swap3A_190], %swap3A_193 {strides = array<i32>} : memref<128xi32, #tpu.memory_space<vmem>>, vector<16xi32>,
      %dma_start3A_194 = arith.constant 0 : i32
      %dma_start3A_195 = arith.constant 0 : i32
      %dma_start3A_196 = tpu.memref_slice %arg17[%dma_start3A_194, %dma_start3A_195] : memref<10240x128xf32, #tpu.memory_space<vmem_shared>> -> memref<10240x128xf32, #tpu.memory_space<vmem_shared>>
      tpu.enqueue_indirect_dma source(%arg11 : memref<128x128xf32, #tpu.memory_space<vmem>>) target(%dma_start3A_196 : memref<10240x128xf32, #tpu.memory_space<vmem_shared>>) offsets(%arg16 : memref<128xi32, #tpu.memory_space<vmem>>) semaphore(%arg19 : memref<!tpu.dma_semaphore, #tpu.memory_space<semaphore_mem>>) {add = true}
    }
    %scan3A_51 = arith.constant 20 : i32
    %dma_wait3A_52 = arith.constant 0 : i32
    %dma_wait3A_53 = arith.constant 0 : i32
    %dma_wait3A_54 = tpu.memref_slice %arg17[%dma_wait3A_52, %dma_wait3A_53] : memref<10240x128xf32, #tpu.memory_space<vmem_shared>> -> memref<10240x128xf32, #tpu.memory_space<vmem_shared>>
    tpu.wait_indirect_dma semaphore(%arg18 : memref<!tpu.dma_semaphore, #tpu.memory_space<semaphore_mem>>) src(%arg11 : memref<128x128xf32, #tpu.memory_space<vmem>>) dst(%dma_wait3A_54 : memref<10240x128xf32, #tpu.memory_space<vmem_shared>>)
    %dma_wait3A_55 = arith.constant 0 : i32
    %dma_wait3A_56 = arith.constant 0 : i32
    %dma_wait3A_57 = tpu.memref_slice %arg17[%dma_wait3A_55, %dma_wait3A_56] : memref<10240x128xf32, #tpu.memory_space<vmem_shared>> -> memref<10240x128xf32, #tpu.memory_space<vmem_shared>>
    tpu.wait_indirect_dma semaphore(%arg19 : memref<!tpu.dma_semaphore, #tpu.memory_space<semaphore_mem>>) src(%arg11 : memref<128x128xf32, #tpu.memory_space<vmem>>) dst(%dma_wait3A_57 : memref<10240x128xf32, #tpu.memory_space<vmem_shared>>)
    %barrier3A_58 = arith.constant 0 : index
    tpu.barrier barrier_id(%barrier3A_58)
    "tpu.region"() ({
      %run_scoped3A = tpu.sem_alloc : memref<!tpu.dma_semaphore, #tpu.memory_space<semaphore_mem>>
      %dma_start3A = arith.constant 0 : i32
      %dma_start3A_59 = arith.constant 0 : i32
      %dma_start3A_60 = tpu.memref_slice %arg8[%arg0, %dma_start3A, %dma_start3A_59] : memref<2x10240x128xf32, #tpu.memory_space<hbm>> -> memref<1x10240x128xf32, #tpu.memory_space<hbm>>
      %dma_start3A_61 = tpu.memref_squeeze %dma_start3A_60 : memref<1x10240x128xf32, #tpu.memory_space<hbm>> -> memref<10240x128xf32, #tpu.memory_space<hbm>>
      %dma_start3A_62 = arith.constant 0 : i32
      %dma_start3A_63 = tpu.memref_slice %dma_start3A_61[%mul3A_0, %dma_start3A_62] : memref<10240x128xf32, #tpu.memory_space<hbm>> -> memref<640x128xf32, #tpu.memory_space<hbm>>
      %dma_start3A_64 = arith.constant 0 : i32
      %dma_start3A_65 = tpu.memref_slice %arg17[%mul3A_0, %dma_start3A_64] : memref<10240x128xf32, #tpu.memory_space<vmem_shared>> -> memref<640x128xf32, #tpu.memory_space<vmem_shared>>
      tpu.enqueue_dma source(%dma_start3A_65 : memref<640x128xf32, #tpu.memory_space<vmem_shared>>) target(%dma_start3A_63 : memref<640x128xf32, #tpu.memory_space<hbm>>) target_semaphore(%run_scoped3A : memref<!tpu.dma_semaphore, #tpu.memory_space<semaphore_mem>>)
      %dma_wait3A_66 = arith.constant 0 : i32
      %dma_wait3A_67 = arith.constant 0 : i32
      %dma_wait3A_68 = tpu.memref_slice %arg8[%arg0, %dma_wait3A_66, %dma_wait3A_67] : memref<2x10240x128xf32, #tpu.memory_space<hbm>> -> memref<1x10240x128xf32, #tpu.memory_space<hbm>>
      %dma_wait3A_69 = tpu.memref_squeeze %dma_wait3A_68 : memref<1x10240x128xf32, #tpu.memory_space<hbm>> -> memref<10240x128xf32, #tpu.memory_space<hbm>>
      %dma_wait3A_70 = arith.constant 0 : i32
      %dma_wait3A_71 = tpu.memref_slice %dma_wait3A_69[%mul3A_0, %dma_wait3A_70] : memref<10240x128xf32, #tpu.memory_space<hbm>> -> memref<640x128xf32, #tpu.memory_space<hbm>>
      %dma_wait3A_72 = arith.constant 0 : i32
      %dma_wait3A_73 = tpu.memref_slice %arg17[%mul3A_0, %dma_wait3A_72] : memref<10240x128xf32, #tpu.memory_space<vmem_shared>> -> memref<640x128xf32, #tpu.memory_space<vmem_shared>>
      tpu.wait_dma2 semaphore(%run_scoped3A : memref<!tpu.dma_semaphore, #tpu.memory_space<semaphore_mem>>) src(%dma_wait3A_73 : memref<640x128xf32, #tpu.memory_space<vmem_shared>>) dst(%dma_wait3A_71 : memref<640x128xf32, #tpu.memory_space<hbm>>)
      tpu.yield
    }) : () -> ()
    return
  }
}

#map = affine_map<(d0, d1) -> (0, 0, 0)>
#map1 = affine_map<(d0, d1) -> (0, 0)>
module attributes {stable_mosaic.version = 14 : i64} {
  func.func @body(%arg0: i32, %arg1: i32, %arg2: memref<2x10000x128xf32, #tpu.memory_space<hbm>>, %arg3: memref<1280x128xi32, #tpu.memory_space<hbm>>, %arg4: memref<1280x128xi32, #tpu.memory_space<hbm>>, %arg5: memref<10240x128xf32, #tpu.memory_space<hbm>>, %arg6: memref<2x10240x128xf32, #tpu.memory_space<hbm>>, %arg7: memref<40x128xi32, #tpu.memory_space<vmem>>, %arg8: memref<40x128xi32, #tpu.memory_space<vmem>>, %arg9: memref<128x128xf32, #tpu.memory_space<vmem>>, %arg10: memref<128x128xf32, #tpu.memory_space<vmem>>, %arg11: memref<128xi32, #tpu.memory_space<vmem>>, %arg12: memref<128xi32, #tpu.memory_space<vmem>>, %arg13: memref<128xi32, #tpu.memory_space<vmem>>, %arg14: memref<128xi32, #tpu.memory_space<vmem>>, %arg15: memref<10240x128xf32, #tpu.memory_space<vmem_shared>>, %arg16: memref<!tpu.dma_semaphore, #tpu.memory_space<semaphore_mem>>, %arg17: memref<!tpu.dma_semaphore, #tpu.memory_space<semaphore_mem>>, %arg18: memref<!tpu.dma_semaphore, #tpu.memory_space<semaphore_mem>>, %arg19: memref<!tpu.dma_semaphore, #tpu.memory_space<semaphore_mem>>) attributes {dimension_semantics = [#tpu.dimension_semantics<core_parallel>, #tpu.dimension_semantics<subcore_parallel>], iteration_bounds = array<i64: 2, 16>, scalar_prefetch = 0 : i64, scratch_operands = 13 : i64, tpu.core_type = #tpu.core_type<sc_vector_subcore>, window_params = [{transform_indices = #map}, {transform_indices = #map1}, {transform_indices = #map1}, {transform_indices = #map1}, {transform_indices = #map}]} {
    %mul3A = arith.constant 640 : i32
    %mul3A_0 = arith.muli %arg1, %mul3A : i32
    "tpu.region"() ({
      %run_scoped3A = tpu.sem_alloc : memref<!tpu.dma_semaphore, #tpu.memory_space<semaphore_mem>>
      %dma_start3A = arith.constant 0 : i32
      %dma_start3A_39 = tpu.memref_slice %arg15[%mul3A_0, %dma_start3A] : memref<10240x128xf32, #tpu.memory_space<vmem_shared>> -> memref<640x128xf32, #tpu.memory_space<vmem_shared>>
      %dma_start3A_40 = arith.constant 0 : i32
      %dma_start3A_41 = tpu.memref_slice %arg5[%mul3A_0, %dma_start3A_40] : memref<10240x128xf32, #tpu.memory_space<hbm>> -> memref<640x128xf32, #tpu.memory_space<hbm>>
      tpu.enqueue_dma source(%dma_start3A_41 : memref<640x128xf32, #tpu.memory_space<hbm>>) target(%dma_start3A_39 : memref<640x128xf32, #tpu.memory_space<vmem_shared>>) target_semaphore(%run_scoped3A : memref<!tpu.dma_semaphore, #tpu.memory_space<semaphore_mem>>)
      %dma_wait3A_42 = arith.constant 0 : i32
      %dma_wait3A_43 = tpu.memref_slice %arg15[%mul3A_0, %dma_wait3A_42] : memref<10240x128xf32, #tpu.memory_space<vmem_shared>> -> memref<640x128xf32, #tpu.memory_space<vmem_shared>>
      %dma_wait3A_44 = arith.constant 0 : i32
      %dma_wait3A_45 = tpu.memref_slice %arg5[%mul3A_0, %dma_wait3A_44] : memref<10240x128xf32, #tpu.memory_space<hbm>> -> memref<640x128xf32, #tpu.memory_space<hbm>>
      tpu.wait_dma2 semaphore(%run_scoped3A : memref<!tpu.dma_semaphore, #tpu.memory_space<semaphore_mem>>) src(%dma_wait3A_45 : memref<640x128xf32, #tpu.memory_space<hbm>>) dst(%dma_wait3A_43 : memref<640x128xf32, #tpu.memory_space<vmem_shared>>)
      tpu.yield
    }) : () -> ()
    %barrier3A = arith.constant 0 : index
    tpu.barrier barrier_id(%barrier3A)
    %mul3A_1 = arith.constant 80 : i32
    %mul3A_2 = arith.muli %arg1, %mul3A_1 : i32
    %add3A = arith.constant 0 : i32
    %add3A_3 = arith.addi %mul3A_2, %add3A : i32
    "tpu.region"() ({
      %run_scoped3A = tpu.sem_alloc : memref<!tpu.dma_semaphore, #tpu.memory_space<semaphore_mem>>
      %dma_start3A = arith.constant 0 : i32
      %dma_start3A_39 = tpu.memref_slice %arg3[%add3A_3, %dma_start3A] : memref<1280x128xi32, #tpu.memory_space<hbm>> -> memref<40x128xi32, #tpu.memory_space<hbm>>
      %dma_start3A_40 = arith.constant 0 : i32
      %dma_start3A_41 = tpu.memref_slice %arg3[%add3A_3, %dma_start3A_40] : memref<1280x128xi32, #tpu.memory_space<hbm>> -> memref<40x128xi32, #tpu.memory_space<hbm>>
      tpu.enqueue_dma source(%dma_start3A_41 : memref<40x128xi32, #tpu.memory_space<hbm>>) target(%arg7 : memref<40x128xi32, #tpu.memory_space<vmem>>) target_semaphore(%run_scoped3A : memref<!tpu.dma_semaphore, #tpu.memory_space<semaphore_mem>>)
      %dma_wait3A_42 = arith.constant 0 : i32
      %dma_wait3A_43 = tpu.memref_slice %arg3[%add3A_3, %dma_wait3A_42] : memref<1280x128xi32, #tpu.memory_space<hbm>> -> memref<40x128xi32, #tpu.memory_space<hbm>>
      %dma_wait3A_44 = arith.constant 0 : i32
      %dma_wait3A_45 = tpu.memref_slice %arg3[%add3A_3, %dma_wait3A_44] : memref<1280x128xi32, #tpu.memory_space<hbm>> -> memref<40x128xi32, #tpu.memory_space<hbm>>
      tpu.wait_dma2 semaphore(%run_scoped3A : memref<!tpu.dma_semaphore, #tpu.memory_space<semaphore_mem>>) src(%dma_wait3A_45 : memref<40x128xi32, #tpu.memory_space<hbm>>) dst(%arg7 : memref<40x128xi32, #tpu.memory_space<vmem>>)
      tpu.yield
    }) : () -> ()
    %mul3A_4 = arith.constant 80 : i32
    %mul3A_5 = arith.muli %arg1, %mul3A_4 : i32
    %add3A_6 = arith.constant 0 : i32
    %add3A_7 = arith.addi %mul3A_5, %add3A_6 : i32
    "tpu.region"() ({
      %run_scoped3A = tpu.sem_alloc : memref<!tpu.dma_semaphore, #tpu.memory_space<semaphore_mem>>
      %dma_start3A = arith.constant 0 : i32
      %dma_start3A_39 = tpu.memref_slice %arg4[%add3A_7, %dma_start3A] : memref<1280x128xi32, #tpu.memory_space<hbm>> -> memref<40x128xi32, #tpu.memory_space<hbm>>
      %dma_start3A_40 = arith.constant 0 : i32
      %dma_start3A_41 = tpu.memref_slice %arg4[%add3A_7, %dma_start3A_40] : memref<1280x128xi32, #tpu.memory_space<hbm>> -> memref<40x128xi32, #tpu.memory_space<hbm>>
      tpu.enqueue_dma source(%dma_start3A_41 : memref<40x128xi32, #tpu.memory_space<hbm>>) target(%arg8 : memref<40x128xi32, #tpu.memory_space<vmem>>) target_semaphore(%run_scoped3A : memref<!tpu.dma_semaphore, #tpu.memory_space<semaphore_mem>>)
      %dma_wait3A_42 = arith.constant 0 : i32
      %dma_wait3A_43 = tpu.memref_slice %arg4[%add3A_7, %dma_wait3A_42] : memref<1280x128xi32, #tpu.memory_space<hbm>> -> memref<40x128xi32, #tpu.memory_space<hbm>>
      %dma_wait3A_44 = arith.constant 0 : i32
      %dma_wait3A_45 = tpu.memref_slice %arg4[%add3A_7, %dma_wait3A_44] : memref<1280x128xi32, #tpu.memory_space<hbm>> -> memref<40x128xi32, #tpu.memory_space<hbm>>
      tpu.wait_dma2 semaphore(%run_scoped3A : memref<!tpu.dma_semaphore, #tpu.memory_space<semaphore_mem>>) src(%dma_wait3A_45 : memref<40x128xi32, #tpu.memory_space<hbm>>) dst(%arg8 : memref<40x128xi32, #tpu.memory_space<vmem>>)
      tpu.yield
    }) : () -> ()
    %scan3A = arith.constant 0 : i32
    %scan3A_8 = arith.constant 0 : i32
    %scan3A_9 = arith.constant 20 : i32
    %scan3A_10 = arith.addi %scan3A_8, %scan3A_9 : i32
    %scan3A_11 = arith.constant 1 : i32
    scf.for %scan3A_39 = %scan3A_8 to %scan3A_10 step %scan3A_11  : i32 {
      %mul3A_40 = arith.constant 2 : i32
      %mul3A_41 = arith.muli %mul3A_40, %scan3A_39 : i32
      %gt3A = arith.constant 0 : i32
      %gt3A_42 = arith.cmpi sgt, %scan3A_39, %gt3A : i32
      %convert_element_type3A = arith.extui %gt3A_42 : i1 to i32
      %cond3A = arith.constant 0 : i32
      %cond3A_43 = arith.cmpi ne, %convert_element_type3A, %cond3A : i32
      scf.if %cond3A_43 {
        %dma_wait3A_340 = arith.constant 0 : i32
        %dma_wait3A_341 = arith.constant 0 : i32
        %dma_wait3A_342 = tpu.memref_slice %arg15[%dma_wait3A_340, %dma_wait3A_341] : memref<10240x128xf32, #tpu.memory_space<vmem_shared>> -> memref<10240x128xf32, #tpu.memory_space<vmem_shared>>
        tpu.wait_indirect_dma semaphore(%arg18 : memref<!tpu.dma_semaphore, #tpu.memory_space<semaphore_mem>>) src(%arg9 : memref<128x128xf32, #tpu.memory_space<vmem>>) dst(%dma_wait3A_342 : memref<10240x128xf32, #tpu.memory_space<vmem_shared>>)
      } else {
      }
      %get3A = arith.index_cast %mul3A_41 : i32 to index
      %get3A_44 = arith.constant 0 : index
      %get3A_45 = tpu.vector_load %arg7[%get3A, %get3A_44] {strides = array<i32>} : memref<40x128xi32, #tpu.memory_space<vmem>>, vector<1x16xi32>,
      %get3A_46 = vector.shape_cast %get3A_45 : vector<1x16xi32> to vector<16xi32>
      %swap3A = arith.constant 0 : index
      %swap3A_47 = tpu.vector_load %arg11[%swap3A] {strides = array<i32>} : memref<128xi32, #tpu.memory_space<vmem>>, vector<16xi32>,
      %swap3A_48 = vector.shape_cast %swap3A_47 : vector<16xi32> to vector<16xi32>
      %swap3A_49 = vector.shape_cast %get3A_46 : vector<16xi32> to vector<16xi32>
      tpu.vector_store %arg11[%swap3A], %swap3A_49 {strides = array<i32>} : memref<128xi32, #tpu.memory_space<vmem>>, vector<16xi32>,
      %get3A_50 = arith.index_cast %mul3A_41 : i32 to index
      %get3A_51 = arith.constant 16 : index
      %get3A_52 = tpu.vector_load %arg7[%get3A_50, %get3A_51] {strides = array<i32>} : memref<40x128xi32, #tpu.memory_space<vmem>>, vector<1x16xi32>,
      %get3A_53 = vector.shape_cast %get3A_52 : vector<1x16xi32> to vector<16xi32>
      %swap3A_54 = arith.constant 16 : index
      %swap3A_55 = tpu.vector_load %arg11[%swap3A_54] {strides = array<i32>} : memref<128xi32, #tpu.memory_space<vmem>>, vector<16xi32>,
      %swap3A_56 = vector.shape_cast %swap3A_55 : vector<16xi32> to vector<16xi32>
      %swap3A_57 = vector.shape_cast %get3A_53 : vector<16xi32> to vector<16xi32>
      tpu.vector_store %arg11[%swap3A_54], %swap3A_57 {strides = array<i32>} : memref<128xi32, #tpu.memory_space<vmem>>, vector<16xi32>,
      %get3A_58 = arith.index_cast %mul3A_41 : i32 to index
      %get3A_59 = arith.constant 32 : index
      %get3A_60 = tpu.vector_load %arg7[%get3A_58, %get3A_59] {strides = array<i32>} : memref<40x128xi32, #tpu.memory_space<vmem>>, vector<1x16xi32>,
      %get3A_61 = vector.shape_cast %get3A_60 : vector<1x16xi32> to vector<16xi32>
      %swap3A_62 = arith.constant 32 : index
      %swap3A_63 = tpu.vector_load %arg11[%swap3A_62] {strides = array<i32>} : memref<128xi32, #tpu.memory_space<vmem>>, vector<16xi32>,
      %swap3A_64 = vector.shape_cast %swap3A_63 : vector<16xi32> to vector<16xi32>
      %swap3A_65 = vector.shape_cast %get3A_61 : vector<16xi32> to vector<16xi32>
      tpu.vector_store %arg11[%swap3A_62], %swap3A_65 {strides = array<i32>} : memref<128xi32, #tpu.memory_space<vmem>>, vector<16xi32>,
      %get3A_66 = arith.index_cast %mul3A_41 : i32 to index
      %get3A_67 = arith.constant 48 : index
      %get3A_68 = tpu.vector_load %arg7[%get3A_66, %get3A_67] {strides = array<i32>} : memref<40x128xi32, #tpu.memory_space<vmem>>, vector<1x16xi32>,
      %get3A_69 = vector.shape_cast %get3A_68 : vector<1x16xi32> to vector<16xi32>
      %swap3A_70 = arith.constant 48 : index
      %swap3A_71 = tpu.vector_load %arg11[%swap3A_70] {strides = array<i32>} : memref<128xi32, #tpu.memory_space<vmem>>, vector<16xi32>,
      %swap3A_72 = vector.shape_cast %swap3A_71 : vector<16xi32> to vector<16xi32>
      %swap3A_73 = vector.shape_cast %get3A_69 : vector<16xi32> to vector<16xi32>
      tpu.vector_store %arg11[%swap3A_70], %swap3A_73 {strides = array<i32>} : memref<128xi32, #tpu.memory_space<vmem>>, vector<16xi32>,
      %get3A_74 = arith.index_cast %mul3A_41 : i32 to index
      %get3A_75 = arith.constant 64 : index
      %get3A_76 = tpu.vector_load %arg7[%get3A_74, %get3A_75] {strides = array<i32>} : memref<40x128xi32, #tpu.memory_space<vmem>>, vector<1x16xi32>,
      %get3A_77 = vector.shape_cast %get3A_76 : vector<1x16xi32> to vector<16xi32>
      %swap3A_78 = arith.constant 64 : index
      %swap3A_79 = tpu.vector_load %arg11[%swap3A_78] {strides = array<i32>} : memref<128xi32, #tpu.memory_space<vmem>>, vector<16xi32>,
      %swap3A_80 = vector.shape_cast %swap3A_79 : vector<16xi32> to vector<16xi32>
      %swap3A_81 = vector.shape_cast %get3A_77 : vector<16xi32> to vector<16xi32>
      tpu.vector_store %arg11[%swap3A_78], %swap3A_81 {strides = array<i32>} : memref<128xi32, #tpu.memory_space<vmem>>, vector<16xi32>,
      %get3A_82 = arith.index_cast %mul3A_41 : i32 to index
      %get3A_83 = arith.constant 80 : index
      %get3A_84 = tpu.vector_load %arg7[%get3A_82, %get3A_83] {strides = array<i32>} : memref<40x128xi32, #tpu.memory_space<vmem>>, vector<1x16xi32>,
      %get3A_85 = vector.shape_cast %get3A_84 : vector<1x16xi32> to vector<16xi32>
      %swap3A_86 = arith.constant 80 : index
      %swap3A_87 = tpu.vector_load %arg11[%swap3A_86] {strides = array<i32>} : memref<128xi32, #tpu.memory_space<vmem>>, vector<16xi32>,
      %swap3A_88 = vector.shape_cast %swap3A_87 : vector<16xi32> to vector<16xi32>
      %swap3A_89 = vector.shape_cast %get3A_85 : vector<16xi32> to vector<16xi32>
      tpu.vector_store %arg11[%swap3A_86], %swap3A_89 {strides = array<i32>} : memref<128xi32, #tpu.memory_space<vmem>>, vector<16xi32>,
      %get3A_90 = arith.index_cast %mul3A_41 : i32 to index
      %get3A_91 = arith.constant 96 : index
      %get3A_92 = tpu.vector_load %arg7[%get3A_90, %get3A_91] {strides = array<i32>} : memref<40x128xi32, #tpu.memory_space<vmem>>, vector<1x16xi32>,
      %get3A_93 = vector.shape_cast %get3A_92 : vector<1x16xi32> to vector<16xi32>
      %swap3A_94 = arith.constant 96 : index
      %swap3A_95 = tpu.vector_load %arg11[%swap3A_94] {strides = array<i32>} : memref<128xi32, #tpu.memory_space<vmem>>, vector<16xi32>,
      %swap3A_96 = vector.shape_cast %swap3A_95 : vector<16xi32> to vector<16xi32>
      %swap3A_97 = vector.shape_cast %get3A_93 : vector<16xi32> to vector<16xi32>
      tpu.vector_store %arg11[%swap3A_94], %swap3A_97 {strides = array<i32>} : memref<128xi32, #tpu.memory_space<vmem>>, vector<16xi32>,
      %get3A_98 = arith.index_cast %mul3A_41 : i32 to index
      %get3A_99 = arith.constant 112 : index
      %get3A_100 = tpu.vector_load %arg7[%get3A_98, %get3A_99] {strides = array<i32>} : memref<40x128xi32, #tpu.memory_space<vmem>>, vector<1x16xi32>,
      %get3A_101 = vector.shape_cast %get3A_100 : vector<1x16xi32> to vector<16xi32>
      %swap3A_102 = arith.constant 112 : index
      %swap3A_103 = tpu.vector_load %arg11[%swap3A_102] {strides = array<i32>} : memref<128xi32, #tpu.memory_space<vmem>>, vector<16xi32>,
      %swap3A_104 = vector.shape_cast %swap3A_103 : vector<16xi32> to vector<16xi32>
      %swap3A_105 = vector.shape_cast %get3A_101 : vector<16xi32> to vector<16xi32>
      tpu.vector_store %arg11[%swap3A_102], %swap3A_105 {strides = array<i32>} : memref<128xi32, #tpu.memory_space<vmem>>, vector<16xi32>,
      %dma_start3A = arith.constant 0 : i32
      %dma_start3A_106 = arith.constant 0 : i32
      %dma_start3A_107 = tpu.memref_slice %arg2[%arg0, %dma_start3A, %dma_start3A_106] : memref<2x10000x128xf32, #tpu.memory_space<hbm>> -> memref<1x10000x128xf32, #tpu.memory_space<hbm>>
      %dma_start3A_108 = tpu.memref_squeeze %dma_start3A_107 : memref<1x10000x128xf32, #tpu.memory_space<hbm>> -> memref<10000x128xf32, #tpu.memory_space<hbm>>
      %dma_start3A_109 = arith.constant 0 : i32
      %dma_start3A_110 = arith.constant 0 : i32
      %dma_start3A_111 = tpu.memref_slice %dma_start3A_108[%dma_start3A_109, %dma_start3A_110] : memref<10000x128xf32, #tpu.memory_space<hbm>> -> memref<10000x128xf32, #tpu.memory_space<hbm>>
      tpu.enqueue_indirect_dma source(%dma_start3A_111 : memref<10000x128xf32, #tpu.memory_space<hbm>>) target(%arg9 : memref<128x128xf32, #tpu.memory_space<vmem>>) offsets(%arg11 : memref<128xi32, #tpu.memory_space<vmem>>) semaphore(%arg16 : memref<!tpu.dma_semaphore, #tpu.memory_space<semaphore_mem>>)
      %gt3A_112 = arith.constant 0 : i32
      %gt3A_113 = arith.cmpi sgt, %scan3A_39, %gt3A_112 : i32
      %convert_element_type3A_114 = arith.extui %gt3A_113 : i1 to i32
      %cond3A_115 = arith.constant 0 : i32
      %cond3A_116 = arith.cmpi ne, %convert_element_type3A_114, %cond3A_115 : i32
      scf.if %cond3A_116 {
        %dma_wait3A_340 = arith.constant 0 : i32
        %dma_wait3A_341 = arith.constant 0 : i32
        %dma_wait3A_342 = tpu.memref_slice %arg15[%dma_wait3A_340, %dma_wait3A_341] : memref<10240x128xf32, #tpu.memory_space<vmem_shared>> -> memref<10240x128xf32, #tpu.memory_space<vmem_shared>>
        tpu.wait_indirect_dma semaphore(%arg19 : memref<!tpu.dma_semaphore, #tpu.memory_space<semaphore_mem>>) src(%arg10 : memref<128x128xf32, #tpu.memory_space<vmem>>) dst(%dma_wait3A_342 : memref<10240x128xf32, #tpu.memory_space<vmem_shared>>)
      } else {
      }
      %add3A_117 = arith.constant 1 : i32
      %add3A_118 = arith.addi %mul3A_41, %add3A_117 : i32
      %get3A_119 = arith.index_cast %add3A_118 : i32 to index
      %get3A_120 = arith.constant 0 : index
      %get3A_121 = tpu.vector_load %arg7[%get3A_119, %get3A_120] {strides = array<i32>} : memref<40x128xi32, #tpu.memory_space<vmem>>, vector<1x16xi32>,
      %get3A_122 = vector.shape_cast %get3A_121 : vector<1x16xi32> to vector<16xi32>
      %swap3A_123 = arith.constant 0 : index
      %swap3A_124 = tpu.vector_load %arg12[%swap3A_123] {strides = array<i32>} : memref<128xi32, #tpu.memory_space<vmem>>, vector<16xi32>,
      %swap3A_125 = vector.shape_cast %swap3A_124 : vector<16xi32> to vector<16xi32>
      %swap3A_126 = vector.shape_cast %get3A_122 : vector<16xi32> to vector<16xi32>
      tpu.vector_store %arg12[%swap3A_123], %swap3A_126 {strides = array<i32>} : memref<128xi32, #tpu.memory_space<vmem>>, vector<16xi32>,
      %get3A_127 = arith.index_cast %add3A_118 : i32 to index
      %get3A_128 = arith.constant 16 : index
      %get3A_129 = tpu.vector_load %arg7[%get3A_127, %get3A_128] {strides = array<i32>} : memref<40x128xi32, #tpu.memory_space<vmem>>, vector<1x16xi32>,
      %get3A_130 = vector.shape_cast %get3A_129 : vector<1x16xi32> to vector<16xi32>
      %swap3A_131 = arith.constant 16 : index
      %swap3A_132 = tpu.vector_load %arg12[%swap3A_131] {strides = array<i32>} : memref<128xi32, #tpu.memory_space<vmem>>, vector<16xi32>,
      %swap3A_133 = vector.shape_cast %swap3A_132 : vector<16xi32> to vector<16xi32>
      %swap3A_134 = vector.shape_cast %get3A_130 : vector<16xi32> to vector<16xi32>
      tpu.vector_store %arg12[%swap3A_131], %swap3A_134 {strides = array<i32>} : memref<128xi32, #tpu.memory_space<vmem>>, vector<16xi32>,
      %get3A_135 = arith.index_cast %add3A_118 : i32 to index
      %get3A_136 = arith.constant 32 : index
      %get3A_137 = tpu.vector_load %arg7[%get3A_135, %get3A_136] {strides = array<i32>} : memref<40x128xi32, #tpu.memory_space<vmem>>, vector<1x16xi32>,
      %get3A_138 = vector.shape_cast %get3A_137 : vector<1x16xi32> to vector<16xi32>
      %swap3A_139 = arith.constant 32 : index
      %swap3A_140 = tpu.vector_load %arg12[%swap3A_139] {strides = array<i32>} : memref<128xi32, #tpu.memory_space<vmem>>, vector<16xi32>,
      %swap3A_141 = vector.shape_cast %swap3A_140 : vector<16xi32> to vector<16xi32>
      %swap3A_142 = vector.shape_cast %get3A_138 : vector<16xi32> to vector<16xi32>
      tpu.vector_store %arg12[%swap3A_139], %swap3A_142 {strides = array<i32>} : memref<128xi32, #tpu.memory_space<vmem>>, vector<16xi32>,
      %get3A_143 = arith.index_cast %add3A_118 : i32 to index
      %get3A_144 = arith.constant 48 : index
      %get3A_145 = tpu.vector_load %arg7[%get3A_143, %get3A_144] {strides = array<i32>} : memref<40x128xi32, #tpu.memory_space<vmem>>, vector<1x16xi32>,
      %get3A_146 = vector.shape_cast %get3A_145 : vector<1x16xi32> to vector<16xi32>
      %swap3A_147 = arith.constant 48 : index
      %swap3A_148 = tpu.vector_load %arg12[%swap3A_147] {strides = array<i32>} : memref<128xi32, #tpu.memory_space<vmem>>, vector<16xi32>,
      %swap3A_149 = vector.shape_cast %swap3A_148 : vector<16xi32> to vector<16xi32>
      %swap3A_150 = vector.shape_cast %get3A_146 : vector<16xi32> to vector<16xi32>
      tpu.vector_store %arg12[%swap3A_147], %swap3A_150 {strides = array<i32>} : memref<128xi32, #tpu.memory_space<vmem>>, vector<16xi32>,
      %get3A_151 = arith.index_cast %add3A_118 : i32 to index
      %get3A_152 = arith.constant 64 : index
      %get3A_153 = tpu.vector_load %arg7[%get3A_151, %get3A_152] {strides = array<i32>} : memref<40x128xi32, #tpu.memory_space<vmem>>, vector<1x16xi32>,
      %get3A_154 = vector.shape_cast %get3A_153 : vector<1x16xi32> to vector<16xi32>
      %swap3A_155 = arith.constant 64 : index
      %swap3A_156 = tpu.vector_load %arg12[%swap3A_155] {strides = array<i32>} : memref<128xi32, #tpu.memory_space<vmem>>, vector<16xi32>,
      %swap3A_157 = vector.shape_cast %swap3A_156 : vector<16xi32> to vector<16xi32>
      %swap3A_158 = vector.shape_cast %get3A_154 : vector<16xi32> to vector<16xi32>
      tpu.vector_store %arg12[%swap3A_155], %swap3A_158 {strides = array<i32>} : memref<128xi32, #tpu.memory_space<vmem>>, vector<16xi32>,
      %get3A_159 = arith.index_cast %add3A_118 : i32 to index
      %get3A_160 = arith.constant 80 : index
      %get3A_161 = tpu.vector_load %arg7[%get3A_159, %get3A_160] {strides = array<i32>} : memref<40x128xi32, #tpu.memory_space<vmem>>, vector<1x16xi32>,
      %get3A_162 = vector.shape_cast %get3A_161 : vector<1x16xi32> to vector<16xi32>
      %swap3A_163 = arith.constant 80 : index
      %swap3A_164 = tpu.vector_load %arg12[%swap3A_163] {strides = array<i32>} : memref<128xi32, #tpu.memory_space<vmem>>, vector<16xi32>,
      %swap3A_165 = vector.shape_cast %swap3A_164 : vector<16xi32> to vector<16xi32>
      %swap3A_166 = vector.shape_cast %get3A_162 : vector<16xi32> to vector<16xi32>
      tpu.vector_store %arg12[%swap3A_163], %swap3A_166 {strides = array<i32>} : memref<128xi32, #tpu.memory_space<vmem>>, vector<16xi32>,
      %get3A_167 = arith.index_cast %add3A_118 : i32 to index
      %get3A_168 = arith.constant 96 : index
      %get3A_169 = tpu.vector_load %arg7[%get3A_167, %get3A_168] {strides = array<i32>} : memref<40x128xi32, #tpu.memory_space<vmem>>, vector<1x16xi32>,
      %get3A_170 = vector.shape_cast %get3A_169 : vector<1x16xi32> to vector<16xi32>
      %swap3A_171 = arith.constant 96 : index
      %swap3A_172 = tpu.vector_load %arg12[%swap3A_171] {strides = array<i32>} : memref<128xi32, #tpu.memory_space<vmem>>, vector<16xi32>,
      %swap3A_173 = vector.shape_cast %swap3A_172 : vector<16xi32> to vector<16xi32>
      %swap3A_174 = vector.shape_cast %get3A_170 : vector<16xi32> to vector<16xi32>
      tpu.vector_store %arg12[%swap3A_171], %swap3A_174 {strides = array<i32>} : memref<128xi32, #tpu.memory_space<vmem>>, vector<16xi32>,
      %get3A_175 = arith.index_cast %add3A_118 : i32 to index
      %get3A_176 = arith.constant 112 : index
      %get3A_177 = tpu.vector_load %arg7[%get3A_175, %get3A_176] {strides = array<i32>} : memref<40x128xi32, #tpu.memory_space<vmem>>, vector<1x16xi32>,
      %get3A_178 = vector.shape_cast %get3A_177 : vector<1x16xi32> to vector<16xi32>
      %swap3A_179 = arith.constant 112 : index
      %swap3A_180 = tpu.vector_load %arg12[%swap3A_179] {strides = array<i32>} : memref<128xi32, #tpu.memory_space<vmem>>, vector<16xi32>,
      %swap3A_181 = vector.shape_cast %swap3A_180 : vector<16xi32> to vector<16xi32>
      %swap3A_182 = vector.shape_cast %get3A_178 : vector<16xi32> to vector<16xi32>
      tpu.vector_store %arg12[%swap3A_179], %swap3A_182 {strides = array<i32>} : memref<128xi32, #tpu.memory_space<vmem>>, vector<16xi32>,
      %dma_start3A_183 = arith.constant 0 : i32
      %dma_start3A_184 = arith.constant 0 : i32
      %dma_start3A_185 = tpu.memref_slice %arg2[%arg0, %dma_start3A_183, %dma_start3A_184] : memref<2x10000x128xf32, #tpu.memory_space<hbm>> -> memref<1x10000x128xf32, #tpu.memory_space<hbm>>
      %dma_start3A_186 = tpu.memref_squeeze %dma_start3A_185 : memref<1x10000x128xf32, #tpu.memory_space<hbm>> -> memref<10000x128xf32, #tpu.memory_space<hbm>>
      %dma_start3A_187 = arith.constant 0 : i32
      %dma_start3A_188 = arith.constant 0 : i32
      %dma_start3A_189 = tpu.memref_slice %dma_start3A_186[%dma_start3A_187, %dma_start3A_188] : memref<10000x128xf32, #tpu.memory_space<hbm>> -> memref<10000x128xf32, #tpu.memory_space<hbm>>
      tpu.enqueue_indirect_dma source(%dma_start3A_189 : memref<10000x128xf32, #tpu.memory_space<hbm>>) target(%arg10 : memref<128x128xf32, #tpu.memory_space<vmem>>) offsets(%arg12 : memref<128xi32, #tpu.memory_space<vmem>>) semaphore(%arg17 : memref<!tpu.dma_semaphore, #tpu.memory_space<semaphore_mem>>)
      %dma_wait3A_190 = arith.constant 0 : i32
      %dma_wait3A_191 = arith.constant 0 : i32
      %dma_wait3A_192 = tpu.memref_slice %arg2[%arg0, %dma_wait3A_190, %dma_wait3A_191] : memref<2x10000x128xf32, #tpu.memory_space<hbm>> -> memref<1x10000x128xf32, #tpu.memory_space<hbm>>
      %dma_wait3A_193 = tpu.memref_squeeze %dma_wait3A_192 : memref<1x10000x128xf32, #tpu.memory_space<hbm>> -> memref<10000x128xf32, #tpu.memory_space<hbm>>
      %dma_wait3A_194 = arith.constant 0 : i32
      %dma_wait3A_195 = arith.constant 0 : i32
      %dma_wait3A_196 = tpu.memref_slice %dma_wait3A_193[%dma_wait3A_194, %dma_wait3A_195] : memref<10000x128xf32, #tpu.memory_space<hbm>> -> memref<10000x128xf32, #tpu.memory_space<hbm>>
      tpu.wait_indirect_dma semaphore(%arg16 : memref<!tpu.dma_semaphore, #tpu.memory_space<semaphore_mem>>) src(%dma_wait3A_196 : memref<10000x128xf32, #tpu.memory_space<hbm>>) dst(%arg9 : memref<128x128xf32, #tpu.memory_space<vmem>>)
      %get3A_197 = arith.index_cast %mul3A_41 : i32 to index
      %get3A_198 = arith.constant 0 : index
      %get3A_199 = tpu.vector_load %arg8[%get3A_197, %get3A_198] {strides = array<i32>} : memref<40x128xi32, #tpu.memory_space<vmem>>, vector<1x16xi32>,
      %get3A_200 = vector.shape_cast %get3A_199 : vector<1x16xi32> to vector<16xi32>
      %swap3A_201 = arith.constant 0 : index
      %swap3A_202 = tpu.vector_load %arg13[%swap3A_201] {strides = array<i32>} : memref<128xi32, #tpu.memory_space<vmem>>, vector<16xi32>,
      %swap3A_203 = vector.shape_cast %swap3A_202 : vector<16xi32> to vector<16xi32>
      %swap3A_204 = vector.shape_cast %get3A_200 : vector<16xi32> to vector<16xi32>
      tpu.vector_store %arg13[%swap3A_201], %swap3A_204 {strides = array<i32>} : memref<128xi32, #tpu.memory_space<vmem>>, vector<16xi32>,
      %get3A_205 = arith.index_cast %mul3A_41 : i32 to index
      %get3A_206 = arith.constant 16 : index
      %get3A_207 = tpu.vector_load %arg8[%get3A_205, %get3A_206] {strides = array<i32>} : memref<40x128xi32, #tpu.memory_space<vmem>>, vector<1x16xi32>,
      %get3A_208 = vector.shape_cast %get3A_207 : vector<1x16xi32> to vector<16xi32>
      %swap3A_209 = arith.constant 16 : index
      %swap3A_210 = tpu.vector_load %arg13[%swap3A_209] {strides = array<i32>} : memref<128xi32, #tpu.memory_space<vmem>>, vector<16xi32>,
      %swap3A_211 = vector.shape_cast %swap3A_210 : vector<16xi32> to vector<16xi32>
      %swap3A_212 = vector.shape_cast %get3A_208 : vector<16xi32> to vector<16xi32>
      tpu.vector_store %arg13[%swap3A_209], %swap3A_212 {strides = array<i32>} : memref<128xi32, #tpu.memory_space<vmem>>, vector<16xi32>,
      %get3A_213 = arith.index_cast %mul3A_41 : i32 to index
      %get3A_214 = arith.constant 32 : index
      %get3A_215 = tpu.vector_load %arg8[%get3A_213, %get3A_214] {strides = array<i32>} : memref<40x128xi32, #tpu.memory_space<vmem>>, vector<1x16xi32>,
      %get3A_216 = vector.shape_cast %get3A_215 : vector<1x16xi32> to vector<16xi32>
      %swap3A_217 = arith.constant 32 : index
      %swap3A_218 = tpu.vector_load %arg13[%swap3A_217] {strides = array<i32>} : memref<128xi32, #tpu.memory_space<vmem>>, vector<16xi32>,
      %swap3A_219 = vector.shape_cast %swap3A_218 : vector<16xi32> to vector<16xi32>
      %swap3A_220 = vector.shape_cast %get3A_216 : vector<16xi32> to vector<16xi32>
      tpu.vector_store %arg13[%swap3A_217], %swap3A_220 {strides = array<i32>} : memref<128xi32, #tpu.memory_space<vmem>>, vector<16xi32>,
      %get3A_221 = arith.index_cast %mul3A_41 : i32 to index
      %get3A_222 = arith.constant 48 : index
      %get3A_223 = tpu.vector_load %arg8[%get3A_221, %get3A_222] {strides = array<i32>} : memref<40x128xi32, #tpu.memory_space<vmem>>, vector<1x16xi32>,
      %get3A_224 = vector.shape_cast %get3A_223 : vector<1x16xi32> to vector<16xi32>
      %swap3A_225 = arith.constant 48 : index
      %swap3A_226 = tpu.vector_load %arg13[%swap3A_225] {strides = array<i32>} : memref<128xi32, #tpu.memory_space<vmem>>, vector<16xi32>,
      %swap3A_227 = vector.shape_cast %swap3A_226 : vector<16xi32> to vector<16xi32>
      %swap3A_228 = vector.shape_cast %get3A_224 : vector<16xi32> to vector<16xi32>
      tpu.vector_store %arg13[%swap3A_225], %swap3A_228 {strides = array<i32>} : memref<128xi32, #tpu.memory_space<vmem>>, vector<16xi32>,
      %get3A_229 = arith.index_cast %mul3A_41 : i32 to index
      %get3A_230 = arith.constant 64 : index
      %get3A_231 = tpu.vector_load %arg8[%get3A_229, %get3A_230] {strides = array<i32>} : memref<40x128xi32, #tpu.memory_space<vmem>>, vector<1x16xi32>,
      %get3A_232 = vector.shape_cast %get3A_231 : vector<1x16xi32> to vector<16xi32>
      %swap3A_233 = arith.constant 64 : index
      %swap3A_234 = tpu.vector_load %arg13[%swap3A_233] {strides = array<i32>} : memref<128xi32, #tpu.memory_space<vmem>>, vector<16xi32>,
      %swap3A_235 = vector.shape_cast %swap3A_234 : vector<16xi32> to vector<16xi32>
      %swap3A_236 = vector.shape_cast %get3A_232 : vector<16xi32> to vector<16xi32>
      tpu.vector_store %arg13[%swap3A_233], %swap3A_236 {strides = array<i32>} : memref<128xi32, #tpu.memory_space<vmem>>, vector<16xi32>,
      %get3A_237 = arith.index_cast %mul3A_41 : i32 to index
      %get3A_238 = arith.constant 80 : index
      %get3A_239 = tpu.vector_load %arg8[%get3A_237, %get3A_238] {strides = array<i32>} : memref<40x128xi32, #tpu.memory_space<vmem>>, vector<1x16xi32>,
      %get3A_240 = vector.shape_cast %get3A_239 : vector<1x16xi32> to vector<16xi32>
      %swap3A_241 = arith.constant 80 : index
      %swap3A_242 = tpu.vector_load %arg13[%swap3A_241] {strides = array<i32>} : memref<128xi32, #tpu.memory_space<vmem>>, vector<16xi32>,
      %swap3A_243 = vector.shape_cast %swap3A_242 : vector<16xi32> to vector<16xi32>
      %swap3A_244 = vector.shape_cast %get3A_240 : vector<16xi32> to vector<16xi32>
      tpu.vector_store %arg13[%swap3A_241], %swap3A_244 {strides = array<i32>} : memref<128xi32, #tpu.memory_space<vmem>>, vector<16xi32>,
      %get3A_245 = arith.index_cast %mul3A_41 : i32 to index
      %get3A_246 = arith.constant 96 : index
      %get3A_247 = tpu.vector_load %arg8[%get3A_245, %get3A_246] {strides = array<i32>} : memref<40x128xi32, #tpu.memory_space<vmem>>, vector<1x16xi32>,
      %get3A_248 = vector.shape_cast %get3A_247 : vector<1x16xi32> to vector<16xi32>
      %swap3A_249 = arith.constant 96 : index
      %swap3A_250 = tpu.vector_load %arg13[%swap3A_249] {strides = array<i32>} : memref<128xi32, #tpu.memory_space<vmem>>, vector<16xi32>,
      %swap3A_251 = vector.shape_cast %swap3A_250 : vector<16xi32> to vector<16xi32>
      %swap3A_252 = vector.shape_cast %get3A_248 : vector<16xi32> to vector<16xi32>
      tpu.vector_store %arg13[%swap3A_249], %swap3A_252 {strides = array<i32>} : memref<128xi32, #tpu.memory_space<vmem>>, vector<16xi32>,
      %get3A_253 = arith.index_cast %mul3A_41 : i32 to index
      %get3A_254 = arith.constant 112 : index
      %get3A_255 = tpu.vector_load %arg8[%get3A_253, %get3A_254] {strides = array<i32>} : memref<40x128xi32, #tpu.memory_space<vmem>>, vector<1x16xi32>,
      %get3A_256 = vector.shape_cast %get3A_255 : vector<1x16xi32> to vector<16xi32>
      %swap3A_257 = arith.constant 112 : index
      %swap3A_258 = tpu.vector_load %arg13[%swap3A_257] {strides = array<i32>} : memref<128xi32, #tpu.memory_space<vmem>>, vector<16xi32>,
      %swap3A_259 = vector.shape_cast %swap3A_258 : vector<16xi32> to vector<16xi32>
      %swap3A_260 = vector.shape_cast %get3A_256 : vector<16xi32> to vector<16xi32>
      tpu.vector_store %arg13[%swap3A_257], %swap3A_260 {strides = array<i32>} : memref<128xi32, #tpu.memory_space<vmem>>, vector<16xi32>,
      %dma_start3A_261 = arith.constant 0 : i32
      %dma_start3A_262 = arith.constant 0 : i32
      %dma_start3A_263 = tpu.memref_slice %arg15[%dma_start3A_261, %dma_start3A_262] : memref<10240x128xf32, #tpu.memory_space<vmem_shared>> -> memref<10240x128xf32, #tpu.memory_space<vmem_shared>>
      tpu.enqueue_indirect_dma source(%arg9 : memref<128x128xf32, #tpu.memory_space<vmem>>) target(%dma_start3A_263 : memref<10240x128xf32, #tpu.memory_space<vmem_shared>>) offsets(%arg13 : memref<128xi32, #tpu.memory_space<vmem>>) semaphore(%arg18 : memref<!tpu.dma_semaphore, #tpu.memory_space<semaphore_mem>>) {add = true}
      %dma_wait3A_264 = arith.constant 0 : i32
      %dma_wait3A_265 = arith.constant 0 : i32
      %dma_wait3A_266 = tpu.memref_slice %arg2[%arg0, %dma_wait3A_264, %dma_wait3A_265] : memref<2x10000x128xf32, #tpu.memory_space<hbm>> -> memref<1x10000x128xf32, #tpu.memory_space<hbm>>
      %dma_wait3A_267 = tpu.memref_squeeze %dma_wait3A_266 : memref<1x10000x128xf32, #tpu.memory_space<hbm>> -> memref<10000x128xf32, #tpu.memory_space<hbm>>
      %dma_wait3A_268 = arith.constant 0 : i32
      %dma_wait3A_269 = arith.constant 0 : i32
      %dma_wait3A_270 = tpu.memref_slice %dma_wait3A_267[%dma_wait3A_268, %dma_wait3A_269] : memref<10000x128xf32, #tpu.memory_space<hbm>> -> memref<10000x128xf32, #tpu.memory_space<hbm>>
      tpu.wait_indirect_dma semaphore(%arg17 : memref<!tpu.dma_semaphore, #tpu.memory_space<semaphore_mem>>) src(%dma_wait3A_270 : memref<10000x128xf32, #tpu.memory_space<hbm>>) dst(%arg10 : memref<128x128xf32, #tpu.memory_space<vmem>>)
      %add3A_271 = arith.constant 1 : i32
      %add3A_272 = arith.addi %mul3A_41, %add3A_271 : i32
      %get3A_273 = arith.index_cast %add3A_272 : i32 to index
      %get3A_274 = arith.constant 0 : index
      %get3A_275 = tpu.vector_load %arg8[%get3A_273, %get3A_274] {strides = array<i32>} : memref<40x128xi32, #tpu.memory_space<vmem>>, vector<1x16xi32>,
      %get3A_276 = vector.shape_cast %get3A_275 : vector<1x16xi32> to vector<16xi32>
      %swap3A_277 = arith.constant 0 : index
      %swap3A_278 = tpu.vector_load %arg14[%swap3A_277] {strides = array<i32>} : memref<128xi32, #tpu.memory_space<vmem>>, vector<16xi32>,
      %swap3A_279 = vector.shape_cast %swap3A_278 : vector<16xi32> to vector<16xi32>
      %swap3A_280 = vector.shape_cast %get3A_276 : vector<16xi32> to vector<16xi32>
      tpu.vector_store %arg14[%swap3A_277], %swap3A_280 {strides = array<i32>} : memref<128xi32, #tpu.memory_space<vmem>>, vector<16xi32>,
      %get3A_281 = arith.index_cast %add3A_272 : i32 to index
      %get3A_282 = arith.constant 16 : index
      %get3A_283 = tpu.vector_load %arg8[%get3A_281, %get3A_282] {strides = array<i32>} : memref<40x128xi32, #tpu.memory_space<vmem>>, vector<1x16xi32>,
      %get3A_284 = vector.shape_cast %get3A_283 : vector<1x16xi32> to vector<16xi32>
      %swap3A_285 = arith.constant 16 : index
      %swap3A_286 = tpu.vector_load %arg14[%swap3A_285] {strides = array<i32>} : memref<128xi32, #tpu.memory_space<vmem>>, vector<16xi32>,
      %swap3A_287 = vector.shape_cast %swap3A_286 : vector<16xi32> to vector<16xi32>
      %swap3A_288 = vector.shape_cast %get3A_284 : vector<16xi32> to vector<16xi32>
      tpu.vector_store %arg14[%swap3A_285], %swap3A_288 {strides = array<i32>} : memref<128xi32, #tpu.memory_space<vmem>>, vector<16xi32>,
      %get3A_289 = arith.index_cast %add3A_272 : i32 to index
      %get3A_290 = arith.constant 32 : index
      %get3A_291 = tpu.vector_load %arg8[%get3A_289, %get3A_290] {strides = array<i32>} : memref<40x128xi32, #tpu.memory_space<vmem>>, vector<1x16xi32>,
      %get3A_292 = vector.shape_cast %get3A_291 : vector<1x16xi32> to vector<16xi32>
      %swap3A_293 = arith.constant 32 : index
      %swap3A_294 = tpu.vector_load %arg14[%swap3A_293] {strides = array<i32>} : memref<128xi32, #tpu.memory_space<vmem>>, vector<16xi32>,
      %swap3A_295 = vector.shape_cast %swap3A_294 : vector<16xi32> to vector<16xi32>
      %swap3A_296 = vector.shape_cast %get3A_292 : vector<16xi32> to vector<16xi32>
      tpu.vector_store %arg14[%swap3A_293], %swap3A_296 {strides = array<i32>} : memref<128xi32, #tpu.memory_space<vmem>>, vector<16xi32>,
      %get3A_297 = arith.index_cast %add3A_272 : i32 to index
      %get3A_298 = arith.constant 48 : index
      %get3A_299 = tpu.vector_load %arg8[%get3A_297, %get3A_298] {strides = array<i32>} : memref<40x128xi32, #tpu.memory_space<vmem>>, vector<1x16xi32>,
      %get3A_300 = vector.shape_cast %get3A_299 : vector<1x16xi32> to vector<16xi32>
      %swap3A_301 = arith.constant 48 : index
      %swap3A_302 = tpu.vector_load %arg14[%swap3A_301] {strides = array<i32>} : memref<128xi32, #tpu.memory_space<vmem>>, vector<16xi32>,
      %swap3A_303 = vector.shape_cast %swap3A_302 : vector<16xi32> to vector<16xi32>
      %swap3A_304 = vector.shape_cast %get3A_300 : vector<16xi32> to vector<16xi32>
      tpu.vector_store %arg14[%swap3A_301], %swap3A_304 {strides = array<i32>} : memref<128xi32, #tpu.memory_space<vmem>>, vector<16xi32>,
      %get3A_305 = arith.index_cast %add3A_272 : i32 to index
      %get3A_306 = arith.constant 64 : index
      %get3A_307 = tpu.vector_load %arg8[%get3A_305, %get3A_306] {strides = array<i32>} : memref<40x128xi32, #tpu.memory_space<vmem>>, vector<1x16xi32>,
      %get3A_308 = vector.shape_cast %get3A_307 : vector<1x16xi32> to vector<16xi32>
      %swap3A_309 = arith.constant 64 : index
      %swap3A_310 = tpu.vector_load %arg14[%swap3A_309] {strides = array<i32>} : memref<128xi32, #tpu.memory_space<vmem>>, vector<16xi32>,
      %swap3A_311 = vector.shape_cast %swap3A_310 : vector<16xi32> to vector<16xi32>
      %swap3A_312 = vector.shape_cast %get3A_308 : vector<16xi32> to vector<16xi32>
      tpu.vector_store %arg14[%swap3A_309], %swap3A_312 {strides = array<i32>} : memref<128xi32, #tpu.memory_space<vmem>>, vector<16xi32>,
      %get3A_313 = arith.index_cast %add3A_272 : i32 to index
      %get3A_314 = arith.constant 80 : index
      %get3A_315 = tpu.vector_load %arg8[%get3A_313, %get3A_314] {strides = array<i32>} : memref<40x128xi32, #tpu.memory_space<vmem>>, vector<1x16xi32>,
      %get3A_316 = vector.shape_cast %get3A_315 : vector<1x16xi32> to vector<16xi32>
      %swap3A_317 = arith.constant 80 : index
      %swap3A_318 = tpu.vector_load %arg14[%swap3A_317] {strides = array<i32>} : memref<128xi32, #tpu.memory_space<vmem>>, vector<16xi32>,
      %swap3A_319 = vector.shape_cast %swap3A_318 : vector<16xi32> to vector<16xi32>
      %swap3A_320 = vector.shape_cast %get3A_316 : vector<16xi32> to vector<16xi32>
      tpu.vector_store %arg14[%swap3A_317], %swap3A_320 {strides = array<i32>} : memref<128xi32, #tpu.memory_space<vmem>>, vector<16xi32>,
      %get3A_321 = arith.index_cast %add3A_272 : i32 to index
      %get3A_322 = arith.constant 96 : index
      %get3A_323 = tpu.vector_load %arg8[%get3A_321, %get3A_322] {strides = array<i32>} : memref<40x128xi32, #tpu.memory_space<vmem>>, vector<1x16xi32>,
      %get3A_324 = vector.shape_cast %get3A_323 : vector<1x16xi32> to vector<16xi32>
      %swap3A_325 = arith.constant 96 : index
      %swap3A_326 = tpu.vector_load %arg14[%swap3A_325] {strides = array<i32>} : memref<128xi32, #tpu.memory_space<vmem>>, vector<16xi32>,
      %swap3A_327 = vector.shape_cast %swap3A_326 : vector<16xi32> to vector<16xi32>
      %swap3A_328 = vector.shape_cast %get3A_324 : vector<16xi32> to vector<16xi32>
      tpu.vector_store %arg14[%swap3A_325], %swap3A_328 {strides = array<i32>} : memref<128xi32, #tpu.memory_space<vmem>>, vector<16xi32>,
      %get3A_329 = arith.index_cast %add3A_272 : i32 to index
      %get3A_330 = arith.constant 112 : index
      %get3A_331 = tpu.vector_load %arg8[%get3A_329, %get3A_330] {strides = array<i32>} : memref<40x128xi32, #tpu.memory_space<vmem>>, vector<1x16xi32>,
      %get3A_332 = vector.shape_cast %get3A_331 : vector<1x16xi32> to vector<16xi32>
      %swap3A_333 = arith.constant 112 : index
      %swap3A_334 = tpu.vector_load %arg14[%swap3A_333] {strides = array<i32>} : memref<128xi32, #tpu.memory_space<vmem>>, vector<16xi32>,
      %swap3A_335 = vector.shape_cast %swap3A_334 : vector<16xi32> to vector<16xi32>
      %swap3A_336 = vector.shape_cast %get3A_332 : vector<16xi32> to vector<16xi32>
      tpu.vector_store %arg14[%swap3A_333], %swap3A_336 {strides = array<i32>} : memref<128xi32, #tpu.memory_space<vmem>>, vector<16xi32>,
      %dma_start3A_337 = arith.constant 0 : i32
      %dma_start3A_338 = arith.constant 0 : i32
      %dma_start3A_339 = tpu.memref_slice %arg15[%dma_start3A_337, %dma_start3A_338] : memref<10240x128xf32, #tpu.memory_space<vmem_shared>> -> memref<10240x128xf32, #tpu.memory_space<vmem_shared>>
      tpu.enqueue_indirect_dma source(%arg10 : memref<128x128xf32, #tpu.memory_space<vmem>>) target(%dma_start3A_339 : memref<10240x128xf32, #tpu.memory_space<vmem_shared>>) offsets(%arg14 : memref<128xi32, #tpu.memory_space<vmem>>) semaphore(%arg19 : memref<!tpu.dma_semaphore, #tpu.memory_space<semaphore_mem>>) {add = true}
    }
    %scan3A_12 = arith.constant 20 : i32
    %dma_wait3A = arith.constant 0 : i32
    %dma_wait3A_13 = arith.constant 0 : i32
    %dma_wait3A_14 = tpu.memref_slice %arg15[%dma_wait3A, %dma_wait3A_13] : memref<10240x128xf32, #tpu.memory_space<vmem_shared>> -> memref<10240x128xf32, #tpu.memory_space<vmem_shared>>
    tpu.wait_indirect_dma semaphore(%arg18 : memref<!tpu.dma_semaphore, #tpu.memory_space<semaphore_mem>>) src(%arg9 : memref<128x128xf32, #tpu.memory_space<vmem>>) dst(%dma_wait3A_14 : memref<10240x128xf32, #tpu.memory_space<vmem_shared>>)
    %dma_wait3A_15 = arith.constant 0 : i32
    %dma_wait3A_16 = arith.constant 0 : i32
    %dma_wait3A_17 = tpu.memref_slice %arg15[%dma_wait3A_15, %dma_wait3A_16] : memref<10240x128xf32, #tpu.memory_space<vmem_shared>> -> memref<10240x128xf32, #tpu.memory_space<vmem_shared>>
    tpu.wait_indirect_dma semaphore(%arg19 : memref<!tpu.dma_semaphore, #tpu.memory_space<semaphore_mem>>) src(%arg10 : memref<128x128xf32, #tpu.memory_space<vmem>>) dst(%dma_wait3A_17 : memref<10240x128xf32, #tpu.memory_space<vmem_shared>>)
    %mul3A_18 = arith.constant 80 : i32
    %mul3A_19 = arith.muli %arg1, %mul3A_18 : i32
    %add3A_20 = arith.constant 40 : i32
    %add3A_21 = arith.addi %mul3A_19, %add3A_20 : i32
    "tpu.region"() ({
      %run_scoped3A = tpu.sem_alloc : memref<!tpu.dma_semaphore, #tpu.memory_space<semaphore_mem>>
      %dma_start3A = arith.constant 0 : i32
      %dma_start3A_39 = tpu.memref_slice %arg3[%add3A_21, %dma_start3A] : memref<1280x128xi32, #tpu.memory_space<hbm>> -> memref<40x128xi32, #tpu.memory_space<hbm>>
      %dma_start3A_40 = arith.constant 0 : i32
      %dma_start3A_41 = tpu.memref_slice %arg3[%add3A_21, %dma_start3A_40] : memref<1280x128xi32, #tpu.memory_space<hbm>> -> memref<40x128xi32, #tpu.memory_space<hbm>>
      tpu.enqueue_dma source(%dma_start3A_41 : memref<40x128xi32, #tpu.memory_space<hbm>>) target(%arg7 : memref<40x128xi32, #tpu.memory_space<vmem>>) target_semaphore(%run_scoped3A : memref<!tpu.dma_semaphore, #tpu.memory_space<semaphore_mem>>)
      %dma_wait3A_42 = arith.constant 0 : i32
      %dma_wait3A_43 = tpu.memref_slice %arg3[%add3A_21, %dma_wait3A_42] : memref<1280x128xi32, #tpu.memory_space<hbm>> -> memref<40x128xi32, #tpu.memory_space<hbm>>
      %dma_wait3A_44 = arith.constant 0 : i32
      %dma_wait3A_45 = tpu.memref_slice %arg3[%add3A_21, %dma_wait3A_44] : memref<1280x128xi32, #tpu.memory_space<hbm>> -> memref<40x128xi32, #tpu.memory_space<hbm>>
      tpu.wait_dma2 semaphore(%run_scoped3A : memref<!tpu.dma_semaphore, #tpu.memory_space<semaphore_mem>>) src(%dma_wait3A_45 : memref<40x128xi32, #tpu.memory_space<hbm>>) dst(%arg7 : memref<40x128xi32, #tpu.memory_space<vmem>>)
      tpu.yield
    }) : () -> ()
    %mul3A_22 = arith.constant 80 : i32
    %mul3A_23 = arith.muli %arg1, %mul3A_22 : i32
    %add3A_24 = arith.constant 40 : i32
    %add3A_25 = arith.addi %mul3A_23, %add3A_24 : i32
    "tpu.region"() ({
      %run_scoped3A = tpu.sem_alloc : memref<!tpu.dma_semaphore, #tpu.memory_space<semaphore_mem>>
      %dma_start3A = arith.constant 0 : i32
      %dma_start3A_39 = tpu.memref_slice %arg4[%add3A_25, %dma_start3A] : memref<1280x128xi32, #tpu.memory_space<hbm>> -> memref<40x128xi32, #tpu.memory_space<hbm>>
      %dma_start3A_40 = arith.constant 0 : i32
      %dma_start3A_41 = tpu.memref_slice %arg4[%add3A_25, %dma_start3A_40] : memref<1280x128xi32, #tpu.memory_space<hbm>> -> memref<40x128xi32, #tpu.memory_space<hbm>>
      tpu.enqueue_dma source(%dma_start3A_41 : memref<40x128xi32, #tpu.memory_space<hbm>>) target(%arg8 : memref<40x128xi32, #tpu.memory_space<vmem>>) target_semaphore(%run_scoped3A : memref<!tpu.dma_semaphore, #tpu.memory_space<semaphore_mem>>)
      %dma_wait3A_42 = arith.constant 0 : i32
      %dma_wait3A_43 = tpu.memref_slice %arg4[%add3A_25, %dma_wait3A_42] : memref<1280x128xi32, #tpu.memory_space<hbm>> -> memref<40x128xi32, #tpu.memory_space<hbm>>
      %dma_wait3A_44 = arith.constant 0 : i32
      %dma_wait3A_45 = tpu.memref_slice %arg4[%add3A_25, %dma_wait3A_44] : memref<1280x128xi32, #tpu.memory_space<hbm>> -> memref<40x128xi32, #tpu.memory_space<hbm>>
      tpu.wait_dma2 semaphore(%run_scoped3A : memref<!tpu.dma_semaphore, #tpu.memory_space<semaphore_mem>>) src(%dma_wait3A_45 : memref<40x128xi32, #tpu.memory_space<hbm>>) dst(%arg8 : memref<40x128xi32, #tpu.memory_space<vmem>>)
      tpu.yield
    }) : () -> ()
    %scan3A_26 = arith.constant 0 : i32
    %scan3A_27 = arith.constant 0 : i32
    %scan3A_28 = arith.constant 20 : i32
    %scan3A_29 = arith.addi %scan3A_27, %scan3A_28 : i32
    %scan3A_30 = arith.constant 1 : i32
    scf.for %scan3A_39 = %scan3A_27 to %scan3A_29 step %scan3A_30  : i32 {
      %mul3A_40 = arith.constant 2 : i32
      %mul3A_41 = arith.muli %mul3A_40, %scan3A_39 : i32
      %gt3A = arith.constant 0 : i32
      %gt3A_42 = arith.cmpi sgt, %scan3A_39, %gt3A : i32
      %convert_element_type3A = arith.extui %gt3A_42 : i1 to i32
      %cond3A = arith.constant 0 : i32
      %cond3A_43 = arith.cmpi ne, %convert_element_type3A, %cond3A : i32
      scf.if %cond3A_43 {
        %dma_wait3A_340 = arith.constant 0 : i32
        %dma_wait3A_341 = arith.constant 0 : i32
        %dma_wait3A_342 = tpu.memref_slice %arg15[%dma_wait3A_340, %dma_wait3A_341] : memref<10240x128xf32, #tpu.memory_space<vmem_shared>> -> memref<10240x128xf32, #tpu.memory_space<vmem_shared>>
        tpu.wait_indirect_dma semaphore(%arg18 : memref<!tpu.dma_semaphore, #tpu.memory_space<semaphore_mem>>) src(%arg9 : memref<128x128xf32, #tpu.memory_space<vmem>>) dst(%dma_wait3A_342 : memref<10240x128xf32, #tpu.memory_space<vmem_shared>>)
      } else {
      }
      %get3A = arith.index_cast %mul3A_41 : i32 to index
      %get3A_44 = arith.constant 0 : index
      %get3A_45 = tpu.vector_load %arg7[%get3A, %get3A_44] {strides = array<i32>} : memref<40x128xi32, #tpu.memory_space<vmem>>, vector<1x16xi32>,
      %get3A_46 = vector.shape_cast %get3A_45 : vector<1x16xi32> to vector<16xi32>
      %swap3A = arith.constant 0 : index
      %swap3A_47 = tpu.vector_load %arg11[%swap3A] {strides = array<i32>} : memref<128xi32, #tpu.memory_space<vmem>>, vector<16xi32>,
      %swap3A_48 = vector.shape_cast %swap3A_47 : vector<16xi32> to vector<16xi32>
      %swap3A_49 = vector.shape_cast %get3A_46 : vector<16xi32> to vector<16xi32>
      tpu.vector_store %arg11[%swap3A], %swap3A_49 {strides = array<i32>} : memref<128xi32, #tpu.memory_space<vmem>>, vector<16xi32>,
      %get3A_50 = arith.index_cast %mul3A_41 : i32 to index
      %get3A_51 = arith.constant 16 : index
      %get3A_52 = tpu.vector_load %arg7[%get3A_50, %get3A_51] {strides = array<i32>} : memref<40x128xi32, #tpu.memory_space<vmem>>, vector<1x16xi32>,
      %get3A_53 = vector.shape_cast %get3A_52 : vector<1x16xi32> to vector<16xi32>
      %swap3A_54 = arith.constant 16 : index
      %swap3A_55 = tpu.vector_load %arg11[%swap3A_54] {strides = array<i32>} : memref<128xi32, #tpu.memory_space<vmem>>, vector<16xi32>,
      %swap3A_56 = vector.shape_cast %swap3A_55 : vector<16xi32> to vector<16xi32>
      %swap3A_57 = vector.shape_cast %get3A_53 : vector<16xi32> to vector<16xi32>
      tpu.vector_store %arg11[%swap3A_54], %swap3A_57 {strides = array<i32>} : memref<128xi32, #tpu.memory_space<vmem>>, vector<16xi32>,
      %get3A_58 = arith.index_cast %mul3A_41 : i32 to index
      %get3A_59 = arith.constant 32 : index
      %get3A_60 = tpu.vector_load %arg7[%get3A_58, %get3A_59] {strides = array<i32>} : memref<40x128xi32, #tpu.memory_space<vmem>>, vector<1x16xi32>,
      %get3A_61 = vector.shape_cast %get3A_60 : vector<1x16xi32> to vector<16xi32>
      %swap3A_62 = arith.constant 32 : index
      %swap3A_63 = tpu.vector_load %arg11[%swap3A_62] {strides = array<i32>} : memref<128xi32, #tpu.memory_space<vmem>>, vector<16xi32>,
      %swap3A_64 = vector.shape_cast %swap3A_63 : vector<16xi32> to vector<16xi32>
      %swap3A_65 = vector.shape_cast %get3A_61 : vector<16xi32> to vector<16xi32>
      tpu.vector_store %arg11[%swap3A_62], %swap3A_65 {strides = array<i32>} : memref<128xi32, #tpu.memory_space<vmem>>, vector<16xi32>,
      %get3A_66 = arith.index_cast %mul3A_41 : i32 to index
      %get3A_67 = arith.constant 48 : index
      %get3A_68 = tpu.vector_load %arg7[%get3A_66, %get3A_67] {strides = array<i32>} : memref<40x128xi32, #tpu.memory_space<vmem>>, vector<1x16xi32>,
      %get3A_69 = vector.shape_cast %get3A_68 : vector<1x16xi32> to vector<16xi32>
      %swap3A_70 = arith.constant 48 : index
      %swap3A_71 = tpu.vector_load %arg11[%swap3A_70] {strides = array<i32>} : memref<128xi32, #tpu.memory_space<vmem>>, vector<16xi32>,
      %swap3A_72 = vector.shape_cast %swap3A_71 : vector<16xi32> to vector<16xi32>
      %swap3A_73 = vector.shape_cast %get3A_69 : vector<16xi32> to vector<16xi32>
      tpu.vector_store %arg11[%swap3A_70], %swap3A_73 {strides = array<i32>} : memref<128xi32, #tpu.memory_space<vmem>>, vector<16xi32>,
      %get3A_74 = arith.index_cast %mul3A_41 : i32 to index
      %get3A_75 = arith.constant 64 : index
      %get3A_76 = tpu.vector_load %arg7[%get3A_74, %get3A_75] {strides = array<i32>} : memref<40x128xi32, #tpu.memory_space<vmem>>, vector<1x16xi32>,
      %get3A_77 = vector.shape_cast %get3A_76 : vector<1x16xi32> to vector<16xi32>
      %swap3A_78 = arith.constant 64 : index
      %swap3A_79 = tpu.vector_load %arg11[%swap3A_78] {strides = array<i32>} : memref<128xi32, #tpu.memory_space<vmem>>, vector<16xi32>,
      %swap3A_80 = vector.shape_cast %swap3A_79 : vector<16xi32> to vector<16xi32>
      %swap3A_81 = vector.shape_cast %get3A_77 : vector<16xi32> to vector<16xi32>
      tpu.vector_store %arg11[%swap3A_78], %swap3A_81 {strides = array<i32>} : memref<128xi32, #tpu.memory_space<vmem>>, vector<16xi32>,
      %get3A_82 = arith.index_cast %mul3A_41 : i32 to index
      %get3A_83 = arith.constant 80 : index
      %get3A_84 = tpu.vector_load %arg7[%get3A_82, %get3A_83] {strides = array<i32>} : memref<40x128xi32, #tpu.memory_space<vmem>>, vector<1x16xi32>,
      %get3A_85 = vector.shape_cast %get3A_84 : vector<1x16xi32> to vector<16xi32>
      %swap3A_86 = arith.constant 80 : index
      %swap3A_87 = tpu.vector_load %arg11[%swap3A_86] {strides = array<i32>} : memref<128xi32, #tpu.memory_space<vmem>>, vector<16xi32>,
      %swap3A_88 = vector.shape_cast %swap3A_87 : vector<16xi32> to vector<16xi32>
      %swap3A_89 = vector.shape_cast %get3A_85 : vector<16xi32> to vector<16xi32>
      tpu.vector_store %arg11[%swap3A_86], %swap3A_89 {strides = array<i32>} : memref<128xi32, #tpu.memory_space<vmem>>, vector<16xi32>,
      %get3A_90 = arith.index_cast %mul3A_41 : i32 to index
      %get3A_91 = arith.constant 96 : index
      %get3A_92 = tpu.vector_load %arg7[%get3A_90, %get3A_91] {strides = array<i32>} : memref<40x128xi32, #tpu.memory_space<vmem>>, vector<1x16xi32>,
      %get3A_93 = vector.shape_cast %get3A_92 : vector<1x16xi32> to vector<16xi32>
      %swap3A_94 = arith.constant 96 : index
      %swap3A_95 = tpu.vector_load %arg11[%swap3A_94] {strides = array<i32>} : memref<128xi32, #tpu.memory_space<vmem>>, vector<16xi32>,
      %swap3A_96 = vector.shape_cast %swap3A_95 : vector<16xi32> to vector<16xi32>
      %swap3A_97 = vector.shape_cast %get3A_93 : vector<16xi32> to vector<16xi32>
      tpu.vector_store %arg11[%swap3A_94], %swap3A_97 {strides = array<i32>} : memref<128xi32, #tpu.memory_space<vmem>>, vector<16xi32>,
      %get3A_98 = arith.index_cast %mul3A_41 : i32 to index
      %get3A_99 = arith.constant 112 : index
      %get3A_100 = tpu.vector_load %arg7[%get3A_98, %get3A_99] {strides = array<i32>} : memref<40x128xi32, #tpu.memory_space<vmem>>, vector<1x16xi32>,
      %get3A_101 = vector.shape_cast %get3A_100 : vector<1x16xi32> to vector<16xi32>
      %swap3A_102 = arith.constant 112 : index
      %swap3A_103 = tpu.vector_load %arg11[%swap3A_102] {strides = array<i32>} : memref<128xi32, #tpu.memory_space<vmem>>, vector<16xi32>,
      %swap3A_104 = vector.shape_cast %swap3A_103 : vector<16xi32> to vector<16xi32>
      %swap3A_105 = vector.shape_cast %get3A_101 : vector<16xi32> to vector<16xi32>
      tpu.vector_store %arg11[%swap3A_102], %swap3A_105 {strides = array<i32>} : memref<128xi32, #tpu.memory_space<vmem>>, vector<16xi32>,
      %dma_start3A = arith.constant 0 : i32
      %dma_start3A_106 = arith.constant 0 : i32
      %dma_start3A_107 = tpu.memref_slice %arg2[%arg0, %dma_start3A, %dma_start3A_106] : memref<2x10000x128xf32, #tpu.memory_space<hbm>> -> memref<1x10000x128xf32, #tpu.memory_space<hbm>>
      %dma_start3A_108 = tpu.memref_squeeze %dma_start3A_107 : memref<1x10000x128xf32, #tpu.memory_space<hbm>> -> memref<10000x128xf32, #tpu.memory_space<hbm>>
      %dma_start3A_109 = arith.constant 0 : i32
      %dma_start3A_110 = arith.constant 0 : i32
      %dma_start3A_111 = tpu.memref_slice %dma_start3A_108[%dma_start3A_109, %dma_start3A_110] : memref<10000x128xf32, #tpu.memory_space<hbm>> -> memref<10000x128xf32, #tpu.memory_space<hbm>>
      tpu.enqueue_indirect_dma source(%dma_start3A_111 : memref<10000x128xf32, #tpu.memory_space<hbm>>) target(%arg9 : memref<128x128xf32, #tpu.memory_space<vmem>>) offsets(%arg11 : memref<128xi32, #tpu.memory_space<vmem>>) semaphore(%arg16 : memref<!tpu.dma_semaphore, #tpu.memory_space<semaphore_mem>>)
      %gt3A_112 = arith.constant 0 : i32
      %gt3A_113 = arith.cmpi sgt, %scan3A_39, %gt3A_112 : i32
      %convert_element_type3A_114 = arith.extui %gt3A_113 : i1 to i32
      %cond3A_115 = arith.constant 0 : i32
      %cond3A_116 = arith.cmpi ne, %convert_element_type3A_114, %cond3A_115 : i32
      scf.if %cond3A_116 {
        %dma_wait3A_340 = arith.constant 0 : i32
        %dma_wait3A_341 = arith.constant 0 : i32
        %dma_wait3A_342 = tpu.memref_slice %arg15[%dma_wait3A_340, %dma_wait3A_341] : memref<10240x128xf32, #tpu.memory_space<vmem_shared>> -> memref<10240x128xf32, #tpu.memory_space<vmem_shared>>
        tpu.wait_indirect_dma semaphore(%arg19 : memref<!tpu.dma_semaphore, #tpu.memory_space<semaphore_mem>>) src(%arg10 : memref<128x128xf32, #tpu.memory_space<vmem>>) dst(%dma_wait3A_342 : memref<10240x128xf32, #tpu.memory_space<vmem_shared>>)
      } else {
      }
      %add3A_117 = arith.constant 1 : i32
      %add3A_118 = arith.addi %mul3A_41, %add3A_117 : i32
      %get3A_119 = arith.index_cast %add3A_118 : i32 to index
      %get3A_120 = arith.constant 0 : index
      %get3A_121 = tpu.vector_load %arg7[%get3A_119, %get3A_120] {strides = array<i32>} : memref<40x128xi32, #tpu.memory_space<vmem>>, vector<1x16xi32>,
      %get3A_122 = vector.shape_cast %get3A_121 : vector<1x16xi32> to vector<16xi32>
      %swap3A_123 = arith.constant 0 : index
      %swap3A_124 = tpu.vector_load %arg12[%swap3A_123] {strides = array<i32>} : memref<128xi32, #tpu.memory_space<vmem>>, vector<16xi32>,
      %swap3A_125 = vector.shape_cast %swap3A_124 : vector<16xi32> to vector<16xi32>
      %swap3A_126 = vector.shape_cast %get3A_122 : vector<16xi32> to vector<16xi32>
      tpu.vector_store %arg12[%swap3A_123], %swap3A_126 {strides = array<i32>} : memref<128xi32, #tpu.memory_space<vmem>>, vector<16xi32>,
      %get3A_127 = arith.index_cast %add3A_118 : i32 to index
      %get3A_128 = arith.constant 16 : index
      %get3A_129 = tpu.vector_load %arg7[%get3A_127, %get3A_128] {strides = array<i32>} : memref<40x128xi32, #tpu.memory_space<vmem>>, vector<1x16xi32>,
      %get3A_130 = vector.shape_cast %get3A_129 : vector<1x16xi32> to vector<16xi32>
      %swap3A_131 = arith.constant 16 : index
      %swap3A_132 = tpu.vector_load %arg12[%swap3A_131] {strides = array<i32>} : memref<128xi32, #tpu.memory_space<vmem>>, vector<16xi32>,
      %swap3A_133 = vector.shape_cast %swap3A_132 : vector<16xi32> to vector<16xi32>
      %swap3A_134 = vector.shape_cast %get3A_130 : vector<16xi32> to vector<16xi32>
      tpu.vector_store %arg12[%swap3A_131], %swap3A_134 {strides = array<i32>} : memref<128xi32, #tpu.memory_space<vmem>>, vector<16xi32>,
      %get3A_135 = arith.index_cast %add3A_118 : i32 to index
      %get3A_136 = arith.constant 32 : index
      %get3A_137 = tpu.vector_load %arg7[%get3A_135, %get3A_136] {strides = array<i32>} : memref<40x128xi32, #tpu.memory_space<vmem>>, vector<1x16xi32>,
      %get3A_138 = vector.shape_cast %get3A_137 : vector<1x16xi32> to vector<16xi32>
      %swap3A_139 = arith.constant 32 : index
      %swap3A_140 = tpu.vector_load %arg12[%swap3A_139] {strides = array<i32>} : memref<128xi32, #tpu.memory_space<vmem>>, vector<16xi32>,
      %swap3A_141 = vector.shape_cast %swap3A_140 : vector<16xi32> to vector<16xi32>
      %swap3A_142 = vector.shape_cast %get3A_138 : vector<16xi32> to vector<16xi32>
      tpu.vector_store %arg12[%swap3A_139], %swap3A_142 {strides = array<i32>} : memref<128xi32, #tpu.memory_space<vmem>>, vector<16xi32>,
      %get3A_143 = arith.index_cast %add3A_118 : i32 to index
      %get3A_144 = arith.constant 48 : index
      %get3A_145 = tpu.vector_load %arg7[%get3A_143, %get3A_144] {strides = array<i32>} : memref<40x128xi32, #tpu.memory_space<vmem>>, vector<1x16xi32>,
      %get3A_146 = vector.shape_cast %get3A_145 : vector<1x16xi32> to vector<16xi32>
      %swap3A_147 = arith.constant 48 : index
      %swap3A_148 = tpu.vector_load %arg12[%swap3A_147] {strides = array<i32>} : memref<128xi32, #tpu.memory_space<vmem>>, vector<16xi32>,
      %swap3A_149 = vector.shape_cast %swap3A_148 : vector<16xi32> to vector<16xi32>
      %swap3A_150 = vector.shape_cast %get3A_146 : vector<16xi32> to vector<16xi32>
      tpu.vector_store %arg12[%swap3A_147], %swap3A_150 {strides = array<i32>} : memref<128xi32, #tpu.memory_space<vmem>>, vector<16xi32>,
      %get3A_151 = arith.index_cast %add3A_118 : i32 to index
      %get3A_152 = arith.constant 64 : index
      %get3A_153 = tpu.vector_load %arg7[%get3A_151, %get3A_152] {strides = array<i32>} : memref<40x128xi32, #tpu.memory_space<vmem>>, vector<1x16xi32>,
      %get3A_154 = vector.shape_cast %get3A_153 : vector<1x16xi32> to vector<16xi32>
      %swap3A_155 = arith.constant 64 : index
      %swap3A_156 = tpu.vector_load %arg12[%swap3A_155] {strides = array<i32>} : memref<128xi32, #tpu.memory_space<vmem>>, vector<16xi32>,
      %swap3A_157 = vector.shape_cast %swap3A_156 : vector<16xi32> to vector<16xi32>
      %swap3A_158 = vector.shape_cast %get3A_154 : vector<16xi32> to vector<16xi32>
      tpu.vector_store %arg12[%swap3A_155], %swap3A_158 {strides = array<i32>} : memref<128xi32, #tpu.memory_space<vmem>>, vector<16xi32>,
      %get3A_159 = arith.index_cast %add3A_118 : i32 to index
      %get3A_160 = arith.constant 80 : index
      %get3A_161 = tpu.vector_load %arg7[%get3A_159, %get3A_160] {strides = array<i32>} : memref<40x128xi32, #tpu.memory_space<vmem>>, vector<1x16xi32>,
      %get3A_162 = vector.shape_cast %get3A_161 : vector<1x16xi32> to vector<16xi32>
      %swap3A_163 = arith.constant 80 : index
      %swap3A_164 = tpu.vector_load %arg12[%swap3A_163] {strides = array<i32>} : memref<128xi32, #tpu.memory_space<vmem>>, vector<16xi32>,
      %swap3A_165 = vector.shape_cast %swap3A_164 : vector<16xi32> to vector<16xi32>
      %swap3A_166 = vector.shape_cast %get3A_162 : vector<16xi32> to vector<16xi32>
      tpu.vector_store %arg12[%swap3A_163], %swap3A_166 {strides = array<i32>} : memref<128xi32, #tpu.memory_space<vmem>>, vector<16xi32>,
      %get3A_167 = arith.index_cast %add3A_118 : i32 to index
      %get3A_168 = arith.constant 96 : index
      %get3A_169 = tpu.vector_load %arg7[%get3A_167, %get3A_168] {strides = array<i32>} : memref<40x128xi32, #tpu.memory_space<vmem>>, vector<1x16xi32>,
      %get3A_170 = vector.shape_cast %get3A_169 : vector<1x16xi32> to vector<16xi32>
      %swap3A_171 = arith.constant 96 : index
      %swap3A_172 = tpu.vector_load %arg12[%swap3A_171] {strides = array<i32>} : memref<128xi32, #tpu.memory_space<vmem>>, vector<16xi32>,
      %swap3A_173 = vector.shape_cast %swap3A_172 : vector<16xi32> to vector<16xi32>
      %swap3A_174 = vector.shape_cast %get3A_170 : vector<16xi32> to vector<16xi32>
      tpu.vector_store %arg12[%swap3A_171], %swap3A_174 {strides = array<i32>} : memref<128xi32, #tpu.memory_space<vmem>>, vector<16xi32>,
      %get3A_175 = arith.index_cast %add3A_118 : i32 to index
      %get3A_176 = arith.constant 112 : index
      %get3A_177 = tpu.vector_load %arg7[%get3A_175, %get3A_176] {strides = array<i32>} : memref<40x128xi32, #tpu.memory_space<vmem>>, vector<1x16xi32>,
      %get3A_178 = vector.shape_cast %get3A_177 : vector<1x16xi32> to vector<16xi32>
      %swap3A_179 = arith.constant 112 : index
      %swap3A_180 = tpu.vector_load %arg12[%swap3A_179] {strides = array<i32>} : memref<128xi32, #tpu.memory_space<vmem>>, vector<16xi32>,
      %swap3A_181 = vector.shape_cast %swap3A_180 : vector<16xi32> to vector<16xi32>
      %swap3A_182 = vector.shape_cast %get3A_178 : vector<16xi32> to vector<16xi32>
      tpu.vector_store %arg12[%swap3A_179], %swap3A_182 {strides = array<i32>} : memref<128xi32, #tpu.memory_space<vmem>>, vector<16xi32>,
      %dma_start3A_183 = arith.constant 0 : i32
      %dma_start3A_184 = arith.constant 0 : i32
      %dma_start3A_185 = tpu.memref_slice %arg2[%arg0, %dma_start3A_183, %dma_start3A_184] : memref<2x10000x128xf32, #tpu.memory_space<hbm>> -> memref<1x10000x128xf32, #tpu.memory_space<hbm>>
      %dma_start3A_186 = tpu.memref_squeeze %dma_start3A_185 : memref<1x10000x128xf32, #tpu.memory_space<hbm>> -> memref<10000x128xf32, #tpu.memory_space<hbm>>
      %dma_start3A_187 = arith.constant 0 : i32
      %dma_start3A_188 = arith.constant 0 : i32
      %dma_start3A_189 = tpu.memref_slice %dma_start3A_186[%dma_start3A_187, %dma_start3A_188] : memref<10000x128xf32, #tpu.memory_space<hbm>> -> memref<10000x128xf32, #tpu.memory_space<hbm>>
      tpu.enqueue_indirect_dma source(%dma_start3A_189 : memref<10000x128xf32, #tpu.memory_space<hbm>>) target(%arg10 : memref<128x128xf32, #tpu.memory_space<vmem>>) offsets(%arg12 : memref<128xi32, #tpu.memory_space<vmem>>) semaphore(%arg17 : memref<!tpu.dma_semaphore, #tpu.memory_space<semaphore_mem>>)
      %dma_wait3A_190 = arith.constant 0 : i32
      %dma_wait3A_191 = arith.constant 0 : i32
      %dma_wait3A_192 = tpu.memref_slice %arg2[%arg0, %dma_wait3A_190, %dma_wait3A_191] : memref<2x10000x128xf32, #tpu.memory_space<hbm>> -> memref<1x10000x128xf32, #tpu.memory_space<hbm>>
      %dma_wait3A_193 = tpu.memref_squeeze %dma_wait3A_192 : memref<1x10000x128xf32, #tpu.memory_space<hbm>> -> memref<10000x128xf32, #tpu.memory_space<hbm>>
      %dma_wait3A_194 = arith.constant 0 : i32
      %dma_wait3A_195 = arith.constant 0 : i32
      %dma_wait3A_196 = tpu.memref_slice %dma_wait3A_193[%dma_wait3A_194, %dma_wait3A_195] : memref<10000x128xf32, #tpu.memory_space<hbm>> -> memref<10000x128xf32, #tpu.memory_space<hbm>>
      tpu.wait_indirect_dma semaphore(%arg16 : memref<!tpu.dma_semaphore, #tpu.memory_space<semaphore_mem>>) src(%dma_wait3A_196 : memref<10000x128xf32, #tpu.memory_space<hbm>>) dst(%arg9 : memref<128x128xf32, #tpu.memory_space<vmem>>)
      %get3A_197 = arith.index_cast %mul3A_41 : i32 to index
      %get3A_198 = arith.constant 0 : index
      %get3A_199 = tpu.vector_load %arg8[%get3A_197, %get3A_198] {strides = array<i32>} : memref<40x128xi32, #tpu.memory_space<vmem>>, vector<1x16xi32>,
      %get3A_200 = vector.shape_cast %get3A_199 : vector<1x16xi32> to vector<16xi32>
      %swap3A_201 = arith.constant 0 : index
      %swap3A_202 = tpu.vector_load %arg13[%swap3A_201] {strides = array<i32>} : memref<128xi32, #tpu.memory_space<vmem>>, vector<16xi32>,
      %swap3A_203 = vector.shape_cast %swap3A_202 : vector<16xi32> to vector<16xi32>
      %swap3A_204 = vector.shape_cast %get3A_200 : vector<16xi32> to vector<16xi32>
      tpu.vector_store %arg13[%swap3A_201], %swap3A_204 {strides = array<i32>} : memref<128xi32, #tpu.memory_space<vmem>>, vector<16xi32>,
      %get3A_205 = arith.index_cast %mul3A_41 : i32 to index
      %get3A_206 = arith.constant 16 : index
      %get3A_207 = tpu.vector_load %arg8[%get3A_205, %get3A_206] {strides = array<i32>} : memref<40x128xi32, #tpu.memory_space<vmem>>, vector<1x16xi32>,
      %get3A_208 = vector.shape_cast %get3A_207 : vector<1x16xi32> to vector<16xi32>
      %swap3A_209 = arith.constant 16 : index
      %swap3A_210 = tpu.vector_load %arg13[%swap3A_209] {strides = array<i32>} : memref<128xi32, #tpu.memory_space<vmem>>, vector<16xi32>,
      %swap3A_211 = vector.shape_cast %swap3A_210 : vector<16xi32> to vector<16xi32>
      %swap3A_212 = vector.shape_cast %get3A_208 : vector<16xi32> to vector<16xi32>
      tpu.vector_store %arg13[%swap3A_209], %swap3A_212 {strides = array<i32>} : memref<128xi32, #tpu.memory_space<vmem>>, vector<16xi32>,
      %get3A_213 = arith.index_cast %mul3A_41 : i32 to index
      %get3A_214 = arith.constant 32 : index
      %get3A_215 = tpu.vector_load %arg8[%get3A_213, %get3A_214] {strides = array<i32>} : memref<40x128xi32, #tpu.memory_space<vmem>>, vector<1x16xi32>,
      %get3A_216 = vector.shape_cast %get3A_215 : vector<1x16xi32> to vector<16xi32>
      %swap3A_217 = arith.constant 32 : index
      %swap3A_218 = tpu.vector_load %arg13[%swap3A_217] {strides = array<i32>} : memref<128xi32, #tpu.memory_space<vmem>>, vector<16xi32>,
      %swap3A_219 = vector.shape_cast %swap3A_218 : vector<16xi32> to vector<16xi32>
      %swap3A_220 = vector.shape_cast %get3A_216 : vector<16xi32> to vector<16xi32>
      tpu.vector_store %arg13[%swap3A_217], %swap3A_220 {strides = array<i32>} : memref<128xi32, #tpu.memory_space<vmem>>, vector<16xi32>,
      %get3A_221 = arith.index_cast %mul3A_41 : i32 to index
      %get3A_222 = arith.constant 48 : index
      %get3A_223 = tpu.vector_load %arg8[%get3A_221, %get3A_222] {strides = array<i32>} : memref<40x128xi32, #tpu.memory_space<vmem>>, vector<1x16xi32>,
      %get3A_224 = vector.shape_cast %get3A_223 : vector<1x16xi32> to vector<16xi32>
      %swap3A_225 = arith.constant 48 : index
      %swap3A_226 = tpu.vector_load %arg13[%swap3A_225] {strides = array<i32>} : memref<128xi32, #tpu.memory_space<vmem>>, vector<16xi32>,
      %swap3A_227 = vector.shape_cast %swap3A_226 : vector<16xi32> to vector<16xi32>
      %swap3A_228 = vector.shape_cast %get3A_224 : vector<16xi32> to vector<16xi32>
      tpu.vector_store %arg13[%swap3A_225], %swap3A_228 {strides = array<i32>} : memref<128xi32, #tpu.memory_space<vmem>>, vector<16xi32>,
      %get3A_229 = arith.index_cast %mul3A_41 : i32 to index
      %get3A_230 = arith.constant 64 : index
      %get3A_231 = tpu.vector_load %arg8[%get3A_229, %get3A_230] {strides = array<i32>} : memref<40x128xi32, #tpu.memory_space<vmem>>, vector<1x16xi32>,
      %get3A_232 = vector.shape_cast %get3A_231 : vector<1x16xi32> to vector<16xi32>
      %swap3A_233 = arith.constant 64 : index
      %swap3A_234 = tpu.vector_load %arg13[%swap3A_233] {strides = array<i32>} : memref<128xi32, #tpu.memory_space<vmem>>, vector<16xi32>,
      %swap3A_235 = vector.shape_cast %swap3A_234 : vector<16xi32> to vector<16xi32>
      %swap3A_236 = vector.shape_cast %get3A_232 : vector<16xi32> to vector<16xi32>
      tpu.vector_store %arg13[%swap3A_233], %swap3A_236 {strides = array<i32>} : memref<128xi32, #tpu.memory_space<vmem>>, vector<16xi32>,
      %get3A_237 = arith.index_cast %mul3A_41 : i32 to index
      %get3A_238 = arith.constant 80 : index
      %get3A_239 = tpu.vector_load %arg8[%get3A_237, %get3A_238] {strides = array<i32>} : memref<40x128xi32, #tpu.memory_space<vmem>>, vector<1x16xi32>,
      %get3A_240 = vector.shape_cast %get3A_239 : vector<1x16xi32> to vector<16xi32>
      %swap3A_241 = arith.constant 80 : index
      %swap3A_242 = tpu.vector_load %arg13[%swap3A_241] {strides = array<i32>} : memref<128xi32, #tpu.memory_space<vmem>>, vector<16xi32>,
      %swap3A_243 = vector.shape_cast %swap3A_242 : vector<16xi32> to vector<16xi32>
      %swap3A_244 = vector.shape_cast %get3A_240 : vector<16xi32> to vector<16xi32>
      tpu.vector_store %arg13[%swap3A_241], %swap3A_244 {strides = array<i32>} : memref<128xi32, #tpu.memory_space<vmem>>, vector<16xi32>,
      %get3A_245 = arith.index_cast %mul3A_41 : i32 to index
      %get3A_246 = arith.constant 96 : index
      %get3A_247 = tpu.vector_load %arg8[%get3A_245, %get3A_246] {strides = array<i32>} : memref<40x128xi32, #tpu.memory_space<vmem>>, vector<1x16xi32>,
      %get3A_248 = vector.shape_cast %get3A_247 : vector<1x16xi32> to vector<16xi32>
      %swap3A_249 = arith.constant 96 : index
      %swap3A_250 = tpu.vector_load %arg13[%swap3A_249] {strides = array<i32>} : memref<128xi32, #tpu.memory_space<vmem>>, vector<16xi32>,
      %swap3A_251 = vector.shape_cast %swap3A_250 : vector<16xi32> to vector<16xi32>
      %swap3A_252 = vector.shape_cast %get3A_248 : vector<16xi32> to vector<16xi32>
      tpu.vector_store %arg13[%swap3A_249], %swap3A_252 {strides = array<i32>} : memref<128xi32, #tpu.memory_space<vmem>>, vector<16xi32>,
      %get3A_253 = arith.index_cast %mul3A_41 : i32 to index
      %get3A_254 = arith.constant 112 : index
      %get3A_255 = tpu.vector_load %arg8[%get3A_253, %get3A_254] {strides = array<i32>} : memref<40x128xi32, #tpu.memory_space<vmem>>, vector<1x16xi32>,
      %get3A_256 = vector.shape_cast %get3A_255 : vector<1x16xi32> to vector<16xi32>
      %swap3A_257 = arith.constant 112 : index
      %swap3A_258 = tpu.vector_load %arg13[%swap3A_257] {strides = array<i32>} : memref<128xi32, #tpu.memory_space<vmem>>, vector<16xi32>,
      %swap3A_259 = vector.shape_cast %swap3A_258 : vector<16xi32> to vector<16xi32>
      %swap3A_260 = vector.shape_cast %get3A_256 : vector<16xi32> to vector<16xi32>
      tpu.vector_store %arg13[%swap3A_257], %swap3A_260 {strides = array<i32>} : memref<128xi32, #tpu.memory_space<vmem>>, vector<16xi32>,
      %dma_start3A_261 = arith.constant 0 : i32
      %dma_start3A_262 = arith.constant 0 : i32
      %dma_start3A_263 = tpu.memref_slice %arg15[%dma_start3A_261, %dma_start3A_262] : memref<10240x128xf32, #tpu.memory_space<vmem_shared>> -> memref<10240x128xf32, #tpu.memory_space<vmem_shared>>
      tpu.enqueue_indirect_dma source(%arg9 : memref<128x128xf32, #tpu.memory_space<vmem>>) target(%dma_start3A_263 : memref<10240x128xf32, #tpu.memory_space<vmem_shared>>) offsets(%arg13 : memref<128xi32, #tpu.memory_space<vmem>>) semaphore(%arg18 : memref<!tpu.dma_semaphore, #tpu.memory_space<semaphore_mem>>) {add = true}
      %dma_wait3A_264 = arith.constant 0 : i32
      %dma_wait3A_265 = arith.constant 0 : i32
      %dma_wait3A_266 = tpu.memref_slice %arg2[%arg0, %dma_wait3A_264, %dma_wait3A_265] : memref<2x10000x128xf32, #tpu.memory_space<hbm>> -> memref<1x10000x128xf32, #tpu.memory_space<hbm>>
      %dma_wait3A_267 = tpu.memref_squeeze %dma_wait3A_266 : memref<1x10000x128xf32, #tpu.memory_space<hbm>> -> memref<10000x128xf32, #tpu.memory_space<hbm>>
      %dma_wait3A_268 = arith.constant 0 : i32
      %dma_wait3A_269 = arith.constant 0 : i32
      %dma_wait3A_270 = tpu.memref_slice %dma_wait3A_267[%dma_wait3A_268, %dma_wait3A_269] : memref<10000x128xf32, #tpu.memory_space<hbm>> -> memref<10000x128xf32, #tpu.memory_space<hbm>>
      tpu.wait_indirect_dma semaphore(%arg17 : memref<!tpu.dma_semaphore, #tpu.memory_space<semaphore_mem>>) src(%dma_wait3A_270 : memref<10000x128xf32, #tpu.memory_space<hbm>>) dst(%arg10 : memref<128x128xf32, #tpu.memory_space<vmem>>)
      %add3A_271 = arith.constant 1 : i32
      %add3A_272 = arith.addi %mul3A_41, %add3A_271 : i32
      %get3A_273 = arith.index_cast %add3A_272 : i32 to index
      %get3A_274 = arith.constant 0 : index
      %get3A_275 = tpu.vector_load %arg8[%get3A_273, %get3A_274] {strides = array<i32>} : memref<40x128xi32, #tpu.memory_space<vmem>>, vector<1x16xi32>,
      %get3A_276 = vector.shape_cast %get3A_275 : vector<1x16xi32> to vector<16xi32>
      %swap3A_277 = arith.constant 0 : index
      %swap3A_278 = tpu.vector_load %arg14[%swap3A_277] {strides = array<i32>} : memref<128xi32, #tpu.memory_space<vmem>>, vector<16xi32>,
      %swap3A_279 = vector.shape_cast %swap3A_278 : vector<16xi32> to vector<16xi32>
      %swap3A_280 = vector.shape_cast %get3A_276 : vector<16xi32> to vector<16xi32>
      tpu.vector_store %arg14[%swap3A_277], %swap3A_280 {strides = array<i32>} : memref<128xi32, #tpu.memory_space<vmem>>, vector<16xi32>,
      %get3A_281 = arith.index_cast %add3A_272 : i32 to index
      %get3A_282 = arith.constant 16 : index
      %get3A_283 = tpu.vector_load %arg8[%get3A_281, %get3A_282] {strides = array<i32>} : memref<40x128xi32, #tpu.memory_space<vmem>>, vector<1x16xi32>,
      %get3A_284 = vector.shape_cast %get3A_283 : vector<1x16xi32> to vector<16xi32>
      %swap3A_285 = arith.constant 16 : index
      %swap3A_286 = tpu.vector_load %arg14[%swap3A_285] {strides = array<i32>} : memref<128xi32, #tpu.memory_space<vmem>>, vector<16xi32>,
      %swap3A_287 = vector.shape_cast %swap3A_286 : vector<16xi32> to vector<16xi32>
      %swap3A_288 = vector.shape_cast %get3A_284 : vector<16xi32> to vector<16xi32>
      tpu.vector_store %arg14[%swap3A_285], %swap3A_288 {strides = array<i32>} : memref<128xi32, #tpu.memory_space<vmem>>, vector<16xi32>,
      %get3A_289 = arith.index_cast %add3A_272 : i32 to index
      %get3A_290 = arith.constant 32 : index
      %get3A_291 = tpu.vector_load %arg8[%get3A_289, %get3A_290] {strides = array<i32>} : memref<40x128xi32, #tpu.memory_space<vmem>>, vector<1x16xi32>,
      %get3A_292 = vector.shape_cast %get3A_291 : vector<1x16xi32> to vector<16xi32>
      %swap3A_293 = arith.constant 32 : index
      %swap3A_294 = tpu.vector_load %arg14[%swap3A_293] {strides = array<i32>} : memref<128xi32, #tpu.memory_space<vmem>>, vector<16xi32>,
      %swap3A_295 = vector.shape_cast %swap3A_294 : vector<16xi32> to vector<16xi32>
      %swap3A_296 = vector.shape_cast %get3A_292 : vector<16xi32> to vector<16xi32>
      tpu.vector_store %arg14[%swap3A_293], %swap3A_296 {strides = array<i32>} : memref<128xi32, #tpu.memory_space<vmem>>, vector<16xi32>,
      %get3A_297 = arith.index_cast %add3A_272 : i32 to index
      %get3A_298 = arith.constant 48 : index
      %get3A_299 = tpu.vector_load %arg8[%get3A_297, %get3A_298] {strides = array<i32>} : memref<40x128xi32, #tpu.memory_space<vmem>>, vector<1x16xi32>,
      %get3A_300 = vector.shape_cast %get3A_299 : vector<1x16xi32> to vector<16xi32>
      %swap3A_301 = arith.constant 48 : index
      %swap3A_302 = tpu.vector_load %arg14[%swap3A_301] {strides = array<i32>} : memref<128xi32, #tpu.memory_space<vmem>>, vector<16xi32>,
      %swap3A_303 = vector.shape_cast %swap3A_302 : vector<16xi32> to vector<16xi32>
      %swap3A_304 = vector.shape_cast %get3A_300 : vector<16xi32> to vector<16xi32>
      tpu.vector_store %arg14[%swap3A_301], %swap3A_304 {strides = array<i32>} : memref<128xi32, #tpu.memory_space<vmem>>, vector<16xi32>,
      %get3A_305 = arith.index_cast %add3A_272 : i32 to index
      %get3A_306 = arith.constant 64 : index
      %get3A_307 = tpu.vector_load %arg8[%get3A_305, %get3A_306] {strides = array<i32>} : memref<40x128xi32, #tpu.memory_space<vmem>>, vector<1x16xi32>,
      %get3A_308 = vector.shape_cast %get3A_307 : vector<1x16xi32> to vector<16xi32>
      %swap3A_309 = arith.constant 64 : index
      %swap3A_310 = tpu.vector_load %arg14[%swap3A_309] {strides = array<i32>} : memref<128xi32, #tpu.memory_space<vmem>>, vector<16xi32>,
      %swap3A_311 = vector.shape_cast %swap3A_310 : vector<16xi32> to vector<16xi32>
      %swap3A_312 = vector.shape_cast %get3A_308 : vector<16xi32> to vector<16xi32>
      tpu.vector_store %arg14[%swap3A_309], %swap3A_312 {strides = array<i32>} : memref<128xi32, #tpu.memory_space<vmem>>, vector<16xi32>,
      %get3A_313 = arith.index_cast %add3A_272 : i32 to index
      %get3A_314 = arith.constant 80 : index
      %get3A_315 = tpu.vector_load %arg8[%get3A_313, %get3A_314] {strides = array<i32>} : memref<40x128xi32, #tpu.memory_space<vmem>>, vector<1x16xi32>,
      %get3A_316 = vector.shape_cast %get3A_315 : vector<1x16xi32> to vector<16xi32>
      %swap3A_317 = arith.constant 80 : index
      %swap3A_318 = tpu.vector_load %arg14[%swap3A_317] {strides = array<i32>} : memref<128xi32, #tpu.memory_space<vmem>>, vector<16xi32>,
      %swap3A_319 = vector.shape_cast %swap3A_318 : vector<16xi32> to vector<16xi32>
      %swap3A_320 = vector.shape_cast %get3A_316 : vector<16xi32> to vector<16xi32>
      tpu.vector_store %arg14[%swap3A_317], %swap3A_320 {strides = array<i32>} : memref<128xi32, #tpu.memory_space<vmem>>, vector<16xi32>,
      %get3A_321 = arith.index_cast %add3A_272 : i32 to index
      %get3A_322 = arith.constant 96 : index
      %get3A_323 = tpu.vector_load %arg8[%get3A_321, %get3A_322] {strides = array<i32>} : memref<40x128xi32, #tpu.memory_space<vmem>>, vector<1x16xi32>,
      %get3A_324 = vector.shape_cast %get3A_323 : vector<1x16xi32> to vector<16xi32>
      %swap3A_325 = arith.constant 96 : index
      %swap3A_326 = tpu.vector_load %arg14[%swap3A_325] {strides = array<i32>} : memref<128xi32, #tpu.memory_space<vmem>>, vector<16xi32>,
      %swap3A_327 = vector.shape_cast %swap3A_326 : vector<16xi32> to vector<16xi32>
      %swap3A_328 = vector.shape_cast %get3A_324 : vector<16xi32> to vector<16xi32>
      tpu.vector_store %arg14[%swap3A_325], %swap3A_328 {strides = array<i32>} : memref<128xi32, #tpu.memory_space<vmem>>, vector<16xi32>,
      %get3A_329 = arith.index_cast %add3A_272 : i32 to index
      %get3A_330 = arith.constant 112 : index
      %get3A_331 = tpu.vector_load %arg8[%get3A_329, %get3A_330] {strides = array<i32>} : memref<40x128xi32, #tpu.memory_space<vmem>>, vector<1x16xi32>,
      %get3A_332 = vector.shape_cast %get3A_331 : vector<1x16xi32> to vector<16xi32>
      %swap3A_333 = arith.constant 112 : index
      %swap3A_334 = tpu.vector_load %arg14[%swap3A_333] {strides = array<i32>} : memref<128xi32, #tpu.memory_space<vmem>>, vector<16xi32>,
      %swap3A_335 = vector.shape_cast %swap3A_334 : vector<16xi32> to vector<16xi32>
      %swap3A_336 = vector.shape_cast %get3A_332 : vector<16xi32> to vector<16xi32>
      tpu.vector_store %arg14[%swap3A_333], %swap3A_336 {strides = array<i32>} : memref<128xi32, #tpu.memory_space<vmem>>, vector<16xi32>,
      %dma_start3A_337 = arith.constant 0 : i32
      %dma_start3A_338 = arith.constant 0 : i32
      %dma_start3A_339 = tpu.memref_slice %arg15[%dma_start3A_337, %dma_start3A_338] : memref<10240x128xf32, #tpu.memory_space<vmem_shared>> -> memref<10240x128xf32, #tpu.memory_space<vmem_shared>>
      tpu.enqueue_indirect_dma source(%arg10 : memref<128x128xf32, #tpu.memory_space<vmem>>) target(%dma_start3A_339 : memref<10240x128xf32, #tpu.memory_space<vmem_shared>>) offsets(%arg14 : memref<128xi32, #tpu.memory_space<vmem>>) semaphore(%arg19 : memref<!tpu.dma_semaphore, #tpu.memory_space<semaphore_mem>>) {add = true}
    }
    %scan3A_31 = arith.constant 20 : i32
    %dma_wait3A_32 = arith.constant 0 : i32
    %dma_wait3A_33 = arith.constant 0 : i32
    %dma_wait3A_34 = tpu.memref_slice %arg15[%dma_wait3A_32, %dma_wait3A_33] : memref<10240x128xf32, #tpu.memory_space<vmem_shared>> -> memref<10240x128xf32, #tpu.memory_space<vmem_shared>>
    tpu.wait_indirect_dma semaphore(%arg18 : memref<!tpu.dma_semaphore, #tpu.memory_space<semaphore_mem>>) src(%arg9 : memref<128x128xf32, #tpu.memory_space<vmem>>) dst(%dma_wait3A_34 : memref<10240x128xf32, #tpu.memory_space<vmem_shared>>)
    %dma_wait3A_35 = arith.constant 0 : i32
    %dma_wait3A_36 = arith.constant 0 : i32
    %dma_wait3A_37 = tpu.memref_slice %arg15[%dma_wait3A_35, %dma_wait3A_36] : memref<10240x128xf32, #tpu.memory_space<vmem_shared>> -> memref<10240x128xf32, #tpu.memory_space<vmem_shared>>
    tpu.wait_indirect_dma semaphore(%arg19 : memref<!tpu.dma_semaphore, #tpu.memory_space<semaphore_mem>>) src(%arg10 : memref<128x128xf32, #tpu.memory_space<vmem>>) dst(%dma_wait3A_37 : memref<10240x128xf32, #tpu.memory_space<vmem_shared>>)
    %barrier3A_38 = arith.constant 0 : index
    tpu.barrier barrier_id(%barrier3A_38)
    "tpu.region"() ({
      %run_scoped3A = tpu.sem_alloc : memref<!tpu.dma_semaphore, #tpu.memory_space<semaphore_mem>>
      %dma_start3A = arith.constant 0 : i32
      %dma_start3A_39 = arith.constant 0 : i32
      %dma_start3A_40 = tpu.memref_slice %arg6[%arg0, %dma_start3A, %dma_start3A_39] : memref<2x10240x128xf32, #tpu.memory_space<hbm>> -> memref<1x10240x128xf32, #tpu.memory_space<hbm>>
      %dma_start3A_41 = tpu.memref_squeeze %dma_start3A_40 : memref<1x10240x128xf32, #tpu.memory_space<hbm>> -> memref<10240x128xf32, #tpu.memory_space<hbm>>
      %dma_start3A_42 = arith.constant 0 : i32
      %dma_start3A_43 = tpu.memref_slice %dma_start3A_41[%mul3A_0, %dma_start3A_42] : memref<10240x128xf32, #tpu.memory_space<hbm>> -> memref<640x128xf32, #tpu.memory_space<hbm>>
      %dma_start3A_44 = arith.constant 0 : i32
      %dma_start3A_45 = tpu.memref_slice %arg15[%mul3A_0, %dma_start3A_44] : memref<10240x128xf32, #tpu.memory_space<vmem_shared>> -> memref<640x128xf32, #tpu.memory_space<vmem_shared>>
      tpu.enqueue_dma source(%dma_start3A_45 : memref<640x128xf32, #tpu.memory_space<vmem_shared>>) target(%dma_start3A_43 : memref<640x128xf32, #tpu.memory_space<hbm>>) target_semaphore(%run_scoped3A : memref<!tpu.dma_semaphore, #tpu.memory_space<semaphore_mem>>)
      %dma_wait3A_46 = arith.constant 0 : i32
      %dma_wait3A_47 = arith.constant 0 : i32
      %dma_wait3A_48 = tpu.memref_slice %arg6[%arg0, %dma_wait3A_46, %dma_wait3A_47] : memref<2x10240x128xf32, #tpu.memory_space<hbm>> -> memref<1x10240x128xf32, #tpu.memory_space<hbm>>
      %dma_wait3A_49 = tpu.memref_squeeze %dma_wait3A_48 : memref<1x10240x128xf32, #tpu.memory_space<hbm>> -> memref<10240x128xf32, #tpu.memory_space<hbm>>
      %dma_wait3A_50 = arith.constant 0 : i32
      %dma_wait3A_51 = tpu.memref_slice %dma_wait3A_49[%mul3A_0, %dma_wait3A_50] : memref<10240x128xf32, #tpu.memory_space<hbm>> -> memref<640x128xf32, #tpu.memory_space<hbm>>
      %dma_wait3A_52 = arith.constant 0 : i32
      %dma_wait3A_53 = tpu.memref_slice %arg15[%mul3A_0, %dma_wait3A_52] : memref<10240x128xf32, #tpu.memory_space<vmem_shared>> -> memref<640x128xf32, #tpu.memory_space<vmem_shared>>
      tpu.wait_dma2 semaphore(%run_scoped3A : memref<!tpu.dma_semaphore, #tpu.memory_space<semaphore_mem>>) src(%dma_wait3A_53 : memref<640x128xf32, #tpu.memory_space<vmem_shared>>) dst(%dma_wait3A_51 : memref<640x128xf32, #tpu.memory_space<hbm>>)
      tpu.yield
    }) : () -> ()
    return
  }
}

module attributes {stable_mosaic.version = 14 : i64} {
  func.func @_tc1_body(%arg0: i32, %arg1: memref<1000x128xf32, #tpu.memory_space<vmem>>, %arg2: memref<1000x128xf32, #tpu.memory_space<vmem>>, %arg3: memref<1000x128xf32, #tpu.memory_space<vmem>>, %arg4: memref<1000x128xf32, #tpu.memory_space<vmem>>, %arg5: memref<1000x256xf32, #tpu.memory_space<vmem>>, %arg6: memref<256x256xf32, #tpu.memory_space<vmem>>, %arg7: memref<1x256xf32, #tpu.memory_space<vmem>>, %arg8: memref<256x256xf32, #tpu.memory_space<vmem>>, %arg9: memref<2x1000x128xf32, #tpu.memory_space<vmem>>) attributes {dimension_semantics = [#tpu.dimension_semantics<arbitrary>], iteration_bounds = array<i64: 10>, scalar_prefetch = 0 : i64, scratch_operands = 0 : i64, tpu.core_type = #tpu.core_type<tc>, window_params = [{transform_indices = @transform_0, window_bounds = array<i64: 1000, 128>}, {transform_indices = @transform_1, window_bounds = array<i64: 1000, 128>}, {transform_indices = @transform_2, window_bounds = array<i64: 1000, 128>}, {transform_indices = @transform_3, window_bounds = array<i64: 1000, 128>}, {transform_indices = @transform_4, window_bounds = array<i64: 1000, 256>}, {pipeline_mode = #tpu.pipeline_mode<synchronous>, transform_indices = @transform_5, window_bounds = array<i64: 256, 256>}, {pipeline_mode = #tpu.pipeline_mode<synchronous>, transform_indices = @transform_6, window_bounds = array<i64: 1, 256>}, {pipeline_mode = #tpu.pipeline_mode<synchronous>, transform_indices = @transform_7, window_bounds = array<i64: 256, 256>}, {transform_indices = @transform_8, window_bounds = array<i64: 2, 1000, 128>}]} {
    %get3A = arith.constant 0 : index
    %get3A_0 = arith.constant 0 : index
    %get3A_1 = vector.load %arg3[%get3A, %get3A_0] : memref<1000x128xf32, #tpu.memory_space<vmem>>, vector<1000x1xf32>
    %get3A_2 = arith.constant 0 : index
    %get3A_3 = arith.constant 0 : index
    %get3A_4 = vector.load %arg4[%get3A_2, %get3A_3] : memref<1000x128xf32, #tpu.memory_space<vmem>>, vector<1000x1xf32>
    %add3A = arith.addf %get3A_1, %get3A_4 : vector<1000x1xf32>
    %max3A = arith.constant 1.000000e+00 : f32
    %max3A_5 = vector.broadcast %max3A : f32 to vector<1000x1xf32>
    %max3A_6 = arith.maximumf %add3A, %max3A_5 : vector<1000x1xf32>
    %get3A_7 = arith.constant 0 : index
    %get3A_8 = arith.constant 0 : index
    %get3A_9 = vector.load %arg1[%get3A_7, %get3A_8] : memref<1000x128xf32, #tpu.memory_space<vmem>>, vector<1000x128xf32>
    %get3A_10 = arith.constant 0 : index
    %get3A_11 = arith.constant 0 : index
    %get3A_12 = vector.load %arg2[%get3A_10, %get3A_11] : memref<1000x128xf32, #tpu.memory_space<vmem>>, vector<1000x128xf32>
    %concatenate3A = tpu.concatenate %get3A_9, %get3A_12 in 1 : vector<1000x128xf32>, vector<1000x128xf32> -> vector<1000x256xf32>
    %div3A = vector.broadcast %max3A_6 : vector<1000x1xf32> to vector<1000x256xf32>
    %div3A_13 = arith.divf %concatenate3A, %div3A : vector<1000x256xf32>
    %get3A_14 = arith.constant 0 : index
    %get3A_15 = arith.constant 0 : index
    %get3A_16 = vector.load %arg6[%get3A_14, %get3A_15] : memref<256x256xf32, #tpu.memory_space<vmem>>, vector<256x256xf32>
    %dot_general3A = arith.constant dense<0.000000e+00> : vector<1000x256xf32>
    %dot_general3A_17 = tpu.matmul %div3A_13, %get3A_16, %dot_general3A {dimension_numbers = #tpu.dot_dimension_numbers<[1], [0], [0], [1], [0, 0, 1, 1], [], []>, transpose_lhs_hint = false} : vector<1000x256xf32>, vector<256x256xf32>, vector<1000x256xf32> -> vector<1000x256xf32>
    %get3A_18 = arith.constant 0 : index
    %get3A_19 = arith.constant 0 : index
    %get3A_20 = vector.load %arg5[%get3A_18, %get3A_19] : memref<1000x256xf32, #tpu.memory_space<vmem>>, vector<1000x256xf32>
    %get3A_21 = arith.constant 0 : index
    %get3A_22 = arith.constant 0 : index
    %get3A_23 = vector.load %arg8[%get3A_21, %get3A_22] : memref<256x256xf32, #tpu.memory_space<vmem>>, vector<256x256xf32>
    %dot_general3A_24 = arith.constant dense<0.000000e+00> : vector<1000x256xf32>
    %dot_general3A_25 = tpu.matmul %get3A_20, %get3A_23, %dot_general3A_24 {dimension_numbers = #tpu.dot_dimension_numbers<[1], [0], [0], [1], [0, 0, 1, 1], [], []>, transpose_lhs_hint = false} : vector<1000x256xf32>, vector<256x256xf32>, vector<1000x256xf32> -> vector<1000x256xf32>
    %add3A_26 = arith.addf %dot_general3A_17, %dot_general3A_25 : vector<1000x256xf32>
    %get3A_27 = arith.constant 0 : index
    %get3A_28 = arith.constant 0 : index
    %get3A_29 = vector.load %arg7[%get3A_27, %get3A_28] : memref<1x256xf32, #tpu.memory_space<vmem>>, vector<1x256xf32>
    %add3A_30 = vector.broadcast %get3A_29 : vector<1x256xf32> to vector<1000x256xf32>
    %add3A_31 = arith.addf %add3A_26, %add3A_30 : vector<1000x256xf32>
    %mul3A = arith.mulf %add3A_31, %add3A_31 : vector<1000x256xf32>
    %reduce_sum3A = arith.constant dense<0.000000e+00> : vector<1000xf32>
    %reduce_sum3A_32 = vector.multi_reduction <add>, %mul3A, %reduce_sum3A [1] : vector<1000x256xf32> to vector<1000xf32>
    %broadcast_in_dim3A = vector.shape_cast %reduce_sum3A_32 : vector<1000xf32> to vector<1000x1xf32>
    %sqrt3A = math.sqrt %broadcast_in_dim3A : vector<1000x1xf32>
    %max3A_33 = arith.constant 9.99999996E-13 : f32
    %max3A_34 = vector.broadcast %max3A_33 : f32 to vector<1000x1xf32>
    %max3A_35 = arith.maximumf %sqrt3A, %max3A_34 : vector<1000x1xf32>
    %div3A_36 = vector.broadcast %max3A_35 : vector<1000x1xf32> to vector<1000x256xf32>
    %div3A_37 = arith.divf %add3A_31, %div3A_36 : vector<1000x256xf32>
    %max3A_38 = arith.constant 0.000000e+00 : f32
    %max3A_39 = vector.broadcast %max3A_38 : f32 to vector<1000x256xf32>
    %max3A_40 = arith.maximumf %div3A_37, %max3A_39 : vector<1000x256xf32>
    %slice3A = vector.extract_strided_slice %max3A_40 {offsets = [0, 0], sizes = [1000, 128], strides = [1, 1]} : vector<1000x256xf32> to vector<1000x128xf32>
    %swap3A = arith.constant 0 : index
    %swap3A_41 = arith.constant 0 : index
    %swap3A_42 = arith.constant 0 : index
    %swap3A_43 = vector.load %arg9[%swap3A, %swap3A_41, %swap3A_42] : memref<2x1000x128xf32, #tpu.memory_space<vmem>>, vector<1x1000x128xf32>
    %swap3A_44 = vector.shape_cast %swap3A_43 : vector<1x1000x128xf32> to vector<1000x128xf32>
    %swap3A_45 = vector.shape_cast %slice3A : vector<1000x128xf32> to vector<1x1000x128xf32>
    tpu.vector_store %arg9[%swap3A, %swap3A_41, %swap3A_42], %swap3A_45 {strides = array<i32>} : memref<2x1000x128xf32, #tpu.memory_space<vmem>>, vector<1x1000x128xf32>,
    %slice3A_46 = vector.extract_strided_slice %max3A_40 {offsets = [0, 128], sizes = [1000, 128], strides = [1, 1]} : vector<1000x256xf32> to vector<1000x128xf32>
    %swap3A_47 = arith.constant 1 : index
    %swap3A_48 = arith.constant 0 : index
    %swap3A_49 = arith.constant 0 : index
    %swap3A_50 = vector.load %arg9[%swap3A_47, %swap3A_48, %swap3A_49] : memref<2x1000x128xf32, #tpu.memory_space<vmem>>, vector<1x1000x128xf32>
    %swap3A_51 = vector.shape_cast %swap3A_50 : vector<1x1000x128xf32> to vector<1000x128xf32>
    %swap3A_52 = vector.shape_cast %slice3A_46 : vector<1000x128xf32> to vector<1x1000x128xf32>
    tpu.vector_store %arg9[%swap3A_47, %swap3A_48, %swap3A_49], %swap3A_52 {strides = array<i32>} : memref<2x1000x128xf32, #tpu.memory_space<vmem>>, vector<1x1000x128xf32>,
    return
  }
  func.func @transform_0(%arg0: i32) -> (i32, i32) {
    %c0_i32 = arith.constant 0 : i32
    %c0_i32_0 = arith.constant 0 : i32
    return %arg0, %c0_i32 : i32, i32
  }
  func.func @transform_1(%arg0: i32) -> (i32, i32) {
    %c0_i32 = arith.constant 0 : i32
    %c0_i32_0 = arith.constant 0 : i32
    return %arg0, %c0_i32 : i32, i32
  }
  func.func @transform_2(%arg0: i32) -> (i32, i32) {
    %c0_i32 = arith.constant 0 : i32
    %c0_i32_0 = arith.constant 0 : i32
    return %arg0, %c0_i32 : i32, i32
  }
  func.func @transform_3(%arg0: i32) -> (i32, i32) {
    %c0_i32 = arith.constant 0 : i32
    %c0_i32_0 = arith.constant 0 : i32
    return %arg0, %c0_i32 : i32, i32
  }
  func.func @transform_4(%arg0: i32) -> (i32, i32) {
    %c0_i32 = arith.constant 0 : i32
    %c0_i32_0 = arith.constant 0 : i32
    return %arg0, %c0_i32 : i32, i32
  }
  func.func @transform_5(%arg0: i32) -> (i32, i32) {
    %c0_i32 = arith.constant 0 : i32
    %c0_i32_0 = arith.constant 0 : i32
    %c0_i32_1 = arith.constant 0 : i32
    return %c0_i32, %c0_i32_0 : i32, i32
  }
  func.func @transform_6(%arg0: i32) -> (i32, i32) {
    %c0_i32 = arith.constant 0 : i32
    %c0_i32_0 = arith.constant 0 : i32
    %c0_i32_1 = arith.constant 0 : i32
    return %c0_i32, %c0_i32_0 : i32, i32
  }
  func.func @transform_7(%arg0: i32) -> (i32, i32) {
    %c0_i32 = arith.constant 0 : i32
    %c0_i32_0 = arith.constant 0 : i32
    %c0_i32_1 = arith.constant 0 : i32
    return %c0_i32, %c0_i32_0 : i32, i32
  }
  func.func @transform_8(%arg0: i32) -> (i32, i32, i32) {
    %c0_i32 = arith.constant 0 : i32
    %c0_i32_0 = arith.constant 0 : i32
    %c0_i32_1 = arith.constant 0 : i32
    return %c0_i32, %arg0, %c0_i32_0 : i32, i32, i32
  }
}

module attributes {stable_mosaic.version = 14 : i64} {
  func.func @_tc2_body(%arg0: i32, %arg1: memref<1000x128xf32, #tpu.memory_space<vmem>>, %arg2: memref<1000x128xf32, #tpu.memory_space<vmem>>, %arg3: memref<1000x128xf32, #tpu.memory_space<vmem>>, %arg4: memref<1000x128xf32, #tpu.memory_space<vmem>>, %arg5: memref<1000x128xf32, #tpu.memory_space<vmem>>, %arg6: memref<1000x128xf32, #tpu.memory_space<vmem>>, %arg7: memref<256x256xf32, #tpu.memory_space<vmem>>, %arg8: memref<1x256xf32, #tpu.memory_space<vmem>>, %arg9: memref<256x256xf32, #tpu.memory_space<vmem>>, %arg10: memref<1000x256xf32, #tpu.memory_space<vmem>>) attributes {dimension_semantics = [#tpu.dimension_semantics<arbitrary>], iteration_bounds = array<i64: 10>, scalar_prefetch = 0 : i64, scratch_operands = 0 : i64, tpu.core_type = #tpu.core_type<tc>, window_params = [{transform_indices = @transform_0, window_bounds = array<i64: 1000, 128>}, {transform_indices = @transform_1, window_bounds = array<i64: 1000, 128>}, {transform_indices = @transform_2, window_bounds = array<i64: 1000, 128>}, {transform_indices = @transform_3, window_bounds = array<i64: 1000, 128>}, {transform_indices = @transform_4, window_bounds = array<i64: 1000, 128>}, {transform_indices = @transform_5, window_bounds = array<i64: 1000, 128>}, {pipeline_mode = #tpu.pipeline_mode<synchronous>, transform_indices = @transform_6, window_bounds = array<i64: 256, 256>}, {pipeline_mode = #tpu.pipeline_mode<synchronous>, transform_indices = @transform_7, window_bounds = array<i64: 1, 256>}, {pipeline_mode = #tpu.pipeline_mode<synchronous>, transform_indices = @transform_8, window_bounds = array<i64: 256, 256>}, {transform_indices = @transform_9, window_bounds = array<i64: 1000, 256>}]} {
    %get3A = arith.constant 0 : index
    %get3A_0 = arith.constant 0 : index
    %get3A_1 = vector.load %arg3[%get3A, %get3A_0] : memref<1000x128xf32, #tpu.memory_space<vmem>>, vector<1000x1xf32>
    %get3A_2 = arith.constant 0 : index
    %get3A_3 = arith.constant 0 : index
    %get3A_4 = vector.load %arg4[%get3A_2, %get3A_3] : memref<1000x128xf32, #tpu.memory_space<vmem>>, vector<1000x1xf32>
    %add3A = arith.addf %get3A_1, %get3A_4 : vector<1000x1xf32>
    %max3A = arith.constant 1.000000e+00 : f32
    %max3A_5 = vector.broadcast %max3A : f32 to vector<1000x1xf32>
    %max3A_6 = arith.maximumf %add3A, %max3A_5 : vector<1000x1xf32>
    %get3A_7 = arith.constant 0 : index
    %get3A_8 = arith.constant 0 : index
    %get3A_9 = vector.load %arg1[%get3A_7, %get3A_8] : memref<1000x128xf32, #tpu.memory_space<vmem>>, vector<1000x128xf32>
    %get3A_10 = arith.constant 0 : index
    %get3A_11 = arith.constant 0 : index
    %get3A_12 = vector.load %arg2[%get3A_10, %get3A_11] : memref<1000x128xf32, #tpu.memory_space<vmem>>, vector<1000x128xf32>
    %concatenate3A = tpu.concatenate %get3A_9, %get3A_12 in 1 : vector<1000x128xf32>, vector<1000x128xf32> -> vector<1000x256xf32>
    %div3A = vector.broadcast %max3A_6 : vector<1000x1xf32> to vector<1000x256xf32>
    %div3A_13 = arith.divf %concatenate3A, %div3A : vector<1000x256xf32>
    %get3A_14 = arith.constant 0 : index
    %get3A_15 = arith.constant 0 : index
    %get3A_16 = vector.load %arg5[%get3A_14, %get3A_15] : memref<1000x128xf32, #tpu.memory_space<vmem>>, vector<1000x128xf32>
    %get3A_17 = arith.constant 0 : index
    %get3A_18 = arith.constant 0 : index
    %get3A_19 = vector.load %arg6[%get3A_17, %get3A_18] : memref<1000x128xf32, #tpu.memory_space<vmem>>, vector<1000x128xf32>
    %concatenate3A_20 = tpu.concatenate %get3A_16, %get3A_19 in 1 : vector<1000x128xf32>, vector<1000x128xf32> -> vector<1000x256xf32>
    %get3A_21 = arith.constant 0 : index
    %get3A_22 = arith.constant 0 : index
    %get3A_23 = vector.load %arg7[%get3A_21, %get3A_22] : memref<256x256xf32, #tpu.memory_space<vmem>>, vector<256x256xf32>
    %dot_general3A = arith.constant dense<0.000000e+00> : vector<1000x256xf32>
    %dot_general3A_24 = tpu.matmul %div3A_13, %get3A_23, %dot_general3A {dimension_numbers = #tpu.dot_dimension_numbers<[1], [0], [0], [1], [0, 0, 1, 1], [], []>, transpose_lhs_hint = false} : vector<1000x256xf32>, vector<256x256xf32>, vector<1000x256xf32> -> vector<1000x256xf32>
    %get3A_25 = arith.constant 0 : index
    %get3A_26 = arith.constant 0 : index
    %get3A_27 = vector.load %arg9[%get3A_25, %get3A_26] : memref<256x256xf32, #tpu.memory_space<vmem>>, vector<256x256xf32>
    %dot_general3A_28 = arith.constant dense<0.000000e+00> : vector<1000x256xf32>
    %dot_general3A_29 = tpu.matmul %concatenate3A_20, %get3A_27, %dot_general3A_28 {dimension_numbers = #tpu.dot_dimension_numbers<[1], [0], [0], [1], [0, 0, 1, 1], [], []>, transpose_lhs_hint = false} : vector<1000x256xf32>, vector<256x256xf32>, vector<1000x256xf32> -> vector<1000x256xf32>
    %add3A_30 = arith.addf %dot_general3A_24, %dot_general3A_29 : vector<1000x256xf32>
    %get3A_31 = arith.constant 0 : index
    %get3A_32 = arith.constant 0 : index
    %get3A_33 = vector.load %arg8[%get3A_31, %get3A_32] : memref<1x256xf32, #tpu.memory_space<vmem>>, vector<1x256xf32>
    %add3A_34 = vector.broadcast %get3A_33 : vector<1x256xf32> to vector<1000x256xf32>
    %add3A_35 = arith.addf %add3A_30, %add3A_34 : vector<1000x256xf32>
    %swap3A = arith.constant 0 : index
    %swap3A_36 = arith.constant 0 : index
    %swap3A_37 = vector.load %arg10[%swap3A, %swap3A_36] : memref<1000x256xf32, #tpu.memory_space<vmem>>, vector<1000x256xf32>
    tpu.vector_store %arg10[%swap3A, %swap3A_36], %add3A_35 {strides = array<i32>} : memref<1000x256xf32, #tpu.memory_space<vmem>>, vector<1000x256xf32>,
    return
  }
  func.func @transform_0(%arg0: i32) -> (i32, i32) {
    %c0_i32 = arith.constant 0 : i32
    %c0_i32_0 = arith.constant 0 : i32
    return %arg0, %c0_i32 : i32, i32
  }
  func.func @transform_1(%arg0: i32) -> (i32, i32) {
    %c0_i32 = arith.constant 0 : i32
    %c0_i32_0 = arith.constant 0 : i32
    return %arg0, %c0_i32 : i32, i32
  }
  func.func @transform_2(%arg0: i32) -> (i32, i32) {
    %c0_i32 = arith.constant 0 : i32
    %c0_i32_0 = arith.constant 0 : i32
    return %arg0, %c0_i32 : i32, i32
  }
  func.func @transform_3(%arg0: i32) -> (i32, i32) {
    %c0_i32 = arith.constant 0 : i32
    %c0_i32_0 = arith.constant 0 : i32
    return %arg0, %c0_i32 : i32, i32
  }
  func.func @transform_4(%arg0: i32) -> (i32, i32) {
    %c0_i32 = arith.constant 0 : i32
    %c0_i32_0 = arith.constant 0 : i32
    return %arg0, %c0_i32 : i32, i32
  }
  func.func @transform_5(%arg0: i32) -> (i32, i32) {
    %c0_i32 = arith.constant 0 : i32
    %c0_i32_0 = arith.constant 0 : i32
    return %arg0, %c0_i32 : i32, i32
  }
  func.func @transform_6(%arg0: i32) -> (i32, i32) {
    %c0_i32 = arith.constant 0 : i32
    %c0_i32_0 = arith.constant 0 : i32
    %c0_i32_1 = arith.constant 0 : i32
    return %c0_i32, %c0_i32_0 : i32, i32
  }
  func.func @transform_7(%arg0: i32) -> (i32, i32) {
    %c0_i32 = arith.constant 0 : i32
    %c0_i32_0 = arith.constant 0 : i32
    %c0_i32_1 = arith.constant 0 : i32
    return %c0_i32, %c0_i32_0 : i32, i32
  }
  func.func @transform_8(%arg0: i32) -> (i32, i32) {
    %c0_i32 = arith.constant 0 : i32
    %c0_i32_0 = arith.constant 0 : i32
    %c0_i32_1 = arith.constant 0 : i32
    return %c0_i32, %c0_i32_0 : i32, i32
  }
  func.func @transform_9(%arg0: i32) -> (i32, i32) {
    %c0_i32 = arith.constant 0 : i32
    %c0_i32_0 = arith.constant 0 : i32
    return %arg0, %c0_i32 : i32, i32
  }
}

</mosaic_0001>

<sc_bundles>
// kernel: kernel.6.cloned.1.call-start
scs
__scs_entry_jumppad:
0x0: {  	(pc) =	sbr.rel $0x88, $3  }
0x1: {  	(tag) =	ssettag $0x0;
	lr =	simm.s32 $0x1  }
0x2: {  	[smem:$0x3F99] =	sst lr;
	_ =	strace $0xD0000000  }
0x3: {  	_ = 	snop  }
0x4: {  	_ = 	snop  }
0x5: {  	_ = 	snop  }
0x6: {  	_ = 	snop  }
0x7: {  	_ = 	snop  }
__scs_overlays_trampoline_lowered:
0x8: {  	[smem:$0x3FA8] =	sst s0  }
0x9: {  	[smem:$0x3FA9] =	sst s1  }
0xa: {  	[smem:$0x3FAA] =	sst s2  }
0xb: {  	[smem:$0x3FAB] =	sst s3  }
0xc: {  	[smem:$0x3FAC] =	sst s4  }
0xd: {  	[smem:$0x3FAD] =	sst s5  }
0xe: {  	[smem:$0x3FAE] =	sst s6  }
0xf: {  	[smem:$0x3FAF] =	sst s7  }
0x10: {  	[smem:$0x3FB0] =	sst s8  }
0x11: {  	[smem:$0x3FB1] =	sst s9;
	s0 =	simm.s32 @!p0 $0x0  }
0x12: {  	s1 =	sld [smem:$0x3F97];
	s0 =	simm.s32 @p0 $0x1  }
0x13: {  	[smem:$0x3FB2] =	sst s0;
	s0 =	simm.s32 @!p1 $0x0  }
0x14: {  	s2 =	sld [smem:$0x3F96];
	s0 =	simm.s32 @p1 $0x1  }
0x15: {  	[smem:$0x3FB3] =	sst s0;
	s0 =	simm.s32 @!p2 $0x0  }
0x16: {  	s3 =	sld [smem:$0x3FDB];
	s0 =	simm.s32 @p2 $0x1  }
0x17: {  	s4 =	simm.s32 $0x1BF5;
	[smem:$0x3FB5] =	sst s0  }
0x18: {  	s0 =	sld [smem:$0x3F98];
	_ =	swait.ge [sflag:s4], $0x0  }
0x19: {  	s7 =	sld [smem:$0x3F99]  }
0x1a: {  	s8 =	sadd.s32 $0xFFFFE003, lr  }
0x1b: {  	s9 =	sadd.s32 $0xFFFFFEF7, lr;
	s5 =	simm.s32 $0xFFFFFFFF;
	p2 =	slt.u32 s8, $0xFFFFF086  }
0x1c: {  	p1 =	slt.u32 s9, $0xF7A;
	s5 =	simm.s32 @!p2 $0x0  }
0x1d: {  	s5 =	simm.s32 @p1 $0x1;
	p0 =	seq.s32 s7, s2  }
0x1e: {  	s7 =	smul.u32 @!p0 $0xF7A, s2;
	p2 =	seq.s32 @!p0 s5, $0x0  }
0x1f: {  	s9 =	smul.u32 $0xF7A, s1;
	s8 =	simm.s32 @!p0 $0x1BF5;
	p2 =	por !p2, p0  }
0x20: {  	[sflag:s8] =	ssyncset.s32 @!p0 $0xFFFFF086;
	s6 =	sadd.s32 @!p0 s3, s7;
	s7 =	simm.s32 @!p0 $0x108  }
0x21: {  	s3 =	sadd.s32 s3, s9;
	s6 =	sadd.s32 @!p0 $0x88, s6;
	s7 =	simm.s32 @p2 $0x1082  }
0x22: {  	[simem:s7], [sflag:s8] =	dma.local @!p0 [hbm:s6], $0xF7A  }
0x23: {  	s9 =	sor.u32 $0xD0000000, s2;
	s6 =	simm.s32 $0x108;
	_ =	swait.ge @!p0 [sflag:s8], $0x0  }
0x24: {  	s3 =	sadd.s32 $0x88, s3;
	s6 =	simm.s32 @!p1 $0x1082;
	[sflag:s4] =	ssyncset.s32 $0xFFFFF086  }
0x25: {  	[simem:s6], [sflag:s4] =	dma.local [hbm:s3], $0xF7A  }
0x26: {  	[smem:$0x3F99] =	sst s1;
	(tag) =	ssettag s2;
	_ =	strace s9  }
0x27: {  	s1 =	sld [smem:$0x3FA9]  }
0x28: {  	s2 =	sld [smem:$0x3FAA]  }
0x29: {  	s4 =	sld [smem:$0x3FAC]  }
0x2a: {  	p0 =	seq.s32 s5, $0x0;
	s5 =	sld [smem:$0x3FAD]  }
0x2b: {  	s6 =	sld [smem:$0x3FAE]  }
0x2c: {  	s7 =	sld [smem:$0x3FAF]  }
0x2d: {  	s3 =	simm.s32 $0x108;
	s8 =	sld [smem:$0x3FB0]  }
0x2e: {  	s3 =	simm.s32 @!p0 $0x1082;
	s9 =	sld [smem:$0x3FB1]  }
0x2f: {  	lr =	sadd.s32 s0, s3;
	s0 =	sld [smem:$0x3FA8]  }
0x30: {  	s3 =	sld [smem:$0x3FAB]  }
0x31: {  	[smem:$0x3FB4] =	sst s10  }
0x32: {  	s10 =	sld [smem:$0x3FB2];
	_ =	sdelay $0x3  }
0x33: {  	p0 =	seq.s32 s10, $0x1;
	s10 =	sld [smem:$0x3FB4];
	_ =	sdelay $0x3  }
0x34: {  	[smem:$0x3FB4] =	sst s10  }
0x35: {  	s10 =	sld [smem:$0x3FB3];
	_ =	sdelay $0x3  }
0x36: {  	p1 =	seq.s32 s10, $0x1;
	s10 =	sld [smem:$0x3FB4];
	_ =	sdelay $0x3  }
0x37: {  	[smem:$0x3FB4] =	sst s10  }
0x38: {  	s10 =	sld [smem:$0x3FB5]  }
0x39: {  	_ = 	snop;
	(pc) =	sbr.ind lr, $3  }
0x3a: {  	_ = 	snop  }
0x3b: {  	_ = 	snop  }
0x3c: {  	p2 =	seq.s32 s10, $0x1;
	s10 =	sld [smem:$0x3FB4]  }
0x3d: {  	_ =	shalt  }
0x3e: {  	_ =	shalt  }
0x3f: {  	_ =	shalt  }
0x40: {  	_ =	shalt  }
0x41: {  	_ =	shalt  }
0x42: {  	_ =	shalt  }
0x43: {  	_ =	shalt  }
0x44: {  	_ =	shalt  }
0x45: {  	_ =	shalt  }
0x46: {  	_ =	shalt  }
0x47: {  	_ =	shalt  }
0x48: {  	_ =	shalt  }
0x49: {  	_ =	shalt  }
0x4a: {  	_ =	shalt  }
0x4b: {  	_ =	shalt  }
0x4c: {  	_ =	shalt  }
0x4d: {  	_ =	shalt  }
0x4e: {  	_ =	shalt  }
0x4f: {  	_ =	shalt  }
0x50: {  	_ =	shalt  }
0x51: {  	_ =	shalt  }
0x52: {  	_ =	shalt  }
0x53: {  	_ =	shalt  }
0x54: {  	_ =	shalt  }
0x55: {  	_ =	shalt  }
0x56: {  	_ =	shalt  }
0x57: {  	_ =	shalt  }
0x58: {  	_ =	shalt  }
0x59: {  	_ =	shalt  }
0x5a: {  	_ =	shalt  }
0x5b: {  	_ =	shalt  }
0x5c: {  	_ =	shalt  }
0x5d: {  	_ =	shalt  }
0x5e: {  	_ =	shalt  }
0x5f: {  	_ =	shalt  }
0x60: {  	_ =	shalt  }
0x61: {  	_ =	shalt  }
0x62: {  	_ =	shalt  }
0x63: {  	_ =	shalt  }
0x64: {  	_ =	shalt  }
0x65: {  	_ =	shalt  }
0x66: {  	_ =	shalt  }
0x67: {  	_ =	shalt  }
0x68: {  	_ =	shalt  }
0x69: {  	_ =	shalt  }
0x6a: {  	_ =	shalt  }
0x6b: {  	_ =	shalt  }
0x6c: {  	_ =	shalt  }
0x6d: {  	_ =	shalt  }
0x6e: {  	_ =	shalt  }
0x6f: {  	_ =	shalt  }
0x70: {  	_ =	shalt  }
0x71: {  	_ =	shalt  }
0x72: {  	_ =	shalt  }
0x73: {  	_ =	shalt  }
0x74: {  	_ =	shalt  }
0x75: {  	_ =	shalt  }
0x76: {  	_ =	shalt  }
0x77: {  	_ =	shalt  }
0x78: {  	_ =	shalt  }
0x79: {  	_ =	shalt  }
0x7a: {  	_ =	shalt  }
0x7b: {  	_ =	shalt  }
0x7c: {  	_ =	shalt  }
0x7d: {  	_ =	shalt  }
0x7e: {  	_ =	shalt  }
0x7f: {  	_ =	shalt  }
0x80: {  	_ =	shalt  }
0x81: {  	_ =	shalt  }
0x82: {  	_ =	shalt  }
0x83: {  	_ =	shalt  }
0x84: {  	_ =	shalt  }
0x85: {  	_ =	shalt  }
0x86: {  	_ =	shalt  }
0x87: {  	_ =	shalt  }
.Lfunc_end0:
.L_simem_size_0:
called_computation_lowered:
.L_overlay_start_0:
0x88: {  	s2 =	sld [smem:$0x3FD9]  }
0x89: {  	s3 =	sld [smem:$0x3FFE];
	_ =	sdelay $0x1  }
0x8a: {  	s1 =	srdreg.scid  }
0x8b: {  	s0 =	sand.u32 $0x1, s1  }
0x8c: {  	s17 =	sshll.u32 s0, $0xA;
	s2 =	sadd.s32 s3, s2  }
0x8d: {  	s2 =	sadd.s32 s2, s17  }
0x8e: {  	[smem:$0x3FC0] =	sst s2  }
0x8f: {  	_ = 	snop  }
0x90: {  	s2 =	sld [smem:$0x3FD0];
	(tm) =	ssettm $0x1  }
0x91: {  	s18 =	sld [smem:$0x3FFB];
	_ =	sdelay $0x3  }
0x92: {  	_ =	strace s18  }
0x93: {  	s3 =	sld [smem:$0x3FFC];
	_ =	sdelay $0x3  }
0x94: {  	_ =	strace s3  }
0x95: {  	s3 =	sld [smem:$0x3FFD];
	_ =	sdelay $0x3  }
0x96: {  	_ =	strace s3  }
0x97: {  	_ =	strace $0x8FFFFFFF  }
0x98: {  	s19 =	sld [smem:$0x3FDB];
	_ =	sdelay $0x1  }
0x99: {  	s4 =	simm.s32 $_scs_section_size  }
0x9a: {  	s5 =	simm.s32 $_size__tile_overlayer_lowered;
	s6 =	simm.s32 $_tile_overlayer_lowered  }
0x9b: {  	s22 =	simm.s32 $0x1BFF;
	s21 =	sshll.u32 s6, $0x1;
	s3 =	sadd.s32 s4, s19  }
0x9c: {  	s7 =	simm.s32 $0x0;
	s20 =	sshll.u32 s5, $0x1;
	s5 =	sadd.s32 s21, s3  }
0x9d: {  	[timem:s7], [sflag:s22] =	dma.local [hbm:s5], s20  }
0x9e: {  	_ =	swait.ge [sflag:s22], s20  }
0x9f: {  	s4 =	ssub.s32 $0x0, s20;
	[sflag:s22] =	ssyncset.done $0x0  }
0xa0: {  	[sflag:s22] =	ssyncadd.s32 s4;
	_ =	sdelay $0x1  }
0xa1: {  	s23 =	simm.s32 $0x1B8B  }
0xa2: {  	_ =	swait.ge [sflag:s23], $0x1  }
0xa3: {  	[sflag:s23] =	ssyncset.done $0x0  }
0xa4: {  	s25 =	simm.s32 $0x1B8E;
	s24 =	sld [smem:$0x3FFE];
	[sflag:s23] =	ssyncadd.s32 $0xFFFFFFFF  }
0xa5: {  	s26 =	simm.s32 $execute0_lowered;
	[smem:$0x3FD2] =	sst s25  }
0xa6: {  	s5 =	sshll.u32 s26, $0x1;
	_ =	strace $0x80000046;
	[dreg:$0x1] =	wrdreg $0xFFFFFFFF  }
0xa7: {  	s28 =	simm.s32 $_size_execute0_lowered;
	s3 =	sadd.s32 s3, s5;
	[dreg:$0x0] =	wrdreg $0x0  }
0xa8: {  	s5 =	sshll.u32 s28, $0x1;
	[dreg:$0x2] =	wrdreg s3  }
0xa9: {  	[dreg:$0x3] =	wrdreg s5  }
0xaa: {  	[dreg:$0x4] =	wrdreg $0xC0  }
0xab: {  	_ =	task [dreg:s7], $0x5FFFF  }
0xac: {  	[dreg:$0x1] =	wrdreg $0xFFFFFFFF  }
0xad: {  	[dreg:$0x0] =	wrdreg $0x60  }
0xae: {  	[dreg:$0x2] =	wrdreg s2  }
0xaf: {  	[dreg:$0x3] =	wrdreg s24  }
0xb0: {  	[dreg:$0x4] =	wrdreg $0xAA000  }
0xb1: {  	[dreg:$0x5] =	wrdreg $0x9  }
0xb2: {  	_ =	task.clear_ibuf [dreg:s7], $0x6FFFF;
	_ =	strace $0x90000046  }
0xb3: {  	s29 =	simm.s32 $0x9;
	_ =	strace $0x80000048  }
0xb4: {  	_ =	swait.ge [sflag:s29], $0x1  }
0xb5: {  	[sflag:s29] =	ssyncadd.s32 $0xFFFFFFFF  }
0xb6: {  	_ =	strace $0x90000048  }
0xb7: {  	_ =	sfence  }
0xb8: {  	s30 =	sld [smem:$0x0];
	_ =	sdelay $0x2  }
0xb9: {  	s31 =	sshll.u32 s1, $0xD;
	s1 =	sshrl.u32 s1, $0x2  }
0xba: {  	s3 =	sand.u32 $0x4000, s31;
	s1 =	sadd.s32 s1, s30  }
0xbb: {  	s0 =	sor.u32 s3, s0;
	s1 =	sshll.u32 s1, $0x11  }
0xbc: {  	s0 =	sor.u32 s1, s0  }
0xbd: {  	s0 =	sadd.s32 $0x8F2B, s0  }
0xbe: {  	[sflag:s0] =	ssyncadd.remote.s32 $0x1  }
0xbf: {  	_ =	sfence.sel $0xFFFF  }
0xc0: {  	[dreg:$0x0] =	wrdreg $0xFFFFFFFF;
	(pc) =	sbr.abs _section_cstart, $3  }
0xc1: {  	[dreg:$0x1] =	wrdreg $0xFFFFFFFF  }
0xc2: {  	_ =	task.clear_ibuf [dreg:s7], $0x2FFFF;
	_ =	strace $0x9FFFFFFF  }
0xc3: {  	(tm) =	ssettm $0x7FFFFFFF  }
tec
execute0_lowered:
.L_overlay_start_1:
0x0: {  	(tag) =	ssettag $0x1  }
0x1: {  	s0 =	rddreg [dreg:$0x0]  }
0x2: {  	s1 =	rddreg [dreg:$0x1]  }
0x3: {  	s2 =	rddreg [dreg:$0x2]  }
0x4: {  	s3 =	simm.s32 $0x0;
	s15 =	stileid.u32;
	s4 =	srdreg.scid  }
0x5: {  	s28 =	simm.s32 $0xA980;
	s29 =	simm.s32 $0x3;
	s24 =	smul.u32 $0x2800, s15  }
0x6: {  	s30 =	simm.s32 $0x4;
	s31 =	simm.s32 $0x0;
	s8 =	smul.u32 $0x50000, s15  }
0x7: {  	[smem:$0x7FF] =	sst s3;
	s4 =	sand.u32 $0x1, s4;
	s18 =	smul.u32 $0x500, s15  }
0x8: {  	s10 =	sadd.s32 $0x7E00, s1;
	s19 =	sshll.u32 s15, $0x6;
	s15 =	smul.u32 $0x280, s15  }
0x9: {  	s12 =	sadd.s32 $0x2E00, s1;
	s9 =	sadd.s32 $0x34E00, s1;
	s5 =	smul.u32 $0x28000, s4  }
0xa: {  	_ =	strace $0x80000047;
	s7 =	ssub.s32 $0x2, s4;
	s20 =	smul.u32 $0x27100, s4  }
0xb: {  	[dreg:$0x4] =	wrdreg s9;
	s4 =	smul.u32 $0x2800, s4;
	s6 =	sadd.s32 s24, s1  }
0xc: {  	s16 =	sshrl.u32 s7, $0x1;
	s17 =	sshrl.u32 s8, $0x2;
	s21 =	sadd.s32 s10, s18  }
0xd: {  	s11 =	sshrl.u32 s24, $0x3;
	s8 =	sadd.s32 s12, s18;
	s18 =	simm.s32 $0xA800  }
0xe: {  	s1 =	sadd.s32 s5, s1;
	s13 =	ssub.s32 s7, s16;
	s14 =	sadd.s32 s17, s2  }
0xf: {  	s5 =	sadd.s32 $0xCE00, s6;
	s6 =	sor.u32 $0x1C05, s19;
	[dreg:$0x5] =	wrdreg s21  }
0x10: {  	s9 =	sadd.s32 s0, s20;
	s22 =	sadd.s32 $0x280, s11;
	s23 =	sadd.s32 s15, s4  }
0x11: {  	s15 =	simm.s32 $0x5;
	s16 =	simm.s32 $0x1400;
	s17 =	simm.s32 $0x80  }
0x12: {  	s19 =	simm.s32 $0x2800;
	s20 =	simm.s32 $0xA880;
	s21 =	simm.s32 $0x6800  }
0x13: {  	s10 =	sadd.s32 s10, s22;
	s11 =	sadd.s32 s12, s22;
	s25 =	sadd.s32 $0x85600, s1  }
0x14: {  	s12 =	sadd.s32 s12, s23;
	s26 =	sadd.s32 $0x35600, s1;
	s13 =	smax.u32 s13, $0x1  }
0x15: {  	s14 =	sshrl.u32 s14, $0x3;
	s22 =	simm.s32 $0x1;
	s23 =	sadd.s32 s24, s25  }
0x16: {  	s24 =	sadd.s32 s24, s26;
	s25 =	simm.s32 $0xA900;
	s26 =	simm.s32 $0x2  }
.LBB2_1:
0x17: {  	[spmem:s14], [sflag:s6] =	dma.local [hbm:s5], $0x2800  }
0x18: {  	_ =	swait.ge [sflag:s15], $0x2800  }
0x19: {  	[sflag:s15] =	ssyncset.done $0x0  }
0x1a: {  	[sflag:s15] =	ssyncadd.s32 $0xFFFFD800  }
0x1b: {  	[bflag:$0x0] =	sbarrier.arrive $0xFFFF  }
0x1c: {  	s0 =	rddreg [dreg:$0x5]  }
0x1d: {  	[tilespmem:s3], [sflag:$0x5] =	stream.linear.gather [hbm4b:s0+s3], $0x1400, $0x38;
	[tilespmem:$0x1EA00] =	vst v63  }
0x1e: {  	_ =	swait.ge [sflag:s15], $0x1400  }
0x1f: {  	[sflag:s15] =	ssyncset.done $0x0  }
0x20: {  	[sflag:s15] =	ssyncadd.s32 $0xFFFFEC00  }
0x21: {  	[tilespmem:s16], [sflag:$0x5] =	stream.linear.gather [hbm4b:s8+s3], $0x1400, $0x38;
	[tilespmem:$0x1EA00] =	vst v63  }
0x22: {  	_ =	swait.ge [sflag:s15], $0x1400  }
0x23: {  	p0 =	por $0x1, $0x1;
	[sflag:s15] =	ssyncset.done $0x0  }
0x24: {  	s0 =	simm.s32 @!p0 $0x3;
	[sflag:s15] =	ssyncadd.s32 $0xFFFFEC00  }
0x25: {  	_ =	swait.ge @!p0 [sflag:s0], $0x4000  }
0x26: {  	[sflag:s0] =	ssyncset.done @!p0 $0x0  }
0x27: {  	s4 =	simm.s32 $0x0;
	[sflag:s0] =	ssyncadd.s32 @!p0 $0xFFFFC000  }
0x28: {  	v0 =	vld [tilespmem:s4+$0x0];
	_ =	sdelay $0x4  }
0x29: {  	[tilespmem:$0xA800] =	vst v0  }
0x2a: {  	v0 =	vld [tilespmem:s4+$0x10];
	_ =	sdelay $0x4  }
0x2b: {  	[tilespmem:$0xA810] =	vst v0  }
0x2c: {  	v0 =	vld [tilespmem:s4+$0x20];
	_ =	sdelay $0x4  }
0x2d: {  	[tilespmem:$0xA820] =	vst v0  }
0x2e: {  	v0 =	vld [tilespmem:s4+$0x30];
	_ =	sdelay $0x4  }
0x2f: {  	[tilespmem:$0xA830] =	vst v0  }
0x30: {  	v0 =	vld [tilespmem:s4+$0x40];
	_ =	sdelay $0x4  }
0x31: {  	[tilespmem:$0xA840] =	vst v0  }
0x32: {  	v0 =	vld [tilespmem:s4+$0x50];
	_ =	sdelay $0x4  }
0x33: {  	[tilespmem:$0xA850] =	vst v0  }
0x34: {  	v0 =	vld [tilespmem:s4+$0x60];
	_ =	sdelay $0x4  }
0x35: {  	[tilespmem:$0xA860] =	vst v0  }
0x36: {  	v0 =	vld [tilespmem:s4+$0x70];
	_ =	sdelay $0x4  }
0x37: {  	s0 =	simm.s32 @!p0 $0x4;
	[tilespmem:$0xA870] =	vst v0  }
0x38: {  	[tilespmem:s19], [sflag:$0x1] =	stream.indirect.gather [hbm4b:s9+s17], $0x80, s18, s17, $0xb8;
	[tilespmem:$0x1EA00] =	vst v63  }
0x39: {  	_ =	swait.ge @!p0 [sflag:s0], $0x4000  }
0x3a: {  	[sflag:s0] =	ssyncset.done @!p0 $0x0  }
0x3b: {  	[sflag:s0] =	ssyncadd.s32 @!p0 $0xFFFFC000  }
0x3c: {  	v0 =	vld [tilespmem:s4+$0x80];
	_ =	sdelay $0x4  }
0x3d: {  	[tilespmem:$0xA880] =	vst v0  }
0x3e: {  	v0 =	vld [tilespmem:s4+$0x90];
	_ =	sdelay $0x4  }
0x3f: {  	[tilespmem:$0xA890] =	vst v0  }
0x40: {  	v0 =	vld [tilespmem:s4+$0xA0];
	_ =	sdelay $0x4  }
0x41: {  	[tilespmem:$0xA8A0] =	vst v0  }
0x42: {  	v0 =	vld [tilespmem:s4+$0xB0];
	_ =	sdelay $0x4  }
0x43: {  	[tilespmem:$0xA8B0] =	vst v0  }
0x44: {  	v0 =	vld [tilespmem:s4+$0xC0];
	_ =	sdelay $0x4  }
0x45: {  	[tilespmem:$0xA8C0] =	vst v0  }
0x46: {  	v0 =	vld [tilespmem:s4+$0xD0];
	_ =	sdelay $0x4  }
0x47: {  	[tilespmem:$0xA8D0] =	vst v0  }
0x48: {  	v0 =	vld [tilespmem:s4+$0xE0];
	_ =	sdelay $0x4  }
0x49: {  	[tilespmem:$0xA8E0] =	vst v0  }
0x4a: {  	v0 =	vld [tilespmem:s4+$0xF0];
	_ =	sdelay $0x4  }
0x4b: {  	[tilespmem:$0xA8F0] =	vst v0  }
0x4c: {  	[tilespmem:s21], [sflag:$0x2] =	stream.indirect.gather [hbm4b:s9+s17], $0x80, s20, s17, $0xb8;
	[tilespmem:$0x1EA00] =	vst v63  }
0x4d: {  	_ =	swait.ge [sflag:s22], $0x4000  }
0x4e: {  	[sflag:s22] =	ssyncset.done $0x0  }
0x4f: {  	[sflag:s22] =	ssyncadd.s32 $0xFFFFC000  }
0x50: {  	v0 =	vld [tilespmem:s4+$0x1400];
	_ =	sdelay $0x4  }
0x51: {  	[tilespmem:$0xA900] =	vst v0  }
0x52: {  	v0 =	vld [tilespmem:s4+$0x1410];
	_ =	sdelay $0x4  }
0x53: {  	[tilespmem:$0xA910] =	vst v0  }
0x54: {  	v0 =	vld [tilespmem:s4+$0x1420];
	_ =	sdelay $0x4  }
0x55: {  	[tilespmem:$0xA920] =	vst v0  }
0x56: {  	v0 =	vld [tilespmem:s4+$0x1430];
	_ =	sdelay $0x4  }
0x57: {  	[tilespmem:$0xA930] =	vst v0  }
0x58: {  	v0 =	vld [tilespmem:s4+$0x1440];
	_ =	sdelay $0x4  }
0x59: {  	[tilespmem:$0xA940] =	vst v0  }
0x5a: {  	v0 =	vld [tilespmem:s4+$0x1450];
	_ =	sdelay $0x4  }
0x5b: {  	[tilespmem:$0xA950] =	vst v0  }
0x5c: {  	v0 =	vld [tilespmem:s4+$0x1460];
	_ =	sdelay $0x4  }
0x5d: {  	[tilespmem:$0xA960] =	vst v0  }
0x5e: {  	v0 =	vld [tilespmem:s4+$0x1470];
	_ =	sdelay $0x4  }
0x5f: {  	[tilespmem:$0xA970] =	vst v0  }
0x60: {  	[spmem:s2] =	stream.indirect.scatter.add.f32 [tilespmem:s19], [sflag:$0x3], $0x80, s25, s17, $0xb8;
	[tilespmem:$0x1EA00] =	vst v63  }
0x61: {  	_ =	swait.ge [sflag:s26], $0x4000  }
0x62: {  	[sflag:s26] =	ssyncset.done $0x0  }
0x63: {  	[sflag:s26] =	ssyncadd.s32 $0xFFFFC000  }
0x64: {  	v0 =	vld [tilespmem:s4+$0x1480];
	_ =	sdelay $0x4  }
0x65: {  	[tilespmem:$0xA980] =	vst v0  }
0x66: {  	v0 =	vld [tilespmem:s4+$0x1490];
	_ =	sdelay $0x4  }
0x67: {  	[tilespmem:$0xA990] =	vst v0  }
0x68: {  	v0 =	vld [tilespmem:s4+$0x14A0];
	_ =	sdelay $0x4  }
0x69: {  	[tilespmem:$0xA9A0] =	vst v0  }
0x6a: {  	v0 =	vld [tilespmem:s4+$0x14B0];
	_ =	sdelay $0x4  }
0x6b: {  	[tilespmem:$0xA9B0] =	vst v0  }
0x6c: {  	v0 =	vld [tilespmem:s4+$0x14C0];
	_ =	sdelay $0x4  }
0x6d: {  	[tilespmem:$0xA9C0] =	vst v0  }
0x6e: {  	v0 =	vld [tilespmem:s4+$0x14D0];
	_ =	sdelay $0x4  }
0x6f: {  	[tilespmem:$0xA9D0] =	vst v0  }
0x70: {  	v0 =	vld [tilespmem:s4+$0x14E0];
	_ =	sdelay $0x4  }
0x71: {  	[tilespmem:$0xA9E0] =	vst v0  }
0x72: {  	v0 =	vld [tilespmem:s4+$0x14F0];
	_ =	sdelay $0x3  }
0x73: {  	s1 =	simm.s32 $0x800;
	p1 =	por $0x0, $0x0;
	s0 =	simm.s32 $0x400  }
.LBB2_2:
0x74: {  	s4 =	simm.s32 @!p1 $0x3;
	[tilespmem:$0xA9F0] =	vst v0;
	s7 =	smov.u32 s1;
	s1 =	sadd.s32 $0x400, s1  }
0x75: {  	[spmem:s2] =	stream.indirect.scatter.add.f32 [tilespmem:s21], [sflag:$0x4], $0x80, s28, s17, $0xb8;
	[tilespmem:$0x1EA00] =	vst v63  }
0x76: {  	p0 =	sne.s32 s1, $0x5000;
	_ =	swait.ge @!p1 [sflag:s4], $0x4000  }
0x77: {  	[sflag:s4] =	ssyncset.done @!p1 $0x0  }
0x78: {  	[sflag:s4] =	ssyncadd.s32 @!p1 $0xFFFFC000;
	s4 =	sshra.s32 s0, $0x2;
	s0 =	smov.u32 s7  }
0x79: {  	v0 =	vld [tilespmem:s4+$0x0];
	_ =	sdelay $0x4  }
0x7a: {  	[tilespmem:$0xA800] =	vst v0  }
0x7b: {  	v0 =	vld [tilespmem:s4+$0x10];
	_ =	sdelay $0x4  }
0x7c: {  	[tilespmem:$0xA810] =	vst v0  }
0x7d: {  	v0 =	vld [tilespmem:s4+$0x20];
	_ =	sdelay $0x4  }
0x7e: {  	[tilespmem:$0xA820] =	vst v0  }
0x7f: {  	v0 =	vld [tilespmem:s4+$0x30];
	_ =	sdelay $0x4  }
0x80: {  	[tilespmem:$0xA830] =	vst v0  }
0x81: {  	v0 =	vld [tilespmem:s4+$0x40];
	_ =	sdelay $0x4  }
0x82: {  	[tilespmem:$0xA840] =	vst v0  }
0x83: {  	v0 =	vld [tilespmem:s4+$0x50];
	_ =	sdelay $0x4  }
0x84: {  	[tilespmem:$0xA850] =	vst v0  }
0x85: {  	v0 =	vld [tilespmem:s4+$0x60];
	_ =	sdelay $0x4  }
0x86: {  	[tilespmem:$0xA860] =	vst v0  }
0x87: {  	v0 =	vld [tilespmem:s4+$0x70];
	_ =	sdelay $0x4  }
0x88: {  	s7 =	simm.s32 @!p1 $0x4;
	[tilespmem:$0xA870] =	vst v0  }
0x89: {  	[tilespmem:s19], [sflag:$0x1] =	stream.indirect.gather [hbm4b:s9+s17], $0x80, s18, s17, $0xb8;
	[tilespmem:$0x1EA00] =	vst v63  }
0x8a: {  	_ =	swait.ge @!p1 [sflag:s7], $0x4000  }
0x8b: {  	[sflag:s7] =	ssyncset.done @!p1 $0x0  }
0x8c: {  	[sflag:s7] =	ssyncadd.s32 @!p1 $0xFFFFC000  }
0x8d: {  	v0 =	vld [tilespmem:s4+$0x80];
	_ =	sdelay $0x4  }
0x8e: {  	[tilespmem:$0xA880] =	vst v0  }
0x8f: {  	v0 =	vld [tilespmem:s4+$0x90];
	_ =	sdelay $0x4  }
0x90: {  	[tilespmem:$0xA890] =	vst v0  }
0x91: {  	v0 =	vld [tilespmem:s4+$0xA0];
	_ =	sdelay $0x4  }
0x92: {  	[tilespmem:$0xA8A0] =	vst v0  }
0x93: {  	v0 =	vld [tilespmem:s4+$0xB0];
	_ =	sdelay $0x4  }
0x94: {  	[tilespmem:$0xA8B0] =	vst v0  }
0x95: {  	v0 =	vld [tilespmem:s4+$0xC0];
	_ =	sdelay $0x4  }
0x96: {  	[tilespmem:$0xA8C0] =	vst v0  }
0x97: {  	v0 =	vld [tilespmem:s4+$0xD0];
	_ =	sdelay $0x4  }
0x98: {  	[tilespmem:$0xA8D0] =	vst v0  }
0x99: {  	v0 =	vld [tilespmem:s4+$0xE0];
	_ =	sdelay $0x4  }
0x9a: {  	[tilespmem:$0xA8E0] =	vst v0  }
0x9b: {  	v0 =	vld [tilespmem:s4+$0xF0];
	_ =	sdelay $0x4  }
0x9c: {  	[tilespmem:$0xA8F0] =	vst v0  }
0x9d: {  	[tilespmem:s21], [sflag:$0x2] =	stream.indirect.gather [hbm4b:s9+s17], $0x80, s20, s17, $0xb8;
	[tilespmem:$0x1EA00] =	vst v63  }
0x9e: {  	_ =	swait.ge [sflag:s22], $0x4000  }
0x9f: {  	[sflag:s22] =	ssyncset.done $0x0  }
0xa0: {  	[sflag:s22] =	ssyncadd.s32 $0xFFFFC000  }
0xa1: {  	v0 =	vld [tilespmem:s4+$0x1400];
	_ =	sdelay $0x4  }
0xa2: {  	[tilespmem:$0xA900] =	vst v0  }
0xa3: {  	v0 =	vld [tilespmem:s4+$0x1410];
	_ =	sdelay $0x4  }
0xa4: {  	[tilespmem:$0xA910] =	vst v0  }
0xa5: {  	v0 =	vld [tilespmem:s4+$0x1420];
	_ =	sdelay $0x4  }
0xa6: {  	[tilespmem:$0xA920] =	vst v0  }
0xa7: {  	v0 =	vld [tilespmem:s4+$0x1430];
	_ =	sdelay $0x4  }
0xa8: {  	[tilespmem:$0xA930] =	vst v0  }
0xa9: {  	v0 =	vld [tilespmem:s4+$0x1440];
	_ =	sdelay $0x4  }
0xaa: {  	[tilespmem:$0xA940] =	vst v0  }
0xab: {  	v0 =	vld [tilespmem:s4+$0x1450];
	_ =	sdelay $0x4  }
0xac: {  	[tilespmem:$0xA950] =	vst v0  }
0xad: {  	v0 =	vld [tilespmem:s4+$0x1460];
	_ =	sdelay $0x4  }
0xae: {  	[tilespmem:$0xA960] =	vst v0  }
0xaf: {  	v0 =	vld [tilespmem:s4+$0x1470];
	_ =	sdelay $0x4  }
0xb0: {  	[tilespmem:$0xA970] =	vst v0  }
0xb1: {  	[spmem:s2] =	stream.indirect.scatter.add.f32 [tilespmem:s19], [sflag:$0x3], $0x80, s25, s17, $0xb8;
	[tilespmem:$0x1EA00] =	vst v63  }
0xb2: {  	_ =	swait.ge [sflag:s26], $0x4000  }
0xb3: {  	[sflag:s26] =	ssyncset.done $0x0  }
0xb4: {  	[sflag:s26] =	ssyncadd.s32 $0xFFFFC000  }
0xb5: {  	v0 =	vld [tilespmem:s4+$0x1480];
	_ =	sdelay $0x4  }
0xb6: {  	[tilespmem:$0xA980] =	vst v0  }
0xb7: {  	v0 =	vld [tilespmem:s4+$0x1490];
	_ =	sdelay $0x4  }
0xb8: {  	[tilespmem:$0xA990] =	vst v0  }
0xb9: {  	v0 =	vld [tilespmem:s4+$0x14A0];
	_ =	sdelay $0x4  }
0xba: {  	[tilespmem:$0xA9A0] =	vst v0  }
0xbb: {  	v0 =	vld [tilespmem:s4+$0x14B0];
	_ =	sdelay $0x4  }
0xbc: {  	[tilespmem:$0xA9B0] =	vst v0  }
0xbd: {  	v0 =	vld [tilespmem:s4+$0x14C0];
	_ =	sdelay $0x4  }
0xbe: {  	[tilespmem:$0xA9C0] =	vst v0  }
0xbf: {  	v0 =	vld [tilespmem:s4+$0x14D0];
	_ =	sdelay $0x4  }
0xc0: {  	[tilespmem:$0xA9D0] =	vst v0  }
0xc1: {  	v0 =	vld [tilespmem:s4+$0x14E0];
	_ =	sdelay $0x4  }
0xc2: {  	[tilespmem:$0xA9E0] =	vst v0  }
.Ltmp0:
0xc3: {  	v0 =	vld [tilespmem:s4+$0x14F0];
	(pc) =	sbr.rel @p0 .LBB2_2-.Ltmp0, $2  }
0xc4: {  	_ =	sdelay $0x2  }
0xc5: {  	p1 =	seq.s32 s0, $0x0  }
0xc6: {  	s1 =	simm.s32 @!p1 $0x3;
	[tilespmem:$0xA9F0] =	vst v0  }
0xc7: {  	[spmem:s2] =	stream.indirect.scatter.add.f32 [tilespmem:s21], [sflag:$0x4], $0x80, s28, s17, $0xb8;
	[tilespmem:$0x1EA00] =	vst v63  }
0xc8: {  	_ =	swait.ge @!p1 [sflag:s1], $0x4000  }
0xc9: {  	[sflag:s1] =	ssyncset.done @!p1 $0x0  }
0xca: {  	s0 =	sshra.s32 s0, $0x2;
	[sflag:s1] =	ssyncadd.s32 @!p1 $0xFFFFC000  }
0xcb: {  	v0 =	vld [tilespmem:s0+$0x0];
	_ =	sdelay $0x4  }
0xcc: {  	[tilespmem:$0xA800] =	vst v0  }
0xcd: {  	v0 =	vld [tilespmem:s0+$0x10];
	_ =	sdelay $0x4  }
0xce: {  	[tilespmem:$0xA810] =	vst v0  }
0xcf: {  	v0 =	vld [tilespmem:s0+$0x20];
	_ =	sdelay $0x4  }
0xd0: {  	[tilespmem:$0xA820] =	vst v0  }
0xd1: {  	v0 =	vld [tilespmem:s0+$0x30];
	_ =	sdelay $0x4  }
0xd2: {  	[tilespmem:$0xA830] =	vst v0  }
0xd3: {  	v0 =	vld [tilespmem:s0+$0x40];
	_ =	sdelay $0x4  }
0xd4: {  	[tilespmem:$0xA840] =	vst v0  }
0xd5: {  	v0 =	vld [tilespmem:s0+$0x50];
	_ =	sdelay $0x4  }
0xd6: {  	[tilespmem:$0xA850] =	vst v0  }
0xd7: {  	v0 =	vld [tilespmem:s0+$0x60];
	_ =	sdelay $0x4  }
0xd8: {  	[tilespmem:$0xA860] =	vst v0  }
0xd9: {  	v0 =	vld [tilespmem:s0+$0x70];
	_ =	sdelay $0x4  }
0xda: {  	s1 =	simm.s32 @!p1 $0x4;
	[tilespmem:$0xA870] =	vst v0  }
0xdb: {  	[tilespmem:s19], [sflag:$0x1] =	stream.indirect.gather [hbm4b:s9+s17], $0x80, s18, s17, $0xb8;
	[tilespmem:$0x1EA00] =	vst v63  }
0xdc: {  	_ =	swait.ge @!p1 [sflag:s1], $0x4000  }
0xdd: {  	[sflag:s1] =	ssyncset.done @!p1 $0x0  }
0xde: {  	[sflag:s1] =	ssyncadd.s32 @!p1 $0xFFFFC000  }
0xdf: {  	v0 =	vld [tilespmem:s0+$0x80];
	_ =	sdelay $0x4  }
0xe0: {  	[tilespmem:$0xA880] =	vst v0  }
0xe1: {  	v0 =	vld [tilespmem:s0+$0x90];
	_ =	sdelay $0x4  }
0xe2: {  	[tilespmem:$0xA890] =	vst v0  }
0xe3: {  	v0 =	vld [tilespmem:s0+$0xA0];
	_ =	sdelay $0x4  }
0xe4: {  	[tilespmem:$0xA8A0] =	vst v0  }
0xe5: {  	v0 =	vld [tilespmem:s0+$0xB0];
	_ =	sdelay $0x4  }
0xe6: {  	[tilespmem:$0xA8B0] =	vst v0  }
0xe7: {  	v0 =	vld [tilespmem:s0+$0xC0];
	_ =	sdelay $0x4  }
0xe8: {  	[tilespmem:$0xA8C0] =	vst v0  }
0xe9: {  	v0 =	vld [tilespmem:s0+$0xD0];
	_ =	sdelay $0x4  }
0xea: {  	[tilespmem:$0xA8D0] =	vst v0  }
0xeb: {  	v0 =	vld [tilespmem:s0+$0xE0];
	_ =	sdelay $0x4  }
0xec: {  	[tilespmem:$0xA8E0] =	vst v0  }
0xed: {  	v0 =	vld [tilespmem:s0+$0xF0];
	_ =	sdelay $0x4  }
0xee: {  	[tilespmem:$0xA8F0] =	vst v0  }
0xef: {  	[tilespmem:s21], [sflag:$0x2] =	stream.indirect.gather [hbm4b:s9+s17], $0x80, s20, s17, $0xb8;
	[tilespmem:$0x1EA00] =	vst v63  }
0xf0: {  	_ =	swait.ge [sflag:s22], $0x4000  }
0xf1: {  	[sflag:s22] =	ssyncset.done $0x0  }
0xf2: {  	[sflag:s22] =	ssyncadd.s32 $0xFFFFC000  }
0xf3: {  	v0 =	vld [tilespmem:s0+$0x1400];
	_ =	sdelay $0x4  }
0xf4: {  	[tilespmem:$0xA900] =	vst v0  }
0xf5: {  	v0 =	vld [tilespmem:s0+$0x1410];
	_ =	sdelay $0x4  }
0xf6: {  	[tilespmem:$0xA910] =	vst v0  }
0xf7: {  	v0 =	vld [tilespmem:s0+$0x1420];
	_ =	sdelay $0x4  }
0xf8: {  	[tilespmem:$0xA920] =	vst v0  }
0xf9: {  	v0 =	vld [tilespmem:s0+$0x1430];
	_ =	sdelay $0x4  }
0xfa: {  	[tilespmem:$0xA930] =	vst v0  }
0xfb: {  	v0 =	vld [tilespmem:s0+$0x1440];
	_ =	sdelay $0x4  }
0xfc: {  	[tilespmem:$0xA940] =	vst v0  }
0xfd: {  	v0 =	vld [tilespmem:s0+$0x1450];
	_ =	sdelay $0x4  }
0xfe: {  	[tilespmem:$0xA950] =	vst v0  }
0xff: {  	v0 =	vld [tilespmem:s0+$0x1460];
	_ =	sdelay $0x4  }
0x100: {  	[tilespmem:$0xA960] =	vst v0  }
0x101: {  	v0 =	vld [tilespmem:s0+$0x1470];
	_ =	sdelay $0x4  }
0x102: {  	[tilespmem:$0xA970] =	vst v0  }
0x103: {  	[spmem:s2] =	stream.indirect.scatter.add.f32 [tilespmem:s19], [sflag:$0x3], $0x80, s25, s17, $0xb8;
	[tilespmem:$0x1EA00] =	vst v63  }
0x104: {  	_ =	swait.ge [sflag:s26], $0x4000  }
0x105: {  	[sflag:s26] =	ssyncset.done $0x0  }
0x106: {  	[sflag:s26] =	ssyncadd.s32 $0xFFFFC000  }
0x107: {  	v0 =	vld [tilespmem:s0+$0x1480];
	_ =	sdelay $0x4  }
0x108: {  	[tilespmem:$0xA980] =	vst v0  }
0x109: {  	v0 =	vld [tilespmem:s0+$0x1490];
	_ =	sdelay $0x4  }
0x10a: {  	[tilespmem:$0xA990] =	vst v0  }
0x10b: {  	v0 =	vld [tilespmem:s0+$0x14A0];
	_ =	sdelay $0x4  }
0x10c: {  	[tilespmem:$0xA9A0] =	vst v0  }
0x10d: {  	v0 =	vld [tilespmem:s0+$0x14B0];
	_ =	sdelay $0x4  }
0x10e: {  	[tilespmem:$0xA9B0] =	vst v0  }
0x10f: {  	v0 =	vld [tilespmem:s0+$0x14C0];
	_ =	sdelay $0x4  }
0x110: {  	[tilespmem:$0xA9C0] =	vst v0  }
0x111: {  	v0 =	vld [tilespmem:s0+$0x14D0];
	_ =	sdelay $0x4  }
0x112: {  	[tilespmem:$0xA9D0] =	vst v0  }
0x113: {  	v0 =	vld [tilespmem:s0+$0x14E0];
	_ =	sdelay $0x4  }
0x114: {  	[tilespmem:$0xA9E0] =	vst v0  }
0x115: {  	v0 =	vld [tilespmem:s0+$0x14F0];
	_ =	sdelay $0x4  }
0x116: {  	[tilespmem:$0xA9F0] =	vst v0  }
0x117: {  	[spmem:s2] =	stream.indirect.scatter.add.f32 [tilespmem:s21], [sflag:$0x4], $0x80, s28, s17, $0xb8;
	[tilespmem:$0x1EA00] =	vst v63  }
0x118: {  	_ =	swait.ge [sflag:s29], $0x4000  }
0x119: {  	[sflag:s29] =	ssyncset.done $0x0  }
0x11a: {  	[sflag:s29] =	ssyncadd.s32 $0xFFFFC000  }
0x11b: {  	_ =	swait.ge [sflag:s30], $0x4000  }
0x11c: {  	[sflag:s30] =	ssyncset.done $0x0  }
0x11d: {  	s7 =	simm.s32 $0x0;
	[sflag:s30] =	ssyncadd.s32 $0xFFFFC000  }
0x11e: {  	[tilespmem:s7], [sflag:$0x5] =	stream.linear.gather [hbm4b:s10+s7], $0x1400, $0x38;
	[tilespmem:$0x1EA00] =	vst v63  }
0x11f: {  	_ =	swait.ge [sflag:s15], $0x1400  }
0x120: {  	[sflag:s15] =	ssyncset.done $0x0  }
0x121: {  	[sflag:s15] =	ssyncadd.s32 $0xFFFFEC00  }
0x122: {  	[tilespmem:s16], [sflag:$0x5] =	stream.linear.gather [hbm4b:s11+s7], $0x1400, $0x38;
	[tilespmem:$0x1EA00] =	vst v63  }
0x123: {  	_ =	swait.ge [sflag:s15], $0x1400  }
0x124: {  	p0 =	por $0x1, $0x1;
	[sflag:s15] =	ssyncset.done $0x0  }
0x125: {  	s0 =	simm.s32 @!p0 $0x3;
	[sflag:s15] =	ssyncadd.s32 $0xFFFFEC00  }
0x126: {  	_ =	swait.ge @!p0 [sflag:s0], $0x4000  }
0x127: {  	[sflag:s0] =	ssyncset.done @!p0 $0x0  }
0x128: {  	s4 =	simm.s32 $0x0;
	[sflag:s0] =	ssyncadd.s32 @!p0 $0xFFFFC000  }
0x129: {  	v0 =	vld [tilespmem:s4+$0x0];
	_ =	sdelay $0x4  }
0x12a: {  	[tilespmem:$0xA800] =	vst v0  }
0x12b: {  	v0 =	vld [tilespmem:s4+$0x10];
	_ =	sdelay $0x4  }
0x12c: {  	[tilespmem:$0xA810] =	vst v0  }
0x12d: {  	v0 =	vld [tilespmem:s4+$0x20];
	_ =	sdelay $0x4  }
0x12e: {  	[tilespmem:$0xA820] =	vst v0  }
0x12f: {  	v0 =	vld [tilespmem:s4+$0x30];
	_ =	sdelay $0x4  }
0x130: {  	[tilespmem:$0xA830] =	vst v0  }
0x131: {  	v0 =	vld [tilespmem:s4+$0x40];
	_ =	sdelay $0x4  }
0x132: {  	[tilespmem:$0xA840] =	vst v0  }
0x133: {  	v0 =	vld [tilespmem:s4+$0x50];
	_ =	sdelay $0x4  }
0x134: {  	[tilespmem:$0xA850] =	vst v0  }
0x135: {  	v0 =	vld [tilespmem:s4+$0x60];
	_ =	sdelay $0x4  }
0x136: {  	[tilespmem:$0xA860] =	vst v0  }
0x137: {  	v0 =	vld [tilespmem:s4+$0x70];
	_ =	sdelay $0x4  }
0x138: {  	s0 =	simm.s32 @!p0 $0x4;
	[tilespmem:$0xA870] =	vst v0  }
0x139: {  	[tilespmem:s19], [sflag:$0x1] =	stream.indirect.gather [hbm4b:s9+s17], $0x80, s18, s17, $0xb8;
	[tilespmem:$0x1EA00] =	vst v63  }
0x13a: {  	_ =	swait.ge @!p0 [sflag:s0], $0x4000  }
0x13b: {  	[sflag:s0] =	ssyncset.done @!p0 $0x0  }
0x13c: {  	[sflag:s0] =	ssyncadd.s32 @!p0 $0xFFFFC000  }
0x13d: {  	v0 =	vld [tilespmem:s4+$0x80];
	_ =	sdelay $0x4  }
0x13e: {  	[tilespmem:$0xA880] =	vst v0  }
0x13f: {  	v0 =	vld [tilespmem:s4+$0x90];
	_ =	sdelay $0x4  }
0x140: {  	[tilespmem:$0xA890] =	vst v0  }
0x141: {  	v0 =	vld [tilespmem:s4+$0xA0];
	_ =	sdelay $0x4  }
0x142: {  	[tilespmem:$0xA8A0] =	vst v0  }
0x143: {  	v0 =	vld [tilespmem:s4+$0xB0];
	_ =	sdelay $0x4  }
0x144: {  	[tilespmem:$0xA8B0] =	vst v0  }
0x145: {  	v0 =	vld [tilespmem:s4+$0xC0];
	_ =	sdelay $0x4  }
0x146: {  	[tilespmem:$0xA8C0] =	vst v0  }
0x147: {  	v0 =	vld [tilespmem:s4+$0xD0];
	_ =	sdelay $0x4  }
0x148: {  	[tilespmem:$0xA8D0] =	vst v0  }
0x149: {  	v0 =	vld [tilespmem:s4+$0xE0];
	_ =	sdelay $0x4  }
0x14a: {  	[tilespmem:$0xA8E0] =	vst v0  }
0x14b: {  	v0 =	vld [tilespmem:s4+$0xF0];
	_ =	sdelay $0x4  }
0x14c: {  	[tilespmem:$0xA8F0] =	vst v0  }
0x14d: {  	[tilespmem:s21], [sflag:$0x2] =	stream.indirect.gather [hbm4b:s9+s17], $0x80, s20, s17, $0xb8;
	[tilespmem:$0x1EA00] =	vst v63  }
0x14e: {  	_ =	swait.ge [sflag:s22], $0x4000  }
0x14f: {  	[sflag:s22] =	ssyncset.done $0x0  }
0x150: {  	[sflag:s22] =	ssyncadd.s32 $0xFFFFC000  }
0x151: {  	v0 =	vld [tilespmem:s4+$0x1400];
	_ =	sdelay $0x4  }
0x152: {  	[tilespmem:$0xA900] =	vst v0  }
0x153: {  	v0 =	vld [tilespmem:s4+$0x1410];
	_ =	sdelay $0x4  }
0x154: {  	[tilespmem:$0xA910] =	vst v0  }
0x155: {  	v0 =	vld [tilespmem:s4+$0x1420];
	_ =	sdelay $0x4  }
0x156: {  	[tilespmem:$0xA920] =	vst v0  }
0x157: {  	v0 =	vld [tilespmem:s4+$0x1430];
	_ =	sdelay $0x4  }
0x158: {  	[tilespmem:$0xA930] =	vst v0  }
0x159: {  	v0 =	vld [tilespmem:s4+$0x1440];
	_ =	sdelay $0x4  }
0x15a: {  	[tilespmem:$0xA940] =	vst v0  }
0x15b: {  	v0 =	vld [tilespmem:s4+$0x1450];
	_ =	sdelay $0x4  }
0x15c: {  	[tilespmem:$0xA950] =	vst v0  }
0x15d: {  	v0 =	vld [tilespmem:s4+$0x1460];
	_ =	sdelay $0x4  }
0x15e: {  	[tilespmem:$0xA960] =	vst v0  }
0x15f: {  	v0 =	vld [tilespmem:s4+$0x1470];
	_ =	sdelay $0x4  }
0x160: {  	[tilespmem:$0xA970] =	vst v0  }
0x161: {  	[spmem:s2] =	stream.indirect.scatter.add.f32 [tilespmem:s19], [sflag:$0x3], $0x80, s25, s17, $0xb8;
	[tilespmem:$0x1EA00] =	vst v63  }
0x162: {  	_ =	swait.ge [sflag:s26], $0x4000  }
0x163: {  	[sflag:s26] =	ssyncset.done $0x0  }
0x164: {  	[sflag:s26] =	ssyncadd.s32 $0xFFFFC000  }
0x165: {  	v0 =	vld [tilespmem:s4+$0x1480];
	_ =	sdelay $0x4  }
0x166: {  	[tilespmem:$0xA980] =	vst v0  }
0x167: {  	v0 =	vld [tilespmem:s4+$0x1490];
	_ =	sdelay $0x4  }
0x168: {  	[tilespmem:$0xA990] =	vst v0  }
0x169: {  	v0 =	vld [tilespmem:s4+$0x14A0];
	_ =	sdelay $0x4  }
0x16a: {  	[tilespmem:$0xA9A0] =	vst v0  }
0x16b: {  	v0 =	vld [tilespmem:s4+$0x14B0];
	_ =	sdelay $0x4  }
0x16c: {  	[tilespmem:$0xA9B0] =	vst v0  }
0x16d: {  	v0 =	vld [tilespmem:s4+$0x14C0];
	_ =	sdelay $0x4  }
0x16e: {  	[tilespmem:$0xA9C0] =	vst v0  }
0x16f: {  	v0 =	vld [tilespmem:s4+$0x14D0];
	_ =	sdelay $0x4  }
0x170: {  	[tilespmem:$0xA9D0] =	vst v0  }
0x171: {  	v0 =	vld [tilespmem:s4+$0x14E0];
	_ =	sdelay $0x4  }
0x172: {  	[tilespmem:$0xA9E0] =	vst v0  }
0x173: {  	v0 =	vld [tilespmem:s4+$0x14F0];
	_ =	sdelay $0x3  }
0x174: {  	s1 =	simm.s32 $0x800;
	p1 =	por $0x0, $0x0;
	s0 =	simm.s32 $0x400  }
.LBB2_4:
0x175: {  	s4 =	simm.s32 @!p1 $0x3;
	[tilespmem:$0xA9F0] =	vst v0;
	s7 =	smov.u32 s1;
	s1 =	sadd.s32 $0x400, s1  }
0x176: {  	[spmem:s2] =	stream.indirect.scatter.add.f32 [tilespmem:s21], [sflag:$0x4], $0x80, s28, s17, $0xb8;
	[tilespmem:$0x1EA00] =	vst v63  }
0x177: {  	p0 =	sne.s32 s1, $0x5000;
	_ =	swait.ge @!p1 [sflag:s4], $0x4000  }
0x178: {  	[sflag:s4] =	ssyncset.done @!p1 $0x0  }
0x179: {  	[sflag:s4] =	ssyncadd.s32 @!p1 $0xFFFFC000;
	s4 =	sshra.s32 s0, $0x2;
	s0 =	smov.u32 s7  }
0x17a: {  	v0 =	vld [tilespmem:s4+$0x0];
	_ =	sdelay $0x4  }
0x17b: {  	[tilespmem:$0xA800] =	vst v0  }
0x17c: {  	v0 =	vld [tilespmem:s4+$0x10];
	_ =	sdelay $0x4  }
0x17d: {  	[tilespmem:$0xA810] =	vst v0  }
0x17e: {  	v0 =	vld [tilespmem:s4+$0x20];
	_ =	sdelay $0x4  }
0x17f: {  	[tilespmem:$0xA820] =	vst v0  }
0x180: {  	v0 =	vld [tilespmem:s4+$0x30];
	_ =	sdelay $0x4  }
0x181: {  	[tilespmem:$0xA830] =	vst v0  }
0x182: {  	v0 =	vld [tilespmem:s4+$0x40];
	_ =	sdelay $0x4  }
0x183: {  	[tilespmem:$0xA840] =	vst v0  }
0x184: {  	v0 =	vld [tilespmem:s4+$0x50];
	_ =	sdelay $0x4  }
0x185: {  	[tilespmem:$0xA850] =	vst v0  }
0x186: {  	v0 =	vld [tilespmem:s4+$0x60];
	_ =	sdelay $0x4  }
0x187: {  	[tilespmem:$0xA860] =	vst v0  }
0x188: {  	v0 =	vld [tilespmem:s4+$0x70];
	_ =	sdelay $0x4  }
0x189: {  	s7 =	simm.s32 @!p1 $0x4;
	[tilespmem:$0xA870] =	vst v0  }
0x18a: {  	[tilespmem:s19], [sflag:$0x1] =	stream.indirect.gather [hbm4b:s9+s17], $0x80, s18, s17, $0xb8;
	[tilespmem:$0x1EA00] =	vst v63  }
0x18b: {  	_ =	swait.ge @!p1 [sflag:s7], $0x4000  }
0x18c: {  	[sflag:s7] =	ssyncset.done @!p1 $0x0  }
0x18d: {  	[sflag:s7] =	ssyncadd.s32 @!p1 $0xFFFFC000  }
0x18e: {  	v0 =	vld [tilespmem:s4+$0x80];
	_ =	sdelay $0x4  }
0x18f: {  	[tilespmem:$0xA880] =	vst v0  }
0x190: {  	v0 =	vld [tilespmem:s4+$0x90];
	_ =	sdelay $0x4  }
0x191: {  	[tilespmem:$0xA890] =	vst v0  }
0x192: {  	v0 =	vld [tilespmem:s4+$0xA0];
	_ =	sdelay $0x4  }
0x193: {  	[tilespmem:$0xA8A0] =	vst v0  }
0x194: {  	v0 =	vld [tilespmem:s4+$0xB0];
	_ =	sdelay $0x4  }
0x195: {  	[tilespmem:$0xA8B0] =	vst v0  }
0x196: {  	v0 =	vld [tilespmem:s4+$0xC0];
	_ =	sdelay $0x4  }
0x197: {  	[tilespmem:$0xA8C0] =	vst v0  }
0x198: {  	v0 =	vld [tilespmem:s4+$0xD0];
	_ =	sdelay $0x4  }
0x199: {  	[tilespmem:$0xA8D0] =	vst v0  }
0x19a: {  	v0 =	vld [tilespmem:s4+$0xE0];
	_ =	sdelay $0x4  }
0x19b: {  	[tilespmem:$0xA8E0] =	vst v0  }
0x19c: {  	v0 =	vld [tilespmem:s4+$0xF0];
	_ =	sdelay $0x4  }
0x19d: {  	[tilespmem:$0xA8F0] =	vst v0  }
0x19e: {  	[tilespmem:s21], [sflag:$0x2] =	stream.indirect.gather [hbm4b:s9+s17], $0x80, s20, s17, $0xb8;
	[tilespmem:$0x1EA00] =	vst v63  }
0x19f: {  	_ =	swait.ge [sflag:s22], $0x4000  }
0x1a0: {  	[sflag:s22] =	ssyncset.done $0x0  }
0x1a1: {  	[sflag:s22] =	ssyncadd.s32 $0xFFFFC000  }
0x1a2: {  	v0 =	vld [tilespmem:s4+$0x1400];
	_ =	sdelay $0x4  }
0x1a3: {  	[tilespmem:$0xA900] =	vst v0  }
0x1a4: {  	v0 =	vld [tilespmem:s4+$0x1410];
	_ =	sdelay $0x4  }
0x1a5: {  	[tilespmem:$0xA910] =	vst v0  }
0x1a6: {  	v0 =	vld [tilespmem:s4+$0x1420];
	_ =	sdelay $0x4  }
0x1a7: {  	[tilespmem:$0xA920] =	vst v0  }
0x1a8: {  	v0 =	vld [tilespmem:s4+$0x1430];
	_ =	sdelay $0x4  }
0x1a9: {  	[tilespmem:$0xA930] =	vst v0  }
0x1aa: {  	v0 =	vld [tilespmem:s4+$0x1440];
	_ =	sdelay $0x4  }
0x1ab: {  	[tilespmem:$0xA940] =	vst v0  }
0x1ac: {  	v0 =	vld [tilespmem:s4+$0x1450];
	_ =	sdelay $0x4  }
0x1ad: {  	[tilespmem:$0xA950] =	vst v0  }
0x1ae: {  	v0 =	vld [tilespmem:s4+$0x1460];
	_ =	sdelay $0x4  }
0x1af: {  	[tilespmem:$0xA960] =	vst v0  }
0x1b0: {  	v0 =	vld [tilespmem:s4+$0x1470];
	_ =	sdelay $0x4  }
0x1b1: {  	[tilespmem:$0xA970] =	vst v0  }
0x1b2: {  	[spmem:s2] =	stream.indirect.scatter.add.f32 [tilespmem:s19], [sflag:$0x3], $0x80, s25, s17, $0xb8;
	[tilespmem:$0x1EA00] =	vst v63  }
0x1b3: {  	_ =	swait.ge [sflag:s26], $0x4000  }
0x1b4: {  	[sflag:s26] =	ssyncset.done $0x0  }
0x1b5: {  	[sflag:s26] =	ssyncadd.s32 $0xFFFFC000  }
0x1b6: {  	v0 =	vld [tilespmem:s4+$0x1480];
	_ =	sdelay $0x4  }
0x1b7: {  	[tilespmem:$0xA980] =	vst v0  }
0x1b8: {  	v0 =	vld [tilespmem:s4+$0x1490];
	_ =	sdelay $0x4  }
0x1b9: {  	[tilespmem:$0xA990] =	vst v0  }
0x1ba: {  	v0 =	vld [tilespmem:s4+$0x14A0];
	_ =	sdelay $0x4  }
0x1bb: {  	[tilespmem:$0xA9A0] =	vst v0  }
0x1bc: {  	v0 =	vld [tilespmem:s4+$0x14B0];
	_ =	sdelay $0x4  }
0x1bd: {  	[tilespmem:$0xA9B0] =	vst v0  }
0x1be: {  	v0 =	vld [tilespmem:s4+$0x14C0];
	_ =	sdelay $0x4  }
0x1bf: {  	[tilespmem:$0xA9C0] =	vst v0  }
0x1c0: {  	v0 =	vld [tilespmem:s4+$0x14D0];
	_ =	sdelay $0x4  }
0x1c1: {  	[tilespmem:$0xA9D0] =	vst v0  }
0x1c2: {  	v0 =	vld [tilespmem:s4+$0x14E0];
	_ =	sdelay $0x4  }
0x1c3: {  	[tilespmem:$0xA9E0] =	vst v0  }
.Ltmp1:
0x1c4: {  	v0 =	vld [tilespmem:s4+$0x14F0];
	(pc) =	sbr.rel @p0 .LBB2_4-.Ltmp1, $2  }
0x1c5: {  	_ =	sdelay $0x2  }
0x1c6: {  	p1 =	seq.s32 s0, $0x0  }
0x1c7: {  	s1 =	simm.s32 @!p1 $0x3;
	[tilespmem:$0xA9F0] =	vst v0  }
0x1c8: {  	[spmem:s2] =	stream.indirect.scatter.add.f32 [tilespmem:s21], [sflag:$0x4], $0x80, s28, s17, $0xb8;
	[tilespmem:$0x1EA00] =	vst v63  }
0x1c9: {  	_ =	swait.ge @!p1 [sflag:s1], $0x4000  }
0x1ca: {  	[sflag:s1] =	ssyncset.done @!p1 $0x0  }
0x1cb: {  	s0 =	sshra.s32 s0, $0x2;
	[sflag:s1] =	ssyncadd.s32 @!p1 $0xFFFFC000  }
0x1cc: {  	v47 =	vld [tilespmem:s0+$0x0];
	_ =	sdelay $0x4  }
0x1cd: {  	[tilespmem:$0xA800] =	vst v47  }
0x1ce: {  	v0 =	vld [tilespmem:s0+$0x10];
	_ =	sdelay $0x4  }
0x1cf: {  	[tilespmem:$0xA810] =	vst v0  }
0x1d0: {  	v0 =	vld [tilespmem:s0+$0x20];
	_ =	sdelay $0x4  }
0x1d1: {  	[tilespmem:$0xA820] =	vst v0  }
0x1d2: {  	v0 =	vld [tilespmem:s0+$0x30];
	_ =	sdelay $0x4  }
0x1d3: {  	[tilespmem:$0xA830] =	vst v0  }
0x1d4: {  	v0 =	vld [tilespmem:s0+$0x40];
	_ =	sdelay $0x4  }
0x1d5: {  	[tilespmem:$0xA840] =	vst v0  }
0x1d6: {  	v0 =	vld [tilespmem:s0+$0x50];
	_ =	sdelay $0x4  }
0x1d7: {  	[tilespmem:$0xA850] =	vst v0  }
0x1d8: {  	v0 =	vld [tilespmem:s0+$0x60];
	_ =	sdelay $0x4  }
0x1d9: {  	[tilespmem:$0xA860] =	vst v0  }
0x1da: {  	v0 =	vld [tilespmem:s0+$0x70];
	_ =	sdelay $0x4  }
0x1db: {  	s1 =	simm.s32 @!p1 $0x4;
	[tilespmem:$0xA870] =	vst v0  }
0x1dc: {  	[tilespmem:s19], [sflag:$0x1] =	stream.indirect.gather [hbm4b:s9+s17], $0x80, s18, s17, $0xb8;
	[tilespmem:$0x1EA00] =	vst v63  }
0x1dd: {  	_ =	swait.ge @!p1 [sflag:s1], $0x4000  }
0x1de: {  	[sflag:s1] =	ssyncset.done @!p1 $0x0  }
0x1df: {  	[sflag:s1] =	ssyncadd.s32 @!p1 $0xFFFFC000  }
0x1e0: {  	v48 =	vld [tilespmem:s0+$0x80];
	_ =	sdelay $0x4  }
0x1e1: {  	[tilespmem:$0xA880] =	vst v48  }
0x1e2: {  	v0 =	vld [tilespmem:s0+$0x90];
	_ =	sdelay $0x4  }
0x1e3: {  	[tilespmem:$0xA890] =	vst v0  }
0x1e4: {  	v0 =	vld [tilespmem:s0+$0xA0];
	_ =	sdelay $0x4  }
0x1e5: {  	[tilespmem:$0xA8A0] =	vst v0  }
0x1e6: {  	v0 =	vld [tilespmem:s0+$0xB0];
	_ =	sdelay $0x4  }
0x1e7: {  	[tilespmem:$0xA8B0] =	vst v0  }
0x1e8: {  	v0 =	vld [tilespmem:s0+$0xC0];
	_ =	sdelay $0x4  }
0x1e9: {  	[tilespmem:$0xA8C0] =	vst v0  }
0x1ea: {  	v0 =	vld [tilespmem:s0+$0xD0];
	_ =	sdelay $0x4  }
0x1eb: {  	[tilespmem:$0xA8D0] =	vst v0  }
0x1ec: {  	v0 =	vld [tilespmem:s0+$0xE0];
	_ =	sdelay $0x4  }
0x1ed: {  	[tilespmem:$0xA8E0] =	vst v0  }
0x1ee: {  	v0 =	vld [tilespmem:s0+$0xF0];
	_ =	sdelay $0x4  }
0x1ef: {  	[tilespmem:$0xA8F0] =	vst v0  }
0x1f0: {  	[tilespmem:s21], [sflag:$0x2] =	stream.indirect.gather [hbm4b:s9+s17], $0x80, s20, s17, $0xb8;
	[tilespmem:$0x1EA00] =	vst v63  }
0x1f1: {  	_ =	swait.ge [sflag:s22], $0x4000  }
0x1f2: {  	[sflag:s22] =	ssyncset.done $0x0  }
0x1f3: {  	[sflag:s22] =	ssyncadd.s32 $0xFFFFC000  }
0x1f4: {  	v49 =	vld [tilespmem:s0+$0x1400];
	_ =	sdelay $0x4  }
0x1f5: {  	[tilespmem:$0xA900] =	vst v49  }
0x1f6: {  	v0 =	vld [tilespmem:s0+$0x1410];
	_ =	sdelay $0x4  }
0x1f7: {  	[tilespmem:$0xA910] =	vst v0  }
0x1f8: {  	v0 =	vld [tilespmem:s0+$0x1420];
	_ =	sdelay $0x4  }
0x1f9: {  	[tilespmem:$0xA920] =	vst v0  }
0x1fa: {  	v0 =	vld [tilespmem:s0+$0x1430];
	_ =	sdelay $0x4  }
0x1fb: {  	[tilespmem:$0xA930] =	vst v0  }
0x1fc: {  	v0 =	vld [tilespmem:s0+$0x1440];
	_ =	sdelay $0x4  }
0x1fd: {  	[tilespmem:$0xA940] =	vst v0  }
0x1fe: {  	v0 =	vld [tilespmem:s0+$0x1450];
	_ =	sdelay $0x4  }
0x1ff: {  	[tilespmem:$0xA950] =	vst v0  }
0x200: {  	v0 =	vld [tilespmem:s0+$0x1460];
	_ =	sdelay $0x4  }
0x201: {  	[tilespmem:$0xA960] =	vst v0  }
0x202: {  	v0 =	vld [tilespmem:s0+$0x1470];
	_ =	sdelay $0x4  }
0x203: {  	[tilespmem:$0xA970] =	vst v0  }
0x204: {  	[spmem:s2] =	stream.indirect.scatter.add.f32 [tilespmem:s19], [sflag:$0x3], $0x80, s25, s17, $0xb8;
	[tilespmem:$0x1EA00] =	vst v63  }
0x205: {  	_ =	swait.ge [sflag:s26], $0x4000  }
0x206: {  	[sflag:s26] =	ssyncset.done $0x0  }
0x207: {  	[sflag:s26] =	ssyncadd.s32 $0xFFFFC000  }
0x208: {  	v50 =	vld [tilespmem:s0+$0x1480];
	_ =	sdelay $0x4  }
0x209: {  	[tilespmem:$0xA980] =	vst v50  }
0x20a: {  	v0 =	vld [tilespmem:s0+$0x1490];
	_ =	sdelay $0x4  }
0x20b: {  	[tilespmem:$0xA990] =	vst v0  }
0x20c: {  	v0 =	vld [tilespmem:s0+$0x14A0];
	_ =	sdelay $0x4  }
0x20d: {  	[tilespmem:$0xA9A0] =	vst v0  }
0x20e: {  	v0 =	vld [tilespmem:s0+$0x14B0];
	_ =	sdelay $0x4  }
0x20f: {  	[tilespmem:$0xA9B0] =	vst v0  }
0x210: {  	v0 =	vld [tilespmem:s0+$0x14C0];
	_ =	sdelay $0x4  }
0x211: {  	[tilespmem:$0xA9C0] =	vst v0  }
0x212: {  	v0 =	vld [tilespmem:s0+$0x14D0];
	_ =	sdelay $0x4  }
0x213: {  	[tilespmem:$0xA9D0] =	vst v0  }
0x214: {  	v0 =	vld [tilespmem:s0+$0x14E0];
	_ =	sdelay $0x4  }
0x215: {  	[tilespmem:$0xA9E0] =	vst v0  }
0x216: {  	v0 =	vld [tilespmem:s0+$0x14F0];
	_ =	sdelay $0x4  }
0x217: {  	[tilespmem:$0xA9F0] =	vst v0  }
0x218: {  	[spmem:s2] =	stream.indirect.scatter.add.f32 [tilespmem:s21], [sflag:$0x4], $0x80, s28, s17, $0xb8;
	[tilespmem:$0x1EA00] =	vst v63  }
0x219: {  	_ =	swait.ge [sflag:s29], $0x4000  }
0x21a: {  	[sflag:s29] =	ssyncset.done $0x0  }
0x21b: {  	[sflag:s29] =	ssyncadd.s32 $0xFFFFC000  }
0x21c: {  	_ =	swait.ge [sflag:s30], $0x4000  }
0x21d: {  	[sflag:s30] =	ssyncset.done $0x0  }
0x21e: {  	[sflag:s30] =	ssyncadd.s32 $0xFFFFC000  }
0x21f: {  	[bflag:$0x0] =	sbarrier.arrive $0xFFFF  }
0x220: {  	[hbm:s23], [sflag:s6] =	dma.local [spmem:s14], $0x2800  }
0x221: {  	_ =	swait.ge [sflag:s15], $0x2800  }
0x222: {  	[sflag:s15] =	ssyncset.done $0x0  }
0x223: {  	[sflag:s15] =	ssyncadd.s32 $0xFFFFD800  }
0x224: {  	[bflag:$0x0] =	sbarrier.arrive $0xFFFF  }
0x225: {  	[spmem:s14], [sflag:s6] =	dma.local [hbm:s5], $0x2800  }
0x226: {  	_ =	swait.ge [sflag:s15], $0x2800  }
0x227: {  	[sflag:s15] =	ssyncset.done $0x0  }
0x228: {  	[sflag:s15] =	ssyncadd.s32 $0xFFFFD800  }
0x229: {  	[bflag:$0x0] =	sbarrier.arrive $0xFFFF  }
0x22a: {  	s4 =	rddreg [dreg:$0x4]  }
0x22b: {  	[tilespmem:s19], [sflag:$0x5] =	stream.linear.gather [hbm4b:s4+s3], $0x4000, $0x38;
	[tilespmem:$0x1EA00] =	vst v63  }
0x22c: {  	_ =	swait.ge [sflag:s15], $0x4000  }
0x22d: {  	[sflag:s15] =	ssyncset.done $0x0  }
0x22e: {  	[sflag:s15] =	ssyncadd.s32 $0xFFFFC000  }
0x22f: {  	[tilespmem:s16], [sflag:$0x5] =	stream.linear.gather [hbm4b:s12+s3], $0x1400, $0x38;
	[tilespmem:$0x1EA00] =	vst v63  }
0x230: {  	_ =	swait.ge [sflag:s15], $0x1400  }
0x231: {  	[sflag:s15] =	ssyncset.done $0x0  }
0x232: {  	[sflag:s15] =	ssyncadd.s32 $0xFFFFEC00  }
0x233: {  	v51 =	vld [tilespmem:$0x1400]  }
0x234: {  	v1 =	vld [tilespmem:$0x1410]  }
0x235: {  	v2 =	vld [tilespmem:$0x1420]  }
0x236: {  	v3 =	vld [tilespmem:$0x1430]  }
0x237: {  	v4 =	vld [tilespmem:$0x1440]  }
0x238: {  	v52 =	vld [tilespmem:$0x1450];
	[tilespmem:$0xA900] =	vst v51  }
0x239: {  	v53 =	vld [tilespmem:$0x1460];
	[tilespmem:$0xA910] =	vst v1  }
0x23a: {  	v54 =	vld [tilespmem:$0x1470];
	[tilespmem:$0xA920] =	vst v2  }
0x23b: {  	[tilespmem:$0xA930] =	vst v3  }
0x23c: {  	[tilespmem:$0xA940] =	vst v4  }
0x23d: {  	[tilespmem:$0xA950] =	vst v52  }
0x23e: {  	[tilespmem:$0xA960] =	vst v53  }
0x23f: {  	[tilespmem:$0xA970] =	vst v54  }
0x240: {  	[spmem:s2] =	stream.indirect.scatter.add.f32 [tilespmem:s19], [sflag:$0x1], $0x80, s25, s17, $0xb8;
	[tilespmem:$0x1EA00] =	vst v63  }
0x241: {  	v55 =	vld [tilespmem:$0x1480]  }
0x242: {  	v56 =	vld [tilespmem:$0x1490]  }
0x243: {  	v57 =	vld [tilespmem:$0x14A0]  }
0x244: {  	v58 =	vld [tilespmem:$0x14B0]  }
0x245: {  	v59 =	vld [tilespmem:$0x14C0]  }
0x246: {  	v60 =	vld [tilespmem:$0x14D0];
	[tilespmem:$0xA980] =	vst v55  }
0x247: {  	v61 =	vld [tilespmem:$0x14E0];
	[tilespmem:$0xA990] =	vst v56  }
0x248: {  	v62 =	vld [tilespmem:$0x14F0];
	[tilespmem:$0xA9A0] =	vst v57  }
0x249: {  	[tilespmem:$0xA9B0] =	vst v58  }
0x24a: {  	[tilespmem:$0xA9C0] =	vst v59  }
0x24b: {  	[tilespmem:$0xA9D0] =	vst v60  }
0x24c: {  	[tilespmem:$0xA9E0] =	vst v61  }
0x24d: {  	[tilespmem:$0xA9F0] =	vst v62  }
0x24e: {  	[spmem:s2] =	stream.indirect.scatter.add.f32 [tilespmem:s19], [sflag:$0x2], $0x80, s28, s17, $0xb8;
	[tilespmem:$0x1EA00] =	vst v63  }
0x24f: {  	_ =	swait.ge [sflag:s22], $0x4000  }
0x250: {  	[sflag:s22] =	ssyncset.done $0x0  }
0x251: {  	[sflag:s22] =	ssyncadd.s32 $0xFFFFC000  }
0x252: {  	_ =	swait.ge [sflag:s26], $0x4000  }
0x253: {  	[sflag:s26] =	ssyncset.done $0x0  }
0x254: {  	s7 =	simm.s32 $0x1F0;
	[sflag:s26] =	ssyncadd.s32 $0xFFFFC000  }
0x255: {  	v63 =	vld [tilespmem:s7+$0x1310];
	_ =	sdelay $0x4  }
0x256: {  	[tilespmem:$0xA900] =	vst v63  }
0x257: {  	v0 =	vld [tilespmem:s7+$0x1320];
	_ =	sdelay $0x4  }
0x258: {  	[tilespmem:$0xA910] =	vst v0  }
0x259: {  	v0 =	vld [tilespmem:s7+$0x1330];
	_ =	sdelay $0x4  }
0x25a: {  	[tilespmem:$0xA920] =	vst v0  }
0x25b: {  	v0 =	vld [tilespmem:s7+$0x1340];
	_ =	sdelay $0x4  }
0x25c: {  	[tilespmem:$0xA930] =	vst v0  }
0x25d: {  	v0 =	vld [tilespmem:s7+$0x1350];
	_ =	sdelay $0x4  }
0x25e: {  	[tilespmem:$0xA940] =	vst v0  }
0x25f: {  	v0 =	vld [tilespmem:s7+$0x1360];
	_ =	sdelay $0x4  }
0x260: {  	[tilespmem:$0xA950] =	vst v0  }
0x261: {  	v0 =	vld [tilespmem:s7+$0x1370];
	_ =	sdelay $0x4  }
0x262: {  	[tilespmem:$0xA960] =	vst v0  }
0x263: {  	v0 =	vld [tilespmem:s7+$0x1380];
	_ =	sdelay $0x4  }
0x264: {  	[tilespmem:$0xA970] =	vst v0  }
0x265: {  	[spmem:s2] =	stream.indirect.scatter.add.f32 [tilespmem:s19], [sflag:$0x1], $0x80, s25, s17, $0xb8;
	[tilespmem:$0x1EA00] =	vst v63  }
0x266: {  	v0 =	vld [tilespmem:s7+$0x1390];
	_ =	sdelay $0x4  }
0x267: {  	[tilespmem:$0xA980] =	vst v0  }
0x268: {  	v0 =	vld [tilespmem:s7+$0x13A0];
	_ =	sdelay $0x4  }
0x269: {  	[tilespmem:$0xA990] =	vst v0  }
0x26a: {  	v0 =	vld [tilespmem:s7+$0x13B0];
	_ =	sdelay $0x4  }
0x26b: {  	[tilespmem:$0xA9A0] =	vst v0  }
0x26c: {  	v0 =	vld [tilespmem:s7+$0x13C0];
	_ =	sdelay $0x4  }
0x26d: {  	[tilespmem:$0xA9B0] =	vst v0  }
0x26e: {  	v0 =	vld [tilespmem:s7+$0x13D0];
	_ =	sdelay $0x4  }
0x26f: {  	[tilespmem:$0xA9C0] =	vst v0  }
0x270: {  	v0 =	vld [tilespmem:s7+$0x13E0];
	_ =	sdelay $0x4  }
0x271: {  	[tilespmem:$0xA9D0] =	vst v0  }
0x272: {  	v0 =	vld [tilespmem:s7+$0x13F0];
	_ =	sdelay $0x4  }
0x273: {  	[tilespmem:$0xA9E0] =	vst v0  }
0x274: {  	v0 =	vld [tilespmem:s7+$0x1400];
	_ =	sdelay $0x4  }
0x275: {  	s0 =	simm.s32 $0xBC0;
	[tilespmem:$0xA9F0] =	vst v0  }
.LBB2_6:
0x276: {  	[spmem:s2] =	stream.indirect.scatter.add.f32 [tilespmem:s19], [sflag:$0x2], $0x80, s28, s17, $0xb8;
	[tilespmem:$0x1EA00] =	vst v63  }
0x277: {  	s1 =	smov.u32 s0  }
0x278: {  	p0 =	sne.s32 s0, $0x4FC0;
	s0 =	sadd.s32 $0x400, s0;
	_ =	swait.ge [sflag:s22], $0x4000  }
0x279: {  	[sflag:s22] =	ssyncset.done $0x0  }
0x27a: {  	[sflag:s22] =	ssyncadd.s32 $0xFFFFC000  }
0x27b: {  	_ =	swait.ge [sflag:s26], $0x4000  }
0x27c: {  	[sflag:s26] =	ssyncset.done $0x0  }
0x27d: {  	s1 =	sshra.s32 s1, $0x2;
	[sflag:s26] =	ssyncadd.s32 $0xFFFFC000  }
0x27e: {  	v0 =	vld [tilespmem:s1+$0x1310];
	_ =	sdelay $0x4  }
0x27f: {  	[tilespmem:$0xA900] =	vst v0  }
0x280: {  	v0 =	vld [tilespmem:s1+$0x1320];
	_ =	sdelay $0x4  }
0x281: {  	[tilespmem:$0xA910] =	vst v0  }
0x282: {  	v0 =	vld [tilespmem:s1+$0x1330];
	_ =	sdelay $0x4  }
0x283: {  	[tilespmem:$0xA920] =	vst v0  }
0x284: {  	v0 =	vld [tilespmem:s1+$0x1340];
	_ =	sdelay $0x4  }
0x285: {  	[tilespmem:$0xA930] =	vst v0  }
0x286: {  	v0 =	vld [tilespmem:s1+$0x1350];
	_ =	sdelay $0x4  }
0x287: {  	[tilespmem:$0xA940] =	vst v0  }
0x288: {  	v0 =	vld [tilespmem:s1+$0x1360];
	_ =	sdelay $0x4  }
0x289: {  	[tilespmem:$0xA950] =	vst v0  }
0x28a: {  	v0 =	vld [tilespmem:s1+$0x1370];
	_ =	sdelay $0x4  }
0x28b: {  	[tilespmem:$0xA960] =	vst v0  }
0x28c: {  	v0 =	vld [tilespmem:s1+$0x1380];
	_ =	sdelay $0x4  }
0x28d: {  	[tilespmem:$0xA970] =	vst v0  }
0x28e: {  	[spmem:s2] =	stream.indirect.scatter.add.f32 [tilespmem:s19], [sflag:$0x1], $0x80, s25, s17, $0xb8;
	[tilespmem:$0x1EA00] =	vst v63  }
0x28f: {  	v0 =	vld [tilespmem:s1+$0x1390];
	_ =	sdelay $0x4  }
0x290: {  	[tilespmem:$0xA980] =	vst v0  }
0x291: {  	v0 =	vld [tilespmem:s1+$0x13A0];
	_ =	sdelay $0x4  }
0x292: {  	[tilespmem:$0xA990] =	vst v0  }
0x293: {  	v0 =	vld [tilespmem:s1+$0x13B0];
	_ =	sdelay $0x4  }
0x294: {  	[tilespmem:$0xA9A0] =	vst v0  }
0x295: {  	v0 =	vld [tilespmem:s1+$0x13C0];
	_ =	sdelay $0x4  }
0x296: {  	[tilespmem:$0xA9B0] =	vst v0  }
0x297: {  	v0 =	vld [tilespmem:s1+$0x13D0];
	_ =	sdelay $0x4  }
0x298: {  	[tilespmem:$0xA9C0] =	vst v0  }
0x299: {  	v0 =	vld [tilespmem:s1+$0x13E0];
	_ =	sdelay $0x4  }
0x29a: {  	[tilespmem:$0xA9D0] =	vst v0  }
0x29b: {  	v0 =	vld [tilespmem:s1+$0x13F0];
	_ =	sdelay $0x4  }
0x29c: {  	[tilespmem:$0xA9E0] =	vst v0  }
0x29d: {  	v0 =	vld [tilespmem:s1+$0x1400]  }
.Ltmp2:
0x29e: {  	(pc) =	sbr.rel @p0 .LBB2_6-.Ltmp2, $2  }
0x29f: {  	_ =	sdelay $0x2  }
0x2a0: {  	[tilespmem:$0xA9F0] =	vst v0  }
0x2a1: {  	[spmem:s2] =	stream.indirect.scatter.add.f32 [tilespmem:s19], [sflag:$0x2], $0x80, s28, s17, $0xb8;
	[tilespmem:$0x1EA00] =	vst v63  }
0x2a2: {  	_ =	swait.ge [sflag:s22], $0x4000  }
0x2a3: {  	[sflag:s22] =	ssyncset.done $0x0  }
0x2a4: {  	[sflag:s22] =	ssyncadd.s32 $0xFFFFC000  }
0x2a5: {  	_ =	swait.ge [sflag:s26], $0x4000  }
0x2a6: {  	s31 =	sadd.s32 $0x1, s31;
	[sflag:s26] =	ssyncset.done $0x0  }
0x2a7: {  	p0 =	sne.s32 s31, s13;
	[sflag:s26] =	ssyncadd.s32 $0xFFFFC000  }
.Ltmp3:
0x2a8: {  	[bflag:$0x0] =	sbarrier.arrive $0xFFFF;
	(pc) =	sbr.rel @p0 .LBB2_1-.Ltmp3, $4  }
0x2a9: {  	[hbm:s24], [sflag:s6] =	dma.local [spmem:s14], $0x2800  }
0x2aa: {  	_ =	swait.ge [sflag:s15], $0x2800  }
0x2ab: {  	[sflag:s15] =	ssyncset.done $0x0  }
0x2ac: {  	[sflag:s15] =	ssyncadd.s32 $0xFFFFD800  }
0x2ad: {  	_ =	sfence.sel $0x180000  }
0x2ae: {  	[bflag:$0x0] =	sbarrier.arrive $0xFFFF  }
0x2af: {  	_ =	strace $0x90000047  }
0x2b0: {  	s0 =	stileid.u32;
	[bflag:$0x2] =	sbarrier.arrive $0xFFFF  }
0x2b1: {  	p0 =	sne.s32 s0, $0x0;
	s0 =	rddreg [dreg:$0x3]  }
0x2b2: {  	s0 =	sadd.s32 @!p0 $0x100000, s0  }
0x2b3: {  	[sflag:s0] =	ssyncadd.tile.s32 @!p0 $0x1;
	_ =	shalt  }
.Lfunc_end2:
_tile_overlayer_lowered:
.L_overlay_start_2:
0x2b4: {  	(tag) =	ssettag $0x2  }
0x2b5: {  	s0 =	rddreg [dreg:$0x0];
	s2 =	stileid.u32  }
0x2b6: {  	s1 =	rddreg [dreg:$0x1];
	p0 =	sne.s32 s2, $0x0  }
0x2b7: {  	s3 =	rddreg [dreg:$0x2];
	[bflag:$0x3] =	sbarrier.arrive $0xFFFF;
	s2 =	simm.s32 @!p0 $0x1C05  }
0x2b8: {  	[timem:s3], [sflag:s2] =	dma.local @!p0 [hbm:s0], s1  }
0x2b9: {  	s0 =	simm.s32 @!p0 $0x5  }
0x2ba: {  	_ =	swait.ge @!p0 [sflag:s0], s1  }
0x2bb: {  	s1 =	ssub.s32 @!p0 $0x0, s1;
	[sflag:s0] =	ssyncset.done @!p0 $0x0  }
0x2bc: {  	[sflag:s0] =	ssyncadd.s32 @!p0 s1  }
0x2bd: {  	[bflag:$0x3] =	sbarrier.arrive $0xFFFF  }
0x2be: {  	_ =	shalt  }

// kernel: kernel.9.cloned.1.call-start
scs
__scs_entry_jumppad:
0x0: {  	(pc) =	sbr.rel $0x88, $3  }
0x1: {  	(tag) =	ssettag $0x0;
	lr =	simm.s32 $0x1  }
0x2: {  	[smem:$0x3F99] =	sst lr;
	_ =	strace $0xD0000000  }
0x3: {  	_ = 	snop  }
0x4: {  	_ = 	snop  }
0x5: {  	_ = 	snop  }
0x6: {  	_ = 	snop  }
0x7: {  	_ = 	snop  }
__scs_overlays_trampoline_lowered:
0x8: {  	[smem:$0x3FA8] =	sst s0  }
0x9: {  	[smem:$0x3FA9] =	sst s1  }
0xa: {  	[smem:$0x3FAA] =	sst s2  }
0xb: {  	[smem:$0x3FAB] =	sst s3  }
0xc: {  	[smem:$0x3FAC] =	sst s4  }
0xd: {  	[smem:$0x3FAD] =	sst s5  }
0xe: {  	[smem:$0x3FAE] =	sst s6  }
0xf: {  	[smem:$0x3FAF] =	sst s7  }
0x10: {  	[smem:$0x3FB0] =	sst s8  }
0x11: {  	[smem:$0x3FB1] =	sst s9;
	s0 =	simm.s32 @!p0 $0x0  }
0x12: {  	s1 =	sld [smem:$0x3F97];
	s0 =	simm.s32 @p0 $0x1  }
0x13: {  	[smem:$0x3FB2] =	sst s0;
	s0 =	simm.s32 @!p1 $0x0  }
0x14: {  	s2 =	sld [smem:$0x3F96];
	s0 =	simm.s32 @p1 $0x1  }
0x15: {  	[smem:$0x3FB3] =	sst s0;
	s0 =	simm.s32 @!p2 $0x0  }
0x16: {  	s3 =	sld [smem:$0x3FDB];
	s0 =	simm.s32 @p2 $0x1  }
0x17: {  	s4 =	simm.s32 $0x1BF5;
	[smem:$0x3FB5] =	sst s0  }
0x18: {  	s0 =	sld [smem:$0x3F98];
	_ =	swait.ge [sflag:s4], $0x0  }
0x19: {  	s7 =	sld [smem:$0x3F99]  }
0x1a: {  	s8 =	sadd.s32 $0xFFFFE003, lr  }
0x1b: {  	s9 =	sadd.s32 $0xFFFFFEF7, lr;
	s5 =	simm.s32 $0xFFFFFFFF;
	p2 =	slt.u32 s8, $0xFFFFF086  }
0x1c: {  	p1 =	slt.u32 s9, $0xF7A;
	s5 =	simm.s32 @!p2 $0x0  }
0x1d: {  	s5 =	simm.s32 @p1 $0x1;
	p0 =	seq.s32 s7, s2  }
0x1e: {  	s7 =	smul.u32 @!p0 $0xF7A, s2;
	p2 =	seq.s32 @!p0 s5, $0x0  }
0x1f: {  	s9 =	smul.u32 $0xF7A, s1;
	s8 =	simm.s32 @!p0 $0x1BF5;
	p2 =	por !p2, p0  }
0x20: {  	[sflag:s8] =	ssyncset.s32 @!p0 $0xFFFFF086;
	s6 =	sadd.s32 @!p0 s3, s7;
	s7 =	simm.s32 @!p0 $0x108  }
0x21: {  	s3 =	sadd.s32 s3, s9;
	s6 =	sadd.s32 @!p0 $0x88, s6;
	s7 =	simm.s32 @p2 $0x1082  }
0x22: {  	[simem:s7], [sflag:s8] =	dma.local @!p0 [hbm:s6], $0xF7A  }
0x23: {  	s9 =	sor.u32 $0xD0000000, s2;
	s6 =	simm.s32 $0x108;
	_ =	swait.ge @!p0 [sflag:s8], $0x0  }
0x24: {  	s3 =	sadd.s32 $0x88, s3;
	s6 =	simm.s32 @!p1 $0x1082;
	[sflag:s4] =	ssyncset.s32 $0xFFFFF086  }
0x25: {  	[simem:s6], [sflag:s4] =	dma.local [hbm:s3], $0xF7A  }
0x26: {  	[smem:$0x3F99] =	sst s1;
	(tag) =	ssettag s2;
	_ =	strace s9  }
0x27: {  	s1 =	sld [smem:$0x3FA9]  }
0x28: {  	s2 =	sld [smem:$0x3FAA]  }
0x29: {  	s4 =	sld [smem:$0x3FAC]  }
0x2a: {  	p0 =	seq.s32 s5, $0x0;
	s5 =	sld [smem:$0x3FAD]  }
0x2b: {  	s6 =	sld [smem:$0x3FAE]  }
0x2c: {  	s7 =	sld [smem:$0x3FAF]  }
0x2d: {  	s3 =	simm.s32 $0x108;
	s8 =	sld [smem:$0x3FB0]  }
0x2e: {  	s3 =	simm.s32 @!p0 $0x1082;
	s9 =	sld [smem:$0x3FB1]  }
0x2f: {  	lr =	sadd.s32 s0, s3;
	s0 =	sld [smem:$0x3FA8]  }
0x30: {  	s3 =	sld [smem:$0x3FAB]  }
0x31: {  	[smem:$0x3FB4] =	sst s10  }
0x32: {  	s10 =	sld [smem:$0x3FB2];
	_ =	sdelay $0x3  }
0x33: {  	p0 =	seq.s32 s10, $0x1;
	s10 =	sld [smem:$0x3FB4];
	_ =	sdelay $0x3  }
0x34: {  	[smem:$0x3FB4] =	sst s10  }
0x35: {  	s10 =	sld [smem:$0x3FB3];
	_ =	sdelay $0x3  }
0x36: {  	p1 =	seq.s32 s10, $0x1;
	s10 =	sld [smem:$0x3FB4];
	_ =	sdelay $0x3  }
0x37: {  	[smem:$0x3FB4] =	sst s10  }
0x38: {  	s10 =	sld [smem:$0x3FB5]  }
0x39: {  	_ = 	snop;
	(pc) =	sbr.ind lr, $3  }
0x3a: {  	_ = 	snop  }
0x3b: {  	_ = 	snop  }
0x3c: {  	p2 =	seq.s32 s10, $0x1;
	s10 =	sld [smem:$0x3FB4]  }
0x3d: {  	_ =	shalt  }
0x3e: {  	_ =	shalt  }
0x3f: {  	_ =	shalt  }
0x40: {  	_ =	shalt  }
0x41: {  	_ =	shalt  }
0x42: {  	_ =	shalt  }
0x43: {  	_ =	shalt  }
0x44: {  	_ =	shalt  }
0x45: {  	_ =	shalt  }
0x46: {  	_ =	shalt  }
0x47: {  	_ =	shalt  }
0x48: {  	_ =	shalt  }
0x49: {  	_ =	shalt  }
0x4a: {  	_ =	shalt  }
0x4b: {  	_ =	shalt  }
0x4c: {  	_ =	shalt  }
0x4d: {  	_ =	shalt  }
0x4e: {  	_ =	shalt  }
0x4f: {  	_ =	shalt  }
0x50: {  	_ =	shalt  }
0x51: {  	_ =	shalt  }
0x52: {  	_ =	shalt  }
0x53: {  	_ =	shalt  }
0x54: {  	_ =	shalt  }
0x55: {  	_ =	shalt  }
0x56: {  	_ =	shalt  }
0x57: {  	_ =	shalt  }
0x58: {  	_ =	shalt  }
0x59: {  	_ =	shalt  }
0x5a: {  	_ =	shalt  }
0x5b: {  	_ =	shalt  }
0x5c: {  	_ =	shalt  }
0x5d: {  	_ =	shalt  }
0x5e: {  	_ =	shalt  }
0x5f: {  	_ =	shalt  }
0x60: {  	_ =	shalt  }
0x61: {  	_ =	shalt  }
0x62: {  	_ =	shalt  }
0x63: {  	_ =	shalt  }
0x64: {  	_ =	shalt  }
0x65: {  	_ =	shalt  }
0x66: {  	_ =	shalt  }
0x67: {  	_ =	shalt  }
0x68: {  	_ =	shalt  }
0x69: {  	_ =	shalt  }
0x6a: {  	_ =	shalt  }
0x6b: {  	_ =	shalt  }
0x6c: {  	_ =	shalt  }
0x6d: {  	_ =	shalt  }
0x6e: {  	_ =	shalt  }
0x6f: {  	_ =	shalt  }
0x70: {  	_ =	shalt  }
0x71: {  	_ =	shalt  }
0x72: {  	_ =	shalt  }
0x73: {  	_ =	shalt  }
0x74: {  	_ =	shalt  }
0x75: {  	_ =	shalt  }
0x76: {  	_ =	shalt  }
0x77: {  	_ =	shalt  }
0x78: {  	_ =	shalt  }
0x79: {  	_ =	shalt  }
0x7a: {  	_ =	shalt  }
0x7b: {  	_ =	shalt  }
0x7c: {  	_ =	shalt  }
0x7d: {  	_ =	shalt  }
0x7e: {  	_ =	shalt  }
0x7f: {  	_ =	shalt  }
0x80: {  	_ =	shalt  }
0x81: {  	_ =	shalt  }
0x82: {  	_ =	shalt  }
0x83: {  	_ =	shalt  }
0x84: {  	_ =	shalt  }
0x85: {  	_ =	shalt  }
0x86: {  	_ =	shalt  }
0x87: {  	_ =	shalt  }
.Lfunc_end0:
.L_simem_size_0:
called_computation.1_lowered:
.L_overlay_start_0:
0x88: {  	s2 =	sld [smem:$0x3FD9]  }
0x89: {  	s3 =	sld [smem:$0x3FFE];
	_ =	sdelay $0x1  }
0x8a: {  	s1 =	srdreg.scid  }
0x8b: {  	s0 =	sand.u32 $0x1, s1  }
0x8c: {  	s17 =	sshll.u32 s0, $0xA;
	s2 =	sadd.s32 s3, s2  }
0x8d: {  	s2 =	sadd.s32 s2, s17  }
0x8e: {  	[smem:$0x3FC0] =	sst s2  }
0x8f: {  	_ = 	snop  }
0x90: {  	s2 =	sld [smem:$0x3FD0];
	(tm) =	ssettm $0x1  }
0x91: {  	s18 =	sld [smem:$0x3FFB];
	_ =	sdelay $0x3  }
0x92: {  	_ =	strace s18  }
0x93: {  	s3 =	sld [smem:$0x3FFC];
	_ =	sdelay $0x3  }
0x94: {  	_ =	strace s3  }
0x95: {  	s3 =	sld [smem:$0x3FFD];
	_ =	sdelay $0x3  }
0x96: {  	_ =	strace s3  }
0x97: {  	_ =	strace $0x8FFFFFFF  }
0x98: {  	s19 =	sld [smem:$0x3FDB];
	_ =	sdelay $0x1  }
0x99: {  	s4 =	simm.s32 $_scs_section_size  }
0x9a: {  	s5 =	simm.s32 $_size__tile_overlayer_lowered;
	s6 =	simm.s32 $_tile_overlayer_lowered  }
0x9b: {  	s22 =	simm.s32 $0x1BFF;
	s21 =	sshll.u32 s6, $0x1;
	s3 =	sadd.s32 s4, s19  }
0x9c: {  	s7 =	simm.s32 $0x0;
	s20 =	sshll.u32 s5, $0x1;
	s5 =	sadd.s32 s21, s3  }
0x9d: {  	[timem:s7], [sflag:s22] =	dma.local [hbm:s5], s20  }
0x9e: {  	_ =	swait.ge [sflag:s22], s20  }
0x9f: {  	s4 =	ssub.s32 $0x0, s20;
	[sflag:s22] =	ssyncset.done $0x0  }
0xa0: {  	[sflag:s22] =	ssyncadd.s32 s4;
	_ =	sdelay $0x1  }
0xa1: {  	s23 =	simm.s32 $0x1B8B  }
0xa2: {  	_ =	swait.ge [sflag:s23], $0x1  }
0xa3: {  	[sflag:s23] =	ssyncset.done $0x0  }
0xa4: {  	s25 =	simm.s32 $0x1B8E;
	s24 =	sld [smem:$0x3FFE];
	[sflag:s23] =	ssyncadd.s32 $0xFFFFFFFF  }
0xa5: {  	s26 =	simm.s32 $execute0_lowered;
	[smem:$0x3FD2] =	sst s25  }
0xa6: {  	s5 =	sshll.u32 s26, $0x1;
	_ =	strace $0x80000049;
	[dreg:$0x1] =	wrdreg $0xFFFFFFFF  }
0xa7: {  	s28 =	simm.s32 $_size_execute0_lowered;
	s3 =	sadd.s32 s3, s5;
	[dreg:$0x0] =	wrdreg $0x0  }
0xa8: {  	s5 =	sshll.u32 s28, $0x1;
	[dreg:$0x2] =	wrdreg s3  }
0xa9: {  	[dreg:$0x3] =	wrdreg s5  }
0xaa: {  	[dreg:$0x4] =	wrdreg $0xC0  }
0xab: {  	_ =	task [dreg:s7], $0x5FFFF  }
0xac: {  	[dreg:$0x1] =	wrdreg $0xFFFFFFFF  }
0xad: {  	[dreg:$0x0] =	wrdreg $0x60  }
0xae: {  	[dreg:$0x2] =	wrdreg s2  }
0xaf: {  	[dreg:$0x3] =	wrdreg s24  }
0xb0: {  	[dreg:$0x4] =	wrdreg $0xAA000  }
0xb1: {  	[dreg:$0x5] =	wrdreg $0x9  }
0xb2: {  	_ =	task.clear_ibuf [dreg:s7], $0x6FFFF;
	_ =	strace $0x90000049  }
0xb3: {  	s29 =	simm.s32 $0x9;
	_ =	strace $0x8000004B  }
0xb4: {  	_ =	swait.ge [sflag:s29], $0x1  }
0xb5: {  	[sflag:s29] =	ssyncadd.s32 $0xFFFFFFFF  }
0xb6: {  	_ =	strace $0x9000004B  }
0xb7: {  	_ =	sfence  }
0xb8: {  	s30 =	sld [smem:$0x0];
	_ =	sdelay $0x2  }
0xb9: {  	s31 =	sshll.u32 s1, $0xD;
	s1 =	sshrl.u32 s1, $0x2  }
0xba: {  	s3 =	sand.u32 $0x4000, s31;
	s1 =	sadd.s32 s1, s30  }
0xbb: {  	s0 =	sor.u32 s3, s0;
	s1 =	sshll.u32 s1, $0x11  }
0xbc: {  	s0 =	sor.u32 s1, s0  }
0xbd: {  	s0 =	sadd.s32 $0x8F2B, s0  }
0xbe: {  	[sflag:s0] =	ssyncadd.remote.s32 $0x1  }
0xbf: {  	_ =	sfence.sel $0xFFFF  }
0xc0: {  	[dreg:$0x0] =	wrdreg $0xFFFFFFFF;
	(pc) =	sbr.abs _section_cstart, $3  }
0xc1: {  	[dreg:$0x1] =	wrdreg $0xFFFFFFFF  }
0xc2: {  	_ =	task.clear_ibuf [dreg:s7], $0x2FFFF;
	_ =	strace $0x9FFFFFFF  }
0xc3: {  	(tm) =	ssettm $0x7FFFFFFF  }
tec
execute0_lowered:
.L_overlay_start_1:
0x0: {  	(tag) =	ssettag $0x1  }
0x1: {  	s8 =	rddreg [dreg:$0x0]  }
0x2: {  	s4 =	rddreg [dreg:$0x1]  }
0x3: {  	s2 =	rddreg [dreg:$0x2]  }
0x4: {  	s3 =	simm.s32 $0x0;
	s0 =	stileid.u32;
	s5 =	srdreg.scid  }
0x5: {  	s16 =	simm.s32 $0xA800;
	s17 =	simm.s32 $0x2800;
	s18 =	simm.s32 $0xA880  }
0x6: {  	s19 =	simm.s32 $0x6800;
	s20 =	simm.s32 $0x1;
	s21 =	simm.s32 $0xA900  }
0x7: {  	s22 =	simm.s32 $0x2;
	s23 =	simm.s32 $0xA980;
	s24 =	smul.u32 $0x2800, s0  }
0x8: {  	s28 =	simm.s32 $0x0;
	[smem:$0x7FF] =	sst s3;
	s25 =	smul.u32 $0x50000, s0  }
0x9: {  	s9 =	sadd.s32 $0x7E00, s4;
	s6 =	sand.u32 $0x1, s5;
	s30 =	smul.u32 $0x500, s0  }
0xa: {  	s10 =	sadd.s32 $0x2E00, s4;
	s29 =	sshll.u32 s0, $0x6;
	s7 =	smul.u32 $0x28000, s6  }
0xb: {  	_ =	strace $0x8000004A;
	s11 =	ssub.s32 $0x2, s6;
	s31 =	smul.u32 $0x27100, s6  }
0xc: {  	s12 =	sadd.s32 s24, s4;
	s13 =	sshrl.u32 s11, $0x1;
	s5 =	sshrl.u32 s25, $0x2  }
0xd: {  	s15 =	sshrl.u32 s24, $0x3;
	s6 =	sadd.s32 s9, s30;
	s14 =	sadd.s32 s7, s4  }
0xe: {  	s11 =	ssub.s32 s11, s13;
	s26 =	sadd.s32 s5, s2;
	s4 =	sadd.s32 $0xCE00, s12  }
0xf: {  	s5 =	sor.u32 $0x1C05, s29;
	s7 =	sadd.s32 s10, s30;
	s15 =	sadd.s32 $0x280, s15  }
0x10: {  	s8 =	sadd.s32 s8, s31;
	s13 =	simm.s32 $0x5;
	s9 =	sadd.s32 s9, s15  }
0x11: {  	s10 =	sadd.s32 s10, s15;
	s25 =	sadd.s32 $0x84E00, s14;
	s11 =	smax.u32 s11, $0x1  }
0x12: {  	s12 =	sshrl.u32 s26, $0x3;
	s14 =	simm.s32 $0x1400;
	s15 =	simm.s32 $0x80  }
0x13: {  	s26 =	simm.s32 $0x4;
	s24 =	sadd.s32 s24, s25;
	s25 =	simm.s32 $0x3  }
.LBB2_1:
0x14: {  	[spmem:s12], [sflag:s5] =	dma.local [hbm:s4], $0x2800  }
0x15: {  	_ =	swait.ge [sflag:s13], $0x2800  }
0x16: {  	[sflag:s13] =	ssyncset.done $0x0  }
0x17: {  	[sflag:s13] =	ssyncadd.s32 $0xFFFFD800  }
0x18: {  	[bflag:$0x0] =	sbarrier.arrive $0xFFFF  }
0x19: {  	[tilespmem:s3], [sflag:$0x5] =	stream.linear.gather [hbm4b:s6+s3], $0x1400, $0x38;
	[tilespmem:$0x1EA00] =	vst v63  }
0x1a: {  	_ =	swait.ge [sflag:s13], $0x1400  }
0x1b: {  	[sflag:s13] =	ssyncset.done $0x0  }
0x1c: {  	[sflag:s13] =	ssyncadd.s32 $0xFFFFEC00  }
0x1d: {  	[tilespmem:s14], [sflag:$0x5] =	stream.linear.gather [hbm4b:s7+s3], $0x1400, $0x38;
	[tilespmem:$0x1EA00] =	vst v63  }
0x1e: {  	_ =	swait.ge [sflag:s13], $0x1400  }
0x1f: {  	p0 =	por $0x1, $0x1;
	[sflag:s13] =	ssyncset.done $0x0  }
0x20: {  	s29 =	simm.s32 @!p0 $0x3;
	[sflag:s13] =	ssyncadd.s32 $0xFFFFEC00  }
0x21: {  	_ =	swait.ge @!p0 [sflag:s29], $0x4000  }
0x22: {  	[sflag:s29] =	ssyncset.done @!p0 $0x0  }
0x23: {  	s31 =	simm.s32 $0x0;
	[sflag:s29] =	ssyncadd.s32 @!p0 $0xFFFFC000  }
0x24: {  	v0 =	vld [tilespmem:s31+$0x0];
	_ =	sdelay $0x4  }
0x25: {  	[tilespmem:$0xA800] =	vst v0  }
0x26: {  	v0 =	vld [tilespmem:s31+$0x10];
	_ =	sdelay $0x4  }
0x27: {  	[tilespmem:$0xA810] =	vst v0  }
0x28: {  	v0 =	vld [tilespmem:s31+$0x20];
	_ =	sdelay $0x4  }
0x29: {  	[tilespmem:$0xA820] =	vst v0  }
0x2a: {  	v0 =	vld [tilespmem:s31+$0x30];
	_ =	sdelay $0x4  }
0x2b: {  	[tilespmem:$0xA830] =	vst v0  }
0x2c: {  	v0 =	vld [tilespmem:s31+$0x40];
	_ =	sdelay $0x4  }
0x2d: {  	[tilespmem:$0xA840] =	vst v0  }
0x2e: {  	v0 =	vld [tilespmem:s31+$0x50];
	_ =	sdelay $0x4  }
0x2f: {  	[tilespmem:$0xA850] =	vst v0  }
0x30: {  	v0 =	vld [tilespmem:s31+$0x60];
	_ =	sdelay $0x4  }
0x31: {  	[tilespmem:$0xA860] =	vst v0  }
0x32: {  	v0 =	vld [tilespmem:s31+$0x70];
	_ =	sdelay $0x4  }
0x33: {  	s29 =	simm.s32 @!p0 $0x4;
	[tilespmem:$0xA870] =	vst v0  }
0x34: {  	[tilespmem:s17], [sflag:$0x1] =	stream.indirect.gather [hbm4b:s8+s15], $0x80, s16, s15, $0xb8;
	[tilespmem:$0x1EA00] =	vst v63  }
0x35: {  	_ =	swait.ge @!p0 [sflag:s29], $0x4000  }
0x36: {  	[sflag:s29] =	ssyncset.done @!p0 $0x0  }
0x37: {  	[sflag:s29] =	ssyncadd.s32 @!p0 $0xFFFFC000  }
0x38: {  	v0 =	vld [tilespmem:s31+$0x80];
	_ =	sdelay $0x4  }
0x39: {  	[tilespmem:$0xA880] =	vst v0  }
0x3a: {  	v0 =	vld [tilespmem:s31+$0x90];
	_ =	sdelay $0x4  }
0x3b: {  	[tilespmem:$0xA890] =	vst v0  }
0x3c: {  	v0 =	vld [tilespmem:s31+$0xA0];
	_ =	sdelay $0x4  }
0x3d: {  	[tilespmem:$0xA8A0] =	vst v0  }
0x3e: {  	v0 =	vld [tilespmem:s31+$0xB0];
	_ =	sdelay $0x4  }
0x3f: {  	[tilespmem:$0xA8B0] =	vst v0  }
0x40: {  	v0 =	vld [tilespmem:s31+$0xC0];
	_ =	sdelay $0x4  }
0x41: {  	[tilespmem:$0xA8C0] =	vst v0  }
0x42: {  	v0 =	vld [tilespmem:s31+$0xD0];
	_ =	sdelay $0x4  }
0x43: {  	[tilespmem:$0xA8D0] =	vst v0  }
0x44: {  	v0 =	vld [tilespmem:s31+$0xE0];
	_ =	sdelay $0x4  }
0x45: {  	[tilespmem:$0xA8E0] =	vst v0  }
0x46: {  	v0 =	vld [tilespmem:s31+$0xF0];
	_ =	sdelay $0x4  }
0x47: {  	[tilespmem:$0xA8F0] =	vst v0  }
0x48: {  	[tilespmem:s19], [sflag:$0x2] =	stream.indirect.gather [hbm4b:s8+s15], $0x80, s18, s15, $0xb8;
	[tilespmem:$0x1EA00] =	vst v63  }
0x49: {  	_ =	swait.ge [sflag:s20], $0x4000  }
0x4a: {  	[sflag:s20] =	ssyncset.done $0x0  }
0x4b: {  	[sflag:s20] =	ssyncadd.s32 $0xFFFFC000  }
0x4c: {  	v0 =	vld [tilespmem:s31+$0x1400];
	_ =	sdelay $0x4  }
0x4d: {  	[tilespmem:$0xA900] =	vst v0  }
0x4e: {  	v0 =	vld [tilespmem:s31+$0x1410];
	_ =	sdelay $0x4  }
0x4f: {  	[tilespmem:$0xA910] =	vst v0  }
0x50: {  	v0 =	vld [tilespmem:s31+$0x1420];
	_ =	sdelay $0x4  }
0x51: {  	[tilespmem:$0xA920] =	vst v0  }
0x52: {  	v0 =	vld [tilespmem:s31+$0x1430];
	_ =	sdelay $0x4  }
0x53: {  	[tilespmem:$0xA930] =	vst v0  }
0x54: {  	v0 =	vld [tilespmem:s31+$0x1440];
	_ =	sdelay $0x4  }
0x55: {  	[tilespmem:$0xA940] =	vst v0  }
0x56: {  	v0 =	vld [tilespmem:s31+$0x1450];
	_ =	sdelay $0x4  }
0x57: {  	[tilespmem:$0xA950] =	vst v0  }
0x58: {  	v0 =	vld [tilespmem:s31+$0x1460];
	_ =	sdelay $0x4  }
0x59: {  	[tilespmem:$0xA960] =	vst v0  }
0x5a: {  	v0 =	vld [tilespmem:s31+$0x1470];
	_ =	sdelay $0x4  }
0x5b: {  	[tilespmem:$0xA970] =	vst v0  }
0x5c: {  	[spmem:s2] =	stream.indirect.scatter.add.f32 [tilespmem:s17], [sflag:$0x3], $0x80, s21, s15, $0xb8;
	[tilespmem:$0x1EA00] =	vst v63  }
0x5d: {  	_ =	swait.ge [sflag:s22], $0x4000  }
0x5e: {  	[sflag:s22] =	ssyncset.done $0x0  }
0x5f: {  	[sflag:s22] =	ssyncadd.s32 $0xFFFFC000  }
0x60: {  	v0 =	vld [tilespmem:s31+$0x1480];
	_ =	sdelay $0x4  }
0x61: {  	[tilespmem:$0xA980] =	vst v0  }
0x62: {  	v0 =	vld [tilespmem:s31+$0x1490];
	_ =	sdelay $0x4  }
0x63: {  	[tilespmem:$0xA990] =	vst v0  }
0x64: {  	v0 =	vld [tilespmem:s31+$0x14A0];
	_ =	sdelay $0x4  }
0x65: {  	[tilespmem:$0xA9A0] =	vst v0  }
0x66: {  	v0 =	vld [tilespmem:s31+$0x14B0];
	_ =	sdelay $0x4  }
0x67: {  	[tilespmem:$0xA9B0] =	vst v0  }
0x68: {  	v0 =	vld [tilespmem:s31+$0x14C0];
	_ =	sdelay $0x4  }
0x69: {  	[tilespmem:$0xA9C0] =	vst v0  }
0x6a: {  	v0 =	vld [tilespmem:s31+$0x14D0];
	_ =	sdelay $0x4  }
0x6b: {  	[tilespmem:$0xA9D0] =	vst v0  }
0x6c: {  	v0 =	vld [tilespmem:s31+$0x14E0];
	_ =	sdelay $0x4  }
0x6d: {  	[tilespmem:$0xA9E0] =	vst v0  }
0x6e: {  	v0 =	vld [tilespmem:s31+$0x14F0];
	_ =	sdelay $0x3  }
0x6f: {  	s30 =	simm.s32 $0x800;
	p1 =	por $0x0, $0x0;
	s29 =	simm.s32 $0x400  }
.LBB2_2:
0x70: {  	s31 =	simm.s32 @!p1 $0x3;
	[tilespmem:$0xA9F0] =	vst v0;
	s0 =	smov.u32 s30;
	s30 =	sadd.s32 $0x400, s30  }
0x71: {  	[spmem:s2] =	stream.indirect.scatter.add.f32 [tilespmem:s19], [sflag:$0x4], $0x80, s23, s15, $0xb8;
	[tilespmem:$0x1EA00] =	vst v63  }
0x72: {  	p0 =	sne.s32 s30, $0x5000;
	_ =	swait.ge @!p1 [sflag:s31], $0x4000  }
0x73: {  	[sflag:s31] =	ssyncset.done @!p1 $0x0  }
0x74: {  	[sflag:s31] =	ssyncadd.s32 @!p1 $0xFFFFC000;
	s31 =	sshra.s32 s29, $0x2;
	s29 =	smov.u32 s0  }
0x75: {  	v0 =	vld [tilespmem:s31+$0x0];
	_ =	sdelay $0x4  }
0x76: {  	[tilespmem:$0xA800] =	vst v0  }
0x77: {  	v0 =	vld [tilespmem:s31+$0x10];
	_ =	sdelay $0x4  }
0x78: {  	[tilespmem:$0xA810] =	vst v0  }
0x79: {  	v0 =	vld [tilespmem:s31+$0x20];
	_ =	sdelay $0x4  }
0x7a: {  	[tilespmem:$0xA820] =	vst v0  }
0x7b: {  	v0 =	vld [tilespmem:s31+$0x30];
	_ =	sdelay $0x4  }
0x7c: {  	[tilespmem:$0xA830] =	vst v0  }
0x7d: {  	v0 =	vld [tilespmem:s31+$0x40];
	_ =	sdelay $0x4  }
0x7e: {  	[tilespmem:$0xA840] =	vst v0  }
0x7f: {  	v0 =	vld [tilespmem:s31+$0x50];
	_ =	sdelay $0x4  }
0x80: {  	[tilespmem:$0xA850] =	vst v0  }
0x81: {  	v0 =	vld [tilespmem:s31+$0x60];
	_ =	sdelay $0x4  }
0x82: {  	[tilespmem:$0xA860] =	vst v0  }
0x83: {  	v0 =	vld [tilespmem:s31+$0x70];
	_ =	sdelay $0x4  }
0x84: {  	s0 =	simm.s32 @!p1 $0x4;
	[tilespmem:$0xA870] =	vst v0  }
0x85: {  	[tilespmem:s17], [sflag:$0x1] =	stream.indirect.gather [hbm4b:s8+s15], $0x80, s16, s15, $0xb8;
	[tilespmem:$0x1EA00] =	vst v63  }
0x86: {  	_ =	swait.ge @!p1 [sflag:s0], $0x4000  }
0x87: {  	[sflag:s0] =	ssyncset.done @!p1 $0x0  }
0x88: {  	[sflag:s0] =	ssyncadd.s32 @!p1 $0xFFFFC000  }
0x89: {  	v0 =	vld [tilespmem:s31+$0x80];
	_ =	sdelay $0x4  }
0x8a: {  	[tilespmem:$0xA880] =	vst v0  }
0x8b: {  	v0 =	vld [tilespmem:s31+$0x90];
	_ =	sdelay $0x4  }
0x8c: {  	[tilespmem:$0xA890] =	vst v0  }
0x8d: {  	v0 =	vld [tilespmem:s31+$0xA0];
	_ =	sdelay $0x4  }
0x8e: {  	[tilespmem:$0xA8A0] =	vst v0  }
0x8f: {  	v0 =	vld [tilespmem:s31+$0xB0];
	_ =	sdelay $0x4  }
0x90: {  	[tilespmem:$0xA8B0] =	vst v0  }
0x91: {  	v0 =	vld [tilespmem:s31+$0xC0];
	_ =	sdelay $0x4  }
0x92: {  	[tilespmem:$0xA8C0] =	vst v0  }
0x93: {  	v0 =	vld [tilespmem:s31+$0xD0];
	_ =	sdelay $0x4  }
0x94: {  	[tilespmem:$0xA8D0] =	vst v0  }
0x95: {  	v0 =	vld [tilespmem:s31+$0xE0];
	_ =	sdelay $0x4  }
0x96: {  	[tilespmem:$0xA8E0] =	vst v0  }
0x97: {  	v0 =	vld [tilespmem:s31+$0xF0];
	_ =	sdelay $0x4  }
0x98: {  	[tilespmem:$0xA8F0] =	vst v0  }
0x99: {  	[tilespmem:s19], [sflag:$0x2] =	stream.indirect.gather [hbm4b:s8+s15], $0x80, s18, s15, $0xb8;
	[tilespmem:$0x1EA00] =	vst v63  }
0x9a: {  	_ =	swait.ge [sflag:s20], $0x4000  }
0x9b: {  	[sflag:s20] =	ssyncset.done $0x0  }
0x9c: {  	[sflag:s20] =	ssyncadd.s32 $0xFFFFC000  }
0x9d: {  	v0 =	vld [tilespmem:s31+$0x1400];
	_ =	sdelay $0x4  }
0x9e: {  	[tilespmem:$0xA900] =	vst v0  }
0x9f: {  	v0 =	vld [tilespmem:s31+$0x1410];
	_ =	sdelay $0x4  }
0xa0: {  	[tilespmem:$0xA910] =	vst v0  }
0xa1: {  	v0 =	vld [tilespmem:s31+$0x1420];
	_ =	sdelay $0x4  }
0xa2: {  	[tilespmem:$0xA920] =	vst v0  }
0xa3: {  	v0 =	vld [tilespmem:s31+$0x1430];
	_ =	sdelay $0x4  }
0xa4: {  	[tilespmem:$0xA930] =	vst v0  }
0xa5: {  	v0 =	vld [tilespmem:s31+$0x1440];
	_ =	sdelay $0x4  }
0xa6: {  	[tilespmem:$0xA940] =	vst v0  }
0xa7: {  	v0 =	vld [tilespmem:s31+$0x1450];
	_ =	sdelay $0x4  }
0xa8: {  	[tilespmem:$0xA950] =	vst v0  }
0xa9: {  	v0 =	vld [tilespmem:s31+$0x1460];
	_ =	sdelay $0x4  }
0xaa: {  	[tilespmem:$0xA960] =	vst v0  }
0xab: {  	v0 =	vld [tilespmem:s31+$0x1470];
	_ =	sdelay $0x4  }
0xac: {  	[tilespmem:$0xA970] =	vst v0  }
0xad: {  	[spmem:s2] =	stream.indirect.scatter.add.f32 [tilespmem:s17], [sflag:$0x3], $0x80, s21, s15, $0xb8;
	[tilespmem:$0x1EA00] =	vst v63  }
0xae: {  	_ =	swait.ge [sflag:s22], $0x4000  }
0xaf: {  	[sflag:s22] =	ssyncset.done $0x0  }
0xb0: {  	[sflag:s22] =	ssyncadd.s32 $0xFFFFC000  }
0xb1: {  	v0 =	vld [tilespmem:s31+$0x1480];
	_ =	sdelay $0x4  }
0xb2: {  	[tilespmem:$0xA980] =	vst v0  }
0xb3: {  	v0 =	vld [tilespmem:s31+$0x1490];
	_ =	sdelay $0x4  }
0xb4: {  	[tilespmem:$0xA990] =	vst v0  }
0xb5: {  	v0 =	vld [tilespmem:s31+$0x14A0];
	_ =	sdelay $0x4  }
0xb6: {  	[tilespmem:$0xA9A0] =	vst v0  }
0xb7: {  	v0 =	vld [tilespmem:s31+$0x14B0];
	_ =	sdelay $0x4  }
0xb8: {  	[tilespmem:$0xA9B0] =	vst v0  }
0xb9: {  	v0 =	vld [tilespmem:s31+$0x14C0];
	_ =	sdelay $0x4  }
0xba: {  	[tilespmem:$0xA9C0] =	vst v0  }
0xbb: {  	v0 =	vld [tilespmem:s31+$0x14D0];
	_ =	sdelay $0x4  }
0xbc: {  	[tilespmem:$0xA9D0] =	vst v0  }
0xbd: {  	v0 =	vld [tilespmem:s31+$0x14E0];
	_ =	sdelay $0x4  }
0xbe: {  	[tilespmem:$0xA9E0] =	vst v0  }
.Ltmp0:
0xbf: {  	v0 =	vld [tilespmem:s31+$0x14F0];
	(pc) =	sbr.rel @p0 .LBB2_2-.Ltmp0, $2  }
0xc0: {  	_ =	sdelay $0x2  }
0xc1: {  	p1 =	seq.s32 s29, $0x0  }
0xc2: {  	s0 =	simm.s32 @!p1 $0x3;
	[tilespmem:$0xA9F0] =	vst v0  }
0xc3: {  	[spmem:s2] =	stream.indirect.scatter.add.f32 [tilespmem:s19], [sflag:$0x4], $0x80, s23, s15, $0xb8;
	[tilespmem:$0x1EA00] =	vst v63  }
0xc4: {  	_ =	swait.ge @!p1 [sflag:s0], $0x4000  }
0xc5: {  	[sflag:s0] =	ssyncset.done @!p1 $0x0  }
0xc6: {  	s29 =	sshra.s32 s29, $0x2;
	[sflag:s0] =	ssyncadd.s32 @!p1 $0xFFFFC000  }
0xc7: {  	v0 =	vld [tilespmem:s29+$0x0];
	_ =	sdelay $0x4  }
0xc8: {  	[tilespmem:$0xA800] =	vst v0  }
0xc9: {  	v0 =	vld [tilespmem:s29+$0x10];
	_ =	sdelay $0x4  }
0xca: {  	[tilespmem:$0xA810] =	vst v0  }
0xcb: {  	v0 =	vld [tilespmem:s29+$0x20];
	_ =	sdelay $0x4  }
0xcc: {  	[tilespmem:$0xA820] =	vst v0  }
0xcd: {  	v0 =	vld [tilespmem:s29+$0x30];
	_ =	sdelay $0x4  }
0xce: {  	[tilespmem:$0xA830] =	vst v0  }
0xcf: {  	v0 =	vld [tilespmem:s29+$0x40];
	_ =	sdelay $0x4  }
0xd0: {  	[tilespmem:$0xA840] =	vst v0  }
0xd1: {  	v0 =	vld [tilespmem:s29+$0x50];
	_ =	sdelay $0x4  }
0xd2: {  	[tilespmem:$0xA850] =	vst v0  }
0xd3: {  	v0 =	vld [tilespmem:s29+$0x60];
	_ =	sdelay $0x4  }
0xd4: {  	[tilespmem:$0xA860] =	vst v0  }
0xd5: {  	v0 =	vld [tilespmem:s29+$0x70];
	_ =	sdelay $0x4  }
0xd6: {  	s0 =	simm.s32 @!p1 $0x4;
	[tilespmem:$0xA870] =	vst v0  }
0xd7: {  	[tilespmem:s17], [sflag:$0x1] =	stream.indirect.gather [hbm4b:s8+s15], $0x80, s16, s15, $0xb8;
	[tilespmem:$0x1EA00] =	vst v63  }
0xd8: {  	_ =	swait.ge @!p1 [sflag:s0], $0x4000  }
0xd9: {  	[sflag:s0] =	ssyncset.done @!p1 $0x0  }
0xda: {  	[sflag:s0] =	ssyncadd.s32 @!p1 $0xFFFFC000  }
0xdb: {  	v0 =	vld [tilespmem:s29+$0x80];
	_ =	sdelay $0x4  }
0xdc: {  	[tilespmem:$0xA880] =	vst v0  }
0xdd: {  	v0 =	vld [tilespmem:s29+$0x90];
	_ =	sdelay $0x4  }
0xde: {  	[tilespmem:$0xA890] =	vst v0  }
0xdf: {  	v0 =	vld [tilespmem:s29+$0xA0];
	_ =	sdelay $0x4  }
0xe0: {  	[tilespmem:$0xA8A0] =	vst v0  }
0xe1: {  	v0 =	vld [tilespmem:s29+$0xB0];
	_ =	sdelay $0x4  }
0xe2: {  	[tilespmem:$0xA8B0] =	vst v0  }
0xe3: {  	v0 =	vld [tilespmem:s29+$0xC0];
	_ =	sdelay $0x4  }
0xe4: {  	[tilespmem:$0xA8C0] =	vst v0  }
0xe5: {  	v0 =	vld [tilespmem:s29+$0xD0];
	_ =	sdelay $0x4  }
0xe6: {  	[tilespmem:$0xA8D0] =	vst v0  }
0xe7: {  	v0 =	vld [tilespmem:s29+$0xE0];
	_ =	sdelay $0x4  }
0xe8: {  	[tilespmem:$0xA8E0] =	vst v0  }
0xe9: {  	v0 =	vld [tilespmem:s29+$0xF0];
	_ =	sdelay $0x4  }
0xea: {  	[tilespmem:$0xA8F0] =	vst v0  }
0xeb: {  	[tilespmem:s19], [sflag:$0x2] =	stream.indirect.gather [hbm4b:s8+s15], $0x80, s18, s15, $0xb8;
	[tilespmem:$0x1EA00] =	vst v63  }
0xec: {  	_ =	swait.ge [sflag:s20], $0x4000  }
0xed: {  	[sflag:s20] =	ssyncset.done $0x0  }
0xee: {  	[sflag:s20] =	ssyncadd.s32 $0xFFFFC000  }
0xef: {  	v0 =	vld [tilespmem:s29+$0x1400];
	_ =	sdelay $0x4  }
0xf0: {  	[tilespmem:$0xA900] =	vst v0  }
0xf1: {  	v0 =	vld [tilespmem:s29+$0x1410];
	_ =	sdelay $0x4  }
0xf2: {  	[tilespmem:$0xA910] =	vst v0  }
0xf3: {  	v0 =	vld [tilespmem:s29+$0x1420];
	_ =	sdelay $0x4  }
0xf4: {  	[tilespmem:$0xA920] =	vst v0  }
0xf5: {  	v0 =	vld [tilespmem:s29+$0x1430];
	_ =	sdelay $0x4  }
0xf6: {  	[tilespmem:$0xA930] =	vst v0  }
0xf7: {  	v0 =	vld [tilespmem:s29+$0x1440];
	_ =	sdelay $0x4  }
0xf8: {  	[tilespmem:$0xA940] =	vst v0  }
0xf9: {  	v0 =	vld [tilespmem:s29+$0x1450];
	_ =	sdelay $0x4  }
0xfa: {  	[tilespmem:$0xA950] =	vst v0  }
0xfb: {  	v0 =	vld [tilespmem:s29+$0x1460];
	_ =	sdelay $0x4  }
0xfc: {  	[tilespmem:$0xA960] =	vst v0  }
0xfd: {  	v0 =	vld [tilespmem:s29+$0x1470];
	_ =	sdelay $0x4  }
0xfe: {  	[tilespmem:$0xA970] =	vst v0  }
0xff: {  	[spmem:s2] =	stream.indirect.scatter.add.f32 [tilespmem:s17], [sflag:$0x3], $0x80, s21, s15, $0xb8;
	[tilespmem:$0x1EA00] =	vst v63  }
0x100: {  	_ =	swait.ge [sflag:s22], $0x4000  }
0x101: {  	[sflag:s22] =	ssyncset.done $0x0  }
0x102: {  	[sflag:s22] =	ssyncadd.s32 $0xFFFFC000  }
0x103: {  	v0 =	vld [tilespmem:s29+$0x1480];
	_ =	sdelay $0x4  }
0x104: {  	[tilespmem:$0xA980] =	vst v0  }
0x105: {  	v0 =	vld [tilespmem:s29+$0x1490];
	_ =	sdelay $0x4  }
0x106: {  	[tilespmem:$0xA990] =	vst v0  }
0x107: {  	v0 =	vld [tilespmem:s29+$0x14A0];
	_ =	sdelay $0x4  }
0x108: {  	[tilespmem:$0xA9A0] =	vst v0  }
0x109: {  	v0 =	vld [tilespmem:s29+$0x14B0];
	_ =	sdelay $0x4  }
0x10a: {  	[tilespmem:$0xA9B0] =	vst v0  }
0x10b: {  	v0 =	vld [tilespmem:s29+$0x14C0];
	_ =	sdelay $0x4  }
0x10c: {  	[tilespmem:$0xA9C0] =	vst v0  }
0x10d: {  	v0 =	vld [tilespmem:s29+$0x14D0];
	_ =	sdelay $0x4  }
0x10e: {  	[tilespmem:$0xA9D0] =	vst v0  }
0x10f: {  	v0 =	vld [tilespmem:s29+$0x14E0];
	_ =	sdelay $0x4  }
0x110: {  	[tilespmem:$0xA9E0] =	vst v0  }
0x111: {  	v0 =	vld [tilespmem:s29+$0x14F0];
	_ =	sdelay $0x4  }
0x112: {  	[tilespmem:$0xA9F0] =	vst v0  }
0x113: {  	[spmem:s2] =	stream.indirect.scatter.add.f32 [tilespmem:s19], [sflag:$0x4], $0x80, s23, s15, $0xb8;
	[tilespmem:$0x1EA00] =	vst v63  }
0x114: {  	_ =	swait.ge [sflag:s25], $0x4000  }
0x115: {  	[sflag:s25] =	ssyncset.done $0x0  }
0x116: {  	[sflag:s25] =	ssyncadd.s32 $0xFFFFC000  }
0x117: {  	_ =	swait.ge [sflag:s26], $0x4000  }
0x118: {  	[sflag:s26] =	ssyncset.done $0x0  }
0x119: {  	s31 =	simm.s32 $0x0;
	[sflag:s26] =	ssyncadd.s32 $0xFFFFC000  }
0x11a: {  	[tilespmem:s31], [sflag:$0x5] =	stream.linear.gather [hbm4b:s9+s31], $0x1400, $0x38;
	[tilespmem:$0x1EA00] =	vst v63  }
0x11b: {  	_ =	swait.ge [sflag:s13], $0x1400  }
0x11c: {  	[sflag:s13] =	ssyncset.done $0x0  }
0x11d: {  	[sflag:s13] =	ssyncadd.s32 $0xFFFFEC00  }
0x11e: {  	[tilespmem:s14], [sflag:$0x5] =	stream.linear.gather [hbm4b:s10+s31], $0x1400, $0x38;
	[tilespmem:$0x1EA00] =	vst v63  }
0x11f: {  	_ =	swait.ge [sflag:s13], $0x1400  }
0x120: {  	p0 =	por $0x1, $0x1;
	[sflag:s13] =	ssyncset.done $0x0  }
0x121: {  	s0 =	simm.s32 @!p0 $0x3;
	[sflag:s13] =	ssyncadd.s32 $0xFFFFEC00  }
0x122: {  	_ =	swait.ge @!p0 [sflag:s0], $0x4000  }
0x123: {  	[sflag:s0] =	ssyncset.done @!p0 $0x0  }
0x124: {  	s31 =	simm.s32 $0x0;
	[sflag:s0] =	ssyncadd.s32 @!p0 $0xFFFFC000  }
0x125: {  	v0 =	vld [tilespmem:s31+$0x0];
	_ =	sdelay $0x4  }
0x126: {  	[tilespmem:$0xA800] =	vst v0  }
0x127: {  	v0 =	vld [tilespmem:s31+$0x10];
	_ =	sdelay $0x4  }
0x128: {  	[tilespmem:$0xA810] =	vst v0  }
0x129: {  	v0 =	vld [tilespmem:s31+$0x20];
	_ =	sdelay $0x4  }
0x12a: {  	[tilespmem:$0xA820] =	vst v0  }
0x12b: {  	v0 =	vld [tilespmem:s31+$0x30];
	_ =	sdelay $0x4  }
0x12c: {  	[tilespmem:$0xA830] =	vst v0  }
0x12d: {  	v0 =	vld [tilespmem:s31+$0x40];
	_ =	sdelay $0x4  }
0x12e: {  	[tilespmem:$0xA840] =	vst v0  }
0x12f: {  	v0 =	vld [tilespmem:s31+$0x50];
	_ =	sdelay $0x4  }
0x130: {  	[tilespmem:$0xA850] =	vst v0  }
0x131: {  	v0 =	vld [tilespmem:s31+$0x60];
	_ =	sdelay $0x4  }
0x132: {  	[tilespmem:$0xA860] =	vst v0  }
0x133: {  	v0 =	vld [tilespmem:s31+$0x70];
	_ =	sdelay $0x4  }
0x134: {  	s0 =	simm.s32 @!p0 $0x4;
	[tilespmem:$0xA870] =	vst v0  }
0x135: {  	[tilespmem:s17], [sflag:$0x1] =	stream.indirect.gather [hbm4b:s8+s15], $0x80, s16, s15, $0xb8;
	[tilespmem:$0x1EA00] =	vst v63  }
0x136: {  	_ =	swait.ge @!p0 [sflag:s0], $0x4000  }
0x137: {  	[sflag:s0] =	ssyncset.done @!p0 $0x0  }
0x138: {  	[sflag:s0] =	ssyncadd.s32 @!p0 $0xFFFFC000  }
0x139: {  	v0 =	vld [tilespmem:s31+$0x80];
	_ =	sdelay $0x4  }
0x13a: {  	[tilespmem:$0xA880] =	vst v0  }
0x13b: {  	v0 =	vld [tilespmem:s31+$0x90];
	_ =	sdelay $0x4  }
0x13c: {  	[tilespmem:$0xA890] =	vst v0  }
0x13d: {  	v0 =	vld [tilespmem:s31+$0xA0];
	_ =	sdelay $0x4  }
0x13e: {  	[tilespmem:$0xA8A0] =	vst v0  }
0x13f: {  	v0 =	vld [tilespmem:s31+$0xB0];
	_ =	sdelay $0x4  }
0x140: {  	[tilespmem:$0xA8B0] =	vst v0  }
0x141: {  	v0 =	vld [tilespmem:s31+$0xC0];
	_ =	sdelay $0x4  }
0x142: {  	[tilespmem:$0xA8C0] =	vst v0  }
0x143: {  	v0 =	vld [tilespmem:s31+$0xD0];
	_ =	sdelay $0x4  }
0x144: {  	[tilespmem:$0xA8D0] =	vst v0  }
0x145: {  	v0 =	vld [tilespmem:s31+$0xE0];
	_ =	sdelay $0x4  }
0x146: {  	[tilespmem:$0xA8E0] =	vst v0  }
0x147: {  	v0 =	vld [tilespmem:s31+$0xF0];
	_ =	sdelay $0x4  }
0x148: {  	[tilespmem:$0xA8F0] =	vst v0  }
0x149: {  	[tilespmem:s19], [sflag:$0x2] =	stream.indirect.gather [hbm4b:s8+s15], $0x80, s18, s15, $0xb8;
	[tilespmem:$0x1EA00] =	vst v63  }
0x14a: {  	_ =	swait.ge [sflag:s20], $0x4000  }
0x14b: {  	[sflag:s20] =	ssyncset.done $0x0  }
0x14c: {  	[sflag:s20] =	ssyncadd.s32 $0xFFFFC000  }
0x14d: {  	v0 =	vld [tilespmem:s31+$0x1400];
	_ =	sdelay $0x4  }
0x14e: {  	[tilespmem:$0xA900] =	vst v0  }
0x14f: {  	v0 =	vld [tilespmem:s31+$0x1410];
	_ =	sdelay $0x4  }
0x150: {  	[tilespmem:$0xA910] =	vst v0  }
0x151: {  	v0 =	vld [tilespmem:s31+$0x1420];
	_ =	sdelay $0x4  }
0x152: {  	[tilespmem:$0xA920] =	vst v0  }
0x153: {  	v0 =	vld [tilespmem:s31+$0x1430];
	_ =	sdelay $0x4  }
0x154: {  	[tilespmem:$0xA930] =	vst v0  }
0x155: {  	v0 =	vld [tilespmem:s31+$0x1440];
	_ =	sdelay $0x4  }
0x156: {  	[tilespmem:$0xA940] =	vst v0  }
0x157: {  	v0 =	vld [tilespmem:s31+$0x1450];
	_ =	sdelay $0x4  }
0x158: {  	[tilespmem:$0xA950] =	vst v0  }
0x159: {  	v0 =	vld [tilespmem:s31+$0x1460];
	_ =	sdelay $0x4  }
0x15a: {  	[tilespmem:$0xA960] =	vst v0  }
0x15b: {  	v0 =	vld [tilespmem:s31+$0x1470];
	_ =	sdelay $0x4  }
0x15c: {  	[tilespmem:$0xA970] =	vst v0  }
0x15d: {  	[spmem:s2] =	stream.indirect.scatter.add.f32 [tilespmem:s17], [sflag:$0x3], $0x80, s21, s15, $0xb8;
	[tilespmem:$0x1EA00] =	vst v63  }
0x15e: {  	_ =	swait.ge [sflag:s22], $0x4000  }
0x15f: {  	[sflag:s22] =	ssyncset.done $0x0  }
0x160: {  	[sflag:s22] =	ssyncadd.s32 $0xFFFFC000  }
0x161: {  	v0 =	vld [tilespmem:s31+$0x1480];
	_ =	sdelay $0x4  }
0x162: {  	[tilespmem:$0xA980] =	vst v0  }
0x163: {  	v0 =	vld [tilespmem:s31+$0x1490];
	_ =	sdelay $0x4  }
0x164: {  	[tilespmem:$0xA990] =	vst v0  }
0x165: {  	v0 =	vld [tilespmem:s31+$0x14A0];
	_ =	sdelay $0x4  }
0x166: {  	[tilespmem:$0xA9A0] =	vst v0  }
0x167: {  	v0 =	vld [tilespmem:s31+$0x14B0];
	_ =	sdelay $0x4  }
0x168: {  	[tilespmem:$0xA9B0] =	vst v0  }
0x169: {  	v0 =	vld [tilespmem:s31+$0x14C0];
	_ =	sdelay $0x4  }
0x16a: {  	[tilespmem:$0xA9C0] =	vst v0  }
0x16b: {  	v0 =	vld [tilespmem:s31+$0x14D0];
	_ =	sdelay $0x4  }
0x16c: {  	[tilespmem:$0xA9D0] =	vst v0  }
0x16d: {  	v0 =	vld [tilespmem:s31+$0x14E0];
	_ =	sdelay $0x4  }
0x16e: {  	[tilespmem:$0xA9E0] =	vst v0  }
0x16f: {  	v0 =	vld [tilespmem:s31+$0x14F0];
	_ =	sdelay $0x3  }
0x170: {  	s30 =	simm.s32 $0x800;
	p1 =	por $0x0, $0x0;
	s29 =	simm.s32 $0x400  }
.LBB2_4:
0x171: {  	s0 =	simm.s32 @!p1 $0x3;
	[tilespmem:$0xA9F0] =	vst v0;
	s1 =	smov.u32 s30;
	s30 =	sadd.s32 $0x400, s30  }
0x172: {  	[spmem:s2] =	stream.indirect.scatter.add.f32 [tilespmem:s19], [sflag:$0x4], $0x80, s23, s15, $0xb8;
	[tilespmem:$0x1EA00] =	vst v63  }
0x173: {  	p0 =	sne.s32 s30, $0x5000;
	_ =	swait.ge @!p1 [sflag:s0], $0x4000  }
0x174: {  	[sflag:s0] =	ssyncset.done @!p1 $0x0  }
0x175: {  	s31 =	sshra.s32 s29, $0x2;
	s29 =	smov.u32 s1;
	[sflag:s0] =	ssyncadd.s32 @!p1 $0xFFFFC000  }
0x176: {  	v0 =	vld [tilespmem:s31+$0x0];
	_ =	sdelay $0x4  }
0x177: {  	[tilespmem:$0xA800] =	vst v0  }
0x178: {  	v0 =	vld [tilespmem:s31+$0x10];
	_ =	sdelay $0x4  }
0x179: {  	[tilespmem:$0xA810] =	vst v0  }
0x17a: {  	v0 =	vld [tilespmem:s31+$0x20];
	_ =	sdelay $0x4  }
0x17b: {  	[tilespmem:$0xA820] =	vst v0  }
0x17c: {  	v0 =	vld [tilespmem:s31+$0x30];
	_ =	sdelay $0x4  }
0x17d: {  	[tilespmem:$0xA830] =	vst v0  }
0x17e: {  	v0 =	vld [tilespmem:s31+$0x40];
	_ =	sdelay $0x4  }
0x17f: {  	[tilespmem:$0xA840] =	vst v0  }
0x180: {  	v0 =	vld [tilespmem:s31+$0x50];
	_ =	sdelay $0x4  }
0x181: {  	[tilespmem:$0xA850] =	vst v0  }
0x182: {  	v0 =	vld [tilespmem:s31+$0x60];
	_ =	sdelay $0x4  }
0x183: {  	[tilespmem:$0xA860] =	vst v0  }
0x184: {  	v0 =	vld [tilespmem:s31+$0x70];
	_ =	sdelay $0x4  }
0x185: {  	s0 =	simm.s32 @!p1 $0x4;
	[tilespmem:$0xA870] =	vst v0  }
0x186: {  	[tilespmem:s17], [sflag:$0x1] =	stream.indirect.gather [hbm4b:s8+s15], $0x80, s16, s15, $0xb8;
	[tilespmem:$0x1EA00] =	vst v63  }
0x187: {  	_ =	swait.ge @!p1 [sflag:s0], $0x4000  }
0x188: {  	[sflag:s0] =	ssyncset.done @!p1 $0x0  }
0x189: {  	[sflag:s0] =	ssyncadd.s32 @!p1 $0xFFFFC000  }
0x18a: {  	v0 =	vld [tilespmem:s31+$0x80];
	_ =	sdelay $0x4  }
0x18b: {  	[tilespmem:$0xA880] =	vst v0  }
0x18c: {  	v0 =	vld [tilespmem:s31+$0x90];
	_ =	sdelay $0x4  }
0x18d: {  	[tilespmem:$0xA890] =	vst v0  }
0x18e: {  	v0 =	vld [tilespmem:s31+$0xA0];
	_ =	sdelay $0x4  }
0x18f: {  	[tilespmem:$0xA8A0] =	vst v0  }
0x190: {  	v0 =	vld [tilespmem:s31+$0xB0];
	_ =	sdelay $0x4  }
0x191: {  	[tilespmem:$0xA8B0] =	vst v0  }
0x192: {  	v0 =	vld [tilespmem:s31+$0xC0];
	_ =	sdelay $0x4  }
0x193: {  	[tilespmem:$0xA8C0] =	vst v0  }
0x194: {  	v0 =	vld [tilespmem:s31+$0xD0];
	_ =	sdelay $0x4  }
0x195: {  	[tilespmem:$0xA8D0] =	vst v0  }
0x196: {  	v0 =	vld [tilespmem:s31+$0xE0];
	_ =	sdelay $0x4  }
0x197: {  	[tilespmem:$0xA8E0] =	vst v0  }
0x198: {  	v0 =	vld [tilespmem:s31+$0xF0];
	_ =	sdelay $0x4  }
0x199: {  	[tilespmem:$0xA8F0] =	vst v0  }
0x19a: {  	[tilespmem:s19], [sflag:$0x2] =	stream.indirect.gather [hbm4b:s8+s15], $0x80, s18, s15, $0xb8;
	[tilespmem:$0x1EA00] =	vst v63  }
0x19b: {  	_ =	swait.ge [sflag:s20], $0x4000  }
0x19c: {  	[sflag:s20] =	ssyncset.done $0x0  }
0x19d: {  	[sflag:s20] =	ssyncadd.s32 $0xFFFFC000  }
0x19e: {  	v0 =	vld [tilespmem:s31+$0x1400];
	_ =	sdelay $0x4  }
0x19f: {  	[tilespmem:$0xA900] =	vst v0  }
0x1a0: {  	v0 =	vld [tilespmem:s31+$0x1410];
	_ =	sdelay $0x4  }
0x1a1: {  	[tilespmem:$0xA910] =	vst v0  }
0x1a2: {  	v0 =	vld [tilespmem:s31+$0x1420];
	_ =	sdelay $0x4  }
0x1a3: {  	[tilespmem:$0xA920] =	vst v0  }
0x1a4: {  	v0 =	vld [tilespmem:s31+$0x1430];
	_ =	sdelay $0x4  }
0x1a5: {  	[tilespmem:$0xA930] =	vst v0  }
0x1a6: {  	v0 =	vld [tilespmem:s31+$0x1440];
	_ =	sdelay $0x4  }
0x1a7: {  	[tilespmem:$0xA940] =	vst v0  }
0x1a8: {  	v0 =	vld [tilespmem:s31+$0x1450];
	_ =	sdelay $0x4  }
0x1a9: {  	[tilespmem:$0xA950] =	vst v0  }
0x1aa: {  	v0 =	vld [tilespmem:s31+$0x1460];
	_ =	sdelay $0x4  }
0x1ab: {  	[tilespmem:$0xA960] =	vst v0  }
0x1ac: {  	v0 =	vld [tilespmem:s31+$0x1470];
	_ =	sdelay $0x4  }
0x1ad: {  	[tilespmem:$0xA970] =	vst v0  }
0x1ae: {  	[spmem:s2] =	stream.indirect.scatter.add.f32 [tilespmem:s17], [sflag:$0x3], $0x80, s21, s15, $0xb8;
	[tilespmem:$0x1EA00] =	vst v63  }
0x1af: {  	_ =	swait.ge [sflag:s22], $0x4000  }
0x1b0: {  	[sflag:s22] =	ssyncset.done $0x0  }
0x1b1: {  	[sflag:s22] =	ssyncadd.s32 $0xFFFFC000  }
0x1b2: {  	v0 =	vld [tilespmem:s31+$0x1480];
	_ =	sdelay $0x4  }
0x1b3: {  	[tilespmem:$0xA980] =	vst v0  }
0x1b4: {  	v0 =	vld [tilespmem:s31+$0x1490];
	_ =	sdelay $0x4  }
0x1b5: {  	[tilespmem:$0xA990] =	vst v0  }
0x1b6: {  	v0 =	vld [tilespmem:s31+$0x14A0];
	_ =	sdelay $0x4  }
0x1b7: {  	[tilespmem:$0xA9A0] =	vst v0  }
0x1b8: {  	v0 =	vld [tilespmem:s31+$0x14B0];
	_ =	sdelay $0x4  }
0x1b9: {  	[tilespmem:$0xA9B0] =	vst v0  }
0x1ba: {  	v0 =	vld [tilespmem:s31+$0x14C0];
	_ =	sdelay $0x4  }
0x1bb: {  	[tilespmem:$0xA9C0] =	vst v0  }
0x1bc: {  	v0 =	vld [tilespmem:s31+$0x14D0];
	_ =	sdelay $0x4  }
0x1bd: {  	[tilespmem:$0xA9D0] =	vst v0  }
0x1be: {  	v0 =	vld [tilespmem:s31+$0x14E0];
	_ =	sdelay $0x4  }
0x1bf: {  	[tilespmem:$0xA9E0] =	vst v0  }
.Ltmp1:
0x1c0: {  	v0 =	vld [tilespmem:s31+$0x14F0];
	(pc) =	sbr.rel @p0 .LBB2_4-.Ltmp1, $2  }
0x1c1: {  	_ =	sdelay $0x2  }
0x1c2: {  	p1 =	seq.s32 s29, $0x0  }
0x1c3: {  	s0 =	simm.s32 @!p1 $0x3;
	[tilespmem:$0xA9F0] =	vst v0  }
0x1c4: {  	[spmem:s2] =	stream.indirect.scatter.add.f32 [tilespmem:s19], [sflag:$0x4], $0x80, s23, s15, $0xb8;
	[tilespmem:$0x1EA00] =	vst v63  }
0x1c5: {  	_ =	swait.ge @!p1 [sflag:s0], $0x4000  }
0x1c6: {  	[sflag:s0] =	ssyncset.done @!p1 $0x0  }
0x1c7: {  	s29 =	sshra.s32 s29, $0x2;
	[sflag:s0] =	ssyncadd.s32 @!p1 $0xFFFFC000  }
0x1c8: {  	v60 =	vld [tilespmem:s29+$0x0];
	_ =	sdelay $0x4  }
0x1c9: {  	[tilespmem:$0xA800] =	vst v60  }
0x1ca: {  	v0 =	vld [tilespmem:s29+$0x10];
	_ =	sdelay $0x4  }
0x1cb: {  	[tilespmem:$0xA810] =	vst v0  }
0x1cc: {  	v0 =	vld [tilespmem:s29+$0x20];
	_ =	sdelay $0x4  }
0x1cd: {  	[tilespmem:$0xA820] =	vst v0  }
0x1ce: {  	v0 =	vld [tilespmem:s29+$0x30];
	_ =	sdelay $0x4  }
0x1cf: {  	[tilespmem:$0xA830] =	vst v0  }
0x1d0: {  	v0 =	vld [tilespmem:s29+$0x40];
	_ =	sdelay $0x4  }
0x1d1: {  	[tilespmem:$0xA840] =	vst v0  }
0x1d2: {  	v0 =	vld [tilespmem:s29+$0x50];
	_ =	sdelay $0x4  }
0x1d3: {  	[tilespmem:$0xA850] =	vst v0  }
0x1d4: {  	v0 =	vld [tilespmem:s29+$0x60];
	_ =	sdelay $0x4  }
0x1d5: {  	[tilespmem:$0xA860] =	vst v0  }
0x1d6: {  	v0 =	vld [tilespmem:s29+$0x70];
	_ =	sdelay $0x4  }
0x1d7: {  	s0 =	simm.s32 @!p1 $0x4;
	[tilespmem:$0xA870] =	vst v0  }
0x1d8: {  	[tilespmem:s17], [sflag:$0x1] =	stream.indirect.gather [hbm4b:s8+s15], $0x80, s16, s15, $0xb8;
	[tilespmem:$0x1EA00] =	vst v63  }
0x1d9: {  	_ =	swait.ge @!p1 [sflag:s0], $0x4000  }
0x1da: {  	[sflag:s0] =	ssyncset.done @!p1 $0x0  }
0x1db: {  	[sflag:s0] =	ssyncadd.s32 @!p1 $0xFFFFC000  }
0x1dc: {  	v61 =	vld [tilespmem:s29+$0x80];
	_ =	sdelay $0x4  }
0x1dd: {  	[tilespmem:$0xA880] =	vst v61  }
0x1de: {  	v0 =	vld [tilespmem:s29+$0x90];
	_ =	sdelay $0x4  }
0x1df: {  	[tilespmem:$0xA890] =	vst v0  }
0x1e0: {  	v0 =	vld [tilespmem:s29+$0xA0];
	_ =	sdelay $0x4  }
0x1e1: {  	[tilespmem:$0xA8A0] =	vst v0  }
0x1e2: {  	v0 =	vld [tilespmem:s29+$0xB0];
	_ =	sdelay $0x4  }
0x1e3: {  	[tilespmem:$0xA8B0] =	vst v0  }
0x1e4: {  	v0 =	vld [tilespmem:s29+$0xC0];
	_ =	sdelay $0x4  }
0x1e5: {  	[tilespmem:$0xA8C0] =	vst v0  }
0x1e6: {  	v0 =	vld [tilespmem:s29+$0xD0];
	_ =	sdelay $0x4  }
0x1e7: {  	[tilespmem:$0xA8D0] =	vst v0  }
0x1e8: {  	v0 =	vld [tilespmem:s29+$0xE0];
	_ =	sdelay $0x4  }
0x1e9: {  	[tilespmem:$0xA8E0] =	vst v0  }
0x1ea: {  	v0 =	vld [tilespmem:s29+$0xF0];
	_ =	sdelay $0x4  }
0x1eb: {  	[tilespmem:$0xA8F0] =	vst v0  }
0x1ec: {  	[tilespmem:s19], [sflag:$0x2] =	stream.indirect.gather [hbm4b:s8+s15], $0x80, s18, s15, $0xb8;
	[tilespmem:$0x1EA00] =	vst v63  }
0x1ed: {  	_ =	swait.ge [sflag:s20], $0x4000  }
0x1ee: {  	[sflag:s20] =	ssyncset.done $0x0  }
0x1ef: {  	[sflag:s20] =	ssyncadd.s32 $0xFFFFC000  }
0x1f0: {  	v62 =	vld [tilespmem:s29+$0x1400];
	_ =	sdelay $0x4  }
0x1f1: {  	[tilespmem:$0xA900] =	vst v62  }
0x1f2: {  	v0 =	vld [tilespmem:s29+$0x1410];
	_ =	sdelay $0x4  }
0x1f3: {  	[tilespmem:$0xA910] =	vst v0  }
0x1f4: {  	v0 =	vld [tilespmem:s29+$0x1420];
	_ =	sdelay $0x4  }
0x1f5: {  	[tilespmem:$0xA920] =	vst v0  }
0x1f6: {  	v0 =	vld [tilespmem:s29+$0x1430];
	_ =	sdelay $0x4  }
0x1f7: {  	[tilespmem:$0xA930] =	vst v0  }
0x1f8: {  	v0 =	vld [tilespmem:s29+$0x1440];
	_ =	sdelay $0x4  }
0x1f9: {  	[tilespmem:$0xA940] =	vst v0  }
0x1fa: {  	v0 =	vld [tilespmem:s29+$0x1450];
	_ =	sdelay $0x4  }
0x1fb: {  	[tilespmem:$0xA950] =	vst v0  }
0x1fc: {  	v0 =	vld [tilespmem:s29+$0x1460];
	_ =	sdelay $0x4  }
0x1fd: {  	[tilespmem:$0xA960] =	vst v0  }
0x1fe: {  	v0 =	vld [tilespmem:s29+$0x1470];
	_ =	sdelay $0x4  }
0x1ff: {  	[tilespmem:$0xA970] =	vst v0  }
0x200: {  	[spmem:s2] =	stream.indirect.scatter.add.f32 [tilespmem:s17], [sflag:$0x3], $0x80, s21, s15, $0xb8;
	[tilespmem:$0x1EA00] =	vst v63  }
0x201: {  	_ =	swait.ge [sflag:s22], $0x4000  }
0x202: {  	[sflag:s22] =	ssyncset.done $0x0  }
0x203: {  	[sflag:s22] =	ssyncadd.s32 $0xFFFFC000  }
0x204: {  	v63 =	vld [tilespmem:s29+$0x1480];
	_ =	sdelay $0x4  }
0x205: {  	[tilespmem:$0xA980] =	vst v63  }
0x206: {  	v0 =	vld [tilespmem:s29+$0x1490];
	_ =	sdelay $0x4  }
0x207: {  	[tilespmem:$0xA990] =	vst v0  }
0x208: {  	v0 =	vld [tilespmem:s29+$0x14A0];
	_ =	sdelay $0x4  }
0x209: {  	[tilespmem:$0xA9A0] =	vst v0  }
0x20a: {  	v0 =	vld [tilespmem:s29+$0x14B0];
	_ =	sdelay $0x4  }
0x20b: {  	[tilespmem:$0xA9B0] =	vst v0  }
0x20c: {  	v0 =	vld [tilespmem:s29+$0x14C0];
	_ =	sdelay $0x4  }
0x20d: {  	[tilespmem:$0xA9C0] =	vst v0  }
0x20e: {  	v0 =	vld [tilespmem:s29+$0x14D0];
	_ =	sdelay $0x4  }
0x20f: {  	[tilespmem:$0xA9D0] =	vst v0  }
0x210: {  	v0 =	vld [tilespmem:s29+$0x14E0];
	_ =	sdelay $0x4  }
0x211: {  	[tilespmem:$0xA9E0] =	vst v0  }
0x212: {  	v0 =	vld [tilespmem:s29+$0x14F0];
	_ =	sdelay $0x4  }
0x213: {  	[tilespmem:$0xA9F0] =	vst v0  }
0x214: {  	[spmem:s2] =	stream.indirect.scatter.add.f32 [tilespmem:s19], [sflag:$0x4], $0x80, s23, s15, $0xb8;
	[tilespmem:$0x1EA00] =	vst v63  }
0x215: {  	_ =	swait.ge [sflag:s25], $0x4000  }
0x216: {  	[sflag:s25] =	ssyncset.done $0x0  }
0x217: {  	[sflag:s25] =	ssyncadd.s32 $0xFFFFC000  }
0x218: {  	_ =	swait.ge [sflag:s26], $0x4000  }
0x219: {  	s28 =	sadd.s32 $0x1, s28;
	[sflag:s26] =	ssyncset.done $0x0  }
0x21a: {  	p0 =	sne.s32 s28, s11;
	[sflag:s26] =	ssyncadd.s32 $0xFFFFC000  }
.Ltmp2:
0x21b: {  	[bflag:$0x0] =	sbarrier.arrive $0xFFFF;
	(pc) =	sbr.rel @p0 .LBB2_1-.Ltmp2, $4  }
0x21c: {  	[hbm:s24], [sflag:s5] =	dma.local [spmem:s12], $0x2800  }
0x21d: {  	_ =	swait.ge [sflag:s13], $0x2800  }
0x21e: {  	[sflag:s13] =	ssyncset.done $0x0  }
0x21f: {  	[sflag:s13] =	ssyncadd.s32 $0xFFFFD800  }
0x220: {  	_ =	sfence.sel $0x180000  }
0x221: {  	[bflag:$0x0] =	sbarrier.arrive $0xFFFF  }
0x222: {  	_ =	strace $0x9000004A  }
0x223: {  	s0 =	stileid.u32;
	[bflag:$0x2] =	sbarrier.arrive $0xFFFF  }
0x224: {  	p0 =	sne.s32 s0, $0x0;
	s0 =	rddreg [dreg:$0x3]  }
0x225: {  	s0 =	sadd.s32 @!p0 $0x100000, s0  }
0x226: {  	[sflag:s0] =	ssyncadd.tile.s32 @!p0 $0x1;
	_ =	shalt  }
.Lfunc_end2:
_tile_overlayer_lowered:
.L_overlay_start_2:
0x227: {  	(tag) =	ssettag $0x2  }
0x228: {  	s0 =	rddreg [dreg:$0x0];
	s2 =	stileid.u32  }
0x229: {  	s1 =	rddreg [dreg:$0x1];
	p0 =	sne.s32 s2, $0x0  }
0x22a: {  	s3 =	rddreg [dreg:$0x2];
	[bflag:$0x3] =	sbarrier.arrive $0xFFFF;
	s2 =	simm.s32 @!p0 $0x1C05  }
0x22b: {  	[timem:s3], [sflag:s2] =	dma.local @!p0 [hbm:s0], s1  }
0x22c: {  	s0 =	simm.s32 @!p0 $0x5  }
0x22d: {  	_ =	swait.ge @!p0 [sflag:s0], s1  }
0x22e: {  	s1 =	ssub.s32 @!p0 $0x0, s1;
	[sflag:s0] =	ssyncset.done @!p0 $0x0  }
0x22f: {  	[sflag:s0] =	ssyncadd.s32 @!p0 s1  }
0x230: {  	[bflag:$0x3] =	sbarrier.arrive $0xFFFF  }
0x231: {  	_ =	shalt  }

</sc_bundles>
